<compile_context>
chip_gen: v7x
topology: tpu7x:2x2x1
jax: 0.10.2.dev20260603
libtpu: 0.0.44.dev20260713+nightly
codegen_flags: <defaults>
</compile_context>

<pallas_src>
import functools

import jax
import jax.numpy as jnp
import numpy as np
from jax import lax
from jax.experimental import pallas as pl
from jax.experimental.pallas import tpu as pltpu
from jax.experimental.pallas import tpu_sc as plsc

N_ROWS = 64 * 52 * 52
N_WORKERS = 32
GRID = 52
BATCH = 64
UNITS_PER_I = GRID * (BATCH // 16)
UNITS_PW = GRID * UNITS_PER_I // N_WORKERS
PLANES = 3

_HALF_IMG = np.float32(416.0 / 2 / 8.0)


_LOG1P_COEF = (
    -0.006151471, 0.03484971, -0.09325204, 0.16582276, -0.23982616,
    0.33154863, -0.49983856, 0.9999943, 3.3869654e-08,
)


def _softplus_neg(t):
    u = jnp.exp(-t)
    p = np.float32(_LOG1P_COEF[0])
    for c in _LOG1P_COEF[1:]:
        p = p * u + np.float32(c)
    return p


def _sigmoid(x):
    return np.float32(1.0) / (np.float32(1.0) + jnp.exp(-x))


def _corners(cx, cy, w, h):
    hw = w * _HALF_IMG
    hh = h * _HALF_IMG
    return cx - hw, cy - hh, cx + hw, cy + hh


def _yolo_body(in_hbm, tg_hbm, out_hbm,
               in_b0, in_b1, in_b2, tg_b0, tg_b1, tg_b2, ob,
               s0, s1, s2):
    wid = lax.axis_index("s") * 2 + lax.axis_index("c")
    g0 = wid * UNITS_PW
    i_start = g0 // UNITS_PER_I
    last = GRID - 1
    p1 = jnp.minimum(i_start + 1, last)
    p2 = jnp.minimum(i_start + 2, last)
    d = [
        pltpu.make_async_copy(in_hbm.at[i_start], in_b0, s0),
        pltpu.make_async_copy(tg_hbm.at[i_start], tg_b0, s0),
        pltpu.make_async_copy(in_hbm.at[p1], in_b1, s1),
        pltpu.make_async_copy(tg_hbm.at[p1], tg_b1, s1),
        pltpu.make_async_copy(in_hbm.at[p2], in_b2, s2),
        pltpu.make_async_copy(tg_hbm.at[p2], tg_b2, s2),
    ]
    for c in d:
        c.start()

    def quad(in_buf, tg_buf, j, b0, acc):
        a_noobj, a_obj, a_cnt, a_giou = acc
        x = in_buf[0, j, pl.ds(b0, 16)]
        conf = tg_buf[0, j, pl.ds(b0, 16)]
        relu = jnp.maximum(x, np.float32(0.0))
        bce = relu + _softplus_neg(jnp.abs(x))
        a_noobj = a_noobj + bce * (np.float32(1.0) - conf)
        a_obj = a_obj + (bce - x) * conf
        a_cnt = a_cnt + conf
        px = in_buf[1, j, pl.ds(b0, 16)]
        py = in_buf[2, j, pl.ds(b0, 16)]
        pw = in_buf[3, j, pl.ds(b0, 16)]
        ph = in_buf[4, j, pl.ds(b0, 16)]
        tx = tg_buf[1, j, pl.ds(b0, 16)]
        ty = tg_buf[2, j, pl.ds(b0, 16)]
        tw = tg_buf[3, j, pl.ds(b0, 16)]
        th = tg_buf[4, j, pl.ds(b0, 16)]
        ax0, ay0, ax1, ay1 = _corners(
            _sigmoid(px), _sigmoid(py), _sigmoid(pw), _sigmoid(ph))
        bx0, by0, bx1, by1 = _corners(tx, ty, tw, th)
        zero = np.float32(0.0)
        iw = jnp.maximum(jnp.minimum(ax1, bx1) - jnp.maximum(ax0, bx0), zero)
        ih = jnp.maximum(jnp.minimum(ay1, by1) - jnp.maximum(ay0, by0), zero)
        inter = iw * ih
        area_a = (ax1 - ax0) * (ay1 - ay0)
        area_b = (bx1 - bx0) * (by1 - by0)
        union = area_a + area_b - inter
        iou = inter / (union + np.float32(1e-9))
        cw = jnp.maximum(jnp.maximum(ax1, bx1) - jnp.minimum(ax0, bx0), zero)
        ch = jnp.maximum(jnp.maximum(ay1, by1) - jnp.minimum(ay0, by0), zero)
        c_area = cw * ch
        giou = iou - (c_area - union) / (c_area + np.float32(1e-9))
        a_giou = a_giou + (np.float32(1.0) - giou) * conf
        return a_noobj, a_obj, a_cnt, a_giou

    def make_pair(in_buf, tg_buf):
        def pair(_, carry):
            acc_a, acc_b, j, half = carry
            b0 = half * 32
            acc_a = quad(in_buf, tg_buf, j, b0, acc_a)
            acc_b = quad(in_buf, tg_buf, j, b0 + 16, acc_b)
            half1 = 1 - half
            j1 = j + jnp.where(half1 == 0, 1, 0)
            j1 = jnp.where(j1 >= GRID, 0, j1)
            return acc_a, acc_b, j1, half1
        return pair

    z = jnp.zeros((16,), jnp.float32)
    r0 = g0 % UNITS_PER_I
    j_init = r0 // 4
    half_init = (r0 % 4) // 2
    n0 = jnp.minimum(UNITS_PW, UNITS_PER_I - r0) // 2
    n1 = jnp.minimum(UNITS_PW // 2 - n0, UNITS_PER_I // 2)
    n2 = UNITS_PW // 2 - n0 - n1

    bufs = ((in_b0, tg_b0), (in_b1, tg_b1), (in_b2, tg_b2))
    ns = (n0, n1, n2)
    j0s = (j_init, 0, 0)
    h0s = (half_init, 0, 0)
    carry = ((z, z, z, z), (z, z, z, z))
    for p in range(3):
        d[2 * p].wait()
        d[2 * p + 1].wait()
        acc_a, acc_b = carry
        acc_a, acc_b, _, _ = lax.fori_loop(
            0, ns[p], make_pair(*bufs[p]),
            (acc_a, acc_b, j0s[p], h0s[p]))
        carry = (acc_a, acc_b)
    acc_a, acc_b = carry

    ob[pl.ds(0, 16)] = acc_a[0] + acc_b[0]
    ob[pl.ds(16, 16)] = acc_a[1] + acc_b[1]
    ob[pl.ds(32, 16)] = acc_a[2] + acc_b[2]
    ob[pl.ds(48, 16)] = acc_a[3] + acc_b[3]
    pltpu.sync_copy(ob, out_hbm.at[wid])


_mesh = plsc.VectorSubcoreMesh(core_axis_name="c", subcore_axis_name="s")

_yolo_sc = functools.partial(
    pl.kernel,
    out_type=jax.ShapeDtypeStruct((N_WORKERS, 64), jnp.float32),
    mesh=_mesh,
    compiler_params=pltpu.CompilerParams(
        needs_layout_passes=False, use_tc_tiling_on_sc=False),
    scratch_types=(
        [pltpu.VMEM((5, GRID, BATCH), jnp.float32)] * 6
        + [pltpu.VMEM((64,), jnp.float32)]
        + [pltpu.SemaphoreType.DMA] * 3
    ),
)(_yolo_body)


def kernel(input, target):
    it = jnp.transpose(input, (1, 3, 2, 0))
    tt = jnp.transpose(target, (1, 3, 2, 0))
    parts = _yolo_sc(it, tt)
    sums = parts.reshape(N_WORKERS, 4, 16).sum(axis=(0, 2))
    s_noobj, s_obj, n_obj, s_giou = sums[0], sums[1], sums[2], sums[3]
    n_noobj = np.float32(N_ROWS) - n_obj
    loss_noobj = s_noobj / n_noobj
    loss_obj = s_obj / n_obj
    loss_bbox = s_giou / n_obj
    return (loss_obj + loss_bbox + loss_noobj, loss_noobj, loss_bbox, loss_obj)

# --- scband reference (transcript-rebuilt; emitter-appended) ---
"""Pipeline reference for scband-yololoss-71150428225772 (READ-ONLY COPY).

The authoritative reference and input builder live on the scoring server;
editing this copy changes nothing except your own understanding.
"""

import jax, jax.numpy as jnp
import numpy as np

IMG_SIZE = 416.0
GRID_SIZE = 52.0


def xcycwh2xyxy(b):
    xc, yc, w, h = b[..., 0], b[..., 1], b[..., 2], b[..., 3]
    return jnp.stack([xc - w / 2.0, yc - h / 2.0, xc + w / 2.0, yc + h / 2.0], axis=-1)


def _upscale_yolo_bboxes(b, img_size, grid_size):
    cell = img_size / grid_size
    return jnp.concatenate([b[..., :2] * cell, b[..., 2:] * img_size], axis=-1)


def _bbox_transform(b):
    return xcycwh2xyxy(_upscale_yolo_bboxes(b, IMG_SIZE, GRID_SIZE))


def compute_iou(pred, tgt):
    A = _bbox_transform(pred)
    B = _bbox_transform(tgt)
    lt = jnp.maximum(A[..., :2], B[..., :2])
    rb = jnp.minimum(A[..., 2:], B[..., 2:])
    wh = jnp.clip(rb - lt, 0.0)
    inter = wh[..., 0] * wh[..., 1]
    area_a = (A[..., 2] - A[..., 0]) * (A[..., 3] - A[..., 1])
    area_b = (B[..., 2] - B[..., 0]) * (B[..., 3] - B[..., 1])
    return inter / (area_a + area_b - inter + 1e-9)


def giou_loss_elems(pred, tgt):
    A = _bbox_transform(pred)
    B = _bbox_transform(tgt)
    lt = jnp.maximum(A[..., :2], B[..., :2])
    rb = jnp.minimum(A[..., 2:], B[..., 2:])
    wh = jnp.clip(rb - lt, 0.0)
    inter = wh[..., 0] * wh[..., 1]
    area_a = (A[..., 2] - A[..., 0]) * (A[..., 3] - A[..., 1])
    area_b = (B[..., 2] - B[..., 0]) * (B[..., 3] - B[..., 1])
    union = area_a + area_b - inter
    iou = inter / (union + 1e-9)
    c_lt = jnp.minimum(A[..., :2], B[..., :2])
    c_rb = jnp.maximum(A[..., 2:], B[..., 2:])
    c_wh = jnp.clip(c_rb - c_lt, 0.0)
    c_area = c_wh[..., 0] * c_wh[..., 1]
    giou = iou - (c_area - union) / (c_area + 1e-9)
    return 1.0 - giou


def bce_with_logits(x, z):
    return jnp.mean(jnp.maximum(x, 0.0) - x * z + jnp.log1p(jnp.exp(-jnp.abs(x))))


def bce_with_logits_elems(x, z):
    return jnp.maximum(x, 0.0) - x * z + jnp.log1p(jnp.exp(-jnp.abs(x)))


def setup_inputs(seed: int = 0) -> dict:
    key = jax.random.key(seed)
    k1, k2, k3 = jax.random.split(key, 3)
    inp = jax.random.normal(k1, (64, 52, 52, 5), dtype=jnp.float32)
    u = jax.random.uniform(k2, (64, 52, 52), dtype=jnp.float32)
    conf = (u > 0.98).astype(jnp.float32)
    bbox = jax.random.uniform(k3, (64, 52, 52, 4), dtype=jnp.float32)
    target = jnp.concatenate([conf[..., None], bbox], axis=-1)
    return {"input": inp, "target": target}


def reference(input, target):
    n_bboxes = input.shape[-1] // 5  # = 1
    flat_in = input.reshape(-1, 5)
    flat_tg = target.reshape(-1, 5)
    obj_mask = flat_tg[:, 0] > 0
    obj_maskf = obj_mask.astype(flat_in.dtype)
    noobj_maskf = 1.0 - obj_maskf
    n_obj = jnp.sum(obj_maskf)
    n_noobj = jnp.sum(noobj_maskf)
    # no-object confidence loss
    logit = flat_in[:, 0]
    noobj_terms = bce_with_logits_elems(logit, jnp.zeros_like(logit))
    loss_noobj = jnp.sum(noobj_terms * noobj_maskf) / n_noobj
    # bbox prediction
    pred_bbox = jax.nn.sigmoid(flat_in[:, 1:])
    target_bbox = flat_tg[:, 1:]
    # IoU for responsibility assignment (n_bboxes == 1 -> every obj box is responsible)
    iou = compute_iou(pred_bbox, target_bbox)
    responsible_idx = iou.reshape(-1, n_bboxes).argmax(axis=1)  # all zeros for n_bboxes=1
    del responsible_idx
    loss_bbox = jnp.sum(giou_loss_elems(pred_bbox, target_bbox) * obj_maskf) / n_obj
    obj_terms = bce_with_logits_elems(logit, flat_tg[:, 0])
    loss_obj = jnp.sum(obj_terms * obj_maskf) / n_obj
    loss = loss_obj + loss_bbox + loss_noobj
    return (loss, loss_noobj, loss_bbox, loss_obj)

if __name__ == "__main__":
    import jax
    _d = setup_inputs()
    print(jax.jit(kernel)(*tuple(_d.values())))

</pallas_src>

<mosaic_0001>
#map = affine_map<(d0, d1) -> (0, 0, 0, 0)>
#map1 = affine_map<(d0, d1) -> (0, 0)>
module attributes {stable_mosaic.version = 14 : i64} {
  func.func @_yolo_body(%arg0: i32, %arg1: i32, %arg2: memref<52x5x52x64xf32, #tpu.memory_space<hbm>>, %arg3: memref<52x5x52x64xf32, #tpu.memory_space<hbm>>, %arg4: memref<32x64xf32, #tpu.memory_space<hbm>>, %arg5: memref<5x52x64xf32, #tpu.memory_space<vmem>>, %arg6: memref<5x52x64xf32, #tpu.memory_space<vmem>>, %arg7: memref<5x52x64xf32, #tpu.memory_space<vmem>>, %arg8: memref<5x52x64xf32, #tpu.memory_space<vmem>>, %arg9: memref<5x52x64xf32, #tpu.memory_space<vmem>>, %arg10: memref<5x52x64xf32, #tpu.memory_space<vmem>>, %arg11: memref<64xf32, #tpu.memory_space<vmem>>, %arg12: memref<!tpu.dma_semaphore, #tpu.memory_space<semaphore_mem>>, %arg13: memref<!tpu.dma_semaphore, #tpu.memory_space<semaphore_mem>>, %arg14: memref<!tpu.dma_semaphore, #tpu.memory_space<semaphore_mem>>) attributes {dimension_semantics = [#tpu.dimension_semantics<core_parallel>, #tpu.dimension_semantics<subcore_parallel>], iteration_bounds = array<i64: 2, 16>, scalar_prefetch = 0 : i64, scratch_operands = 10 : i64, tpu.core_type = #tpu.core_type<sc_vector_subcore>, window_params = [{transform_indices = #map}, {transform_indices = #map}, {transform_indices = #map1}]} {
    %mul3A = arith.constant 2 : i32
    %mul3A_0 = arith.muli %arg1, %mul3A : i32
    %add3A = arith.addi %mul3A_0, %arg0 : i32
    %mul3A_1 = arith.constant 338 : i32
    %mul3A_2 = arith.muli %add3A, %mul3A_1 : i32
    %jit3A = arith.constant 208 : i32
    %div3A = arith.divsi %mul3A_2, %jit3A : i32
    %sign3A = arith.constant 0 : i32
    %sign3A_3 = arith.cmpi sgt, %mul3A_2, %sign3A : i32
    %sign3A_4 = arith.extui %sign3A_3 : i1 to i32
    %sign3A_5 = arith.constant 0 : i32
    %sign3A_6 = arith.cmpi slt, %mul3A_2, %sign3A_5 : i32
    %sign3A_7 = arith.extui %sign3A_6 : i1 to i32
    %sign3A_8 = arith.subi %sign3A_4, %sign3A_7 : i32
    %sign3A_9 = arith.constant 0 : i32
    %sign3A_10 = arith.cmpi sgt, %jit3A, %sign3A_9 : i32
    %sign3A_11 = arith.extui %sign3A_10 : i1 to i32
    %sign3A_12 = arith.constant 0 : i32
    %sign3A_13 = arith.cmpi slt, %jit3A, %sign3A_12 : i32
    %sign3A_14 = arith.extui %sign3A_13 : i1 to i32
    %sign3A_15 = arith.subi %sign3A_11, %sign3A_14 : i32
    %ne3A = arith.cmpi ne, %sign3A_8, %sign3A_15 : i32
    %rem3A = arith.remsi %mul3A_2, %jit3A : i32
    %ne3A_16 = arith.constant 0 : i32
    %ne3A_17 = arith.cmpi ne, %rem3A, %ne3A_16 : i32
    %and3A = arith.andi %ne3A, %ne3A_17 : i1
    %sub3A = arith.constant 1 : i32
    %sub3A_18 = arith.subi %div3A, %sub3A : i32
    %select_n3A = arith.select %and3A, %sub3A_18, %div3A : i32
    %add3A_19 = arith.constant 1 : i32
    %add3A_20 = arith.addi %select_n3A, %add3A_19 : i32
    %min3A = arith.constant 51 : i32
    %min3A_21 = arith.minsi %add3A_20, %min3A : i32
    %add3A_22 = arith.constant 2 : i32
    %add3A_23 = arith.addi %select_n3A, %add3A_22 : i32
    %min3A_24 = arith.constant 51 : i32
    %min3A_25 = arith.minsi %add3A_23, %min3A_24 : i32
    %dma_start3A = arith.constant 0 : i32
    %dma_start3A_26 = arith.constant 0 : i32
    %dma_start3A_27 = arith.constant 0 : i32
    %dma_start3A_28 = tpu.memref_slice %arg2[%select_n3A, %dma_start3A, %dma_start3A_26, %dma_start3A_27] : memref<52x5x52x64xf32, #tpu.memory_space<hbm>> -> memref<1x5x52x64xf32, #tpu.memory_space<hbm>>
    %dma_start3A_29 = tpu.memref_squeeze %dma_start3A_28 : memref<1x5x52x64xf32, #tpu.memory_space<hbm>> -> memref<5x52x64xf32, #tpu.memory_space<hbm>>
    %dma_start3A_30 = arith.constant 0 : i32
    %dma_start3A_31 = arith.constant 0 : i32
    %dma_start3A_32 = arith.constant 0 : i32
    %dma_start3A_33 = tpu.memref_slice %arg2[%select_n3A, %dma_start3A_30, %dma_start3A_31, %dma_start3A_32] : memref<52x5x52x64xf32, #tpu.memory_space<hbm>> -> memref<1x5x52x64xf32, #tpu.memory_space<hbm>>
    %dma_start3A_34 = tpu.memref_squeeze %dma_start3A_33 : memref<1x5x52x64xf32, #tpu.memory_space<hbm>> -> memref<5x52x64xf32, #tpu.memory_space<hbm>>
    tpu.enqueue_dma source(%dma_start3A_34 : memref<5x52x64xf32, #tpu.memory_space<hbm>>) target(%arg5 : memref<5x52x64xf32, #tpu.memory_space<vmem>>) target_semaphore(%arg12 : memref<!tpu.dma_semaphore, #tpu.memory_space<semaphore_mem>>)
    %dma_start3A_35 = arith.constant 0 : i32
    %dma_start3A_36 = arith.constant 0 : i32
    %dma_start3A_37 = arith.constant 0 : i32
    %dma_start3A_38 = tpu.memref_slice %arg3[%select_n3A, %dma_start3A_35, %dma_start3A_36, %dma_start3A_37] : memref<52x5x52x64xf32, #tpu.memory_space<hbm>> -> memref<1x5x52x64xf32, #tpu.memory_space<hbm>>
    %dma_start3A_39 = tpu.memref_squeeze %dma_start3A_38 : memref<1x5x52x64xf32, #tpu.memory_space<hbm>> -> memref<5x52x64xf32, #tpu.memory_space<hbm>>
    %dma_start3A_40 = arith.constant 0 : i32
    %dma_start3A_41 = arith.constant 0 : i32
    %dma_start3A_42 = arith.constant 0 : i32
    %dma_start3A_43 = tpu.memref_slice %arg3[%select_n3A, %dma_start3A_40, %dma_start3A_41, %dma_start3A_42] : memref<52x5x52x64xf32, #tpu.memory_space<hbm>> -> memref<1x5x52x64xf32, #tpu.memory_space<hbm>>
    %dma_start3A_44 = tpu.memref_squeeze %dma_start3A_43 : memref<1x5x52x64xf32, #tpu.memory_space<hbm>> -> memref<5x52x64xf32, #tpu.memory_space<hbm>>
    tpu.enqueue_dma source(%dma_start3A_44 : memref<5x52x64xf32, #tpu.memory_space<hbm>>) target(%arg8 : memref<5x52x64xf32, #tpu.memory_space<vmem>>) target_semaphore(%arg12 : memref<!tpu.dma_semaphore, #tpu.memory_space<semaphore_mem>>)
    %dma_start3A_45 = arith.constant 0 : i32
    %dma_start3A_46 = arith.constant 0 : i32
    %dma_start3A_47 = arith.constant 0 : i32
    %dma_start3A_48 = tpu.memref_slice %arg2[%min3A_21, %dma_start3A_45, %dma_start3A_46, %dma_start3A_47] : memref<52x5x52x64xf32, #tpu.memory_space<hbm>> -> memref<1x5x52x64xf32, #tpu.memory_space<hbm>>
    %dma_start3A_49 = tpu.memref_squeeze %dma_start3A_48 : memref<1x5x52x64xf32, #tpu.memory_space<hbm>> -> memref<5x52x64xf32, #tpu.memory_space<hbm>>
    %dma_start3A_50 = arith.constant 0 : i32
    %dma_start3A_51 = arith.constant 0 : i32
    %dma_start3A_52 = arith.constant 0 : i32
    %dma_start3A_53 = tpu.memref_slice %arg2[%min3A_21, %dma_start3A_50, %dma_start3A_51, %dma_start3A_52] : memref<52x5x52x64xf32, #tpu.memory_space<hbm>> -> memref<1x5x52x64xf32, #tpu.memory_space<hbm>>
    %dma_start3A_54 = tpu.memref_squeeze %dma_start3A_53 : memref<1x5x52x64xf32, #tpu.memory_space<hbm>> -> memref<5x52x64xf32, #tpu.memory_space<hbm>>
    tpu.enqueue_dma source(%dma_start3A_54 : memref<5x52x64xf32, #tpu.memory_space<hbm>>) target(%arg6 : memref<5x52x64xf32, #tpu.memory_space<vmem>>) target_semaphore(%arg13 : memref<!tpu.dma_semaphore, #tpu.memory_space<semaphore_mem>>)
    %dma_start3A_55 = arith.constant 0 : i32
    %dma_start3A_56 = arith.constant 0 : i32
    %dma_start3A_57 = arith.constant 0 : i32
    %dma_start3A_58 = tpu.memref_slice %arg3[%min3A_21, %dma_start3A_55, %dma_start3A_56, %dma_start3A_57] : memref<52x5x52x64xf32, #tpu.memory_space<hbm>> -> memref<1x5x52x64xf32, #tpu.memory_space<hbm>>
    %dma_start3A_59 = tpu.memref_squeeze %dma_start3A_58 : memref<1x5x52x64xf32, #tpu.memory_space<hbm>> -> memref<5x52x64xf32, #tpu.memory_space<hbm>>
    %dma_start3A_60 = arith.constant 0 : i32
    %dma_start3A_61 = arith.constant 0 : i32
    %dma_start3A_62 = arith.constant 0 : i32
    %dma_start3A_63 = tpu.memref_slice %arg3[%min3A_21, %dma_start3A_60, %dma_start3A_61, %dma_start3A_62] : memref<52x5x52x64xf32, #tpu.memory_space<hbm>> -> memref<1x5x52x64xf32, #tpu.memory_space<hbm>>
    %dma_start3A_64 = tpu.memref_squeeze %dma_start3A_63 : memref<1x5x52x64xf32, #tpu.memory_space<hbm>> -> memref<5x52x64xf32, #tpu.memory_space<hbm>>
    tpu.enqueue_dma source(%dma_start3A_64 : memref<5x52x64xf32, #tpu.memory_space<hbm>>) target(%arg9 : memref<5x52x64xf32, #tpu.memory_space<vmem>>) target_semaphore(%arg13 : memref<!tpu.dma_semaphore, #tpu.memory_space<semaphore_mem>>)
    %dma_start3A_65 = arith.constant 0 : i32
    %dma_start3A_66 = arith.constant 0 : i32
    %dma_start3A_67 = arith.constant 0 : i32
    %dma_start3A_68 = tpu.memref_slice %arg2[%min3A_25, %dma_start3A_65, %dma_start3A_66, %dma_start3A_67] : memref<52x5x52x64xf32, #tpu.memory_space<hbm>> -> memref<1x5x52x64xf32, #tpu.memory_space<hbm>>
    %dma_start3A_69 = tpu.memref_squeeze %dma_start3A_68 : memref<1x5x52x64xf32, #tpu.memory_space<hbm>> -> memref<5x52x64xf32, #tpu.memory_space<hbm>>
    %dma_start3A_70 = arith.constant 0 : i32
    %dma_start3A_71 = arith.constant 0 : i32
    %dma_start3A_72 = arith.constant 0 : i32
    %dma_start3A_73 = tpu.memref_slice %arg2[%min3A_25, %dma_start3A_70, %dma_start3A_71, %dma_start3A_72] : memref<52x5x52x64xf32, #tpu.memory_space<hbm>> -> memref<1x5x52x64xf32, #tpu.memory_space<hbm>>
    %dma_start3A_74 = tpu.memref_squeeze %dma_start3A_73 : memref<1x5x52x64xf32, #tpu.memory_space<hbm>> -> memref<5x52x64xf32, #tpu.memory_space<hbm>>
    tpu.enqueue_dma source(%dma_start3A_74 : memref<5x52x64xf32, #tpu.memory_space<hbm>>) target(%arg7 : memref<5x52x64xf32, #tpu.memory_space<vmem>>) target_semaphore(%arg14 : memref<!tpu.dma_semaphore, #tpu.memory_space<semaphore_mem>>)
    %dma_start3A_75 = arith.constant 0 : i32
    %dma_start3A_76 = arith.constant 0 : i32
    %dma_start3A_77 = arith.constant 0 : i32
    %dma_start3A_78 = tpu.memref_slice %arg3[%min3A_25, %dma_start3A_75, %dma_start3A_76, %dma_start3A_77] : memref<52x5x52x64xf32, #tpu.memory_space<hbm>> -> memref<1x5x52x64xf32, #tpu.memory_space<hbm>>
    %dma_start3A_79 = tpu.memref_squeeze %dma_start3A_78 : memref<1x5x52x64xf32, #tpu.memory_space<hbm>> -> memref<5x52x64xf32, #tpu.memory_space<hbm>>
    %dma_start3A_80 = arith.constant 0 : i32
    %dma_start3A_81 = arith.constant 0 : i32
    %dma_start3A_82 = arith.constant 0 : i32
    %dma_start3A_83 = tpu.memref_slice %arg3[%min3A_25, %dma_start3A_80, %dma_start3A_81, %dma_start3A_82] : memref<52x5x52x64xf32, #tpu.memory_space<hbm>> -> memref<1x5x52x64xf32, #tpu.memory_space<hbm>>
    %dma_start3A_84 = tpu.memref_squeeze %dma_start3A_83 : memref<1x5x52x64xf32, #tpu.memory_space<hbm>> -> memref<5x52x64xf32, #tpu.memory_space<hbm>>
    tpu.enqueue_dma source(%dma_start3A_84 : memref<5x52x64xf32, #tpu.memory_space<hbm>>) target(%arg10 : memref<5x52x64xf32, #tpu.memory_space<vmem>>) target_semaphore(%arg14 : memref<!tpu.dma_semaphore, #tpu.memory_space<semaphore_mem>>)
    %broadcast_in_dim3A = arith.constant 0.000000e+00 : f32
    %broadcast_in_dim3A_85 = vector.broadcast %broadcast_in_dim3A : f32 to vector<16xf32>
    %jit3A_86 = arith.constant 208 : i32
    %eq3A = arith.constant 0 : i32
    %eq3A_87 = arith.cmpi eq, %jit3A_86, %eq3A : i32
    %jit3A_88 = arith.constant 1 : i32
    %select_n3A_89 = arith.select %eq3A_87, %jit3A_88, %jit3A_86 : i32
    %rem3A_90 = arith.remsi %mul3A_2, %select_n3A_89 : i32
    %ne3A_91 = arith.constant 0 : i32
    %ne3A_92 = arith.cmpi ne, %rem3A_90, %ne3A_91 : i32
    %lt3A = arith.constant 0 : i32
    %lt3A_93 = arith.cmpi slt, %rem3A_90, %lt3A : i32
    %lt3A_94 = arith.constant 0 : i32
    %lt3A_95 = arith.cmpi slt, %select_n3A_89, %lt3A_94 : i32
    %ne3A_96 = arith.xori %lt3A_93, %lt3A_95 : i1
    %and3A_97 = arith.andi %ne3A_96, %ne3A_92 : i1
    %add3A_98 = arith.addi %rem3A_90, %select_n3A_89 : i32
    %select_n3A_99 = arith.select %and3A_97, %add3A_98, %rem3A_90 : i32
    %jit3A_100 = arith.constant 4 : i32
    %div3A_101 = arith.divsi %select_n3A_99, %jit3A_100 : i32
    %sign3A_102 = arith.constant 0 : i32
    %sign3A_103 = arith.cmpi sgt, %select_n3A_99, %sign3A_102 : i32
    %sign3A_104 = arith.extui %sign3A_103 : i1 to i32
    %sign3A_105 = arith.constant 0 : i32
    %sign3A_106 = arith.cmpi slt, %select_n3A_99, %sign3A_105 : i32
    %sign3A_107 = arith.extui %sign3A_106 : i1 to i32
    %sign3A_108 = arith.subi %sign3A_104, %sign3A_107 : i32
    %sign3A_109 = arith.constant 0 : i32
    %sign3A_110 = arith.cmpi sgt, %jit3A_100, %sign3A_109 : i32
    %sign3A_111 = arith.extui %sign3A_110 : i1 to i32
    %sign3A_112 = arith.constant 0 : i32
    %sign3A_113 = arith.cmpi slt, %jit3A_100, %sign3A_112 : i32
    %sign3A_114 = arith.extui %sign3A_113 : i1 to i32
    %sign3A_115 = arith.subi %sign3A_111, %sign3A_114 : i32
    %ne3A_116 = arith.cmpi ne, %sign3A_108, %sign3A_115 : i32
    %rem3A_117 = arith.remsi %select_n3A_99, %jit3A_100 : i32
    %ne3A_118 = arith.constant 0 : i32
    %ne3A_119 = arith.cmpi ne, %rem3A_117, %ne3A_118 : i32
    %and3A_120 = arith.andi %ne3A_116, %ne3A_119 : i1
    %sub3A_121 = arith.constant 1 : i32
    %sub3A_122 = arith.subi %div3A_101, %sub3A_121 : i32
    %select_n3A_123 = arith.select %and3A_120, %sub3A_122, %div3A_101 : i32
    %jit3A_124 = arith.constant 4 : i32
    %eq3A_125 = arith.constant 0 : i32
    %eq3A_126 = arith.cmpi eq, %jit3A_124, %eq3A_125 : i32
    %jit3A_127 = arith.constant 1 : i32
    %select_n3A_128 = arith.select %eq3A_126, %jit3A_127, %jit3A_124 : i32
    %rem3A_129 = arith.remsi %select_n3A_99, %select_n3A_128 : i32
    %ne3A_130 = arith.constant 0 : i32
    %ne3A_131 = arith.cmpi ne, %rem3A_129, %ne3A_130 : i32
    %lt3A_132 = arith.constant 0 : i32
    %lt3A_133 = arith.cmpi slt, %rem3A_129, %lt3A_132 : i32
    %lt3A_134 = arith.constant 0 : i32
    %lt3A_135 = arith.cmpi slt, %select_n3A_128, %lt3A_134 : i32
    %ne3A_136 = arith.xori %lt3A_133, %lt3A_135 : i1
    %and3A_137 = arith.andi %ne3A_136, %ne3A_131 : i1
    %add3A_138 = arith.addi %rem3A_129, %select_n3A_128 : i32
    %select_n3A_139 = arith.select %and3A_137, %add3A_138, %rem3A_129 : i32
    %jit3A_140 = arith.constant 2 : i32
    %div3A_141 = arith.divsi %select_n3A_139, %jit3A_140 : i32
    %sign3A_142 = arith.constant 0 : i32
    %sign3A_143 = arith.cmpi sgt, %select_n3A_139, %sign3A_142 : i32
    %sign3A_144 = arith.extui %sign3A_143 : i1 to i32
    %sign3A_145 = arith.constant 0 : i32
    %sign3A_146 = arith.cmpi slt, %select_n3A_139, %sign3A_145 : i32
    %sign3A_147 = arith.extui %sign3A_146 : i1 to i32
    %sign3A_148 = arith.subi %sign3A_144, %sign3A_147 : i32
    %sign3A_149 = arith.constant 0 : i32
    %sign3A_150 = arith.cmpi sgt, %jit3A_140, %sign3A_149 : i32
    %sign3A_151 = arith.extui %sign3A_150 : i1 to i32
    %sign3A_152 = arith.constant 0 : i32
    %sign3A_153 = arith.cmpi slt, %jit3A_140, %sign3A_152 : i32
    %sign3A_154 = arith.extui %sign3A_153 : i1 to i32
    %sign3A_155 = arith.subi %sign3A_151, %sign3A_154 : i32
    %ne3A_156 = arith.cmpi ne, %sign3A_148, %sign3A_155 : i32
    %rem3A_157 = arith.remsi %select_n3A_139, %jit3A_140 : i32
    %ne3A_158 = arith.constant 0 : i32
    %ne3A_159 = arith.cmpi ne, %rem3A_157, %ne3A_158 : i32
    %and3A_160 = arith.andi %ne3A_156, %ne3A_159 : i1
    %sub3A_161 = arith.constant 1 : i32
    %sub3A_162 = arith.subi %div3A_141, %sub3A_161 : i32
    %select_n3A_163 = arith.select %and3A_160, %sub3A_162, %div3A_141 : i32
    %sub3A_164 = arith.constant 208 : i32
    %sub3A_165 = arith.subi %sub3A_164, %select_n3A_99 : i32
    %min3A_166 = arith.constant 338 : i32
    %min3A_167 = arith.minsi %min3A_166, %sub3A_165 : i32
    %jit3A_168 = arith.constant 2 : i32
    %div3A_169 = arith.divsi %min3A_167, %jit3A_168 : i32
    %sign3A_170 = arith.constant 0 : i32
    %sign3A_171 = arith.cmpi sgt, %min3A_167, %sign3A_170 : i32
    %sign3A_172 = arith.extui %sign3A_171 : i1 to i32
    %sign3A_173 = arith.constant 0 : i32
    %sign3A_174 = arith.cmpi slt, %min3A_167, %sign3A_173 : i32
    %sign3A_175 = arith.extui %sign3A_174 : i1 to i32
    %sign3A_176 = arith.subi %sign3A_172, %sign3A_175 : i32
    %sign3A_177 = arith.constant 0 : i32
    %sign3A_178 = arith.cmpi sgt, %jit3A_168, %sign3A_177 : i32
    %sign3A_179 = arith.extui %sign3A_178 : i1 to i32
    %sign3A_180 = arith.constant 0 : i32
    %sign3A_181 = arith.cmpi slt, %jit3A_168, %sign3A_180 : i32
    %sign3A_182 = arith.extui %sign3A_181 : i1 to i32
    %sign3A_183 = arith.subi %sign3A_179, %sign3A_182 : i32
    %ne3A_184 = arith.cmpi ne, %sign3A_176, %sign3A_183 : i32
    %rem3A_185 = arith.remsi %min3A_167, %jit3A_168 : i32
    %ne3A_186 = arith.constant 0 : i32
    %ne3A_187 = arith.cmpi ne, %rem3A_185, %ne3A_186 : i32
    %and3A_188 = arith.andi %ne3A_184, %ne3A_187 : i1
    %sub3A_189 = arith.constant 1 : i32
    %sub3A_190 = arith.subi %div3A_169, %sub3A_189 : i32
    %select_n3A_191 = arith.select %and3A_188, %sub3A_190, %div3A_169 : i32
    %sub3A_192 = arith.constant 169 : i32
    %sub3A_193 = arith.subi %sub3A_192, %select_n3A_191 : i32
    %min3A_194 = arith.constant 104 : i32
    %min3A_195 = arith.minsi %sub3A_193, %min3A_194 : i32
    %sub3A_196 = arith.constant 169 : i32
    %sub3A_197 = arith.subi %sub3A_196, %select_n3A_191 : i32
    %sub3A_198 = arith.subi %sub3A_197, %min3A_195 : i32
    %dma_wait3A = arith.constant 0 : i32
    %dma_wait3A_199 = arith.constant 0 : i32
    %dma_wait3A_200 = arith.constant 0 : i32
    %dma_wait3A_201 = tpu.memref_slice %arg2[%select_n3A, %dma_wait3A, %dma_wait3A_199, %dma_wait3A_200] : memref<52x5x52x64xf32, #tpu.memory_space<hbm>> -> memref<1x5x52x64xf32, #tpu.memory_space<hbm>>
    %dma_wait3A_202 = tpu.memref_squeeze %dma_wait3A_201 : memref<1x5x52x64xf32, #tpu.memory_space<hbm>> -> memref<5x52x64xf32, #tpu.memory_space<hbm>>
    %dma_wait3A_203 = arith.constant 0 : i32
    %dma_wait3A_204 = arith.constant 0 : i32
    %dma_wait3A_205 = arith.constant 0 : i32
    %dma_wait3A_206 = tpu.memref_slice %arg2[%select_n3A, %dma_wait3A_203, %dma_wait3A_204, %dma_wait3A_205] : memref<52x5x52x64xf32, #tpu.memory_space<hbm>> -> memref<1x5x52x64xf32, #tpu.memory_space<hbm>>
    %dma_wait3A_207 = tpu.memref_squeeze %dma_wait3A_206 : memref<1x5x52x64xf32, #tpu.memory_space<hbm>> -> memref<5x52x64xf32, #tpu.memory_space<hbm>>
    tpu.wait_dma2 semaphore(%arg12 : memref<!tpu.dma_semaphore, #tpu.memory_space<semaphore_mem>>) src(%dma_wait3A_207 : memref<5x52x64xf32, #tpu.memory_space<hbm>>) dst(%arg5 : memref<5x52x64xf32, #tpu.memory_space<vmem>>)
    %dma_wait3A_208 = arith.constant 0 : i32
    %dma_wait3A_209 = arith.constant 0 : i32
    %dma_wait3A_210 = arith.constant 0 : i32
    %dma_wait3A_211 = tpu.memref_slice %arg3[%select_n3A, %dma_wait3A_208, %dma_wait3A_209, %dma_wait3A_210] : memref<52x5x52x64xf32, #tpu.memory_space<hbm>> -> memref<1x5x52x64xf32, #tpu.memory_space<hbm>>
    %dma_wait3A_212 = tpu.memref_squeeze %dma_wait3A_211 : memref<1x5x52x64xf32, #tpu.memory_space<hbm>> -> memref<5x52x64xf32, #tpu.memory_space<hbm>>
    %dma_wait3A_213 = arith.constant 0 : i32
    %dma_wait3A_214 = arith.constant 0 : i32
    %dma_wait3A_215 = arith.constant 0 : i32
    %dma_wait3A_216 = tpu.memref_slice %arg3[%select_n3A, %dma_wait3A_213, %dma_wait3A_214, %dma_wait3A_215] : memref<52x5x52x64xf32, #tpu.memory_space<hbm>> -> memref<1x5x52x64xf32, #tpu.memory_space<hbm>>
    %dma_wait3A_217 = tpu.memref_squeeze %dma_wait3A_216 : memref<1x5x52x64xf32, #tpu.memory_space<hbm>> -> memref<5x52x64xf32, #tpu.memory_space<hbm>>
    tpu.wait_dma2 semaphore(%arg12 : memref<!tpu.dma_semaphore, #tpu.memory_space<semaphore_mem>>) src(%dma_wait3A_217 : memref<5x52x64xf32, #tpu.memory_space<hbm>>) dst(%arg8 : memref<5x52x64xf32, #tpu.memory_space<vmem>>)
    %while3A = arith.constant 0 : i32
    %while3A_218 = arith.subi %select_n3A_191, %while3A : i32
    %while3A_219 = arith.addi %while3A, %while3A_218 : i32
    %while3A_220 = arith.constant 1 : i32
    %while3A_221 = arith.divsi %while3A_218, %while3A_220 : i32
    %while3A_222 = arith.muli %while3A_221, %while3A_220 : i32
    %while3A_223 = arith.addi %while3A, %while3A_222 : i32
    %while3A_224 = arith.constant 1 : i32
    %while3A_225:10 = scf.for %while3A_305 = %while3A to %while3A_223 step %while3A_224 iter_args(%while3A_306 = %broadcast_in_dim3A_85, %while3A_307 = %broadcast_in_dim3A_85, %while3A_308 = %broadcast_in_dim3A_85, %while3A_309 = %broadcast_in_dim3A_85, %while3A_310 = %broadcast_in_dim3A_85, %while3A_311 = %broadcast_in_dim3A_85, %while3A_312 = %broadcast_in_dim3A_85, %while3A_313 = %broadcast_in_dim3A_85, %while3A_314 = %select_n3A_123, %while3A_315 = %select_n3A_163) -> (vector<16xf32>, vector<16xf32>, vector<16xf32>, vector<16xf32>, vector<16xf32>, vector<16xf32>, vector<16xf32>, vector<16xf32>, i32, i32)  : i32 {
      %mul3A_316 = arith.constant 32 : i32
      %mul3A_317 = arith.muli %while3A_315, %mul3A_316 : i32
      %get3A = arith.constant 0 : i32
      %get3A_318 = arith.index_cast %get3A : i32 to index
      %get3A_319 = arith.index_cast %while3A_314 : i32 to index
      %get3A_320 = arith.index_cast %mul3A_317 : i32 to index
      %get3A_321 = tpu.vector_load %arg5[%get3A_318, %get3A_319, %get3A_320] {strides = array<i32>} : memref<5x52x64xf32, #tpu.memory_space<vmem>>, vector<16xf32>,
      %get3A_322 = arith.constant 0 : i32
      %get3A_323 = arith.index_cast %get3A_322 : i32 to index
      %get3A_324 = arith.index_cast %while3A_314 : i32 to index
      %get3A_325 = arith.index_cast %mul3A_317 : i32 to index
      %get3A_326 = tpu.vector_load %arg8[%get3A_323, %get3A_324, %get3A_325] {strides = array<i32>} : memref<5x52x64xf32, #tpu.memory_space<vmem>>, vector<16xf32>,
      %max3A = arith.constant 0.000000e+00 : f32
      %max3A_327 = vector.broadcast %max3A : f32 to vector<16xf32>
      %max3A_328 = arith.maximumf %get3A_321, %max3A_327 : vector<16xf32>
      %abs3A = math.absf %get3A_321 : vector<16xf32>
      %neg3A = arith.constant 0.000000e+00 : f32
      %neg3A_329 = vector.broadcast %neg3A : f32 to vector<16xf32>
      %neg3A_330 = arith.subf %neg3A_329, %abs3A : vector<16xf32>
      %exp3A = math.exp %neg3A_330 : vector<16xf32>
      %mul3A_331 = arith.constant -0.00615147082 : f32
      %mul3A_332 = vector.broadcast %mul3A_331 : f32 to vector<16xf32>
      %mul3A_333 = arith.mulf %mul3A_332, %exp3A : vector<16xf32>
      %add3A_334 = arith.constant 0.0348497108 : f32
      %add3A_335 = vector.broadcast %add3A_334 : f32 to vector<16xf32>
      %add3A_336 = arith.addf %mul3A_333, %add3A_335 : vector<16xf32>
      %mul3A_337 = arith.mulf %add3A_336, %exp3A : vector<16xf32>
      %add3A_338 = arith.constant -0.0932520404 : f32
      %add3A_339 = vector.broadcast %add3A_338 : f32 to vector<16xf32>
      %add3A_340 = arith.addf %mul3A_337, %add3A_339 : vector<16xf32>
      %mul3A_341 = arith.mulf %add3A_340, %exp3A : vector<16xf32>
      %add3A_342 = arith.constant 0.165822759 : f32
      %add3A_343 = vector.broadcast %add3A_342 : f32 to vector<16xf32>
      %add3A_344 = arith.addf %mul3A_341, %add3A_343 : vector<16xf32>
      %mul3A_345 = arith.mulf %add3A_344, %exp3A : vector<16xf32>
      %add3A_346 = arith.constant -0.239826158 : f32
      %add3A_347 = vector.broadcast %add3A_346 : f32 to vector<16xf32>
      %add3A_348 = arith.addf %mul3A_345, %add3A_347 : vector<16xf32>
      %mul3A_349 = arith.mulf %add3A_348, %exp3A : vector<16xf32>
      %add3A_350 = arith.constant 0.331548631 : f32
      %add3A_351 = vector.broadcast %add3A_350 : f32 to vector<16xf32>
      %add3A_352 = arith.addf %mul3A_349, %add3A_351 : vector<16xf32>
      %mul3A_353 = arith.mulf %add3A_352, %exp3A : vector<16xf32>
      %add3A_354 = arith.constant -0.499838561 : f32
      %add3A_355 = vector.broadcast %add3A_354 : f32 to vector<16xf32>
      %add3A_356 = arith.addf %mul3A_353, %add3A_355 : vector<16xf32>
      %mul3A_357 = arith.mulf %add3A_356, %exp3A : vector<16xf32>
      %add3A_358 = arith.constant 0.999994277 : f32
      %add3A_359 = vector.broadcast %add3A_358 : f32 to vector<16xf32>
      %add3A_360 = arith.addf %mul3A_357, %add3A_359 : vector<16xf32>
      %mul3A_361 = arith.mulf %add3A_360, %exp3A : vector<16xf32>
      %add3A_362 = arith.constant 3.38696537E-8 : f32
      %add3A_363 = vector.broadcast %add3A_362 : f32 to vector<16xf32>
      %add3A_364 = arith.addf %mul3A_361, %add3A_363 : vector<16xf32>
      %add3A_365 = arith.addf %max3A_328, %add3A_364 : vector<16xf32>
      %sub3A_366 = arith.constant 1.000000e+00 : f32
      %sub3A_367 = vector.broadcast %sub3A_366 : f32 to vector<16xf32>
      %sub3A_368 = arith.subf %sub3A_367, %get3A_326 : vector<16xf32>
      %mul3A_369 = arith.mulf %add3A_365, %sub3A_368 : vector<16xf32>
      %add3A_370 = arith.addf %while3A_306, %mul3A_369 : vector<16xf32>
      %sub3A_371 = arith.subf %add3A_365, %get3A_321 : vector<16xf32>
      %mul3A_372 = arith.mulf %sub3A_371, %get3A_326 : vector<16xf32>
      %add3A_373 = arith.addf %while3A_307, %mul3A_372 : vector<16xf32>
      %add3A_374 = arith.addf %while3A_308, %get3A_326 : vector<16xf32>
      %get3A_375 = arith.constant 1 : i32
      %get3A_376 = arith.index_cast %get3A_375 : i32 to index
      %get3A_377 = arith.index_cast %while3A_314 : i32 to index
      %get3A_378 = arith.index_cast %mul3A_317 : i32 to index
      %get3A_379 = tpu.vector_load %arg5[%get3A_376, %get3A_377, %get3A_378] {strides = array<i32>} : memref<5x52x64xf32, #tpu.memory_space<vmem>>, vector<16xf32>,
      %get3A_380 = arith.constant 2 : i32
      %get3A_381 = arith.index_cast %get3A_380 : i32 to index
      %get3A_382 = arith.index_cast %while3A_314 : i32 to index
      %get3A_383 = arith.index_cast %mul3A_317 : i32 to index
      %get3A_384 = tpu.vector_load %arg5[%get3A_381, %get3A_382, %get3A_383] {strides = array<i32>} : memref<5x52x64xf32, #tpu.memory_space<vmem>>, vector<16xf32>,
      %get3A_385 = arith.constant 3 : i32
      %get3A_386 = arith.index_cast %get3A_385 : i32 to index
      %get3A_387 = arith.index_cast %while3A_314 : i32 to index
      %get3A_388 = arith.index_cast %mul3A_317 : i32 to index
      %get3A_389 = tpu.vector_load %arg5[%get3A_386, %get3A_387, %get3A_388] {strides = array<i32>} : memref<5x52x64xf32, #tpu.memory_space<vmem>>, vector<16xf32>,
      %get3A_390 = arith.constant 4 : i32
      %get3A_391 = arith.index_cast %get3A_390 : i32 to index
      %get3A_392 = arith.index_cast %while3A_314 : i32 to index
      %get3A_393 = arith.index_cast %mul3A_317 : i32 to index
      %get3A_394 = tpu.vector_load %arg5[%get3A_391, %get3A_392, %get3A_393] {strides = array<i32>} : memref<5x52x64xf32, #tpu.memory_space<vmem>>, vector<16xf32>,
      %get3A_395 = arith.constant 1 : i32
      %get3A_396 = arith.index_cast %get3A_395 : i32 to index
      %get3A_397 = arith.index_cast %while3A_314 : i32 to index
      %get3A_398 = arith.index_cast %mul3A_317 : i32 to index
      %get3A_399 = tpu.vector_load %arg8[%get3A_396, %get3A_397, %get3A_398] {strides = array<i32>} : memref<5x52x64xf32, #tpu.memory_space<vmem>>, vector<16xf32>,
      %get3A_400 = arith.constant 2 : i32
      %get3A_401 = arith.index_cast %get3A_400 : i32 to index
      %get3A_402 = arith.index_cast %while3A_314 : i32 to index
      %get3A_403 = arith.index_cast %mul3A_317 : i32 to index
      %get3A_404 = tpu.vector_load %arg8[%get3A_401, %get3A_402, %get3A_403] {strides = array<i32>} : memref<5x52x64xf32, #tpu.memory_space<vmem>>, vector<16xf32>,
      %get3A_405 = arith.constant 3 : i32
      %get3A_406 = arith.index_cast %get3A_405 : i32 to index
      %get3A_407 = arith.index_cast %while3A_314 : i32 to index
      %get3A_408 = arith.index_cast %mul3A_317 : i32 to index
      %get3A_409 = tpu.vector_load %arg8[%get3A_406, %get3A_407, %get3A_408] {strides = array<i32>} : memref<5x52x64xf32, #tpu.memory_space<vmem>>, vector<16xf32>,
      %get3A_410 = arith.constant 4 : i32
      %get3A_411 = arith.index_cast %get3A_410 : i32 to index
      %get3A_412 = arith.index_cast %while3A_314 : i32 to index
      %get3A_413 = arith.index_cast %mul3A_317 : i32 to index
      %get3A_414 = tpu.vector_load %arg8[%get3A_411, %get3A_412, %get3A_413] {strides = array<i32>} : memref<5x52x64xf32, #tpu.memory_space<vmem>>, vector<16xf32>,
      %neg3A_415 = arith.constant 0.000000e+00 : f32
      %neg3A_416 = vector.broadcast %neg3A_415 : f32 to vector<16xf32>
      %neg3A_417 = arith.subf %neg3A_416, %get3A_379 : vector<16xf32>
      %exp3A_418 = math.exp %neg3A_417 : vector<16xf32>
      %add3A_419 = arith.constant 1.000000e+00 : f32
      %add3A_420 = vector.broadcast %add3A_419 : f32 to vector<16xf32>
      %add3A_421 = arith.addf %add3A_420, %exp3A_418 : vector<16xf32>
      %div3A_422 = arith.constant 1.000000e+00 : f32
      %div3A_423 = vector.broadcast %div3A_422 : f32 to vector<16xf32>
      %div3A_424 = arith.divf %div3A_423, %add3A_421 : vector<16xf32>
      %neg3A_425 = arith.constant 0.000000e+00 : f32
      %neg3A_426 = vector.broadcast %neg3A_425 : f32 to vector<16xf32>
      %neg3A_427 = arith.subf %neg3A_426, %get3A_384 : vector<16xf32>
      %exp3A_428 = math.exp %neg3A_427 : vector<16xf32>
      %add3A_429 = arith.constant 1.000000e+00 : f32
      %add3A_430 = vector.broadcast %add3A_429 : f32 to vector<16xf32>
      %add3A_431 = arith.addf %add3A_430, %exp3A_428 : vector<16xf32>
      %div3A_432 = arith.constant 1.000000e+00 : f32
      %div3A_433 = vector.broadcast %div3A_432 : f32 to vector<16xf32>
      %div3A_434 = arith.divf %div3A_433, %add3A_431 : vector<16xf32>
      %neg3A_435 = arith.constant 0.000000e+00 : f32
      %neg3A_436 = vector.broadcast %neg3A_435 : f32 to vector<16xf32>
      %neg3A_437 = arith.subf %neg3A_436, %get3A_389 : vector<16xf32>
      %exp3A_438 = math.exp %neg3A_437 : vector<16xf32>
      %add3A_439 = arith.constant 1.000000e+00 : f32
      %add3A_440 = vector.broadcast %add3A_439 : f32 to vector<16xf32>
      %add3A_441 = arith.addf %add3A_440, %exp3A_438 : vector<16xf32>
      %div3A_442 = arith.constant 1.000000e+00 : f32
      %div3A_443 = vector.broadcast %div3A_442 : f32 to vector<16xf32>
      %div3A_444 = arith.divf %div3A_443, %add3A_441 : vector<16xf32>
      %neg3A_445 = arith.constant 0.000000e+00 : f32
      %neg3A_446 = vector.broadcast %neg3A_445 : f32 to vector<16xf32>
      %neg3A_447 = arith.subf %neg3A_446, %get3A_394 : vector<16xf32>
      %exp3A_448 = math.exp %neg3A_447 : vector<16xf32>
      %add3A_449 = arith.constant 1.000000e+00 : f32
      %add3A_450 = vector.broadcast %add3A_449 : f32 to vector<16xf32>
      %add3A_451 = arith.addf %add3A_450, %exp3A_448 : vector<16xf32>
      %div3A_452 = arith.constant 1.000000e+00 : f32
      %div3A_453 = vector.broadcast %div3A_452 : f32 to vector<16xf32>
      %div3A_454 = arith.divf %div3A_453, %add3A_451 : vector<16xf32>
      %mul3A_455 = arith.constant 2.600000e+01 : f32
      %mul3A_456 = vector.broadcast %mul3A_455 : f32 to vector<16xf32>
      %mul3A_457 = arith.mulf %div3A_444, %mul3A_456 : vector<16xf32>
      %mul3A_458 = arith.constant 2.600000e+01 : f32
      %mul3A_459 = vector.broadcast %mul3A_458 : f32 to vector<16xf32>
      %mul3A_460 = arith.mulf %div3A_454, %mul3A_459 : vector<16xf32>
      %sub3A_461 = arith.subf %div3A_424, %mul3A_457 : vector<16xf32>
      %sub3A_462 = arith.subf %div3A_434, %mul3A_460 : vector<16xf32>
      %add3A_463 = arith.addf %div3A_424, %mul3A_457 : vector<16xf32>
      %add3A_464 = arith.addf %div3A_434, %mul3A_460 : vector<16xf32>
      %mul3A_465 = arith.constant 2.600000e+01 : f32
      %mul3A_466 = vector.broadcast %mul3A_465 : f32 to vector<16xf32>
      %mul3A_467 = arith.mulf %get3A_409, %mul3A_466 : vector<16xf32>
      %mul3A_468 = arith.constant 2.600000e+01 : f32
      %mul3A_469 = vector.broadcast %mul3A_468 : f32 to vector<16xf32>
      %mul3A_470 = arith.mulf %get3A_414, %mul3A_469 : vector<16xf32>
      %sub3A_471 = arith.subf %get3A_399, %mul3A_467 : vector<16xf32>
      %sub3A_472 = arith.subf %get3A_404, %mul3A_470 : vector<16xf32>
      %add3A_473 = arith.addf %get3A_399, %mul3A_467 : vector<16xf32>
      %add3A_474 = arith.addf %get3A_404, %mul3A_470 : vector<16xf32>
      %min3A_475 = arith.minimumf %add3A_463, %add3A_473 : vector<16xf32>
      %max3A_476 = arith.maximumf %sub3A_461, %sub3A_471 : vector<16xf32>
      %sub3A_477 = arith.subf %min3A_475, %max3A_476 : vector<16xf32>
      %max3A_478 = arith.constant 0.000000e+00 : f32
      %max3A_479 = vector.broadcast %max3A_478 : f32 to vector<16xf32>
      %max3A_480 = arith.maximumf %sub3A_477, %max3A_479 : vector<16xf32>
      %min3A_481 = arith.minimumf %add3A_464, %add3A_474 : vector<16xf32>
      %max3A_482 = arith.maximumf %sub3A_462, %sub3A_472 : vector<16xf32>
      %sub3A_483 = arith.subf %min3A_481, %max3A_482 : vector<16xf32>
      %max3A_484 = arith.constant 0.000000e+00 : f32
      %max3A_485 = vector.broadcast %max3A_484 : f32 to vector<16xf32>
      %max3A_486 = arith.maximumf %sub3A_483, %max3A_485 : vector<16xf32>
      %mul3A_487 = arith.mulf %max3A_480, %max3A_486 : vector<16xf32>
      %sub3A_488 = arith.subf %add3A_463, %sub3A_461 : vector<16xf32>
      %sub3A_489 = arith.subf %add3A_464, %sub3A_462 : vector<16xf32>
      %mul3A_490 = arith.mulf %sub3A_488, %sub3A_489 : vector<16xf32>
      %sub3A_491 = arith.subf %add3A_473, %sub3A_471 : vector<16xf32>
      %sub3A_492 = arith.subf %add3A_474, %sub3A_472 : vector<16xf32>
      %mul3A_493 = arith.mulf %sub3A_491, %sub3A_492 : vector<16xf32>
      %add3A_494 = arith.addf %mul3A_490, %mul3A_493 : vector<16xf32>
      %sub3A_495 = arith.subf %add3A_494, %mul3A_487 : vector<16xf32>
      %add3A_496 = arith.constant 9.99999971E-10 : f32
      %add3A_497 = vector.broadcast %add3A_496 : f32 to vector<16xf32>
      %add3A_498 = arith.addf %sub3A_495, %add3A_497 : vector<16xf32>
      %div3A_499 = arith.divf %mul3A_487, %add3A_498 : vector<16xf32>
      %max3A_500 = arith.maximumf %add3A_463, %add3A_473 : vector<16xf32>
      %min3A_501 = arith.minimumf %sub3A_461, %sub3A_471 : vector<16xf32>
      %sub3A_502 = arith.subf %max3A_500, %min3A_501 : vector<16xf32>
      %max3A_503 = arith.constant 0.000000e+00 : f32
      %max3A_504 = vector.broadcast %max3A_503 : f32 to vector<16xf32>
      %max3A_505 = arith.maximumf %sub3A_502, %max3A_504 : vector<16xf32>
      %max3A_506 = arith.maximumf %add3A_464, %add3A_474 : vector<16xf32>
      %min3A_507 = arith.minimumf %sub3A_462, %sub3A_472 : vector<16xf32>
      %sub3A_508 = arith.subf %max3A_506, %min3A_507 : vector<16xf32>
      %max3A_509 = arith.constant 0.000000e+00 : f32
      %max3A_510 = vector.broadcast %max3A_509 : f32 to vector<16xf32>
      %max3A_511 = arith.maximumf %sub3A_508, %max3A_510 : vector<16xf32>
      %mul3A_512 = arith.mulf %max3A_505, %max3A_511 : vector<16xf32>
      %sub3A_513 = arith.subf %mul3A_512, %sub3A_495 : vector<16xf32>
      %add3A_514 = arith.constant 9.99999971E-10 : f32
      %add3A_515 = vector.broadcast %add3A_514 : f32 to vector<16xf32>
      %add3A_516 = arith.addf %mul3A_512, %add3A_515 : vector<16xf32>
      %div3A_517 = arith.divf %sub3A_513, %add3A_516 : vector<16xf32>
      %sub3A_518 = arith.subf %div3A_499, %div3A_517 : vector<16xf32>
      %sub3A_519 = arith.constant 1.000000e+00 : f32
      %sub3A_520 = vector.broadcast %sub3A_519 : f32 to vector<16xf32>
      %sub3A_521 = arith.subf %sub3A_520, %sub3A_518 : vector<16xf32>
      %mul3A_522 = arith.mulf %sub3A_521, %get3A_326 : vector<16xf32>
      %add3A_523 = arith.addf %while3A_309, %mul3A_522 : vector<16xf32>
      %add3A_524 = arith.constant 16 : i32
      %add3A_525 = arith.addi %mul3A_317, %add3A_524 : i32
      %get3A_526 = arith.constant 0 : i32
      %get3A_527 = arith.index_cast %get3A_526 : i32 to index
      %get3A_528 = arith.index_cast %while3A_314 : i32 to index
      %get3A_529 = arith.index_cast %add3A_525 : i32 to index
      %get3A_530 = tpu.vector_load %arg5[%get3A_527, %get3A_528, %get3A_529] {strides = array<i32>} : memref<5x52x64xf32, #tpu.memory_space<vmem>>, vector<16xf32>,
      %get3A_531 = arith.constant 0 : i32
      %get3A_532 = arith.index_cast %get3A_531 : i32 to index
      %get3A_533 = arith.index_cast %while3A_314 : i32 to index
      %get3A_534 = arith.index_cast %add3A_525 : i32 to index
      %get3A_535 = tpu.vector_load %arg8[%get3A_532, %get3A_533, %get3A_534] {strides = array<i32>} : memref<5x52x64xf32, #tpu.memory_space<vmem>>, vector<16xf32>,
      %max3A_536 = arith.constant 0.000000e+00 : f32
      %max3A_537 = vector.broadcast %max3A_536 : f32 to vector<16xf32>
      %max3A_538 = arith.maximumf %get3A_530, %max3A_537 : vector<16xf32>
      %abs3A_539 = math.absf %get3A_530 : vector<16xf32>
      %neg3A_540 = arith.constant 0.000000e+00 : f32
      %neg3A_541 = vector.broadcast %neg3A_540 : f32 to vector<16xf32>
      %neg3A_542 = arith.subf %neg3A_541, %abs3A_539 : vector<16xf32>
      %exp3A_543 = math.exp %neg3A_542 : vector<16xf32>
      %mul3A_544 = arith.constant -0.00615147082 : f32
      %mul3A_545 = vector.broadcast %mul3A_544 : f32 to vector<16xf32>
      %mul3A_546 = arith.mulf %mul3A_545, %exp3A_543 : vector<16xf32>
      %add3A_547 = arith.constant 0.0348497108 : f32
      %add3A_548 = vector.broadcast %add3A_547 : f32 to vector<16xf32>
      %add3A_549 = arith.addf %mul3A_546, %add3A_548 : vector<16xf32>
      %mul3A_550 = arith.mulf %add3A_549, %exp3A_543 : vector<16xf32>
      %add3A_551 = arith.constant -0.0932520404 : f32
      %add3A_552 = vector.broadcast %add3A_551 : f32 to vector<16xf32>
      %add3A_553 = arith.addf %mul3A_550, %add3A_552 : vector<16xf32>
      %mul3A_554 = arith.mulf %add3A_553, %exp3A_543 : vector<16xf32>
      %add3A_555 = arith.constant 0.165822759 : f32
      %add3A_556 = vector.broadcast %add3A_555 : f32 to vector<16xf32>
      %add3A_557 = arith.addf %mul3A_554, %add3A_556 : vector<16xf32>
      %mul3A_558 = arith.mulf %add3A_557, %exp3A_543 : vector<16xf32>
      %add3A_559 = arith.constant -0.239826158 : f32
      %add3A_560 = vector.broadcast %add3A_559 : f32 to vector<16xf32>
      %add3A_561 = arith.addf %mul3A_558, %add3A_560 : vector<16xf32>
      %mul3A_562 = arith.mulf %add3A_561, %exp3A_543 : vector<16xf32>
      %add3A_563 = arith.constant 0.331548631 : f32
      %add3A_564 = vector.broadcast %add3A_563 : f32 to vector<16xf32>
      %add3A_565 = arith.addf %mul3A_562, %add3A_564 : vector<16xf32>
      %mul3A_566 = arith.mulf %add3A_565, %exp3A_543 : vector<16xf32>
      %add3A_567 = arith.constant -0.499838561 : f32
      %add3A_568 = vector.broadcast %add3A_567 : f32 to vector<16xf32>
      %add3A_569 = arith.addf %mul3A_566, %add3A_568 : vector<16xf32>
      %mul3A_570 = arith.mulf %add3A_569, %exp3A_543 : vector<16xf32>
      %add3A_571 = arith.constant 0.999994277 : f32
      %add3A_572 = vector.broadcast %add3A_571 : f32 to vector<16xf32>
      %add3A_573 = arith.addf %mul3A_570, %add3A_572 : vector<16xf32>
      %mul3A_574 = arith.mulf %add3A_573, %exp3A_543 : vector<16xf32>
      %add3A_575 = arith.constant 3.38696537E-8 : f32
      %add3A_576 = vector.broadcast %add3A_575 : f32 to vector<16xf32>
      %add3A_577 = arith.addf %mul3A_574, %add3A_576 : vector<16xf32>
      %add3A_578 = arith.addf %max3A_538, %add3A_577 : vector<16xf32>
      %sub3A_579 = arith.constant 1.000000e+00 : f32
      %sub3A_580 = vector.broadcast %sub3A_579 : f32 to vector<16xf32>
      %sub3A_581 = arith.subf %sub3A_580, %get3A_535 : vector<16xf32>
      %mul3A_582 = arith.mulf %add3A_578, %sub3A_581 : vector<16xf32>
      %add3A_583 = arith.addf %while3A_310, %mul3A_582 : vector<16xf32>
      %sub3A_584 = arith.subf %add3A_578, %get3A_530 : vector<16xf32>
      %mul3A_585 = arith.mulf %sub3A_584, %get3A_535 : vector<16xf32>
      %add3A_586 = arith.addf %while3A_311, %mul3A_585 : vector<16xf32>
      %add3A_587 = arith.addf %while3A_312, %get3A_535 : vector<16xf32>
      %get3A_588 = arith.constant 1 : i32
      %get3A_589 = arith.index_cast %get3A_588 : i32 to index
      %get3A_590 = arith.index_cast %while3A_314 : i32 to index
      %get3A_591 = arith.index_cast %add3A_525 : i32 to index
      %get3A_592 = tpu.vector_load %arg5[%get3A_589, %get3A_590, %get3A_591] {strides = array<i32>} : memref<5x52x64xf32, #tpu.memory_space<vmem>>, vector<16xf32>,
      %get3A_593 = arith.constant 2 : i32
      %get3A_594 = arith.index_cast %get3A_593 : i32 to index
      %get3A_595 = arith.index_cast %while3A_314 : i32 to index
      %get3A_596 = arith.index_cast %add3A_525 : i32 to index
      %get3A_597 = tpu.vector_load %arg5[%get3A_594, %get3A_595, %get3A_596] {strides = array<i32>} : memref<5x52x64xf32, #tpu.memory_space<vmem>>, vector<16xf32>,
      %get3A_598 = arith.constant 3 : i32
      %get3A_599 = arith.index_cast %get3A_598 : i32 to index
      %get3A_600 = arith.index_cast %while3A_314 : i32 to index
      %get3A_601 = arith.index_cast %add3A_525 : i32 to index
      %get3A_602 = tpu.vector_load %arg5[%get3A_599, %get3A_600, %get3A_601] {strides = array<i32>} : memref<5x52x64xf32, #tpu.memory_space<vmem>>, vector<16xf32>,
      %get3A_603 = arith.constant 4 : i32
      %get3A_604 = arith.index_cast %get3A_603 : i32 to index
      %get3A_605 = arith.index_cast %while3A_314 : i32 to index
      %get3A_606 = arith.index_cast %add3A_525 : i32 to index
      %get3A_607 = tpu.vector_load %arg5[%get3A_604, %get3A_605, %get3A_606] {strides = array<i32>} : memref<5x52x64xf32, #tpu.memory_space<vmem>>, vector<16xf32>,
      %get3A_608 = arith.constant 1 : i32
      %get3A_609 = arith.index_cast %get3A_608 : i32 to index
      %get3A_610 = arith.index_cast %while3A_314 : i32 to index
      %get3A_611 = arith.index_cast %add3A_525 : i32 to index
      %get3A_612 = tpu.vector_load %arg8[%get3A_609, %get3A_610, %get3A_611] {strides = array<i32>} : memref<5x52x64xf32, #tpu.memory_space<vmem>>, vector<16xf32>,
      %get3A_613 = arith.constant 2 : i32
      %get3A_614 = arith.index_cast %get3A_613 : i32 to index
      %get3A_615 = arith.index_cast %while3A_314 : i32 to index
      %get3A_616 = arith.index_cast %add3A_525 : i32 to index
      %get3A_617 = tpu.vector_load %arg8[%get3A_614, %get3A_615, %get3A_616] {strides = array<i32>} : memref<5x52x64xf32, #tpu.memory_space<vmem>>, vector<16xf32>,
      %get3A_618 = arith.constant 3 : i32
      %get3A_619 = arith.index_cast %get3A_618 : i32 to index
      %get3A_620 = arith.index_cast %while3A_314 : i32 to index
      %get3A_621 = arith.index_cast %add3A_525 : i32 to index
      %get3A_622 = tpu.vector_load %arg8[%get3A_619, %get3A_620, %get3A_621] {strides = array<i32>} : memref<5x52x64xf32, #tpu.memory_space<vmem>>, vector<16xf32>,
      %get3A_623 = arith.constant 4 : i32
      %get3A_624 = arith.index_cast %get3A_623 : i32 to index
      %get3A_625 = arith.index_cast %while3A_314 : i32 to index
      %get3A_626 = arith.index_cast %add3A_525 : i32 to index
      %get3A_627 = tpu.vector_load %arg8[%get3A_624, %get3A_625, %get3A_626] {strides = array<i32>} : memref<5x52x64xf32, #tpu.memory_space<vmem>>, vector<16xf32>,
      %neg3A_628 = arith.constant 0.000000e+00 : f32
      %neg3A_629 = vector.broadcast %neg3A_628 : f32 to vector<16xf32>
      %neg3A_630 = arith.subf %neg3A_629, %get3A_592 : vector<16xf32>
      %exp3A_631 = math.exp %neg3A_630 : vector<16xf32>
      %add3A_632 = arith.constant 1.000000e+00 : f32
      %add3A_633 = vector.broadcast %add3A_632 : f32 to vector<16xf32>
      %add3A_634 = arith.addf %add3A_633, %exp3A_631 : vector<16xf32>
      %div3A_635 = arith.constant 1.000000e+00 : f32
      %div3A_636 = vector.broadcast %div3A_635 : f32 to vector<16xf32>
      %div3A_637 = arith.divf %div3A_636, %add3A_634 : vector<16xf32>
      %neg3A_638 = arith.constant 0.000000e+00 : f32
      %neg3A_639 = vector.broadcast %neg3A_638 : f32 to vector<16xf32>
      %neg3A_640 = arith.subf %neg3A_639, %get3A_597 : vector<16xf32>
      %exp3A_641 = math.exp %neg3A_640 : vector<16xf32>
      %add3A_642 = arith.constant 1.000000e+00 : f32
      %add3A_643 = vector.broadcast %add3A_642 : f32 to vector<16xf32>
      %add3A_644 = arith.addf %add3A_643, %exp3A_641 : vector<16xf32>
      %div3A_645 = arith.constant 1.000000e+00 : f32
      %div3A_646 = vector.broadcast %div3A_645 : f32 to vector<16xf32>
      %div3A_647 = arith.divf %div3A_646, %add3A_644 : vector<16xf32>
      %neg3A_648 = arith.constant 0.000000e+00 : f32
      %neg3A_649 = vector.broadcast %neg3A_648 : f32 to vector<16xf32>
      %neg3A_650 = arith.subf %neg3A_649, %get3A_602 : vector<16xf32>
      %exp3A_651 = math.exp %neg3A_650 : vector<16xf32>
      %add3A_652 = arith.constant 1.000000e+00 : f32
      %add3A_653 = vector.broadcast %add3A_652 : f32 to vector<16xf32>
      %add3A_654 = arith.addf %add3A_653, %exp3A_651 : vector<16xf32>
      %div3A_655 = arith.constant 1.000000e+00 : f32
      %div3A_656 = vector.broadcast %div3A_655 : f32 to vector<16xf32>
      %div3A_657 = arith.divf %div3A_656, %add3A_654 : vector<16xf32>
      %neg3A_658 = arith.constant 0.000000e+00 : f32
      %neg3A_659 = vector.broadcast %neg3A_658 : f32 to vector<16xf32>
      %neg3A_660 = arith.subf %neg3A_659, %get3A_607 : vector<16xf32>
      %exp3A_661 = math.exp %neg3A_660 : vector<16xf32>
      %add3A_662 = arith.constant 1.000000e+00 : f32
      %add3A_663 = vector.broadcast %add3A_662 : f32 to vector<16xf32>
      %add3A_664 = arith.addf %add3A_663, %exp3A_661 : vector<16xf32>
      %div3A_665 = arith.constant 1.000000e+00 : f32
      %div3A_666 = vector.broadcast %div3A_665 : f32 to vector<16xf32>
      %div3A_667 = arith.divf %div3A_666, %add3A_664 : vector<16xf32>
      %mul3A_668 = arith.constant 2.600000e+01 : f32
      %mul3A_669 = vector.broadcast %mul3A_668 : f32 to vector<16xf32>
      %mul3A_670 = arith.mulf %div3A_657, %mul3A_669 : vector<16xf32>
      %mul3A_671 = arith.constant 2.600000e+01 : f32
      %mul3A_672 = vector.broadcast %mul3A_671 : f32 to vector<16xf32>
      %mul3A_673 = arith.mulf %div3A_667, %mul3A_672 : vector<16xf32>
      %sub3A_674 = arith.subf %div3A_637, %mul3A_670 : vector<16xf32>
      %sub3A_675 = arith.subf %div3A_647, %mul3A_673 : vector<16xf32>
      %add3A_676 = arith.addf %div3A_637, %mul3A_670 : vector<16xf32>
      %add3A_677 = arith.addf %div3A_647, %mul3A_673 : vector<16xf32>
      %mul3A_678 = arith.constant 2.600000e+01 : f32
      %mul3A_679 = vector.broadcast %mul3A_678 : f32 to vector<16xf32>
      %mul3A_680 = arith.mulf %get3A_622, %mul3A_679 : vector<16xf32>
      %mul3A_681 = arith.constant 2.600000e+01 : f32
      %mul3A_682 = vector.broadcast %mul3A_681 : f32 to vector<16xf32>
      %mul3A_683 = arith.mulf %get3A_627, %mul3A_682 : vector<16xf32>
      %sub3A_684 = arith.subf %get3A_612, %mul3A_680 : vector<16xf32>
      %sub3A_685 = arith.subf %get3A_617, %mul3A_683 : vector<16xf32>
      %add3A_686 = arith.addf %get3A_612, %mul3A_680 : vector<16xf32>
      %add3A_687 = arith.addf %get3A_617, %mul3A_683 : vector<16xf32>
      %min3A_688 = arith.minimumf %add3A_676, %add3A_686 : vector<16xf32>
      %max3A_689 = arith.maximumf %sub3A_674, %sub3A_684 : vector<16xf32>
      %sub3A_690 = arith.subf %min3A_688, %max3A_689 : vector<16xf32>
      %max3A_691 = arith.constant 0.000000e+00 : f32
      %max3A_692 = vector.broadcast %max3A_691 : f32 to vector<16xf32>
      %max3A_693 = arith.maximumf %sub3A_690, %max3A_692 : vector<16xf32>
      %min3A_694 = arith.minimumf %add3A_677, %add3A_687 : vector<16xf32>
      %max3A_695 = arith.maximumf %sub3A_675, %sub3A_685 : vector<16xf32>
      %sub3A_696 = arith.subf %min3A_694, %max3A_695 : vector<16xf32>
      %max3A_697 = arith.constant 0.000000e+00 : f32
      %max3A_698 = vector.broadcast %max3A_697 : f32 to vector<16xf32>
      %max3A_699 = arith.maximumf %sub3A_696, %max3A_698 : vector<16xf32>
      %mul3A_700 = arith.mulf %max3A_693, %max3A_699 : vector<16xf32>
      %sub3A_701 = arith.subf %add3A_676, %sub3A_674 : vector<16xf32>
      %sub3A_702 = arith.subf %add3A_677, %sub3A_675 : vector<16xf32>
      %mul3A_703 = arith.mulf %sub3A_701, %sub3A_702 : vector<16xf32>
      %sub3A_704 = arith.subf %add3A_686, %sub3A_684 : vector<16xf32>
      %sub3A_705 = arith.subf %add3A_687, %sub3A_685 : vector<16xf32>
      %mul3A_706 = arith.mulf %sub3A_704, %sub3A_705 : vector<16xf32>
      %add3A_707 = arith.addf %mul3A_703, %mul3A_706 : vector<16xf32>
      %sub3A_708 = arith.subf %add3A_707, %mul3A_700 : vector<16xf32>
      %add3A_709 = arith.constant 9.99999971E-10 : f32
      %add3A_710 = vector.broadcast %add3A_709 : f32 to vector<16xf32>
      %add3A_711 = arith.addf %sub3A_708, %add3A_710 : vector<16xf32>
      %div3A_712 = arith.divf %mul3A_700, %add3A_711 : vector<16xf32>
      %max3A_713 = arith.maximumf %add3A_676, %add3A_686 : vector<16xf32>
      %min3A_714 = arith.minimumf %sub3A_674, %sub3A_684 : vector<16xf32>
      %sub3A_715 = arith.subf %max3A_713, %min3A_714 : vector<16xf32>
      %max3A_716 = arith.constant 0.000000e+00 : f32
      %max3A_717 = vector.broadcast %max3A_716 : f32 to vector<16xf32>
      %max3A_718 = arith.maximumf %sub3A_715, %max3A_717 : vector<16xf32>
      %max3A_719 = arith.maximumf %add3A_677, %add3A_687 : vector<16xf32>
      %min3A_720 = arith.minimumf %sub3A_675, %sub3A_685 : vector<16xf32>
      %sub3A_721 = arith.subf %max3A_719, %min3A_720 : vector<16xf32>
      %max3A_722 = arith.constant 0.000000e+00 : f32
      %max3A_723 = vector.broadcast %max3A_722 : f32 to vector<16xf32>
      %max3A_724 = arith.maximumf %sub3A_721, %max3A_723 : vector<16xf32>
      %mul3A_725 = arith.mulf %max3A_718, %max3A_724 : vector<16xf32>
      %sub3A_726 = arith.subf %mul3A_725, %sub3A_708 : vector<16xf32>
      %add3A_727 = arith.constant 9.99999971E-10 : f32
      %add3A_728 = vector.broadcast %add3A_727 : f32 to vector<16xf32>
      %add3A_729 = arith.addf %mul3A_725, %add3A_728 : vector<16xf32>
      %div3A_730 = arith.divf %sub3A_726, %add3A_729 : vector<16xf32>
      %sub3A_731 = arith.subf %div3A_712, %div3A_730 : vector<16xf32>
      %sub3A_732 = arith.constant 1.000000e+00 : f32
      %sub3A_733 = vector.broadcast %sub3A_732 : f32 to vector<16xf32>
      %sub3A_734 = arith.subf %sub3A_733, %sub3A_731 : vector<16xf32>
      %mul3A_735 = arith.mulf %sub3A_734, %get3A_535 : vector<16xf32>
      %add3A_736 = arith.addf %while3A_313, %mul3A_735 : vector<16xf32>
      %sub3A_737 = arith.constant 1 : i32
      %sub3A_738 = arith.subi %sub3A_737, %while3A_315 : i32
      %eq3A_739 = arith.constant 0 : i32
      %eq3A_740 = arith.cmpi eq, %sub3A_738, %eq3A_739 : i32
      %jit3A_741 = arith.constant 1 : i32
      %jit3A_742 = arith.constant 0 : i32
      %select_n3A_743 = arith.select %eq3A_740, %jit3A_741, %jit3A_742 : i32
      %add3A_744 = arith.addi %while3A_314, %select_n3A_743 : i32
      %ge3A = arith.constant 52 : i32
      %ge3A_745 = arith.cmpi sge, %add3A_744, %ge3A : i32
      %jit3A_746 = arith.constant 0 : i32
      %select_n3A_747 = arith.select %ge3A_745, %jit3A_746, %add3A_744 : i32
      scf.yield %add3A_370, %add3A_373, %add3A_374, %add3A_523, %add3A_583, %add3A_586, %add3A_587, %add3A_736, %select_n3A_747, %sub3A_738 : vector<16xf32>, vector<16xf32>, vector<16xf32>, vector<16xf32>, vector<16xf32>, vector<16xf32>, vector<16xf32>, vector<16xf32>, i32, i32
    }
    %while3A_226 = arith.constant 1 : i32
    %while3A_227:10 = scf.for %while3A_305 = %while3A_223 to %while3A_219 step %while3A_226 iter_args(%while3A_306 = %while3A_225#0, %while3A_307 = %while3A_225#1, %while3A_308 = %while3A_225#2, %while3A_309 = %while3A_225#3, %while3A_310 = %while3A_225#4, %while3A_311 = %while3A_225#5, %while3A_312 = %while3A_225#6, %while3A_313 = %while3A_225#7, %while3A_314 = %while3A_225#8, %while3A_315 = %while3A_225#9) -> (vector<16xf32>, vector<16xf32>, vector<16xf32>, vector<16xf32>, vector<16xf32>, vector<16xf32>, vector<16xf32>, vector<16xf32>, i32, i32)  : i32 {
      %mul3A_316 = arith.constant 32 : i32
      %mul3A_317 = arith.muli %while3A_315, %mul3A_316 : i32
      %get3A = arith.constant 0 : i32
      %get3A_318 = arith.index_cast %get3A : i32 to index
      %get3A_319 = arith.index_cast %while3A_314 : i32 to index
      %get3A_320 = arith.index_cast %mul3A_317 : i32 to index
      %get3A_321 = tpu.vector_load %arg5[%get3A_318, %get3A_319, %get3A_320] {strides = array<i32>} : memref<5x52x64xf32, #tpu.memory_space<vmem>>, vector<16xf32>,
      %get3A_322 = arith.constant 0 : i32
      %get3A_323 = arith.index_cast %get3A_322 : i32 to index
      %get3A_324 = arith.index_cast %while3A_314 : i32 to index
      %get3A_325 = arith.index_cast %mul3A_317 : i32 to index
      %get3A_326 = tpu.vector_load %arg8[%get3A_323, %get3A_324, %get3A_325] {strides = array<i32>} : memref<5x52x64xf32, #tpu.memory_space<vmem>>, vector<16xf32>,
      %max3A = arith.constant 0.000000e+00 : f32
      %max3A_327 = vector.broadcast %max3A : f32 to vector<16xf32>
      %max3A_328 = arith.maximumf %get3A_321, %max3A_327 : vector<16xf32>
      %abs3A = math.absf %get3A_321 : vector<16xf32>
      %neg3A = arith.constant 0.000000e+00 : f32
      %neg3A_329 = vector.broadcast %neg3A : f32 to vector<16xf32>
      %neg3A_330 = arith.subf %neg3A_329, %abs3A : vector<16xf32>
      %exp3A = math.exp %neg3A_330 : vector<16xf32>
      %mul3A_331 = arith.constant -0.00615147082 : f32
      %mul3A_332 = vector.broadcast %mul3A_331 : f32 to vector<16xf32>
      %mul3A_333 = arith.mulf %mul3A_332, %exp3A : vector<16xf32>
      %add3A_334 = arith.constant 0.0348497108 : f32
      %add3A_335 = vector.broadcast %add3A_334 : f32 to vector<16xf32>
      %add3A_336 = arith.addf %mul3A_333, %add3A_335 : vector<16xf32>
      %mul3A_337 = arith.mulf %add3A_336, %exp3A : vector<16xf32>
      %add3A_338 = arith.constant -0.0932520404 : f32
      %add3A_339 = vector.broadcast %add3A_338 : f32 to vector<16xf32>
      %add3A_340 = arith.addf %mul3A_337, %add3A_339 : vector<16xf32>
      %mul3A_341 = arith.mulf %add3A_340, %exp3A : vector<16xf32>
      %add3A_342 = arith.constant 0.165822759 : f32
      %add3A_343 = vector.broadcast %add3A_342 : f32 to vector<16xf32>
      %add3A_344 = arith.addf %mul3A_341, %add3A_343 : vector<16xf32>
      %mul3A_345 = arith.mulf %add3A_344, %exp3A : vector<16xf32>
      %add3A_346 = arith.constant -0.239826158 : f32
      %add3A_347 = vector.broadcast %add3A_346 : f32 to vector<16xf32>
      %add3A_348 = arith.addf %mul3A_345, %add3A_347 : vector<16xf32>
      %mul3A_349 = arith.mulf %add3A_348, %exp3A : vector<16xf32>
      %add3A_350 = arith.constant 0.331548631 : f32
      %add3A_351 = vector.broadcast %add3A_350 : f32 to vector<16xf32>
      %add3A_352 = arith.addf %mul3A_349, %add3A_351 : vector<16xf32>
      %mul3A_353 = arith.mulf %add3A_352, %exp3A : vector<16xf32>
      %add3A_354 = arith.constant -0.499838561 : f32
      %add3A_355 = vector.broadcast %add3A_354 : f32 to vector<16xf32>
      %add3A_356 = arith.addf %mul3A_353, %add3A_355 : vector<16xf32>
      %mul3A_357 = arith.mulf %add3A_356, %exp3A : vector<16xf32>
      %add3A_358 = arith.constant 0.999994277 : f32
      %add3A_359 = vector.broadcast %add3A_358 : f32 to vector<16xf32>
      %add3A_360 = arith.addf %mul3A_357, %add3A_359 : vector<16xf32>
      %mul3A_361 = arith.mulf %add3A_360, %exp3A : vector<16xf32>
      %add3A_362 = arith.constant 3.38696537E-8 : f32
      %add3A_363 = vector.broadcast %add3A_362 : f32 to vector<16xf32>
      %add3A_364 = arith.addf %mul3A_361, %add3A_363 : vector<16xf32>
      %add3A_365 = arith.addf %max3A_328, %add3A_364 : vector<16xf32>
      %sub3A_366 = arith.constant 1.000000e+00 : f32
      %sub3A_367 = vector.broadcast %sub3A_366 : f32 to vector<16xf32>
      %sub3A_368 = arith.subf %sub3A_367, %get3A_326 : vector<16xf32>
      %mul3A_369 = arith.mulf %add3A_365, %sub3A_368 : vector<16xf32>
      %add3A_370 = arith.addf %while3A_306, %mul3A_369 : vector<16xf32>
      %sub3A_371 = arith.subf %add3A_365, %get3A_321 : vector<16xf32>
      %mul3A_372 = arith.mulf %sub3A_371, %get3A_326 : vector<16xf32>
      %add3A_373 = arith.addf %while3A_307, %mul3A_372 : vector<16xf32>
      %add3A_374 = arith.addf %while3A_308, %get3A_326 : vector<16xf32>
      %get3A_375 = arith.constant 1 : i32
      %get3A_376 = arith.index_cast %get3A_375 : i32 to index
      %get3A_377 = arith.index_cast %while3A_314 : i32 to index
      %get3A_378 = arith.index_cast %mul3A_317 : i32 to index
      %get3A_379 = tpu.vector_load %arg5[%get3A_376, %get3A_377, %get3A_378] {strides = array<i32>} : memref<5x52x64xf32, #tpu.memory_space<vmem>>, vector<16xf32>,
      %get3A_380 = arith.constant 2 : i32
      %get3A_381 = arith.index_cast %get3A_380 : i32 to index
      %get3A_382 = arith.index_cast %while3A_314 : i32 to index
      %get3A_383 = arith.index_cast %mul3A_317 : i32 to index
      %get3A_384 = tpu.vector_load %arg5[%get3A_381, %get3A_382, %get3A_383] {strides = array<i32>} : memref<5x52x64xf32, #tpu.memory_space<vmem>>, vector<16xf32>,
      %get3A_385 = arith.constant 3 : i32
      %get3A_386 = arith.index_cast %get3A_385 : i32 to index
      %get3A_387 = arith.index_cast %while3A_314 : i32 to index
      %get3A_388 = arith.index_cast %mul3A_317 : i32 to index
      %get3A_389 = tpu.vector_load %arg5[%get3A_386, %get3A_387, %get3A_388] {strides = array<i32>} : memref<5x52x64xf32, #tpu.memory_space<vmem>>, vector<16xf32>,
      %get3A_390 = arith.constant 4 : i32
      %get3A_391 = arith.index_cast %get3A_390 : i32 to index
      %get3A_392 = arith.index_cast %while3A_314 : i32 to index
      %get3A_393 = arith.index_cast %mul3A_317 : i32 to index
      %get3A_394 = tpu.vector_load %arg5[%get3A_391, %get3A_392, %get3A_393] {strides = array<i32>} : memref<5x52x64xf32, #tpu.memory_space<vmem>>, vector<16xf32>,
      %get3A_395 = arith.constant 1 : i32
      %get3A_396 = arith.index_cast %get3A_395 : i32 to index
      %get3A_397 = arith.index_cast %while3A_314 : i32 to index
      %get3A_398 = arith.index_cast %mul3A_317 : i32 to index
      %get3A_399 = tpu.vector_load %arg8[%get3A_396, %get3A_397, %get3A_398] {strides = array<i32>} : memref<5x52x64xf32, #tpu.memory_space<vmem>>, vector<16xf32>,
      %get3A_400 = arith.constant 2 : i32
      %get3A_401 = arith.index_cast %get3A_400 : i32 to index
      %get3A_402 = arith.index_cast %while3A_314 : i32 to index
      %get3A_403 = arith.index_cast %mul3A_317 : i32 to index
      %get3A_404 = tpu.vector_load %arg8[%get3A_401, %get3A_402, %get3A_403] {strides = array<i32>} : memref<5x52x64xf32, #tpu.memory_space<vmem>>, vector<16xf32>,
      %get3A_405 = arith.constant 3 : i32
      %get3A_406 = arith.index_cast %get3A_405 : i32 to index
      %get3A_407 = arith.index_cast %while3A_314 : i32 to index
      %get3A_408 = arith.index_cast %mul3A_317 : i32 to index
      %get3A_409 = tpu.vector_load %arg8[%get3A_406, %get3A_407, %get3A_408] {strides = array<i32>} : memref<5x52x64xf32, #tpu.memory_space<vmem>>, vector<16xf32>,
      %get3A_410 = arith.constant 4 : i32
      %get3A_411 = arith.index_cast %get3A_410 : i32 to index
      %get3A_412 = arith.index_cast %while3A_314 : i32 to index
      %get3A_413 = arith.index_cast %mul3A_317 : i32 to index
      %get3A_414 = tpu.vector_load %arg8[%get3A_411, %get3A_412, %get3A_413] {strides = array<i32>} : memref<5x52x64xf32, #tpu.memory_space<vmem>>, vector<16xf32>,
      %neg3A_415 = arith.constant 0.000000e+00 : f32
      %neg3A_416 = vector.broadcast %neg3A_415 : f32 to vector<16xf32>
      %neg3A_417 = arith.subf %neg3A_416, %get3A_379 : vector<16xf32>
      %exp3A_418 = math.exp %neg3A_417 : vector<16xf32>
      %add3A_419 = arith.constant 1.000000e+00 : f32
      %add3A_420 = vector.broadcast %add3A_419 : f32 to vector<16xf32>
      %add3A_421 = arith.addf %add3A_420, %exp3A_418 : vector<16xf32>
      %div3A_422 = arith.constant 1.000000e+00 : f32
      %div3A_423 = vector.broadcast %div3A_422 : f32 to vector<16xf32>
      %div3A_424 = arith.divf %div3A_423, %add3A_421 : vector<16xf32>
      %neg3A_425 = arith.constant 0.000000e+00 : f32
      %neg3A_426 = vector.broadcast %neg3A_425 : f32 to vector<16xf32>
      %neg3A_427 = arith.subf %neg3A_426, %get3A_384 : vector<16xf32>
      %exp3A_428 = math.exp %neg3A_427 : vector<16xf32>
      %add3A_429 = arith.constant 1.000000e+00 : f32
      %add3A_430 = vector.broadcast %add3A_429 : f32 to vector<16xf32>
      %add3A_431 = arith.addf %add3A_430, %exp3A_428 : vector<16xf32>
      %div3A_432 = arith.constant 1.000000e+00 : f32
      %div3A_433 = vector.broadcast %div3A_432 : f32 to vector<16xf32>
      %div3A_434 = arith.divf %div3A_433, %add3A_431 : vector<16xf32>
      %neg3A_435 = arith.constant 0.000000e+00 : f32
      %neg3A_436 = vector.broadcast %neg3A_435 : f32 to vector<16xf32>
      %neg3A_437 = arith.subf %neg3A_436, %get3A_389 : vector<16xf32>
      %exp3A_438 = math.exp %neg3A_437 : vector<16xf32>
      %add3A_439 = arith.constant 1.000000e+00 : f32
      %add3A_440 = vector.broadcast %add3A_439 : f32 to vector<16xf32>
      %add3A_441 = arith.addf %add3A_440, %exp3A_438 : vector<16xf32>
      %div3A_442 = arith.constant 1.000000e+00 : f32
      %div3A_443 = vector.broadcast %div3A_442 : f32 to vector<16xf32>
      %div3A_444 = arith.divf %div3A_443, %add3A_441 : vector<16xf32>
      %neg3A_445 = arith.constant 0.000000e+00 : f32
      %neg3A_446 = vector.broadcast %neg3A_445 : f32 to vector<16xf32>
      %neg3A_447 = arith.subf %neg3A_446, %get3A_394 : vector<16xf32>
      %exp3A_448 = math.exp %neg3A_447 : vector<16xf32>
      %add3A_449 = arith.constant 1.000000e+00 : f32
      %add3A_450 = vector.broadcast %add3A_449 : f32 to vector<16xf32>
      %add3A_451 = arith.addf %add3A_450, %exp3A_448 : vector<16xf32>
      %div3A_452 = arith.constant 1.000000e+00 : f32
      %div3A_453 = vector.broadcast %div3A_452 : f32 to vector<16xf32>
      %div3A_454 = arith.divf %div3A_453, %add3A_451 : vector<16xf32>
      %mul3A_455 = arith.constant 2.600000e+01 : f32
      %mul3A_456 = vector.broadcast %mul3A_455 : f32 to vector<16xf32>
      %mul3A_457 = arith.mulf %div3A_444, %mul3A_456 : vector<16xf32>
      %mul3A_458 = arith.constant 2.600000e+01 : f32
      %mul3A_459 = vector.broadcast %mul3A_458 : f32 to vector<16xf32>
      %mul3A_460 = arith.mulf %div3A_454, %mul3A_459 : vector<16xf32>
      %sub3A_461 = arith.subf %div3A_424, %mul3A_457 : vector<16xf32>
      %sub3A_462 = arith.subf %div3A_434, %mul3A_460 : vector<16xf32>
      %add3A_463 = arith.addf %div3A_424, %mul3A_457 : vector<16xf32>
      %add3A_464 = arith.addf %div3A_434, %mul3A_460 : vector<16xf32>
      %mul3A_465 = arith.constant 2.600000e+01 : f32
      %mul3A_466 = vector.broadcast %mul3A_465 : f32 to vector<16xf32>
      %mul3A_467 = arith.mulf %get3A_409, %mul3A_466 : vector<16xf32>
      %mul3A_468 = arith.constant 2.600000e+01 : f32
      %mul3A_469 = vector.broadcast %mul3A_468 : f32 to vector<16xf32>
      %mul3A_470 = arith.mulf %get3A_414, %mul3A_469 : vector<16xf32>
      %sub3A_471 = arith.subf %get3A_399, %mul3A_467 : vector<16xf32>
      %sub3A_472 = arith.subf %get3A_404, %mul3A_470 : vector<16xf32>
      %add3A_473 = arith.addf %get3A_399, %mul3A_467 : vector<16xf32>
      %add3A_474 = arith.addf %get3A_404, %mul3A_470 : vector<16xf32>
      %min3A_475 = arith.minimumf %add3A_463, %add3A_473 : vector<16xf32>
      %max3A_476 = arith.maximumf %sub3A_461, %sub3A_471 : vector<16xf32>
      %sub3A_477 = arith.subf %min3A_475, %max3A_476 : vector<16xf32>
      %max3A_478 = arith.constant 0.000000e+00 : f32
      %max3A_479 = vector.broadcast %max3A_478 : f32 to vector<16xf32>
      %max3A_480 = arith.maximumf %sub3A_477, %max3A_479 : vector<16xf32>
      %min3A_481 = arith.minimumf %add3A_464, %add3A_474 : vector<16xf32>
      %max3A_482 = arith.maximumf %sub3A_462, %sub3A_472 : vector<16xf32>
      %sub3A_483 = arith.subf %min3A_481, %max3A_482 : vector<16xf32>
      %max3A_484 = arith.constant 0.000000e+00 : f32
      %max3A_485 = vector.broadcast %max3A_484 : f32 to vector<16xf32>
      %max3A_486 = arith.maximumf %sub3A_483, %max3A_485 : vector<16xf32>
      %mul3A_487 = arith.mulf %max3A_480, %max3A_486 : vector<16xf32>
      %sub3A_488 = arith.subf %add3A_463, %sub3A_461 : vector<16xf32>
      %sub3A_489 = arith.subf %add3A_464, %sub3A_462 : vector<16xf32>
      %mul3A_490 = arith.mulf %sub3A_488, %sub3A_489 : vector<16xf32>
      %sub3A_491 = arith.subf %add3A_473, %sub3A_471 : vector<16xf32>
      %sub3A_492 = arith.subf %add3A_474, %sub3A_472 : vector<16xf32>
      %mul3A_493 = arith.mulf %sub3A_491, %sub3A_492 : vector<16xf32>
      %add3A_494 = arith.addf %mul3A_490, %mul3A_493 : vector<16xf32>
      %sub3A_495 = arith.subf %add3A_494, %mul3A_487 : vector<16xf32>
      %add3A_496 = arith.constant 9.99999971E-10 : f32
      %add3A_497 = vector.broadcast %add3A_496 : f32 to vector<16xf32>
      %add3A_498 = arith.addf %sub3A_495, %add3A_497 : vector<16xf32>
      %div3A_499 = arith.divf %mul3A_487, %add3A_498 : vector<16xf32>
      %max3A_500 = arith.maximumf %add3A_463, %add3A_473 : vector<16xf32>
      %min3A_501 = arith.minimumf %sub3A_461, %sub3A_471 : vector<16xf32>
      %sub3A_502 = arith.subf %max3A_500, %min3A_501 : vector<16xf32>
      %max3A_503 = arith.constant 0.000000e+00 : f32
      %max3A_504 = vector.broadcast %max3A_503 : f32 to vector<16xf32>
      %max3A_505 = arith.maximumf %sub3A_502, %max3A_504 : vector<16xf32>
      %max3A_506 = arith.maximumf %add3A_464, %add3A_474 : vector<16xf32>
      %min3A_507 = arith.minimumf %sub3A_462, %sub3A_472 : vector<16xf32>
      %sub3A_508 = arith.subf %max3A_506, %min3A_507 : vector<16xf32>
      %max3A_509 = arith.constant 0.000000e+00 : f32
      %max3A_510 = vector.broadcast %max3A_509 : f32 to vector<16xf32>
      %max3A_511 = arith.maximumf %sub3A_508, %max3A_510 : vector<16xf32>
      %mul3A_512 = arith.mulf %max3A_505, %max3A_511 : vector<16xf32>
      %sub3A_513 = arith.subf %mul3A_512, %sub3A_495 : vector<16xf32>
      %add3A_514 = arith.constant 9.99999971E-10 : f32
      %add3A_515 = vector.broadcast %add3A_514 : f32 to vector<16xf32>
      %add3A_516 = arith.addf %mul3A_512, %add3A_515 : vector<16xf32>
      %div3A_517 = arith.divf %sub3A_513, %add3A_516 : vector<16xf32>
      %sub3A_518 = arith.subf %div3A_499, %div3A_517 : vector<16xf32>
      %sub3A_519 = arith.constant 1.000000e+00 : f32
      %sub3A_520 = vector.broadcast %sub3A_519 : f32 to vector<16xf32>
      %sub3A_521 = arith.subf %sub3A_520, %sub3A_518 : vector<16xf32>
      %mul3A_522 = arith.mulf %sub3A_521, %get3A_326 : vector<16xf32>
      %add3A_523 = arith.addf %while3A_309, %mul3A_522 : vector<16xf32>
      %add3A_524 = arith.constant 16 : i32
      %add3A_525 = arith.addi %mul3A_317, %add3A_524 : i32
      %get3A_526 = arith.constant 0 : i32
      %get3A_527 = arith.index_cast %get3A_526 : i32 to index
      %get3A_528 = arith.index_cast %while3A_314 : i32 to index
      %get3A_529 = arith.index_cast %add3A_525 : i32 to index
      %get3A_530 = tpu.vector_load %arg5[%get3A_527, %get3A_528, %get3A_529] {strides = array<i32>} : memref<5x52x64xf32, #tpu.memory_space<vmem>>, vector<16xf32>,
      %get3A_531 = arith.constant 0 : i32
      %get3A_532 = arith.index_cast %get3A_531 : i32 to index
      %get3A_533 = arith.index_cast %while3A_314 : i32 to index
      %get3A_534 = arith.index_cast %add3A_525 : i32 to index
      %get3A_535 = tpu.vector_load %arg8[%get3A_532, %get3A_533, %get3A_534] {strides = array<i32>} : memref<5x52x64xf32, #tpu.memory_space<vmem>>, vector<16xf32>,
      %max3A_536 = arith.constant 0.000000e+00 : f32
      %max3A_537 = vector.broadcast %max3A_536 : f32 to vector<16xf32>
      %max3A_538 = arith.maximumf %get3A_530, %max3A_537 : vector<16xf32>
      %abs3A_539 = math.absf %get3A_530 : vector<16xf32>
      %neg3A_540 = arith.constant 0.000000e+00 : f32
      %neg3A_541 = vector.broadcast %neg3A_540 : f32 to vector<16xf32>
      %neg3A_542 = arith.subf %neg3A_541, %abs3A_539 : vector<16xf32>
      %exp3A_543 = math.exp %neg3A_542 : vector<16xf32>
      %mul3A_544 = arith.constant -0.00615147082 : f32
      %mul3A_545 = vector.broadcast %mul3A_544 : f32 to vector<16xf32>
      %mul3A_546 = arith.mulf %mul3A_545, %exp3A_543 : vector<16xf32>
      %add3A_547 = arith.constant 0.0348497108 : f32
      %add3A_548 = vector.broadcast %add3A_547 : f32 to vector<16xf32>
      %add3A_549 = arith.addf %mul3A_546, %add3A_548 : vector<16xf32>
      %mul3A_550 = arith.mulf %add3A_549, %exp3A_543 : vector<16xf32>
      %add3A_551 = arith.constant -0.0932520404 : f32
      %add3A_552 = vector.broadcast %add3A_551 : f32 to vector<16xf32>
      %add3A_553 = arith.addf %mul3A_550, %add3A_552 : vector<16xf32>
      %mul3A_554 = arith.mulf %add3A_553, %exp3A_543 : vector<16xf32>
      %add3A_555 = arith.constant 0.165822759 : f32
      %add3A_556 = vector.broadcast %add3A_555 : f32 to vector<16xf32>
      %add3A_557 = arith.addf %mul3A_554, %add3A_556 : vector<16xf32>
      %mul3A_558 = arith.mulf %add3A_557, %exp3A_543 : vector<16xf32>
      %add3A_559 = arith.constant -0.239826158 : f32
      %add3A_560 = vector.broadcast %add3A_559 : f32 to vector<16xf32>
      %add3A_561 = arith.addf %mul3A_558, %add3A_560 : vector<16xf32>
      %mul3A_562 = arith.mulf %add3A_561, %exp3A_543 : vector<16xf32>
      %add3A_563 = arith.constant 0.331548631 : f32
      %add3A_564 = vector.broadcast %add3A_563 : f32 to vector<16xf32>
      %add3A_565 = arith.addf %mul3A_562, %add3A_564 : vector<16xf32>
      %mul3A_566 = arith.mulf %add3A_565, %exp3A_543 : vector<16xf32>
      %add3A_567 = arith.constant -0.499838561 : f32
      %add3A_568 = vector.broadcast %add3A_567 : f32 to vector<16xf32>
      %add3A_569 = arith.addf %mul3A_566, %add3A_568 : vector<16xf32>
      %mul3A_570 = arith.mulf %add3A_569, %exp3A_543 : vector<16xf32>
      %add3A_571 = arith.constant 0.999994277 : f32
      %add3A_572 = vector.broadcast %add3A_571 : f32 to vector<16xf32>
      %add3A_573 = arith.addf %mul3A_570, %add3A_572 : vector<16xf32>
      %mul3A_574 = arith.mulf %add3A_573, %exp3A_543 : vector<16xf32>
      %add3A_575 = arith.constant 3.38696537E-8 : f32
      %add3A_576 = vector.broadcast %add3A_575 : f32 to vector<16xf32>
      %add3A_577 = arith.addf %mul3A_574, %add3A_576 : vector<16xf32>
      %add3A_578 = arith.addf %max3A_538, %add3A_577 : vector<16xf32>
      %sub3A_579 = arith.constant 1.000000e+00 : f32
      %sub3A_580 = vector.broadcast %sub3A_579 : f32 to vector<16xf32>
      %sub3A_581 = arith.subf %sub3A_580, %get3A_535 : vector<16xf32>
      %mul3A_582 = arith.mulf %add3A_578, %sub3A_581 : vector<16xf32>
      %add3A_583 = arith.addf %while3A_310, %mul3A_582 : vector<16xf32>
      %sub3A_584 = arith.subf %add3A_578, %get3A_530 : vector<16xf32>
      %mul3A_585 = arith.mulf %sub3A_584, %get3A_535 : vector<16xf32>
      %add3A_586 = arith.addf %while3A_311, %mul3A_585 : vector<16xf32>
      %add3A_587 = arith.addf %while3A_312, %get3A_535 : vector<16xf32>
      %get3A_588 = arith.constant 1 : i32
      %get3A_589 = arith.index_cast %get3A_588 : i32 to index
      %get3A_590 = arith.index_cast %while3A_314 : i32 to index
      %get3A_591 = arith.index_cast %add3A_525 : i32 to index
      %get3A_592 = tpu.vector_load %arg5[%get3A_589, %get3A_590, %get3A_591] {strides = array<i32>} : memref<5x52x64xf32, #tpu.memory_space<vmem>>, vector<16xf32>,
      %get3A_593 = arith.constant 2 : i32
      %get3A_594 = arith.index_cast %get3A_593 : i32 to index
      %get3A_595 = arith.index_cast %while3A_314 : i32 to index
      %get3A_596 = arith.index_cast %add3A_525 : i32 to index
      %get3A_597 = tpu.vector_load %arg5[%get3A_594, %get3A_595, %get3A_596] {strides = array<i32>} : memref<5x52x64xf32, #tpu.memory_space<vmem>>, vector<16xf32>,
      %get3A_598 = arith.constant 3 : i32
      %get3A_599 = arith.index_cast %get3A_598 : i32 to index
      %get3A_600 = arith.index_cast %while3A_314 : i32 to index
      %get3A_601 = arith.index_cast %add3A_525 : i32 to index
      %get3A_602 = tpu.vector_load %arg5[%get3A_599, %get3A_600, %get3A_601] {strides = array<i32>} : memref<5x52x64xf32, #tpu.memory_space<vmem>>, vector<16xf32>,
      %get3A_603 = arith.constant 4 : i32
      %get3A_604 = arith.index_cast %get3A_603 : i32 to index
      %get3A_605 = arith.index_cast %while3A_314 : i32 to index
      %get3A_606 = arith.index_cast %add3A_525 : i32 to index
      %get3A_607 = tpu.vector_load %arg5[%get3A_604, %get3A_605, %get3A_606] {strides = array<i32>} : memref<5x52x64xf32, #tpu.memory_space<vmem>>, vector<16xf32>,
      %get3A_608 = arith.constant 1 : i32
      %get3A_609 = arith.index_cast %get3A_608 : i32 to index
      %get3A_610 = arith.index_cast %while3A_314 : i32 to index
      %get3A_611 = arith.index_cast %add3A_525 : i32 to index
      %get3A_612 = tpu.vector_load %arg8[%get3A_609, %get3A_610, %get3A_611] {strides = array<i32>} : memref<5x52x64xf32, #tpu.memory_space<vmem>>, vector<16xf32>,
      %get3A_613 = arith.constant 2 : i32
      %get3A_614 = arith.index_cast %get3A_613 : i32 to index
      %get3A_615 = arith.index_cast %while3A_314 : i32 to index
      %get3A_616 = arith.index_cast %add3A_525 : i32 to index
      %get3A_617 = tpu.vector_load %arg8[%get3A_614, %get3A_615, %get3A_616] {strides = array<i32>} : memref<5x52x64xf32, #tpu.memory_space<vmem>>, vector<16xf32>,
      %get3A_618 = arith.constant 3 : i32
      %get3A_619 = arith.index_cast %get3A_618 : i32 to index
      %get3A_620 = arith.index_cast %while3A_314 : i32 to index
      %get3A_621 = arith.index_cast %add3A_525 : i32 to index
      %get3A_622 = tpu.vector_load %arg8[%get3A_619, %get3A_620, %get3A_621] {strides = array<i32>} : memref<5x52x64xf32, #tpu.memory_space<vmem>>, vector<16xf32>,
      %get3A_623 = arith.constant 4 : i32
      %get3A_624 = arith.index_cast %get3A_623 : i32 to index
      %get3A_625 = arith.index_cast %while3A_314 : i32 to index
      %get3A_626 = arith.index_cast %add3A_525 : i32 to index
      %get3A_627 = tpu.vector_load %arg8[%get3A_624, %get3A_625, %get3A_626] {strides = array<i32>} : memref<5x52x64xf32, #tpu.memory_space<vmem>>, vector<16xf32>,
      %neg3A_628 = arith.constant 0.000000e+00 : f32
      %neg3A_629 = vector.broadcast %neg3A_628 : f32 to vector<16xf32>
      %neg3A_630 = arith.subf %neg3A_629, %get3A_592 : vector<16xf32>
      %exp3A_631 = math.exp %neg3A_630 : vector<16xf32>
      %add3A_632 = arith.constant 1.000000e+00 : f32
      %add3A_633 = vector.broadcast %add3A_632 : f32 to vector<16xf32>
      %add3A_634 = arith.addf %add3A_633, %exp3A_631 : vector<16xf32>
      %div3A_635 = arith.constant 1.000000e+00 : f32
      %div3A_636 = vector.broadcast %div3A_635 : f32 to vector<16xf32>
      %div3A_637 = arith.divf %div3A_636, %add3A_634 : vector<16xf32>
      %neg3A_638 = arith.constant 0.000000e+00 : f32
      %neg3A_639 = vector.broadcast %neg3A_638 : f32 to vector<16xf32>
      %neg3A_640 = arith.subf %neg3A_639, %get3A_597 : vector<16xf32>
      %exp3A_641 = math.exp %neg3A_640 : vector<16xf32>
      %add3A_642 = arith.constant 1.000000e+00 : f32
      %add3A_643 = vector.broadcast %add3A_642 : f32 to vector<16xf32>
      %add3A_644 = arith.addf %add3A_643, %exp3A_641 : vector<16xf32>
      %div3A_645 = arith.constant 1.000000e+00 : f32
      %div3A_646 = vector.broadcast %div3A_645 : f32 to vector<16xf32>
      %div3A_647 = arith.divf %div3A_646, %add3A_644 : vector<16xf32>
      %neg3A_648 = arith.constant 0.000000e+00 : f32
      %neg3A_649 = vector.broadcast %neg3A_648 : f32 to vector<16xf32>
      %neg3A_650 = arith.subf %neg3A_649, %get3A_602 : vector<16xf32>
      %exp3A_651 = math.exp %neg3A_650 : vector<16xf32>
      %add3A_652 = arith.constant 1.000000e+00 : f32
      %add3A_653 = vector.broadcast %add3A_652 : f32 to vector<16xf32>
      %add3A_654 = arith.addf %add3A_653, %exp3A_651 : vector<16xf32>
      %div3A_655 = arith.constant 1.000000e+00 : f32
      %div3A_656 = vector.broadcast %div3A_655 : f32 to vector<16xf32>
      %div3A_657 = arith.divf %div3A_656, %add3A_654 : vector<16xf32>
      %neg3A_658 = arith.constant 0.000000e+00 : f32
      %neg3A_659 = vector.broadcast %neg3A_658 : f32 to vector<16xf32>
      %neg3A_660 = arith.subf %neg3A_659, %get3A_607 : vector<16xf32>
      %exp3A_661 = math.exp %neg3A_660 : vector<16xf32>
      %add3A_662 = arith.constant 1.000000e+00 : f32
      %add3A_663 = vector.broadcast %add3A_662 : f32 to vector<16xf32>
      %add3A_664 = arith.addf %add3A_663, %exp3A_661 : vector<16xf32>
      %div3A_665 = arith.constant 1.000000e+00 : f32
      %div3A_666 = vector.broadcast %div3A_665 : f32 to vector<16xf32>
      %div3A_667 = arith.divf %div3A_666, %add3A_664 : vector<16xf32>
      %mul3A_668 = arith.constant 2.600000e+01 : f32
      %mul3A_669 = vector.broadcast %mul3A_668 : f32 to vector<16xf32>
      %mul3A_670 = arith.mulf %div3A_657, %mul3A_669 : vector<16xf32>
      %mul3A_671 = arith.constant 2.600000e+01 : f32
      %mul3A_672 = vector.broadcast %mul3A_671 : f32 to vector<16xf32>
      %mul3A_673 = arith.mulf %div3A_667, %mul3A_672 : vector<16xf32>
      %sub3A_674 = arith.subf %div3A_637, %mul3A_670 : vector<16xf32>
      %sub3A_675 = arith.subf %div3A_647, %mul3A_673 : vector<16xf32>
      %add3A_676 = arith.addf %div3A_637, %mul3A_670 : vector<16xf32>
      %add3A_677 = arith.addf %div3A_647, %mul3A_673 : vector<16xf32>
      %mul3A_678 = arith.constant 2.600000e+01 : f32
      %mul3A_679 = vector.broadcast %mul3A_678 : f32 to vector<16xf32>
      %mul3A_680 = arith.mulf %get3A_622, %mul3A_679 : vector<16xf32>
      %mul3A_681 = arith.constant 2.600000e+01 : f32
      %mul3A_682 = vector.broadcast %mul3A_681 : f32 to vector<16xf32>
      %mul3A_683 = arith.mulf %get3A_627, %mul3A_682 : vector<16xf32>
      %sub3A_684 = arith.subf %get3A_612, %mul3A_680 : vector<16xf32>
      %sub3A_685 = arith.subf %get3A_617, %mul3A_683 : vector<16xf32>
      %add3A_686 = arith.addf %get3A_612, %mul3A_680 : vector<16xf32>
      %add3A_687 = arith.addf %get3A_617, %mul3A_683 : vector<16xf32>
      %min3A_688 = arith.minimumf %add3A_676, %add3A_686 : vector<16xf32>
      %max3A_689 = arith.maximumf %sub3A_674, %sub3A_684 : vector<16xf32>
      %sub3A_690 = arith.subf %min3A_688, %max3A_689 : vector<16xf32>
      %max3A_691 = arith.constant 0.000000e+00 : f32
      %max3A_692 = vector.broadcast %max3A_691 : f32 to vector<16xf32>
      %max3A_693 = arith.maximumf %sub3A_690, %max3A_692 : vector<16xf32>
      %min3A_694 = arith.minimumf %add3A_677, %add3A_687 : vector<16xf32>
      %max3A_695 = arith.maximumf %sub3A_675, %sub3A_685 : vector<16xf32>
      %sub3A_696 = arith.subf %min3A_694, %max3A_695 : vector<16xf32>
      %max3A_697 = arith.constant 0.000000e+00 : f32
      %max3A_698 = vector.broadcast %max3A_697 : f32 to vector<16xf32>
      %max3A_699 = arith.maximumf %sub3A_696, %max3A_698 : vector<16xf32>
      %mul3A_700 = arith.mulf %max3A_693, %max3A_699 : vector<16xf32>
      %sub3A_701 = arith.subf %add3A_676, %sub3A_674 : vector<16xf32>
      %sub3A_702 = arith.subf %add3A_677, %sub3A_675 : vector<16xf32>
      %mul3A_703 = arith.mulf %sub3A_701, %sub3A_702 : vector<16xf32>
      %sub3A_704 = arith.subf %add3A_686, %sub3A_684 : vector<16xf32>
      %sub3A_705 = arith.subf %add3A_687, %sub3A_685 : vector<16xf32>
      %mul3A_706 = arith.mulf %sub3A_704, %sub3A_705 : vector<16xf32>
      %add3A_707 = arith.addf %mul3A_703, %mul3A_706 : vector<16xf32>
      %sub3A_708 = arith.subf %add3A_707, %mul3A_700 : vector<16xf32>
      %add3A_709 = arith.constant 9.99999971E-10 : f32
      %add3A_710 = vector.broadcast %add3A_709 : f32 to vector<16xf32>
      %add3A_711 = arith.addf %sub3A_708, %add3A_710 : vector<16xf32>
      %div3A_712 = arith.divf %mul3A_700, %add3A_711 : vector<16xf32>
      %max3A_713 = arith.maximumf %add3A_676, %add3A_686 : vector<16xf32>
      %min3A_714 = arith.minimumf %sub3A_674, %sub3A_684 : vector<16xf32>
      %sub3A_715 = arith.subf %max3A_713, %min3A_714 : vector<16xf32>
      %max3A_716 = arith.constant 0.000000e+00 : f32
      %max3A_717 = vector.broadcast %max3A_716 : f32 to vector<16xf32>
      %max3A_718 = arith.maximumf %sub3A_715, %max3A_717 : vector<16xf32>
      %max3A_719 = arith.maximumf %add3A_677, %add3A_687 : vector<16xf32>
      %min3A_720 = arith.minimumf %sub3A_675, %sub3A_685 : vector<16xf32>
      %sub3A_721 = arith.subf %max3A_719, %min3A_720 : vector<16xf32>
      %max3A_722 = arith.constant 0.000000e+00 : f32
      %max3A_723 = vector.broadcast %max3A_722 : f32 to vector<16xf32>
      %max3A_724 = arith.maximumf %sub3A_721, %max3A_723 : vector<16xf32>
      %mul3A_725 = arith.mulf %max3A_718, %max3A_724 : vector<16xf32>
      %sub3A_726 = arith.subf %mul3A_725, %sub3A_708 : vector<16xf32>
      %add3A_727 = arith.constant 9.99999971E-10 : f32
      %add3A_728 = vector.broadcast %add3A_727 : f32 to vector<16xf32>
      %add3A_729 = arith.addf %mul3A_725, %add3A_728 : vector<16xf32>
      %div3A_730 = arith.divf %sub3A_726, %add3A_729 : vector<16xf32>
      %sub3A_731 = arith.subf %div3A_712, %div3A_730 : vector<16xf32>
      %sub3A_732 = arith.constant 1.000000e+00 : f32
      %sub3A_733 = vector.broadcast %sub3A_732 : f32 to vector<16xf32>
      %sub3A_734 = arith.subf %sub3A_733, %sub3A_731 : vector<16xf32>
      %mul3A_735 = arith.mulf %sub3A_734, %get3A_535 : vector<16xf32>
      %add3A_736 = arith.addf %while3A_313, %mul3A_735 : vector<16xf32>
      %sub3A_737 = arith.constant 1 : i32
      %sub3A_738 = arith.subi %sub3A_737, %while3A_315 : i32
      %eq3A_739 = arith.constant 0 : i32
      %eq3A_740 = arith.cmpi eq, %sub3A_738, %eq3A_739 : i32
      %jit3A_741 = arith.constant 1 : i32
      %jit3A_742 = arith.constant 0 : i32
      %select_n3A_743 = arith.select %eq3A_740, %jit3A_741, %jit3A_742 : i32
      %add3A_744 = arith.addi %while3A_314, %select_n3A_743 : i32
      %ge3A = arith.constant 52 : i32
      %ge3A_745 = arith.cmpi sge, %add3A_744, %ge3A : i32
      %jit3A_746 = arith.constant 0 : i32
      %select_n3A_747 = arith.select %ge3A_745, %jit3A_746, %add3A_744 : i32
      scf.yield %add3A_370, %add3A_373, %add3A_374, %add3A_523, %add3A_583, %add3A_586, %add3A_587, %add3A_736, %select_n3A_747, %sub3A_738 : vector<16xf32>, vector<16xf32>, vector<16xf32>, vector<16xf32>, vector<16xf32>, vector<16xf32>, vector<16xf32>, vector<16xf32>, i32, i32
    }
    %dma_wait3A_228 = arith.constant 0 : i32
    %dma_wait3A_229 = arith.constant 0 : i32
    %dma_wait3A_230 = arith.constant 0 : i32
    %dma_wait3A_231 = tpu.memref_slice %arg2[%min3A_21, %dma_wait3A_228, %dma_wait3A_229, %dma_wait3A_230] : memref<52x5x52x64xf32, #tpu.memory_space<hbm>> -> memref<1x5x52x64xf32, #tpu.memory_space<hbm>>
    %dma_wait3A_232 = tpu.memref_squeeze %dma_wait3A_231 : memref<1x5x52x64xf32, #tpu.memory_space<hbm>> -> memref<5x52x64xf32, #tpu.memory_space<hbm>>
    %dma_wait3A_233 = arith.constant 0 : i32
    %dma_wait3A_234 = arith.constant 0 : i32
    %dma_wait3A_235 = arith.constant 0 : i32
    %dma_wait3A_236 = tpu.memref_slice %arg2[%min3A_21, %dma_wait3A_233, %dma_wait3A_234, %dma_wait3A_235] : memref<52x5x52x64xf32, #tpu.memory_space<hbm>> -> memref<1x5x52x64xf32, #tpu.memory_space<hbm>>
    %dma_wait3A_237 = tpu.memref_squeeze %dma_wait3A_236 : memref<1x5x52x64xf32, #tpu.memory_space<hbm>> -> memref<5x52x64xf32, #tpu.memory_space<hbm>>
    tpu.wait_dma2 semaphore(%arg13 : memref<!tpu.dma_semaphore, #tpu.memory_space<semaphore_mem>>) src(%dma_wait3A_237 : memref<5x52x64xf32, #tpu.memory_space<hbm>>) dst(%arg6 : memref<5x52x64xf32, #tpu.memory_space<vmem>>)
    %dma_wait3A_238 = arith.constant 0 : i32
    %dma_wait3A_239 = arith.constant 0 : i32
    %dma_wait3A_240 = arith.constant 0 : i32
    %dma_wait3A_241 = tpu.memref_slice %arg3[%min3A_21, %dma_wait3A_238, %dma_wait3A_239, %dma_wait3A_240] : memref<52x5x52x64xf32, #tpu.memory_space<hbm>> -> memref<1x5x52x64xf32, #tpu.memory_space<hbm>>
    %dma_wait3A_242 = tpu.memref_squeeze %dma_wait3A_241 : memref<1x5x52x64xf32, #tpu.memory_space<hbm>> -> memref<5x52x64xf32, #tpu.memory_space<hbm>>
    %dma_wait3A_243 = arith.constant 0 : i32
    %dma_wait3A_244 = arith.constant 0 : i32
    %dma_wait3A_245 = arith.constant 0 : i32
    %dma_wait3A_246 = tpu.memref_slice %arg3[%min3A_21, %dma_wait3A_243, %dma_wait3A_244, %dma_wait3A_245] : memref<52x5x52x64xf32, #tpu.memory_space<hbm>> -> memref<1x5x52x64xf32, #tpu.memory_space<hbm>>
    %dma_wait3A_247 = tpu.memref_squeeze %dma_wait3A_246 : memref<1x5x52x64xf32, #tpu.memory_space<hbm>> -> memref<5x52x64xf32, #tpu.memory_space<hbm>>
    tpu.wait_dma2 semaphore(%arg13 : memref<!tpu.dma_semaphore, #tpu.memory_space<semaphore_mem>>) src(%dma_wait3A_247 : memref<5x52x64xf32, #tpu.memory_space<hbm>>) dst(%arg9 : memref<5x52x64xf32, #tpu.memory_space<vmem>>)
    %while3A_248 = arith.constant 0 : i32
    %while3A_249 = arith.constant 0 : i32
    %while3A_250 = arith.constant 0 : i32
    %while3A_251 = arith.subi %min3A_195, %while3A_248 : i32
    %while3A_252 = arith.addi %while3A_248, %while3A_251 : i32
    %while3A_253 = arith.constant 1 : i32
    %while3A_254 = arith.divsi %while3A_251, %while3A_253 : i32
    %while3A_255 = arith.muli %while3A_254, %while3A_253 : i32
    %while3A_256 = arith.addi %while3A_248, %while3A_255 : i32
    %while3A_257 = arith.constant 1 : i32
    %while3A_258:10 = scf.for %while3A_305 = %while3A_248 to %while3A_256 step %while3A_257 iter_args(%while3A_306 = %while3A_227#0, %while3A_307 = %while3A_227#1, %while3A_308 = %while3A_227#2, %while3A_309 = %while3A_227#3, %while3A_310 = %while3A_227#4, %while3A_311 = %while3A_227#5, %while3A_312 = %while3A_227#6, %while3A_313 = %while3A_227#7, %while3A_314 = %while3A_249, %while3A_315 = %while3A_250) -> (vector<16xf32>, vector<16xf32>, vector<16xf32>, vector<16xf32>, vector<16xf32>, vector<16xf32>, vector<16xf32>, vector<16xf32>, i32, i32)  : i32 {
      %mul3A_316 = arith.constant 32 : i32
      %mul3A_317 = arith.muli %while3A_315, %mul3A_316 : i32
      %get3A = arith.constant 0 : i32
      %get3A_318 = arith.index_cast %get3A : i32 to index
      %get3A_319 = arith.index_cast %while3A_314 : i32 to index
      %get3A_320 = arith.index_cast %mul3A_317 : i32 to index
      %get3A_321 = tpu.vector_load %arg6[%get3A_318, %get3A_319, %get3A_320] {strides = array<i32>} : memref<5x52x64xf32, #tpu.memory_space<vmem>>, vector<16xf32>,
      %get3A_322 = arith.constant 0 : i32
      %get3A_323 = arith.index_cast %get3A_322 : i32 to index
      %get3A_324 = arith.index_cast %while3A_314 : i32 to index
      %get3A_325 = arith.index_cast %mul3A_317 : i32 to index
      %get3A_326 = tpu.vector_load %arg9[%get3A_323, %get3A_324, %get3A_325] {strides = array<i32>} : memref<5x52x64xf32, #tpu.memory_space<vmem>>, vector<16xf32>,
      %max3A = arith.constant 0.000000e+00 : f32
      %max3A_327 = vector.broadcast %max3A : f32 to vector<16xf32>
      %max3A_328 = arith.maximumf %get3A_321, %max3A_327 : vector<16xf32>
      %abs3A = math.absf %get3A_321 : vector<16xf32>
      %neg3A = arith.constant 0.000000e+00 : f32
      %neg3A_329 = vector.broadcast %neg3A : f32 to vector<16xf32>
      %neg3A_330 = arith.subf %neg3A_329, %abs3A : vector<16xf32>
      %exp3A = math.exp %neg3A_330 : vector<16xf32>
      %mul3A_331 = arith.constant -0.00615147082 : f32
      %mul3A_332 = vector.broadcast %mul3A_331 : f32 to vector<16xf32>
      %mul3A_333 = arith.mulf %mul3A_332, %exp3A : vector<16xf32>
      %add3A_334 = arith.constant 0.0348497108 : f32
      %add3A_335 = vector.broadcast %add3A_334 : f32 to vector<16xf32>
      %add3A_336 = arith.addf %mul3A_333, %add3A_335 : vector<16xf32>
      %mul3A_337 = arith.mulf %add3A_336, %exp3A : vector<16xf32>
      %add3A_338 = arith.constant -0.0932520404 : f32
      %add3A_339 = vector.broadcast %add3A_338 : f32 to vector<16xf32>
      %add3A_340 = arith.addf %mul3A_337, %add3A_339 : vector<16xf32>
      %mul3A_341 = arith.mulf %add3A_340, %exp3A : vector<16xf32>
      %add3A_342 = arith.constant 0.165822759 : f32
      %add3A_343 = vector.broadcast %add3A_342 : f32 to vector<16xf32>
      %add3A_344 = arith.addf %mul3A_341, %add3A_343 : vector<16xf32>
      %mul3A_345 = arith.mulf %add3A_344, %exp3A : vector<16xf32>
      %add3A_346 = arith.constant -0.239826158 : f32
      %add3A_347 = vector.broadcast %add3A_346 : f32 to vector<16xf32>
      %add3A_348 = arith.addf %mul3A_345, %add3A_347 : vector<16xf32>
      %mul3A_349 = arith.mulf %add3A_348, %exp3A : vector<16xf32>
      %add3A_350 = arith.constant 0.331548631 : f32
      %add3A_351 = vector.broadcast %add3A_350 : f32 to vector<16xf32>
      %add3A_352 = arith.addf %mul3A_349, %add3A_351 : vector<16xf32>
      %mul3A_353 = arith.mulf %add3A_352, %exp3A : vector<16xf32>
      %add3A_354 = arith.constant -0.499838561 : f32
      %add3A_355 = vector.broadcast %add3A_354 : f32 to vector<16xf32>
      %add3A_356 = arith.addf %mul3A_353, %add3A_355 : vector<16xf32>
      %mul3A_357 = arith.mulf %add3A_356, %exp3A : vector<16xf32>
      %add3A_358 = arith.constant 0.999994277 : f32
      %add3A_359 = vector.broadcast %add3A_358 : f32 to vector<16xf32>
      %add3A_360 = arith.addf %mul3A_357, %add3A_359 : vector<16xf32>
      %mul3A_361 = arith.mulf %add3A_360, %exp3A : vector<16xf32>
      %add3A_362 = arith.constant 3.38696537E-8 : f32
      %add3A_363 = vector.broadcast %add3A_362 : f32 to vector<16xf32>
      %add3A_364 = arith.addf %mul3A_361, %add3A_363 : vector<16xf32>
      %add3A_365 = arith.addf %max3A_328, %add3A_364 : vector<16xf32>
      %sub3A_366 = arith.constant 1.000000e+00 : f32
      %sub3A_367 = vector.broadcast %sub3A_366 : f32 to vector<16xf32>
      %sub3A_368 = arith.subf %sub3A_367, %get3A_326 : vector<16xf32>
      %mul3A_369 = arith.mulf %add3A_365, %sub3A_368 : vector<16xf32>
      %add3A_370 = arith.addf %while3A_306, %mul3A_369 : vector<16xf32>
      %sub3A_371 = arith.subf %add3A_365, %get3A_321 : vector<16xf32>
      %mul3A_372 = arith.mulf %sub3A_371, %get3A_326 : vector<16xf32>
      %add3A_373 = arith.addf %while3A_307, %mul3A_372 : vector<16xf32>
      %add3A_374 = arith.addf %while3A_308, %get3A_326 : vector<16xf32>
      %get3A_375 = arith.constant 1 : i32
      %get3A_376 = arith.index_cast %get3A_375 : i32 to index
      %get3A_377 = arith.index_cast %while3A_314 : i32 to index
      %get3A_378 = arith.index_cast %mul3A_317 : i32 to index
      %get3A_379 = tpu.vector_load %arg6[%get3A_376, %get3A_377, %get3A_378] {strides = array<i32>} : memref<5x52x64xf32, #tpu.memory_space<vmem>>, vector<16xf32>,
      %get3A_380 = arith.constant 2 : i32
      %get3A_381 = arith.index_cast %get3A_380 : i32 to index
      %get3A_382 = arith.index_cast %while3A_314 : i32 to index
      %get3A_383 = arith.index_cast %mul3A_317 : i32 to index
      %get3A_384 = tpu.vector_load %arg6[%get3A_381, %get3A_382, %get3A_383] {strides = array<i32>} : memref<5x52x64xf32, #tpu.memory_space<vmem>>, vector<16xf32>,
      %get3A_385 = arith.constant 3 : i32
      %get3A_386 = arith.index_cast %get3A_385 : i32 to index
      %get3A_387 = arith.index_cast %while3A_314 : i32 to index
      %get3A_388 = arith.index_cast %mul3A_317 : i32 to index
      %get3A_389 = tpu.vector_load %arg6[%get3A_386, %get3A_387, %get3A_388] {strides = array<i32>} : memref<5x52x64xf32, #tpu.memory_space<vmem>>, vector<16xf32>,
      %get3A_390 = arith.constant 4 : i32
      %get3A_391 = arith.index_cast %get3A_390 : i32 to index
      %get3A_392 = arith.index_cast %while3A_314 : i32 to index
      %get3A_393 = arith.index_cast %mul3A_317 : i32 to index
      %get3A_394 = tpu.vector_load %arg6[%get3A_391, %get3A_392, %get3A_393] {strides = array<i32>} : memref<5x52x64xf32, #tpu.memory_space<vmem>>, vector<16xf32>,
      %get3A_395 = arith.constant 1 : i32
      %get3A_396 = arith.index_cast %get3A_395 : i32 to index
      %get3A_397 = arith.index_cast %while3A_314 : i32 to index
      %get3A_398 = arith.index_cast %mul3A_317 : i32 to index
      %get3A_399 = tpu.vector_load %arg9[%get3A_396, %get3A_397, %get3A_398] {strides = array<i32>} : memref<5x52x64xf32, #tpu.memory_space<vmem>>, vector<16xf32>,
      %get3A_400 = arith.constant 2 : i32
      %get3A_401 = arith.index_cast %get3A_400 : i32 to index
      %get3A_402 = arith.index_cast %while3A_314 : i32 to index
      %get3A_403 = arith.index_cast %mul3A_317 : i32 to index
      %get3A_404 = tpu.vector_load %arg9[%get3A_401, %get3A_402, %get3A_403] {strides = array<i32>} : memref<5x52x64xf32, #tpu.memory_space<vmem>>, vector<16xf32>,
      %get3A_405 = arith.constant 3 : i32
      %get3A_406 = arith.index_cast %get3A_405 : i32 to index
      %get3A_407 = arith.index_cast %while3A_314 : i32 to index
      %get3A_408 = arith.index_cast %mul3A_317 : i32 to index
      %get3A_409 = tpu.vector_load %arg9[%get3A_406, %get3A_407, %get3A_408] {strides = array<i32>} : memref<5x52x64xf32, #tpu.memory_space<vmem>>, vector<16xf32>,
      %get3A_410 = arith.constant 4 : i32
      %get3A_411 = arith.index_cast %get3A_410 : i32 to index
      %get3A_412 = arith.index_cast %while3A_314 : i32 to index
      %get3A_413 = arith.index_cast %mul3A_317 : i32 to index
      %get3A_414 = tpu.vector_load %arg9[%get3A_411, %get3A_412, %get3A_413] {strides = array<i32>} : memref<5x52x64xf32, #tpu.memory_space<vmem>>, vector<16xf32>,
      %neg3A_415 = arith.constant 0.000000e+00 : f32
      %neg3A_416 = vector.broadcast %neg3A_415 : f32 to vector<16xf32>
      %neg3A_417 = arith.subf %neg3A_416, %get3A_379 : vector<16xf32>
      %exp3A_418 = math.exp %neg3A_417 : vector<16xf32>
      %add3A_419 = arith.constant 1.000000e+00 : f32
      %add3A_420 = vector.broadcast %add3A_419 : f32 to vector<16xf32>
      %add3A_421 = arith.addf %add3A_420, %exp3A_418 : vector<16xf32>
      %div3A_422 = arith.constant 1.000000e+00 : f32
      %div3A_423 = vector.broadcast %div3A_422 : f32 to vector<16xf32>
      %div3A_424 = arith.divf %div3A_423, %add3A_421 : vector<16xf32>
      %neg3A_425 = arith.constant 0.000000e+00 : f32
      %neg3A_426 = vector.broadcast %neg3A_425 : f32 to vector<16xf32>
      %neg3A_427 = arith.subf %neg3A_426, %get3A_384 : vector<16xf32>
      %exp3A_428 = math.exp %neg3A_427 : vector<16xf32>
      %add3A_429 = arith.constant 1.000000e+00 : f32
      %add3A_430 = vector.broadcast %add3A_429 : f32 to vector<16xf32>
      %add3A_431 = arith.addf %add3A_430, %exp3A_428 : vector<16xf32>
      %div3A_432 = arith.constant 1.000000e+00 : f32
      %div3A_433 = vector.broadcast %div3A_432 : f32 to vector<16xf32>
      %div3A_434 = arith.divf %div3A_433, %add3A_431 : vector<16xf32>
      %neg3A_435 = arith.constant 0.000000e+00 : f32
      %neg3A_436 = vector.broadcast %neg3A_435 : f32 to vector<16xf32>
      %neg3A_437 = arith.subf %neg3A_436, %get3A_389 : vector<16xf32>
      %exp3A_438 = math.exp %neg3A_437 : vector<16xf32>
      %add3A_439 = arith.constant 1.000000e+00 : f32
      %add3A_440 = vector.broadcast %add3A_439 : f32 to vector<16xf32>
      %add3A_441 = arith.addf %add3A_440, %exp3A_438 : vector<16xf32>
      %div3A_442 = arith.constant 1.000000e+00 : f32
      %div3A_443 = vector.broadcast %div3A_442 : f32 to vector<16xf32>
      %div3A_444 = arith.divf %div3A_443, %add3A_441 : vector<16xf32>
      %neg3A_445 = arith.constant 0.000000e+00 : f32
      %neg3A_446 = vector.broadcast %neg3A_445 : f32 to vector<16xf32>
      %neg3A_447 = arith.subf %neg3A_446, %get3A_394 : vector<16xf32>
      %exp3A_448 = math.exp %neg3A_447 : vector<16xf32>
      %add3A_449 = arith.constant 1.000000e+00 : f32
      %add3A_450 = vector.broadcast %add3A_449 : f32 to vector<16xf32>
      %add3A_451 = arith.addf %add3A_450, %exp3A_448 : vector<16xf32>
      %div3A_452 = arith.constant 1.000000e+00 : f32
      %div3A_453 = vector.broadcast %div3A_452 : f32 to vector<16xf32>
      %div3A_454 = arith.divf %div3A_453, %add3A_451 : vector<16xf32>
      %mul3A_455 = arith.constant 2.600000e+01 : f32
      %mul3A_456 = vector.broadcast %mul3A_455 : f32 to vector<16xf32>
      %mul3A_457 = arith.mulf %div3A_444, %mul3A_456 : vector<16xf32>
      %mul3A_458 = arith.constant 2.600000e+01 : f32
      %mul3A_459 = vector.broadcast %mul3A_458 : f32 to vector<16xf32>
      %mul3A_460 = arith.mulf %div3A_454, %mul3A_459 : vector<16xf32>
      %sub3A_461 = arith.subf %div3A_424, %mul3A_457 : vector<16xf32>
      %sub3A_462 = arith.subf %div3A_434, %mul3A_460 : vector<16xf32>
      %add3A_463 = arith.addf %div3A_424, %mul3A_457 : vector<16xf32>
      %add3A_464 = arith.addf %div3A_434, %mul3A_460 : vector<16xf32>
      %mul3A_465 = arith.constant 2.600000e+01 : f32
      %mul3A_466 = vector.broadcast %mul3A_465 : f32 to vector<16xf32>
      %mul3A_467 = arith.mulf %get3A_409, %mul3A_466 : vector<16xf32>
      %mul3A_468 = arith.constant 2.600000e+01 : f32
      %mul3A_469 = vector.broadcast %mul3A_468 : f32 to vector<16xf32>
      %mul3A_470 = arith.mulf %get3A_414, %mul3A_469 : vector<16xf32>
      %sub3A_471 = arith.subf %get3A_399, %mul3A_467 : vector<16xf32>
      %sub3A_472 = arith.subf %get3A_404, %mul3A_470 : vector<16xf32>
      %add3A_473 = arith.addf %get3A_399, %mul3A_467 : vector<16xf32>
      %add3A_474 = arith.addf %get3A_404, %mul3A_470 : vector<16xf32>
      %min3A_475 = arith.minimumf %add3A_463, %add3A_473 : vector<16xf32>
      %max3A_476 = arith.maximumf %sub3A_461, %sub3A_471 : vector<16xf32>
      %sub3A_477 = arith.subf %min3A_475, %max3A_476 : vector<16xf32>
      %max3A_478 = arith.constant 0.000000e+00 : f32
      %max3A_479 = vector.broadcast %max3A_478 : f32 to vector<16xf32>
      %max3A_480 = arith.maximumf %sub3A_477, %max3A_479 : vector<16xf32>
      %min3A_481 = arith.minimumf %add3A_464, %add3A_474 : vector<16xf32>
      %max3A_482 = arith.maximumf %sub3A_462, %sub3A_472 : vector<16xf32>
      %sub3A_483 = arith.subf %min3A_481, %max3A_482 : vector<16xf32>
      %max3A_484 = arith.constant 0.000000e+00 : f32
      %max3A_485 = vector.broadcast %max3A_484 : f32 to vector<16xf32>
      %max3A_486 = arith.maximumf %sub3A_483, %max3A_485 : vector<16xf32>
      %mul3A_487 = arith.mulf %max3A_480, %max3A_486 : vector<16xf32>
      %sub3A_488 = arith.subf %add3A_463, %sub3A_461 : vector<16xf32>
      %sub3A_489 = arith.subf %add3A_464, %sub3A_462 : vector<16xf32>
      %mul3A_490 = arith.mulf %sub3A_488, %sub3A_489 : vector<16xf32>
      %sub3A_491 = arith.subf %add3A_473, %sub3A_471 : vector<16xf32>
      %sub3A_492 = arith.subf %add3A_474, %sub3A_472 : vector<16xf32>
      %mul3A_493 = arith.mulf %sub3A_491, %sub3A_492 : vector<16xf32>
      %add3A_494 = arith.addf %mul3A_490, %mul3A_493 : vector<16xf32>
      %sub3A_495 = arith.subf %add3A_494, %mul3A_487 : vector<16xf32>
      %add3A_496 = arith.constant 9.99999971E-10 : f32
      %add3A_497 = vector.broadcast %add3A_496 : f32 to vector<16xf32>
      %add3A_498 = arith.addf %sub3A_495, %add3A_497 : vector<16xf32>
      %div3A_499 = arith.divf %mul3A_487, %add3A_498 : vector<16xf32>
      %max3A_500 = arith.maximumf %add3A_463, %add3A_473 : vector<16xf32>
      %min3A_501 = arith.minimumf %sub3A_461, %sub3A_471 : vector<16xf32>
      %sub3A_502 = arith.subf %max3A_500, %min3A_501 : vector<16xf32>
      %max3A_503 = arith.constant 0.000000e+00 : f32
      %max3A_504 = vector.broadcast %max3A_503 : f32 to vector<16xf32>
      %max3A_505 = arith.maximumf %sub3A_502, %max3A_504 : vector<16xf32>
      %max3A_506 = arith.maximumf %add3A_464, %add3A_474 : vector<16xf32>
      %min3A_507 = arith.minimumf %sub3A_462, %sub3A_472 : vector<16xf32>
      %sub3A_508 = arith.subf %max3A_506, %min3A_507 : vector<16xf32>
      %max3A_509 = arith.constant 0.000000e+00 : f32
      %max3A_510 = vector.broadcast %max3A_509 : f32 to vector<16xf32>
      %max3A_511 = arith.maximumf %sub3A_508, %max3A_510 : vector<16xf32>
      %mul3A_512 = arith.mulf %max3A_505, %max3A_511 : vector<16xf32>
      %sub3A_513 = arith.subf %mul3A_512, %sub3A_495 : vector<16xf32>
      %add3A_514 = arith.constant 9.99999971E-10 : f32
      %add3A_515 = vector.broadcast %add3A_514 : f32 to vector<16xf32>
      %add3A_516 = arith.addf %mul3A_512, %add3A_515 : vector<16xf32>
      %div3A_517 = arith.divf %sub3A_513, %add3A_516 : vector<16xf32>
      %sub3A_518 = arith.subf %div3A_499, %div3A_517 : vector<16xf32>
      %sub3A_519 = arith.constant 1.000000e+00 : f32
      %sub3A_520 = vector.broadcast %sub3A_519 : f32 to vector<16xf32>
      %sub3A_521 = arith.subf %sub3A_520, %sub3A_518 : vector<16xf32>
      %mul3A_522 = arith.mulf %sub3A_521, %get3A_326 : vector<16xf32>
      %add3A_523 = arith.addf %while3A_309, %mul3A_522 : vector<16xf32>
      %add3A_524 = arith.constant 16 : i32
      %add3A_525 = arith.addi %mul3A_317, %add3A_524 : i32
      %get3A_526 = arith.constant 0 : i32
      %get3A_527 = arith.index_cast %get3A_526 : i32 to index
      %get3A_528 = arith.index_cast %while3A_314 : i32 to index
      %get3A_529 = arith.index_cast %add3A_525 : i32 to index
      %get3A_530 = tpu.vector_load %arg6[%get3A_527, %get3A_528, %get3A_529] {strides = array<i32>} : memref<5x52x64xf32, #tpu.memory_space<vmem>>, vector<16xf32>,
      %get3A_531 = arith.constant 0 : i32
      %get3A_532 = arith.index_cast %get3A_531 : i32 to index
      %get3A_533 = arith.index_cast %while3A_314 : i32 to index
      %get3A_534 = arith.index_cast %add3A_525 : i32 to index
      %get3A_535 = tpu.vector_load %arg9[%get3A_532, %get3A_533, %get3A_534] {strides = array<i32>} : memref<5x52x64xf32, #tpu.memory_space<vmem>>, vector<16xf32>,
      %max3A_536 = arith.constant 0.000000e+00 : f32
      %max3A_537 = vector.broadcast %max3A_536 : f32 to vector<16xf32>
      %max3A_538 = arith.maximumf %get3A_530, %max3A_537 : vector<16xf32>
      %abs3A_539 = math.absf %get3A_530 : vector<16xf32>
      %neg3A_540 = arith.constant 0.000000e+00 : f32
      %neg3A_541 = vector.broadcast %neg3A_540 : f32 to vector<16xf32>
      %neg3A_542 = arith.subf %neg3A_541, %abs3A_539 : vector<16xf32>
      %exp3A_543 = math.exp %neg3A_542 : vector<16xf32>
      %mul3A_544 = arith.constant -0.00615147082 : f32
      %mul3A_545 = vector.broadcast %mul3A_544 : f32 to vector<16xf32>
      %mul3A_546 = arith.mulf %mul3A_545, %exp3A_543 : vector<16xf32>
      %add3A_547 = arith.constant 0.0348497108 : f32
      %add3A_548 = vector.broadcast %add3A_547 : f32 to vector<16xf32>
      %add3A_549 = arith.addf %mul3A_546, %add3A_548 : vector<16xf32>
      %mul3A_550 = arith.mulf %add3A_549, %exp3A_543 : vector<16xf32>
      %add3A_551 = arith.constant -0.0932520404 : f32
      %add3A_552 = vector.broadcast %add3A_551 : f32 to vector<16xf32>
      %add3A_553 = arith.addf %mul3A_550, %add3A_552 : vector<16xf32>
      %mul3A_554 = arith.mulf %add3A_553, %exp3A_543 : vector<16xf32>
      %add3A_555 = arith.constant 0.165822759 : f32
      %add3A_556 = vector.broadcast %add3A_555 : f32 to vector<16xf32>
      %add3A_557 = arith.addf %mul3A_554, %add3A_556 : vector<16xf32>
      %mul3A_558 = arith.mulf %add3A_557, %exp3A_543 : vector<16xf32>
      %add3A_559 = arith.constant -0.239826158 : f32
      %add3A_560 = vector.broadcast %add3A_559 : f32 to vector<16xf32>
      %add3A_561 = arith.addf %mul3A_558, %add3A_560 : vector<16xf32>
      %mul3A_562 = arith.mulf %add3A_561, %exp3A_543 : vector<16xf32>
      %add3A_563 = arith.constant 0.331548631 : f32
      %add3A_564 = vector.broadcast %add3A_563 : f32 to vector<16xf32>
      %add3A_565 = arith.addf %mul3A_562, %add3A_564 : vector<16xf32>
      %mul3A_566 = arith.mulf %add3A_565, %exp3A_543 : vector<16xf32>
      %add3A_567 = arith.constant -0.499838561 : f32
      %add3A_568 = vector.broadcast %add3A_567 : f32 to vector<16xf32>
      %add3A_569 = arith.addf %mul3A_566, %add3A_568 : vector<16xf32>
      %mul3A_570 = arith.mulf %add3A_569, %exp3A_543 : vector<16xf32>
      %add3A_571 = arith.constant 0.999994277 : f32
      %add3A_572 = vector.broadcast %add3A_571 : f32 to vector<16xf32>
      %add3A_573 = arith.addf %mul3A_570, %add3A_572 : vector<16xf32>
      %mul3A_574 = arith.mulf %add3A_573, %exp3A_543 : vector<16xf32>
      %add3A_575 = arith.constant 3.38696537E-8 : f32
      %add3A_576 = vector.broadcast %add3A_575 : f32 to vector<16xf32>
      %add3A_577 = arith.addf %mul3A_574, %add3A_576 : vector<16xf32>
      %add3A_578 = arith.addf %max3A_538, %add3A_577 : vector<16xf32>
      %sub3A_579 = arith.constant 1.000000e+00 : f32
      %sub3A_580 = vector.broadcast %sub3A_579 : f32 to vector<16xf32>
      %sub3A_581 = arith.subf %sub3A_580, %get3A_535 : vector<16xf32>
      %mul3A_582 = arith.mulf %add3A_578, %sub3A_581 : vector<16xf32>
      %add3A_583 = arith.addf %while3A_310, %mul3A_582 : vector<16xf32>
      %sub3A_584 = arith.subf %add3A_578, %get3A_530 : vector<16xf32>
      %mul3A_585 = arith.mulf %sub3A_584, %get3A_535 : vector<16xf32>
      %add3A_586 = arith.addf %while3A_311, %mul3A_585 : vector<16xf32>
      %add3A_587 = arith.addf %while3A_312, %get3A_535 : vector<16xf32>
      %get3A_588 = arith.constant 1 : i32
      %get3A_589 = arith.index_cast %get3A_588 : i32 to index
      %get3A_590 = arith.index_cast %while3A_314 : i32 to index
      %get3A_591 = arith.index_cast %add3A_525 : i32 to index
      %get3A_592 = tpu.vector_load %arg6[%get3A_589, %get3A_590, %get3A_591] {strides = array<i32>} : memref<5x52x64xf32, #tpu.memory_space<vmem>>, vector<16xf32>,
      %get3A_593 = arith.constant 2 : i32
      %get3A_594 = arith.index_cast %get3A_593 : i32 to index
      %get3A_595 = arith.index_cast %while3A_314 : i32 to index
      %get3A_596 = arith.index_cast %add3A_525 : i32 to index
      %get3A_597 = tpu.vector_load %arg6[%get3A_594, %get3A_595, %get3A_596] {strides = array<i32>} : memref<5x52x64xf32, #tpu.memory_space<vmem>>, vector<16xf32>,
      %get3A_598 = arith.constant 3 : i32
      %get3A_599 = arith.index_cast %get3A_598 : i32 to index
      %get3A_600 = arith.index_cast %while3A_314 : i32 to index
      %get3A_601 = arith.index_cast %add3A_525 : i32 to index
      %get3A_602 = tpu.vector_load %arg6[%get3A_599, %get3A_600, %get3A_601] {strides = array<i32>} : memref<5x52x64xf32, #tpu.memory_space<vmem>>, vector<16xf32>,
      %get3A_603 = arith.constant 4 : i32
      %get3A_604 = arith.index_cast %get3A_603 : i32 to index
      %get3A_605 = arith.index_cast %while3A_314 : i32 to index
      %get3A_606 = arith.index_cast %add3A_525 : i32 to index
      %get3A_607 = tpu.vector_load %arg6[%get3A_604, %get3A_605, %get3A_606] {strides = array<i32>} : memref<5x52x64xf32, #tpu.memory_space<vmem>>, vector<16xf32>,
      %get3A_608 = arith.constant 1 : i32
      %get3A_609 = arith.index_cast %get3A_608 : i32 to index
      %get3A_610 = arith.index_cast %while3A_314 : i32 to index
      %get3A_611 = arith.index_cast %add3A_525 : i32 to index
      %get3A_612 = tpu.vector_load %arg9[%get3A_609, %get3A_610, %get3A_611] {strides = array<i32>} : memref<5x52x64xf32, #tpu.memory_space<vmem>>, vector<16xf32>,
      %get3A_613 = arith.constant 2 : i32
      %get3A_614 = arith.index_cast %get3A_613 : i32 to index
      %get3A_615 = arith.index_cast %while3A_314 : i32 to index
      %get3A_616 = arith.index_cast %add3A_525 : i32 to index
      %get3A_617 = tpu.vector_load %arg9[%get3A_614, %get3A_615, %get3A_616] {strides = array<i32>} : memref<5x52x64xf32, #tpu.memory_space<vmem>>, vector<16xf32>,
      %get3A_618 = arith.constant 3 : i32
      %get3A_619 = arith.index_cast %get3A_618 : i32 to index
      %get3A_620 = arith.index_cast %while3A_314 : i32 to index
      %get3A_621 = arith.index_cast %add3A_525 : i32 to index
      %get3A_622 = tpu.vector_load %arg9[%get3A_619, %get3A_620, %get3A_621] {strides = array<i32>} : memref<5x52x64xf32, #tpu.memory_space<vmem>>, vector<16xf32>,
      %get3A_623 = arith.constant 4 : i32
      %get3A_624 = arith.index_cast %get3A_623 : i32 to index
      %get3A_625 = arith.index_cast %while3A_314 : i32 to index
      %get3A_626 = arith.index_cast %add3A_525 : i32 to index
      %get3A_627 = tpu.vector_load %arg9[%get3A_624, %get3A_625, %get3A_626] {strides = array<i32>} : memref<5x52x64xf32, #tpu.memory_space<vmem>>, vector<16xf32>,
      %neg3A_628 = arith.constant 0.000000e+00 : f32
      %neg3A_629 = vector.broadcast %neg3A_628 : f32 to vector<16xf32>
      %neg3A_630 = arith.subf %neg3A_629, %get3A_592 : vector<16xf32>
      %exp3A_631 = math.exp %neg3A_630 : vector<16xf32>
      %add3A_632 = arith.constant 1.000000e+00 : f32
      %add3A_633 = vector.broadcast %add3A_632 : f32 to vector<16xf32>
      %add3A_634 = arith.addf %add3A_633, %exp3A_631 : vector<16xf32>
      %div3A_635 = arith.constant 1.000000e+00 : f32
      %div3A_636 = vector.broadcast %div3A_635 : f32 to vector<16xf32>
      %div3A_637 = arith.divf %div3A_636, %add3A_634 : vector<16xf32>
      %neg3A_638 = arith.constant 0.000000e+00 : f32
      %neg3A_639 = vector.broadcast %neg3A_638 : f32 to vector<16xf32>
      %neg3A_640 = arith.subf %neg3A_639, %get3A_597 : vector<16xf32>
      %exp3A_641 = math.exp %neg3A_640 : vector<16xf32>
      %add3A_642 = arith.constant 1.000000e+00 : f32
      %add3A_643 = vector.broadcast %add3A_642 : f32 to vector<16xf32>
      %add3A_644 = arith.addf %add3A_643, %exp3A_641 : vector<16xf32>
      %div3A_645 = arith.constant 1.000000e+00 : f32
      %div3A_646 = vector.broadcast %div3A_645 : f32 to vector<16xf32>
      %div3A_647 = arith.divf %div3A_646, %add3A_644 : vector<16xf32>
      %neg3A_648 = arith.constant 0.000000e+00 : f32
      %neg3A_649 = vector.broadcast %neg3A_648 : f32 to vector<16xf32>
      %neg3A_650 = arith.subf %neg3A_649, %get3A_602 : vector<16xf32>
      %exp3A_651 = math.exp %neg3A_650 : vector<16xf32>
      %add3A_652 = arith.constant 1.000000e+00 : f32
      %add3A_653 = vector.broadcast %add3A_652 : f32 to vector<16xf32>
      %add3A_654 = arith.addf %add3A_653, %exp3A_651 : vector<16xf32>
      %div3A_655 = arith.constant 1.000000e+00 : f32
      %div3A_656 = vector.broadcast %div3A_655 : f32 to vector<16xf32>
      %div3A_657 = arith.divf %div3A_656, %add3A_654 : vector<16xf32>
      %neg3A_658 = arith.constant 0.000000e+00 : f32
      %neg3A_659 = vector.broadcast %neg3A_658 : f32 to vector<16xf32>
      %neg3A_660 = arith.subf %neg3A_659, %get3A_607 : vector<16xf32>
      %exp3A_661 = math.exp %neg3A_660 : vector<16xf32>
      %add3A_662 = arith.constant 1.000000e+00 : f32
      %add3A_663 = vector.broadcast %add3A_662 : f32 to vector<16xf32>
      %add3A_664 = arith.addf %add3A_663, %exp3A_661 : vector<16xf32>
      %div3A_665 = arith.constant 1.000000e+00 : f32
      %div3A_666 = vector.broadcast %div3A_665 : f32 to vector<16xf32>
      %div3A_667 = arith.divf %div3A_666, %add3A_664 : vector<16xf32>
      %mul3A_668 = arith.constant 2.600000e+01 : f32
      %mul3A_669 = vector.broadcast %mul3A_668 : f32 to vector<16xf32>
      %mul3A_670 = arith.mulf %div3A_657, %mul3A_669 : vector<16xf32>
      %mul3A_671 = arith.constant 2.600000e+01 : f32
      %mul3A_672 = vector.broadcast %mul3A_671 : f32 to vector<16xf32>
      %mul3A_673 = arith.mulf %div3A_667, %mul3A_672 : vector<16xf32>
      %sub3A_674 = arith.subf %div3A_637, %mul3A_670 : vector<16xf32>
      %sub3A_675 = arith.subf %div3A_647, %mul3A_673 : vector<16xf32>
      %add3A_676 = arith.addf %div3A_637, %mul3A_670 : vector<16xf32>
      %add3A_677 = arith.addf %div3A_647, %mul3A_673 : vector<16xf32>
      %mul3A_678 = arith.constant 2.600000e+01 : f32
      %mul3A_679 = vector.broadcast %mul3A_678 : f32 to vector<16xf32>
      %mul3A_680 = arith.mulf %get3A_622, %mul3A_679 : vector<16xf32>
      %mul3A_681 = arith.constant 2.600000e+01 : f32
      %mul3A_682 = vector.broadcast %mul3A_681 : f32 to vector<16xf32>
      %mul3A_683 = arith.mulf %get3A_627, %mul3A_682 : vector<16xf32>
      %sub3A_684 = arith.subf %get3A_612, %mul3A_680 : vector<16xf32>
      %sub3A_685 = arith.subf %get3A_617, %mul3A_683 : vector<16xf32>
      %add3A_686 = arith.addf %get3A_612, %mul3A_680 : vector<16xf32>
      %add3A_687 = arith.addf %get3A_617, %mul3A_683 : vector<16xf32>
      %min3A_688 = arith.minimumf %add3A_676, %add3A_686 : vector<16xf32>
      %max3A_689 = arith.maximumf %sub3A_674, %sub3A_684 : vector<16xf32>
      %sub3A_690 = arith.subf %min3A_688, %max3A_689 : vector<16xf32>
      %max3A_691 = arith.constant 0.000000e+00 : f32
      %max3A_692 = vector.broadcast %max3A_691 : f32 to vector<16xf32>
      %max3A_693 = arith.maximumf %sub3A_690, %max3A_692 : vector<16xf32>
      %min3A_694 = arith.minimumf %add3A_677, %add3A_687 : vector<16xf32>
      %max3A_695 = arith.maximumf %sub3A_675, %sub3A_685 : vector<16xf32>
      %sub3A_696 = arith.subf %min3A_694, %max3A_695 : vector<16xf32>
      %max3A_697 = arith.constant 0.000000e+00 : f32
      %max3A_698 = vector.broadcast %max3A_697 : f32 to vector<16xf32>
      %max3A_699 = arith.maximumf %sub3A_696, %max3A_698 : vector<16xf32>
      %mul3A_700 = arith.mulf %max3A_693, %max3A_699 : vector<16xf32>
      %sub3A_701 = arith.subf %add3A_676, %sub3A_674 : vector<16xf32>
      %sub3A_702 = arith.subf %add3A_677, %sub3A_675 : vector<16xf32>
      %mul3A_703 = arith.mulf %sub3A_701, %sub3A_702 : vector<16xf32>
      %sub3A_704 = arith.subf %add3A_686, %sub3A_684 : vector<16xf32>
      %sub3A_705 = arith.subf %add3A_687, %sub3A_685 : vector<16xf32>
      %mul3A_706 = arith.mulf %sub3A_704, %sub3A_705 : vector<16xf32>
      %add3A_707 = arith.addf %mul3A_703, %mul3A_706 : vector<16xf32>
      %sub3A_708 = arith.subf %add3A_707, %mul3A_700 : vector<16xf32>
      %add3A_709 = arith.constant 9.99999971E-10 : f32
      %add3A_710 = vector.broadcast %add3A_709 : f32 to vector<16xf32>
      %add3A_711 = arith.addf %sub3A_708, %add3A_710 : vector<16xf32>
      %div3A_712 = arith.divf %mul3A_700, %add3A_711 : vector<16xf32>
      %max3A_713 = arith.maximumf %add3A_676, %add3A_686 : vector<16xf32>
      %min3A_714 = arith.minimumf %sub3A_674, %sub3A_684 : vector<16xf32>
      %sub3A_715 = arith.subf %max3A_713, %min3A_714 : vector<16xf32>
      %max3A_716 = arith.constant 0.000000e+00 : f32
      %max3A_717 = vector.broadcast %max3A_716 : f32 to vector<16xf32>
      %max3A_718 = arith.maximumf %sub3A_715, %max3A_717 : vector<16xf32>
      %max3A_719 = arith.maximumf %add3A_677, %add3A_687 : vector<16xf32>
      %min3A_720 = arith.minimumf %sub3A_675, %sub3A_685 : vector<16xf32>
      %sub3A_721 = arith.subf %max3A_719, %min3A_720 : vector<16xf32>
      %max3A_722 = arith.constant 0.000000e+00 : f32
      %max3A_723 = vector.broadcast %max3A_722 : f32 to vector<16xf32>
      %max3A_724 = arith.maximumf %sub3A_721, %max3A_723 : vector<16xf32>
      %mul3A_725 = arith.mulf %max3A_718, %max3A_724 : vector<16xf32>
      %sub3A_726 = arith.subf %mul3A_725, %sub3A_708 : vector<16xf32>
      %add3A_727 = arith.constant 9.99999971E-10 : f32
      %add3A_728 = vector.broadcast %add3A_727 : f32 to vector<16xf32>
      %add3A_729 = arith.addf %mul3A_725, %add3A_728 : vector<16xf32>
      %div3A_730 = arith.divf %sub3A_726, %add3A_729 : vector<16xf32>
      %sub3A_731 = arith.subf %div3A_712, %div3A_730 : vector<16xf32>
      %sub3A_732 = arith.constant 1.000000e+00 : f32
      %sub3A_733 = vector.broadcast %sub3A_732 : f32 to vector<16xf32>
      %sub3A_734 = arith.subf %sub3A_733, %sub3A_731 : vector<16xf32>
      %mul3A_735 = arith.mulf %sub3A_734, %get3A_535 : vector<16xf32>
      %add3A_736 = arith.addf %while3A_313, %mul3A_735 : vector<16xf32>
      %sub3A_737 = arith.constant 1 : i32
      %sub3A_738 = arith.subi %sub3A_737, %while3A_315 : i32
      %eq3A_739 = arith.constant 0 : i32
      %eq3A_740 = arith.cmpi eq, %sub3A_738, %eq3A_739 : i32
      %jit3A_741 = arith.constant 1 : i32
      %jit3A_742 = arith.constant 0 : i32
      %select_n3A_743 = arith.select %eq3A_740, %jit3A_741, %jit3A_742 : i32
      %add3A_744 = arith.addi %while3A_314, %select_n3A_743 : i32
      %ge3A = arith.constant 52 : i32
      %ge3A_745 = arith.cmpi sge, %add3A_744, %ge3A : i32
      %jit3A_746 = arith.constant 0 : i32
      %select_n3A_747 = arith.select %ge3A_745, %jit3A_746, %add3A_744 : i32
      scf.yield %add3A_370, %add3A_373, %add3A_374, %add3A_523, %add3A_583, %add3A_586, %add3A_587, %add3A_736, %select_n3A_747, %sub3A_738 : vector<16xf32>, vector<16xf32>, vector<16xf32>, vector<16xf32>, vector<16xf32>, vector<16xf32>, vector<16xf32>, vector<16xf32>, i32, i32
    }
    %while3A_259 = arith.constant 1 : i32
    %while3A_260:10 = scf.for %while3A_305 = %while3A_256 to %while3A_252 step %while3A_259 iter_args(%while3A_306 = %while3A_258#0, %while3A_307 = %while3A_258#1, %while3A_308 = %while3A_258#2, %while3A_309 = %while3A_258#3, %while3A_310 = %while3A_258#4, %while3A_311 = %while3A_258#5, %while3A_312 = %while3A_258#6, %while3A_313 = %while3A_258#7, %while3A_314 = %while3A_258#8, %while3A_315 = %while3A_258#9) -> (vector<16xf32>, vector<16xf32>, vector<16xf32>, vector<16xf32>, vector<16xf32>, vector<16xf32>, vector<16xf32>, vector<16xf32>, i32, i32)  : i32 {
      %mul3A_316 = arith.constant 32 : i32
      %mul3A_317 = arith.muli %while3A_315, %mul3A_316 : i32
      %get3A = arith.constant 0 : i32
      %get3A_318 = arith.index_cast %get3A : i32 to index
      %get3A_319 = arith.index_cast %while3A_314 : i32 to index
      %get3A_320 = arith.index_cast %mul3A_317 : i32 to index
      %get3A_321 = tpu.vector_load %arg6[%get3A_318, %get3A_319, %get3A_320] {strides = array<i32>} : memref<5x52x64xf32, #tpu.memory_space<vmem>>, vector<16xf32>,
      %get3A_322 = arith.constant 0 : i32
      %get3A_323 = arith.index_cast %get3A_322 : i32 to index
      %get3A_324 = arith.index_cast %while3A_314 : i32 to index
      %get3A_325 = arith.index_cast %mul3A_317 : i32 to index
      %get3A_326 = tpu.vector_load %arg9[%get3A_323, %get3A_324, %get3A_325] {strides = array<i32>} : memref<5x52x64xf32, #tpu.memory_space<vmem>>, vector<16xf32>,
      %max3A = arith.constant 0.000000e+00 : f32
      %max3A_327 = vector.broadcast %max3A : f32 to vector<16xf32>
      %max3A_328 = arith.maximumf %get3A_321, %max3A_327 : vector<16xf32>
      %abs3A = math.absf %get3A_321 : vector<16xf32>
      %neg3A = arith.constant 0.000000e+00 : f32
      %neg3A_329 = vector.broadcast %neg3A : f32 to vector<16xf32>
      %neg3A_330 = arith.subf %neg3A_329, %abs3A : vector<16xf32>
      %exp3A = math.exp %neg3A_330 : vector<16xf32>
      %mul3A_331 = arith.constant -0.00615147082 : f32
      %mul3A_332 = vector.broadcast %mul3A_331 : f32 to vector<16xf32>
      %mul3A_333 = arith.mulf %mul3A_332, %exp3A : vector<16xf32>
      %add3A_334 = arith.constant 0.0348497108 : f32
      %add3A_335 = vector.broadcast %add3A_334 : f32 to vector<16xf32>
      %add3A_336 = arith.addf %mul3A_333, %add3A_335 : vector<16xf32>
      %mul3A_337 = arith.mulf %add3A_336, %exp3A : vector<16xf32>
      %add3A_338 = arith.constant -0.0932520404 : f32
      %add3A_339 = vector.broadcast %add3A_338 : f32 to vector<16xf32>
      %add3A_340 = arith.addf %mul3A_337, %add3A_339 : vector<16xf32>
      %mul3A_341 = arith.mulf %add3A_340, %exp3A : vector<16xf32>
      %add3A_342 = arith.constant 0.165822759 : f32
      %add3A_343 = vector.broadcast %add3A_342 : f32 to vector<16xf32>
      %add3A_344 = arith.addf %mul3A_341, %add3A_343 : vector<16xf32>
      %mul3A_345 = arith.mulf %add3A_344, %exp3A : vector<16xf32>
      %add3A_346 = arith.constant -0.239826158 : f32
      %add3A_347 = vector.broadcast %add3A_346 : f32 to vector<16xf32>
      %add3A_348 = arith.addf %mul3A_345, %add3A_347 : vector<16xf32>
      %mul3A_349 = arith.mulf %add3A_348, %exp3A : vector<16xf32>
      %add3A_350 = arith.constant 0.331548631 : f32
      %add3A_351 = vector.broadcast %add3A_350 : f32 to vector<16xf32>
      %add3A_352 = arith.addf %mul3A_349, %add3A_351 : vector<16xf32>
      %mul3A_353 = arith.mulf %add3A_352, %exp3A : vector<16xf32>
      %add3A_354 = arith.constant -0.499838561 : f32
      %add3A_355 = vector.broadcast %add3A_354 : f32 to vector<16xf32>
      %add3A_356 = arith.addf %mul3A_353, %add3A_355 : vector<16xf32>
      %mul3A_357 = arith.mulf %add3A_356, %exp3A : vector<16xf32>
      %add3A_358 = arith.constant 0.999994277 : f32
      %add3A_359 = vector.broadcast %add3A_358 : f32 to vector<16xf32>
      %add3A_360 = arith.addf %mul3A_357, %add3A_359 : vector<16xf32>
      %mul3A_361 = arith.mulf %add3A_360, %exp3A : vector<16xf32>
      %add3A_362 = arith.constant 3.38696537E-8 : f32
      %add3A_363 = vector.broadcast %add3A_362 : f32 to vector<16xf32>
      %add3A_364 = arith.addf %mul3A_361, %add3A_363 : vector<16xf32>
      %add3A_365 = arith.addf %max3A_328, %add3A_364 : vector<16xf32>
      %sub3A_366 = arith.constant 1.000000e+00 : f32
      %sub3A_367 = vector.broadcast %sub3A_366 : f32 to vector<16xf32>
      %sub3A_368 = arith.subf %sub3A_367, %get3A_326 : vector<16xf32>
      %mul3A_369 = arith.mulf %add3A_365, %sub3A_368 : vector<16xf32>
      %add3A_370 = arith.addf %while3A_306, %mul3A_369 : vector<16xf32>
      %sub3A_371 = arith.subf %add3A_365, %get3A_321 : vector<16xf32>
      %mul3A_372 = arith.mulf %sub3A_371, %get3A_326 : vector<16xf32>
      %add3A_373 = arith.addf %while3A_307, %mul3A_372 : vector<16xf32>
      %add3A_374 = arith.addf %while3A_308, %get3A_326 : vector<16xf32>
      %get3A_375 = arith.constant 1 : i32
      %get3A_376 = arith.index_cast %get3A_375 : i32 to index
      %get3A_377 = arith.index_cast %while3A_314 : i32 to index
      %get3A_378 = arith.index_cast %mul3A_317 : i32 to index
      %get3A_379 = tpu.vector_load %arg6[%get3A_376, %get3A_377, %get3A_378] {strides = array<i32>} : memref<5x52x64xf32, #tpu.memory_space<vmem>>, vector<16xf32>,
      %get3A_380 = arith.constant 2 : i32
      %get3A_381 = arith.index_cast %get3A_380 : i32 to index
      %get3A_382 = arith.index_cast %while3A_314 : i32 to index
      %get3A_383 = arith.index_cast %mul3A_317 : i32 to index
      %get3A_384 = tpu.vector_load %arg6[%get3A_381, %get3A_382, %get3A_383] {strides = array<i32>} : memref<5x52x64xf32, #tpu.memory_space<vmem>>, vector<16xf32>,
      %get3A_385 = arith.constant 3 : i32
      %get3A_386 = arith.index_cast %get3A_385 : i32 to index
      %get3A_387 = arith.index_cast %while3A_314 : i32 to index
      %get3A_388 = arith.index_cast %mul3A_317 : i32 to index
      %get3A_389 = tpu.vector_load %arg6[%get3A_386, %get3A_387, %get3A_388] {strides = array<i32>} : memref<5x52x64xf32, #tpu.memory_space<vmem>>, vector<16xf32>,
      %get3A_390 = arith.constant 4 : i32
      %get3A_391 = arith.index_cast %get3A_390 : i32 to index
      %get3A_392 = arith.index_cast %while3A_314 : i32 to index
      %get3A_393 = arith.index_cast %mul3A_317 : i32 to index
      %get3A_394 = tpu.vector_load %arg6[%get3A_391, %get3A_392, %get3A_393] {strides = array<i32>} : memref<5x52x64xf32, #tpu.memory_space<vmem>>, vector<16xf32>,
      %get3A_395 = arith.constant 1 : i32
      %get3A_396 = arith.index_cast %get3A_395 : i32 to index
      %get3A_397 = arith.index_cast %while3A_314 : i32 to index
      %get3A_398 = arith.index_cast %mul3A_317 : i32 to index
      %get3A_399 = tpu.vector_load %arg9[%get3A_396, %get3A_397, %get3A_398] {strides = array<i32>} : memref<5x52x64xf32, #tpu.memory_space<vmem>>, vector<16xf32>,
      %get3A_400 = arith.constant 2 : i32
      %get3A_401 = arith.index_cast %get3A_400 : i32 to index
      %get3A_402 = arith.index_cast %while3A_314 : i32 to index
      %get3A_403 = arith.index_cast %mul3A_317 : i32 to index
      %get3A_404 = tpu.vector_load %arg9[%get3A_401, %get3A_402, %get3A_403] {strides = array<i32>} : memref<5x52x64xf32, #tpu.memory_space<vmem>>, vector<16xf32>,
      %get3A_405 = arith.constant 3 : i32
      %get3A_406 = arith.index_cast %get3A_405 : i32 to index
      %get3A_407 = arith.index_cast %while3A_314 : i32 to index
      %get3A_408 = arith.index_cast %mul3A_317 : i32 to index
      %get3A_409 = tpu.vector_load %arg9[%get3A_406, %get3A_407, %get3A_408] {strides = array<i32>} : memref<5x52x64xf32, #tpu.memory_space<vmem>>, vector<16xf32>,
      %get3A_410 = arith.constant 4 : i32
      %get3A_411 = arith.index_cast %get3A_410 : i32 to index
      %get3A_412 = arith.index_cast %while3A_314 : i32 to index
      %get3A_413 = arith.index_cast %mul3A_317 : i32 to index
      %get3A_414 = tpu.vector_load %arg9[%get3A_411, %get3A_412, %get3A_413] {strides = array<i32>} : memref<5x52x64xf32, #tpu.memory_space<vmem>>, vector<16xf32>,
      %neg3A_415 = arith.constant 0.000000e+00 : f32
      %neg3A_416 = vector.broadcast %neg3A_415 : f32 to vector<16xf32>
      %neg3A_417 = arith.subf %neg3A_416, %get3A_379 : vector<16xf32>
      %exp3A_418 = math.exp %neg3A_417 : vector<16xf32>
      %add3A_419 = arith.constant 1.000000e+00 : f32
      %add3A_420 = vector.broadcast %add3A_419 : f32 to vector<16xf32>
      %add3A_421 = arith.addf %add3A_420, %exp3A_418 : vector<16xf32>
      %div3A_422 = arith.constant 1.000000e+00 : f32
      %div3A_423 = vector.broadcast %div3A_422 : f32 to vector<16xf32>
      %div3A_424 = arith.divf %div3A_423, %add3A_421 : vector<16xf32>
      %neg3A_425 = arith.constant 0.000000e+00 : f32
      %neg3A_426 = vector.broadcast %neg3A_425 : f32 to vector<16xf32>
      %neg3A_427 = arith.subf %neg3A_426, %get3A_384 : vector<16xf32>
      %exp3A_428 = math.exp %neg3A_427 : vector<16xf32>
      %add3A_429 = arith.constant 1.000000e+00 : f32
      %add3A_430 = vector.broadcast %add3A_429 : f32 to vector<16xf32>
      %add3A_431 = arith.addf %add3A_430, %exp3A_428 : vector<16xf32>
      %div3A_432 = arith.constant 1.000000e+00 : f32
      %div3A_433 = vector.broadcast %div3A_432 : f32 to vector<16xf32>
      %div3A_434 = arith.divf %div3A_433, %add3A_431 : vector<16xf32>
      %neg3A_435 = arith.constant 0.000000e+00 : f32
      %neg3A_436 = vector.broadcast %neg3A_435 : f32 to vector<16xf32>
      %neg3A_437 = arith.subf %neg3A_436, %get3A_389 : vector<16xf32>
      %exp3A_438 = math.exp %neg3A_437 : vector<16xf32>
      %add3A_439 = arith.constant 1.000000e+00 : f32
      %add3A_440 = vector.broadcast %add3A_439 : f32 to vector<16xf32>
      %add3A_441 = arith.addf %add3A_440, %exp3A_438 : vector<16xf32>
      %div3A_442 = arith.constant 1.000000e+00 : f32
      %div3A_443 = vector.broadcast %div3A_442 : f32 to vector<16xf32>
      %div3A_444 = arith.divf %div3A_443, %add3A_441 : vector<16xf32>
      %neg3A_445 = arith.constant 0.000000e+00 : f32
      %neg3A_446 = vector.broadcast %neg3A_445 : f32 to vector<16xf32>
      %neg3A_447 = arith.subf %neg3A_446, %get3A_394 : vector<16xf32>
      %exp3A_448 = math.exp %neg3A_447 : vector<16xf32>
      %add3A_449 = arith.constant 1.000000e+00 : f32
      %add3A_450 = vector.broadcast %add3A_449 : f32 to vector<16xf32>
      %add3A_451 = arith.addf %add3A_450, %exp3A_448 : vector<16xf32>
      %div3A_452 = arith.constant 1.000000e+00 : f32
      %div3A_453 = vector.broadcast %div3A_452 : f32 to vector<16xf32>
      %div3A_454 = arith.divf %div3A_453, %add3A_451 : vector<16xf32>
      %mul3A_455 = arith.constant 2.600000e+01 : f32
      %mul3A_456 = vector.broadcast %mul3A_455 : f32 to vector<16xf32>
      %mul3A_457 = arith.mulf %div3A_444, %mul3A_456 : vector<16xf32>
      %mul3A_458 = arith.constant 2.600000e+01 : f32
      %mul3A_459 = vector.broadcast %mul3A_458 : f32 to vector<16xf32>
      %mul3A_460 = arith.mulf %div3A_454, %mul3A_459 : vector<16xf32>
      %sub3A_461 = arith.subf %div3A_424, %mul3A_457 : vector<16xf32>
      %sub3A_462 = arith.subf %div3A_434, %mul3A_460 : vector<16xf32>
      %add3A_463 = arith.addf %div3A_424, %mul3A_457 : vector<16xf32>
      %add3A_464 = arith.addf %div3A_434, %mul3A_460 : vector<16xf32>
      %mul3A_465 = arith.constant 2.600000e+01 : f32
      %mul3A_466 = vector.broadcast %mul3A_465 : f32 to vector<16xf32>
      %mul3A_467 = arith.mulf %get3A_409, %mul3A_466 : vector<16xf32>
      %mul3A_468 = arith.constant 2.600000e+01 : f32
      %mul3A_469 = vector.broadcast %mul3A_468 : f32 to vector<16xf32>
      %mul3A_470 = arith.mulf %get3A_414, %mul3A_469 : vector<16xf32>
      %sub3A_471 = arith.subf %get3A_399, %mul3A_467 : vector<16xf32>
      %sub3A_472 = arith.subf %get3A_404, %mul3A_470 : vector<16xf32>
      %add3A_473 = arith.addf %get3A_399, %mul3A_467 : vector<16xf32>
      %add3A_474 = arith.addf %get3A_404, %mul3A_470 : vector<16xf32>
      %min3A_475 = arith.minimumf %add3A_463, %add3A_473 : vector<16xf32>
      %max3A_476 = arith.maximumf %sub3A_461, %sub3A_471 : vector<16xf32>
      %sub3A_477 = arith.subf %min3A_475, %max3A_476 : vector<16xf32>
      %max3A_478 = arith.constant 0.000000e+00 : f32
      %max3A_479 = vector.broadcast %max3A_478 : f32 to vector<16xf32>
      %max3A_480 = arith.maximumf %sub3A_477, %max3A_479 : vector<16xf32>
      %min3A_481 = arith.minimumf %add3A_464, %add3A_474 : vector<16xf32>
      %max3A_482 = arith.maximumf %sub3A_462, %sub3A_472 : vector<16xf32>
      %sub3A_483 = arith.subf %min3A_481, %max3A_482 : vector<16xf32>
      %max3A_484 = arith.constant 0.000000e+00 : f32
      %max3A_485 = vector.broadcast %max3A_484 : f32 to vector<16xf32>
      %max3A_486 = arith.maximumf %sub3A_483, %max3A_485 : vector<16xf32>
      %mul3A_487 = arith.mulf %max3A_480, %max3A_486 : vector<16xf32>
      %sub3A_488 = arith.subf %add3A_463, %sub3A_461 : vector<16xf32>
      %sub3A_489 = arith.subf %add3A_464, %sub3A_462 : vector<16xf32>
      %mul3A_490 = arith.mulf %sub3A_488, %sub3A_489 : vector<16xf32>
      %sub3A_491 = arith.subf %add3A_473, %sub3A_471 : vector<16xf32>
      %sub3A_492 = arith.subf %add3A_474, %sub3A_472 : vector<16xf32>
      %mul3A_493 = arith.mulf %sub3A_491, %sub3A_492 : vector<16xf32>
      %add3A_494 = arith.addf %mul3A_490, %mul3A_493 : vector<16xf32>
      %sub3A_495 = arith.subf %add3A_494, %mul3A_487 : vector<16xf32>
      %add3A_496 = arith.constant 9.99999971E-10 : f32
      %add3A_497 = vector.broadcast %add3A_496 : f32 to vector<16xf32>
      %add3A_498 = arith.addf %sub3A_495, %add3A_497 : vector<16xf32>
      %div3A_499 = arith.divf %mul3A_487, %add3A_498 : vector<16xf32>
      %max3A_500 = arith.maximumf %add3A_463, %add3A_473 : vector<16xf32>
      %min3A_501 = arith.minimumf %sub3A_461, %sub3A_471 : vector<16xf32>
      %sub3A_502 = arith.subf %max3A_500, %min3A_501 : vector<16xf32>
      %max3A_503 = arith.constant 0.000000e+00 : f32
      %max3A_504 = vector.broadcast %max3A_503 : f32 to vector<16xf32>
      %max3A_505 = arith.maximumf %sub3A_502, %max3A_504 : vector<16xf32>
      %max3A_506 = arith.maximumf %add3A_464, %add3A_474 : vector<16xf32>
      %min3A_507 = arith.minimumf %sub3A_462, %sub3A_472 : vector<16xf32>
      %sub3A_508 = arith.subf %max3A_506, %min3A_507 : vector<16xf32>
      %max3A_509 = arith.constant 0.000000e+00 : f32
      %max3A_510 = vector.broadcast %max3A_509 : f32 to vector<16xf32>
      %max3A_511 = arith.maximumf %sub3A_508, %max3A_510 : vector<16xf32>
      %mul3A_512 = arith.mulf %max3A_505, %max3A_511 : vector<16xf32>
      %sub3A_513 = arith.subf %mul3A_512, %sub3A_495 : vector<16xf32>
      %add3A_514 = arith.constant 9.99999971E-10 : f32
      %add3A_515 = vector.broadcast %add3A_514 : f32 to vector<16xf32>
      %add3A_516 = arith.addf %mul3A_512, %add3A_515 : vector<16xf32>
      %div3A_517 = arith.divf %sub3A_513, %add3A_516 : vector<16xf32>
      %sub3A_518 = arith.subf %div3A_499, %div3A_517 : vector<16xf32>
      %sub3A_519 = arith.constant 1.000000e+00 : f32
      %sub3A_520 = vector.broadcast %sub3A_519 : f32 to vector<16xf32>
      %sub3A_521 = arith.subf %sub3A_520, %sub3A_518 : vector<16xf32>
      %mul3A_522 = arith.mulf %sub3A_521, %get3A_326 : vector<16xf32>
      %add3A_523 = arith.addf %while3A_309, %mul3A_522 : vector<16xf32>
      %add3A_524 = arith.constant 16 : i32
      %add3A_525 = arith.addi %mul3A_317, %add3A_524 : i32
      %get3A_526 = arith.constant 0 : i32
      %get3A_527 = arith.index_cast %get3A_526 : i32 to index
      %get3A_528 = arith.index_cast %while3A_314 : i32 to index
      %get3A_529 = arith.index_cast %add3A_525 : i32 to index
      %get3A_530 = tpu.vector_load %arg6[%get3A_527, %get3A_528, %get3A_529] {strides = array<i32>} : memref<5x52x64xf32, #tpu.memory_space<vmem>>, vector<16xf32>,
      %get3A_531 = arith.constant 0 : i32
      %get3A_532 = arith.index_cast %get3A_531 : i32 to index
      %get3A_533 = arith.index_cast %while3A_314 : i32 to index
      %get3A_534 = arith.index_cast %add3A_525 : i32 to index
      %get3A_535 = tpu.vector_load %arg9[%get3A_532, %get3A_533, %get3A_534] {strides = array<i32>} : memref<5x52x64xf32, #tpu.memory_space<vmem>>, vector<16xf32>,
      %max3A_536 = arith.constant 0.000000e+00 : f32
      %max3A_537 = vector.broadcast %max3A_536 : f32 to vector<16xf32>
      %max3A_538 = arith.maximumf %get3A_530, %max3A_537 : vector<16xf32>
      %abs3A_539 = math.absf %get3A_530 : vector<16xf32>
      %neg3A_540 = arith.constant 0.000000e+00 : f32
      %neg3A_541 = vector.broadcast %neg3A_540 : f32 to vector<16xf32>
      %neg3A_542 = arith.subf %neg3A_541, %abs3A_539 : vector<16xf32>
      %exp3A_543 = math.exp %neg3A_542 : vector<16xf32>
      %mul3A_544 = arith.constant -0.00615147082 : f32
      %mul3A_545 = vector.broadcast %mul3A_544 : f32 to vector<16xf32>
      %mul3A_546 = arith.mulf %mul3A_545, %exp3A_543 : vector<16xf32>
      %add3A_547 = arith.constant 0.0348497108 : f32
      %add3A_548 = vector.broadcast %add3A_547 : f32 to vector<16xf32>
      %add3A_549 = arith.addf %mul3A_546, %add3A_548 : vector<16xf32>
      %mul3A_550 = arith.mulf %add3A_549, %exp3A_543 : vector<16xf32>
      %add3A_551 = arith.constant -0.0932520404 : f32
      %add3A_552 = vector.broadcast %add3A_551 : f32 to vector<16xf32>
      %add3A_553 = arith.addf %mul3A_550, %add3A_552 : vector<16xf32>
      %mul3A_554 = arith.mulf %add3A_553, %exp3A_543 : vector<16xf32>
      %add3A_555 = arith.constant 0.165822759 : f32
      %add3A_556 = vector.broadcast %add3A_555 : f32 to vector<16xf32>
      %add3A_557 = arith.addf %mul3A_554, %add3A_556 : vector<16xf32>
      %mul3A_558 = arith.mulf %add3A_557, %exp3A_543 : vector<16xf32>
      %add3A_559 = arith.constant -0.239826158 : f32
      %add3A_560 = vector.broadcast %add3A_559 : f32 to vector<16xf32>
      %add3A_561 = arith.addf %mul3A_558, %add3A_560 : vector<16xf32>
      %mul3A_562 = arith.mulf %add3A_561, %exp3A_543 : vector<16xf32>
      %add3A_563 = arith.constant 0.331548631 : f32
      %add3A_564 = vector.broadcast %add3A_563 : f32 to vector<16xf32>
      %add3A_565 = arith.addf %mul3A_562, %add3A_564 : vector<16xf32>
      %mul3A_566 = arith.mulf %add3A_565, %exp3A_543 : vector<16xf32>
      %add3A_567 = arith.constant -0.499838561 : f32
      %add3A_568 = vector.broadcast %add3A_567 : f32 to vector<16xf32>
      %add3A_569 = arith.addf %mul3A_566, %add3A_568 : vector<16xf32>
      %mul3A_570 = arith.mulf %add3A_569, %exp3A_543 : vector<16xf32>
      %add3A_571 = arith.constant 0.999994277 : f32
      %add3A_572 = vector.broadcast %add3A_571 : f32 to vector<16xf32>
      %add3A_573 = arith.addf %mul3A_570, %add3A_572 : vector<16xf32>
      %mul3A_574 = arith.mulf %add3A_573, %exp3A_543 : vector<16xf32>
      %add3A_575 = arith.constant 3.38696537E-8 : f32
      %add3A_576 = vector.broadcast %add3A_575 : f32 to vector<16xf32>
      %add3A_577 = arith.addf %mul3A_574, %add3A_576 : vector<16xf32>
      %add3A_578 = arith.addf %max3A_538, %add3A_577 : vector<16xf32>
      %sub3A_579 = arith.constant 1.000000e+00 : f32
      %sub3A_580 = vector.broadcast %sub3A_579 : f32 to vector<16xf32>
      %sub3A_581 = arith.subf %sub3A_580, %get3A_535 : vector<16xf32>
      %mul3A_582 = arith.mulf %add3A_578, %sub3A_581 : vector<16xf32>
      %add3A_583 = arith.addf %while3A_310, %mul3A_582 : vector<16xf32>
      %sub3A_584 = arith.subf %add3A_578, %get3A_530 : vector<16xf32>
      %mul3A_585 = arith.mulf %sub3A_584, %get3A_535 : vector<16xf32>
      %add3A_586 = arith.addf %while3A_311, %mul3A_585 : vector<16xf32>
      %add3A_587 = arith.addf %while3A_312, %get3A_535 : vector<16xf32>
      %get3A_588 = arith.constant 1 : i32
      %get3A_589 = arith.index_cast %get3A_588 : i32 to index
      %get3A_590 = arith.index_cast %while3A_314 : i32 to index
      %get3A_591 = arith.index_cast %add3A_525 : i32 to index
      %get3A_592 = tpu.vector_load %arg6[%get3A_589, %get3A_590, %get3A_591] {strides = array<i32>} : memref<5x52x64xf32, #tpu.memory_space<vmem>>, vector<16xf32>,
      %get3A_593 = arith.constant 2 : i32
      %get3A_594 = arith.index_cast %get3A_593 : i32 to index
      %get3A_595 = arith.index_cast %while3A_314 : i32 to index
      %get3A_596 = arith.index_cast %add3A_525 : i32 to index
      %get3A_597 = tpu.vector_load %arg6[%get3A_594, %get3A_595, %get3A_596] {strides = array<i32>} : memref<5x52x64xf32, #tpu.memory_space<vmem>>, vector<16xf32>,
      %get3A_598 = arith.constant 3 : i32
      %get3A_599 = arith.index_cast %get3A_598 : i32 to index
      %get3A_600 = arith.index_cast %while3A_314 : i32 to index
      %get3A_601 = arith.index_cast %add3A_525 : i32 to index
      %get3A_602 = tpu.vector_load %arg6[%get3A_599, %get3A_600, %get3A_601] {strides = array<i32>} : memref<5x52x64xf32, #tpu.memory_space<vmem>>, vector<16xf32>,
      %get3A_603 = arith.constant 4 : i32
      %get3A_604 = arith.index_cast %get3A_603 : i32 to index
      %get3A_605 = arith.index_cast %while3A_314 : i32 to index
      %get3A_606 = arith.index_cast %add3A_525 : i32 to index
      %get3A_607 = tpu.vector_load %arg6[%get3A_604, %get3A_605, %get3A_606] {strides = array<i32>} : memref<5x52x64xf32, #tpu.memory_space<vmem>>, vector<16xf32>,
      %get3A_608 = arith.constant 1 : i32
      %get3A_609 = arith.index_cast %get3A_608 : i32 to index
      %get3A_610 = arith.index_cast %while3A_314 : i32 to index
      %get3A_611 = arith.index_cast %add3A_525 : i32 to index
      %get3A_612 = tpu.vector_load %arg9[%get3A_609, %get3A_610, %get3A_611] {strides = array<i32>} : memref<5x52x64xf32, #tpu.memory_space<vmem>>, vector<16xf32>,
      %get3A_613 = arith.constant 2 : i32
      %get3A_614 = arith.index_cast %get3A_613 : i32 to index
      %get3A_615 = arith.index_cast %while3A_314 : i32 to index
      %get3A_616 = arith.index_cast %add3A_525 : i32 to index
      %get3A_617 = tpu.vector_load %arg9[%get3A_614, %get3A_615, %get3A_616] {strides = array<i32>} : memref<5x52x64xf32, #tpu.memory_space<vmem>>, vector<16xf32>,
      %get3A_618 = arith.constant 3 : i32
      %get3A_619 = arith.index_cast %get3A_618 : i32 to index
      %get3A_620 = arith.index_cast %while3A_314 : i32 to index
      %get3A_621 = arith.index_cast %add3A_525 : i32 to index
      %get3A_622 = tpu.vector_load %arg9[%get3A_619, %get3A_620, %get3A_621] {strides = array<i32>} : memref<5x52x64xf32, #tpu.memory_space<vmem>>, vector<16xf32>,
      %get3A_623 = arith.constant 4 : i32
      %get3A_624 = arith.index_cast %get3A_623 : i32 to index
      %get3A_625 = arith.index_cast %while3A_314 : i32 to index
      %get3A_626 = arith.index_cast %add3A_525 : i32 to index
      %get3A_627 = tpu.vector_load %arg9[%get3A_624, %get3A_625, %get3A_626] {strides = array<i32>} : memref<5x52x64xf32, #tpu.memory_space<vmem>>, vector<16xf32>,
      %neg3A_628 = arith.constant 0.000000e+00 : f32
      %neg3A_629 = vector.broadcast %neg3A_628 : f32 to vector<16xf32>
      %neg3A_630 = arith.subf %neg3A_629, %get3A_592 : vector<16xf32>
      %exp3A_631 = math.exp %neg3A_630 : vector<16xf32>
      %add3A_632 = arith.constant 1.000000e+00 : f32
      %add3A_633 = vector.broadcast %add3A_632 : f32 to vector<16xf32>
      %add3A_634 = arith.addf %add3A_633, %exp3A_631 : vector<16xf32>
      %div3A_635 = arith.constant 1.000000e+00 : f32
      %div3A_636 = vector.broadcast %div3A_635 : f32 to vector<16xf32>
      %div3A_637 = arith.divf %div3A_636, %add3A_634 : vector<16xf32>
      %neg3A_638 = arith.constant 0.000000e+00 : f32
      %neg3A_639 = vector.broadcast %neg3A_638 : f32 to vector<16xf32>
      %neg3A_640 = arith.subf %neg3A_639, %get3A_597 : vector<16xf32>
      %exp3A_641 = math.exp %neg3A_640 : vector<16xf32>
      %add3A_642 = arith.constant 1.000000e+00 : f32
      %add3A_643 = vector.broadcast %add3A_642 : f32 to vector<16xf32>
      %add3A_644 = arith.addf %add3A_643, %exp3A_641 : vector<16xf32>
      %div3A_645 = arith.constant 1.000000e+00 : f32
      %div3A_646 = vector.broadcast %div3A_645 : f32 to vector<16xf32>
      %div3A_647 = arith.divf %div3A_646, %add3A_644 : vector<16xf32>
      %neg3A_648 = arith.constant 0.000000e+00 : f32
      %neg3A_649 = vector.broadcast %neg3A_648 : f32 to vector<16xf32>
      %neg3A_650 = arith.subf %neg3A_649, %get3A_602 : vector<16xf32>
      %exp3A_651 = math.exp %neg3A_650 : vector<16xf32>
      %add3A_652 = arith.constant 1.000000e+00 : f32
      %add3A_653 = vector.broadcast %add3A_652 : f32 to vector<16xf32>
      %add3A_654 = arith.addf %add3A_653, %exp3A_651 : vector<16xf32>
      %div3A_655 = arith.constant 1.000000e+00 : f32
      %div3A_656 = vector.broadcast %div3A_655 : f32 to vector<16xf32>
      %div3A_657 = arith.divf %div3A_656, %add3A_654 : vector<16xf32>
      %neg3A_658 = arith.constant 0.000000e+00 : f32
      %neg3A_659 = vector.broadcast %neg3A_658 : f32 to vector<16xf32>
      %neg3A_660 = arith.subf %neg3A_659, %get3A_607 : vector<16xf32>
      %exp3A_661 = math.exp %neg3A_660 : vector<16xf32>
      %add3A_662 = arith.constant 1.000000e+00 : f32
      %add3A_663 = vector.broadcast %add3A_662 : f32 to vector<16xf32>
      %add3A_664 = arith.addf %add3A_663, %exp3A_661 : vector<16xf32>
      %div3A_665 = arith.constant 1.000000e+00 : f32
      %div3A_666 = vector.broadcast %div3A_665 : f32 to vector<16xf32>
      %div3A_667 = arith.divf %div3A_666, %add3A_664 : vector<16xf32>
      %mul3A_668 = arith.constant 2.600000e+01 : f32
      %mul3A_669 = vector.broadcast %mul3A_668 : f32 to vector<16xf32>
      %mul3A_670 = arith.mulf %div3A_657, %mul3A_669 : vector<16xf32>
      %mul3A_671 = arith.constant 2.600000e+01 : f32
      %mul3A_672 = vector.broadcast %mul3A_671 : f32 to vector<16xf32>
      %mul3A_673 = arith.mulf %div3A_667, %mul3A_672 : vector<16xf32>
      %sub3A_674 = arith.subf %div3A_637, %mul3A_670 : vector<16xf32>
      %sub3A_675 = arith.subf %div3A_647, %mul3A_673 : vector<16xf32>
      %add3A_676 = arith.addf %div3A_637, %mul3A_670 : vector<16xf32>
      %add3A_677 = arith.addf %div3A_647, %mul3A_673 : vector<16xf32>
      %mul3A_678 = arith.constant 2.600000e+01 : f32
      %mul3A_679 = vector.broadcast %mul3A_678 : f32 to vector<16xf32>
      %mul3A_680 = arith.mulf %get3A_622, %mul3A_679 : vector<16xf32>
      %mul3A_681 = arith.constant 2.600000e+01 : f32
      %mul3A_682 = vector.broadcast %mul3A_681 : f32 to vector<16xf32>
      %mul3A_683 = arith.mulf %get3A_627, %mul3A_682 : vector<16xf32>
      %sub3A_684 = arith.subf %get3A_612, %mul3A_680 : vector<16xf32>
      %sub3A_685 = arith.subf %get3A_617, %mul3A_683 : vector<16xf32>
      %add3A_686 = arith.addf %get3A_612, %mul3A_680 : vector<16xf32>
      %add3A_687 = arith.addf %get3A_617, %mul3A_683 : vector<16xf32>
      %min3A_688 = arith.minimumf %add3A_676, %add3A_686 : vector<16xf32>
      %max3A_689 = arith.maximumf %sub3A_674, %sub3A_684 : vector<16xf32>
      %sub3A_690 = arith.subf %min3A_688, %max3A_689 : vector<16xf32>
      %max3A_691 = arith.constant 0.000000e+00 : f32
      %max3A_692 = vector.broadcast %max3A_691 : f32 to vector<16xf32>
      %max3A_693 = arith.maximumf %sub3A_690, %max3A_692 : vector<16xf32>
      %min3A_694 = arith.minimumf %add3A_677, %add3A_687 : vector<16xf32>
      %max3A_695 = arith.maximumf %sub3A_675, %sub3A_685 : vector<16xf32>
      %sub3A_696 = arith.subf %min3A_694, %max3A_695 : vector<16xf32>
      %max3A_697 = arith.constant 0.000000e+00 : f32
      %max3A_698 = vector.broadcast %max3A_697 : f32 to vector<16xf32>
      %max3A_699 = arith.maximumf %sub3A_696, %max3A_698 : vector<16xf32>
      %mul3A_700 = arith.mulf %max3A_693, %max3A_699 : vector<16xf32>
      %sub3A_701 = arith.subf %add3A_676, %sub3A_674 : vector<16xf32>
      %sub3A_702 = arith.subf %add3A_677, %sub3A_675 : vector<16xf32>
      %mul3A_703 = arith.mulf %sub3A_701, %sub3A_702 : vector<16xf32>
      %sub3A_704 = arith.subf %add3A_686, %sub3A_684 : vector<16xf32>
      %sub3A_705 = arith.subf %add3A_687, %sub3A_685 : vector<16xf32>
      %mul3A_706 = arith.mulf %sub3A_704, %sub3A_705 : vector<16xf32>
      %add3A_707 = arith.addf %mul3A_703, %mul3A_706 : vector<16xf32>
      %sub3A_708 = arith.subf %add3A_707, %mul3A_700 : vector<16xf32>
      %add3A_709 = arith.constant 9.99999971E-10 : f32
      %add3A_710 = vector.broadcast %add3A_709 : f32 to vector<16xf32>
      %add3A_711 = arith.addf %sub3A_708, %add3A_710 : vector<16xf32>
      %div3A_712 = arith.divf %mul3A_700, %add3A_711 : vector<16xf32>
      %max3A_713 = arith.maximumf %add3A_676, %add3A_686 : vector<16xf32>
      %min3A_714 = arith.minimumf %sub3A_674, %sub3A_684 : vector<16xf32>
      %sub3A_715 = arith.subf %max3A_713, %min3A_714 : vector<16xf32>
      %max3A_716 = arith.constant 0.000000e+00 : f32
      %max3A_717 = vector.broadcast %max3A_716 : f32 to vector<16xf32>
      %max3A_718 = arith.maximumf %sub3A_715, %max3A_717 : vector<16xf32>
      %max3A_719 = arith.maximumf %add3A_677, %add3A_687 : vector<16xf32>
      %min3A_720 = arith.minimumf %sub3A_675, %sub3A_685 : vector<16xf32>
      %sub3A_721 = arith.subf %max3A_719, %min3A_720 : vector<16xf32>
      %max3A_722 = arith.constant 0.000000e+00 : f32
      %max3A_723 = vector.broadcast %max3A_722 : f32 to vector<16xf32>
      %max3A_724 = arith.maximumf %sub3A_721, %max3A_723 : vector<16xf32>
      %mul3A_725 = arith.mulf %max3A_718, %max3A_724 : vector<16xf32>
      %sub3A_726 = arith.subf %mul3A_725, %sub3A_708 : vector<16xf32>
      %add3A_727 = arith.constant 9.99999971E-10 : f32
      %add3A_728 = vector.broadcast %add3A_727 : f32 to vector<16xf32>
      %add3A_729 = arith.addf %mul3A_725, %add3A_728 : vector<16xf32>
      %div3A_730 = arith.divf %sub3A_726, %add3A_729 : vector<16xf32>
      %sub3A_731 = arith.subf %div3A_712, %div3A_730 : vector<16xf32>
      %sub3A_732 = arith.constant 1.000000e+00 : f32
      %sub3A_733 = vector.broadcast %sub3A_732 : f32 to vector<16xf32>
      %sub3A_734 = arith.subf %sub3A_733, %sub3A_731 : vector<16xf32>
      %mul3A_735 = arith.mulf %sub3A_734, %get3A_535 : vector<16xf32>
      %add3A_736 = arith.addf %while3A_313, %mul3A_735 : vector<16xf32>
      %sub3A_737 = arith.constant 1 : i32
      %sub3A_738 = arith.subi %sub3A_737, %while3A_315 : i32
      %eq3A_739 = arith.constant 0 : i32
      %eq3A_740 = arith.cmpi eq, %sub3A_738, %eq3A_739 : i32
      %jit3A_741 = arith.constant 1 : i32
      %jit3A_742 = arith.constant 0 : i32
      %select_n3A_743 = arith.select %eq3A_740, %jit3A_741, %jit3A_742 : i32
      %add3A_744 = arith.addi %while3A_314, %select_n3A_743 : i32
      %ge3A = arith.constant 52 : i32
      %ge3A_745 = arith.cmpi sge, %add3A_744, %ge3A : i32
      %jit3A_746 = arith.constant 0 : i32
      %select_n3A_747 = arith.select %ge3A_745, %jit3A_746, %add3A_744 : i32
      scf.yield %add3A_370, %add3A_373, %add3A_374, %add3A_523, %add3A_583, %add3A_586, %add3A_587, %add3A_736, %select_n3A_747, %sub3A_738 : vector<16xf32>, vector<16xf32>, vector<16xf32>, vector<16xf32>, vector<16xf32>, vector<16xf32>, vector<16xf32>, vector<16xf32>, i32, i32
    }
    %dma_wait3A_261 = arith.constant 0 : i32
    %dma_wait3A_262 = arith.constant 0 : i32
    %dma_wait3A_263 = arith.constant 0 : i32
    %dma_wait3A_264 = tpu.memref_slice %arg2[%min3A_25, %dma_wait3A_261, %dma_wait3A_262, %dma_wait3A_263] : memref<52x5x52x64xf32, #tpu.memory_space<hbm>> -> memref<1x5x52x64xf32, #tpu.memory_space<hbm>>
    %dma_wait3A_265 = tpu.memref_squeeze %dma_wait3A_264 : memref<1x5x52x64xf32, #tpu.memory_space<hbm>> -> memref<5x52x64xf32, #tpu.memory_space<hbm>>
    %dma_wait3A_266 = arith.constant 0 : i32
    %dma_wait3A_267 = arith.constant 0 : i32
    %dma_wait3A_268 = arith.constant 0 : i32
    %dma_wait3A_269 = tpu.memref_slice %arg2[%min3A_25, %dma_wait3A_266, %dma_wait3A_267, %dma_wait3A_268] : memref<52x5x52x64xf32, #tpu.memory_space<hbm>> -> memref<1x5x52x64xf32, #tpu.memory_space<hbm>>
    %dma_wait3A_270 = tpu.memref_squeeze %dma_wait3A_269 : memref<1x5x52x64xf32, #tpu.memory_space<hbm>> -> memref<5x52x64xf32, #tpu.memory_space<hbm>>
    tpu.wait_dma2 semaphore(%arg14 : memref<!tpu.dma_semaphore, #tpu.memory_space<semaphore_mem>>) src(%dma_wait3A_270 : memref<5x52x64xf32, #tpu.memory_space<hbm>>) dst(%arg7 : memref<5x52x64xf32, #tpu.memory_space<vmem>>)
    %dma_wait3A_271 = arith.constant 0 : i32
    %dma_wait3A_272 = arith.constant 0 : i32
    %dma_wait3A_273 = arith.constant 0 : i32
    %dma_wait3A_274 = tpu.memref_slice %arg3[%min3A_25, %dma_wait3A_271, %dma_wait3A_272, %dma_wait3A_273] : memref<52x5x52x64xf32, #tpu.memory_space<hbm>> -> memref<1x5x52x64xf32, #tpu.memory_space<hbm>>
    %dma_wait3A_275 = tpu.memref_squeeze %dma_wait3A_274 : memref<1x5x52x64xf32, #tpu.memory_space<hbm>> -> memref<5x52x64xf32, #tpu.memory_space<hbm>>
    %dma_wait3A_276 = arith.constant 0 : i32
    %dma_wait3A_277 = arith.constant 0 : i32
    %dma_wait3A_278 = arith.constant 0 : i32
    %dma_wait3A_279 = tpu.memref_slice %arg3[%min3A_25, %dma_wait3A_276, %dma_wait3A_277, %dma_wait3A_278] : memref<52x5x52x64xf32, #tpu.memory_space<hbm>> -> memref<1x5x52x64xf32, #tpu.memory_space<hbm>>
    %dma_wait3A_280 = tpu.memref_squeeze %dma_wait3A_279 : memref<1x5x52x64xf32, #tpu.memory_space<hbm>> -> memref<5x52x64xf32, #tpu.memory_space<hbm>>
    tpu.wait_dma2 semaphore(%arg14 : memref<!tpu.dma_semaphore, #tpu.memory_space<semaphore_mem>>) src(%dma_wait3A_280 : memref<5x52x64xf32, #tpu.memory_space<hbm>>) dst(%arg10 : memref<5x52x64xf32, #tpu.memory_space<vmem>>)
    %while3A_281 = arith.constant 0 : i32
    %while3A_282 = arith.constant 0 : i32
    %while3A_283 = arith.constant 0 : i32
    %while3A_284 = arith.subi %sub3A_198, %while3A_281 : i32
    %while3A_285 = arith.addi %while3A_281, %while3A_284 : i32
    %while3A_286 = arith.constant 1 : i32
    %while3A_287 = arith.divsi %while3A_284, %while3A_286 : i32
    %while3A_288 = arith.muli %while3A_287, %while3A_286 : i32
    %while3A_289 = arith.addi %while3A_281, %while3A_288 : i32
    %while3A_290 = arith.constant 1 : i32
    %while3A_291:10 = scf.for %while3A_305 = %while3A_281 to %while3A_289 step %while3A_290 iter_args(%while3A_306 = %while3A_260#0, %while3A_307 = %while3A_260#1, %while3A_308 = %while3A_260#2, %while3A_309 = %while3A_260#3, %while3A_310 = %while3A_260#4, %while3A_311 = %while3A_260#5, %while3A_312 = %while3A_260#6, %while3A_313 = %while3A_260#7, %while3A_314 = %while3A_282, %while3A_315 = %while3A_283) -> (vector<16xf32>, vector<16xf32>, vector<16xf32>, vector<16xf32>, vector<16xf32>, vector<16xf32>, vector<16xf32>, vector<16xf32>, i32, i32)  : i32 {
      %mul3A_316 = arith.constant 32 : i32
      %mul3A_317 = arith.muli %while3A_315, %mul3A_316 : i32
      %get3A = arith.constant 0 : i32
      %get3A_318 = arith.index_cast %get3A : i32 to index
      %get3A_319 = arith.index_cast %while3A_314 : i32 to index
      %get3A_320 = arith.index_cast %mul3A_317 : i32 to index
      %get3A_321 = tpu.vector_load %arg7[%get3A_318, %get3A_319, %get3A_320] {strides = array<i32>} : memref<5x52x64xf32, #tpu.memory_space<vmem>>, vector<16xf32>,
      %get3A_322 = arith.constant 0 : i32
      %get3A_323 = arith.index_cast %get3A_322 : i32 to index
      %get3A_324 = arith.index_cast %while3A_314 : i32 to index
      %get3A_325 = arith.index_cast %mul3A_317 : i32 to index
      %get3A_326 = tpu.vector_load %arg10[%get3A_323, %get3A_324, %get3A_325] {strides = array<i32>} : memref<5x52x64xf32, #tpu.memory_space<vmem>>, vector<16xf32>,
      %max3A = arith.constant 0.000000e+00 : f32
      %max3A_327 = vector.broadcast %max3A : f32 to vector<16xf32>
      %max3A_328 = arith.maximumf %get3A_321, %max3A_327 : vector<16xf32>
      %abs3A = math.absf %get3A_321 : vector<16xf32>
      %neg3A = arith.constant 0.000000e+00 : f32
      %neg3A_329 = vector.broadcast %neg3A : f32 to vector<16xf32>
      %neg3A_330 = arith.subf %neg3A_329, %abs3A : vector<16xf32>
      %exp3A = math.exp %neg3A_330 : vector<16xf32>
      %mul3A_331 = arith.constant -0.00615147082 : f32
      %mul3A_332 = vector.broadcast %mul3A_331 : f32 to vector<16xf32>
      %mul3A_333 = arith.mulf %mul3A_332, %exp3A : vector<16xf32>
      %add3A_334 = arith.constant 0.0348497108 : f32
      %add3A_335 = vector.broadcast %add3A_334 : f32 to vector<16xf32>
      %add3A_336 = arith.addf %mul3A_333, %add3A_335 : vector<16xf32>
      %mul3A_337 = arith.mulf %add3A_336, %exp3A : vector<16xf32>
      %add3A_338 = arith.constant -0.0932520404 : f32
      %add3A_339 = vector.broadcast %add3A_338 : f32 to vector<16xf32>
      %add3A_340 = arith.addf %mul3A_337, %add3A_339 : vector<16xf32>
      %mul3A_341 = arith.mulf %add3A_340, %exp3A : vector<16xf32>
      %add3A_342 = arith.constant 0.165822759 : f32
      %add3A_343 = vector.broadcast %add3A_342 : f32 to vector<16xf32>
      %add3A_344 = arith.addf %mul3A_341, %add3A_343 : vector<16xf32>
      %mul3A_345 = arith.mulf %add3A_344, %exp3A : vector<16xf32>
      %add3A_346 = arith.constant -0.239826158 : f32
      %add3A_347 = vector.broadcast %add3A_346 : f32 to vector<16xf32>
      %add3A_348 = arith.addf %mul3A_345, %add3A_347 : vector<16xf32>
      %mul3A_349 = arith.mulf %add3A_348, %exp3A : vector<16xf32>
      %add3A_350 = arith.constant 0.331548631 : f32
      %add3A_351 = vector.broadcast %add3A_350 : f32 to vector<16xf32>
      %add3A_352 = arith.addf %mul3A_349, %add3A_351 : vector<16xf32>
      %mul3A_353 = arith.mulf %add3A_352, %exp3A : vector<16xf32>
      %add3A_354 = arith.constant -0.499838561 : f32
      %add3A_355 = vector.broadcast %add3A_354 : f32 to vector<16xf32>
      %add3A_356 = arith.addf %mul3A_353, %add3A_355 : vector<16xf32>
      %mul3A_357 = arith.mulf %add3A_356, %exp3A : vector<16xf32>
      %add3A_358 = arith.constant 0.999994277 : f32
      %add3A_359 = vector.broadcast %add3A_358 : f32 to vector<16xf32>
      %add3A_360 = arith.addf %mul3A_357, %add3A_359 : vector<16xf32>
      %mul3A_361 = arith.mulf %add3A_360, %exp3A : vector<16xf32>
      %add3A_362 = arith.constant 3.38696537E-8 : f32
      %add3A_363 = vector.broadcast %add3A_362 : f32 to vector<16xf32>
      %add3A_364 = arith.addf %mul3A_361, %add3A_363 : vector<16xf32>
      %add3A_365 = arith.addf %max3A_328, %add3A_364 : vector<16xf32>
      %sub3A_366 = arith.constant 1.000000e+00 : f32
      %sub3A_367 = vector.broadcast %sub3A_366 : f32 to vector<16xf32>
      %sub3A_368 = arith.subf %sub3A_367, %get3A_326 : vector<16xf32>
      %mul3A_369 = arith.mulf %add3A_365, %sub3A_368 : vector<16xf32>
      %add3A_370 = arith.addf %while3A_306, %mul3A_369 : vector<16xf32>
      %sub3A_371 = arith.subf %add3A_365, %get3A_321 : vector<16xf32>
      %mul3A_372 = arith.mulf %sub3A_371, %get3A_326 : vector<16xf32>
      %add3A_373 = arith.addf %while3A_307, %mul3A_372 : vector<16xf32>
      %add3A_374 = arith.addf %while3A_308, %get3A_326 : vector<16xf32>
      %get3A_375 = arith.constant 1 : i32
      %get3A_376 = arith.index_cast %get3A_375 : i32 to index
      %get3A_377 = arith.index_cast %while3A_314 : i32 to index
      %get3A_378 = arith.index_cast %mul3A_317 : i32 to index
      %get3A_379 = tpu.vector_load %arg7[%get3A_376, %get3A_377, %get3A_378] {strides = array<i32>} : memref<5x52x64xf32, #tpu.memory_space<vmem>>, vector<16xf32>,
      %get3A_380 = arith.constant 2 : i32
      %get3A_381 = arith.index_cast %get3A_380 : i32 to index
      %get3A_382 = arith.index_cast %while3A_314 : i32 to index
      %get3A_383 = arith.index_cast %mul3A_317 : i32 to index
      %get3A_384 = tpu.vector_load %arg7[%get3A_381, %get3A_382, %get3A_383] {strides = array<i32>} : memref<5x52x64xf32, #tpu.memory_space<vmem>>, vector<16xf32>,
      %get3A_385 = arith.constant 3 : i32
      %get3A_386 = arith.index_cast %get3A_385 : i32 to index
      %get3A_387 = arith.index_cast %while3A_314 : i32 to index
      %get3A_388 = arith.index_cast %mul3A_317 : i32 to index
      %get3A_389 = tpu.vector_load %arg7[%get3A_386, %get3A_387, %get3A_388] {strides = array<i32>} : memref<5x52x64xf32, #tpu.memory_space<vmem>>, vector<16xf32>,
      %get3A_390 = arith.constant 4 : i32
      %get3A_391 = arith.index_cast %get3A_390 : i32 to index
      %get3A_392 = arith.index_cast %while3A_314 : i32 to index
      %get3A_393 = arith.index_cast %mul3A_317 : i32 to index
      %get3A_394 = tpu.vector_load %arg7[%get3A_391, %get3A_392, %get3A_393] {strides = array<i32>} : memref<5x52x64xf32, #tpu.memory_space<vmem>>, vector<16xf32>,
      %get3A_395 = arith.constant 1 : i32
      %get3A_396 = arith.index_cast %get3A_395 : i32 to index
      %get3A_397 = arith.index_cast %while3A_314 : i32 to index
      %get3A_398 = arith.index_cast %mul3A_317 : i32 to index
      %get3A_399 = tpu.vector_load %arg10[%get3A_396, %get3A_397, %get3A_398] {strides = array<i32>} : memref<5x52x64xf32, #tpu.memory_space<vmem>>, vector<16xf32>,
      %get3A_400 = arith.constant 2 : i32
      %get3A_401 = arith.index_cast %get3A_400 : i32 to index
      %get3A_402 = arith.index_cast %while3A_314 : i32 to index
      %get3A_403 = arith.index_cast %mul3A_317 : i32 to index
      %get3A_404 = tpu.vector_load %arg10[%get3A_401, %get3A_402, %get3A_403] {strides = array<i32>} : memref<5x52x64xf32, #tpu.memory_space<vmem>>, vector<16xf32>,
      %get3A_405 = arith.constant 3 : i32
      %get3A_406 = arith.index_cast %get3A_405 : i32 to index
      %get3A_407 = arith.index_cast %while3A_314 : i32 to index
      %get3A_408 = arith.index_cast %mul3A_317 : i32 to index
      %get3A_409 = tpu.vector_load %arg10[%get3A_406, %get3A_407, %get3A_408] {strides = array<i32>} : memref<5x52x64xf32, #tpu.memory_space<vmem>>, vector<16xf32>,
      %get3A_410 = arith.constant 4 : i32
      %get3A_411 = arith.index_cast %get3A_410 : i32 to index
      %get3A_412 = arith.index_cast %while3A_314 : i32 to index
      %get3A_413 = arith.index_cast %mul3A_317 : i32 to index
      %get3A_414 = tpu.vector_load %arg10[%get3A_411, %get3A_412, %get3A_413] {strides = array<i32>} : memref<5x52x64xf32, #tpu.memory_space<vmem>>, vector<16xf32>,
      %neg3A_415 = arith.constant 0.000000e+00 : f32
      %neg3A_416 = vector.broadcast %neg3A_415 : f32 to vector<16xf32>
      %neg3A_417 = arith.subf %neg3A_416, %get3A_379 : vector<16xf32>
      %exp3A_418 = math.exp %neg3A_417 : vector<16xf32>
      %add3A_419 = arith.constant 1.000000e+00 : f32
      %add3A_420 = vector.broadcast %add3A_419 : f32 to vector<16xf32>
      %add3A_421 = arith.addf %add3A_420, %exp3A_418 : vector<16xf32>
      %div3A_422 = arith.constant 1.000000e+00 : f32
      %div3A_423 = vector.broadcast %div3A_422 : f32 to vector<16xf32>
      %div3A_424 = arith.divf %div3A_423, %add3A_421 : vector<16xf32>
      %neg3A_425 = arith.constant 0.000000e+00 : f32
      %neg3A_426 = vector.broadcast %neg3A_425 : f32 to vector<16xf32>
      %neg3A_427 = arith.subf %neg3A_426, %get3A_384 : vector<16xf32>
      %exp3A_428 = math.exp %neg3A_427 : vector<16xf32>
      %add3A_429 = arith.constant 1.000000e+00 : f32
      %add3A_430 = vector.broadcast %add3A_429 : f32 to vector<16xf32>
      %add3A_431 = arith.addf %add3A_430, %exp3A_428 : vector<16xf32>
      %div3A_432 = arith.constant 1.000000e+00 : f32
      %div3A_433 = vector.broadcast %div3A_432 : f32 to vector<16xf32>
      %div3A_434 = arith.divf %div3A_433, %add3A_431 : vector<16xf32>
      %neg3A_435 = arith.constant 0.000000e+00 : f32
      %neg3A_436 = vector.broadcast %neg3A_435 : f32 to vector<16xf32>
      %neg3A_437 = arith.subf %neg3A_436, %get3A_389 : vector<16xf32>
      %exp3A_438 = math.exp %neg3A_437 : vector<16xf32>
      %add3A_439 = arith.constant 1.000000e+00 : f32
      %add3A_440 = vector.broadcast %add3A_439 : f32 to vector<16xf32>
      %add3A_441 = arith.addf %add3A_440, %exp3A_438 : vector<16xf32>
      %div3A_442 = arith.constant 1.000000e+00 : f32
      %div3A_443 = vector.broadcast %div3A_442 : f32 to vector<16xf32>
      %div3A_444 = arith.divf %div3A_443, %add3A_441 : vector<16xf32>
      %neg3A_445 = arith.constant 0.000000e+00 : f32
      %neg3A_446 = vector.broadcast %neg3A_445 : f32 to vector<16xf32>
      %neg3A_447 = arith.subf %neg3A_446, %get3A_394 : vector<16xf32>
      %exp3A_448 = math.exp %neg3A_447 : vector<16xf32>
      %add3A_449 = arith.constant 1.000000e+00 : f32
      %add3A_450 = vector.broadcast %add3A_449 : f32 to vector<16xf32>
      %add3A_451 = arith.addf %add3A_450, %exp3A_448 : vector<16xf32>
      %div3A_452 = arith.constant 1.000000e+00 : f32
      %div3A_453 = vector.broadcast %div3A_452 : f32 to vector<16xf32>
      %div3A_454 = arith.divf %div3A_453, %add3A_451 : vector<16xf32>
      %mul3A_455 = arith.constant 2.600000e+01 : f32
      %mul3A_456 = vector.broadcast %mul3A_455 : f32 to vector<16xf32>
      %mul3A_457 = arith.mulf %div3A_444, %mul3A_456 : vector<16xf32>
      %mul3A_458 = arith.constant 2.600000e+01 : f32
      %mul3A_459 = vector.broadcast %mul3A_458 : f32 to vector<16xf32>
      %mul3A_460 = arith.mulf %div3A_454, %mul3A_459 : vector<16xf32>
      %sub3A_461 = arith.subf %div3A_424, %mul3A_457 : vector<16xf32>
      %sub3A_462 = arith.subf %div3A_434, %mul3A_460 : vector<16xf32>
      %add3A_463 = arith.addf %div3A_424, %mul3A_457 : vector<16xf32>
      %add3A_464 = arith.addf %div3A_434, %mul3A_460 : vector<16xf32>
      %mul3A_465 = arith.constant 2.600000e+01 : f32
      %mul3A_466 = vector.broadcast %mul3A_465 : f32 to vector<16xf32>
      %mul3A_467 = arith.mulf %get3A_409, %mul3A_466 : vector<16xf32>
      %mul3A_468 = arith.constant 2.600000e+01 : f32
      %mul3A_469 = vector.broadcast %mul3A_468 : f32 to vector<16xf32>
      %mul3A_470 = arith.mulf %get3A_414, %mul3A_469 : vector<16xf32>
      %sub3A_471 = arith.subf %get3A_399, %mul3A_467 : vector<16xf32>
      %sub3A_472 = arith.subf %get3A_404, %mul3A_470 : vector<16xf32>
      %add3A_473 = arith.addf %get3A_399, %mul3A_467 : vector<16xf32>
      %add3A_474 = arith.addf %get3A_404, %mul3A_470 : vector<16xf32>
      %min3A_475 = arith.minimumf %add3A_463, %add3A_473 : vector<16xf32>
      %max3A_476 = arith.maximumf %sub3A_461, %sub3A_471 : vector<16xf32>
      %sub3A_477 = arith.subf %min3A_475, %max3A_476 : vector<16xf32>
      %max3A_478 = arith.constant 0.000000e+00 : f32
      %max3A_479 = vector.broadcast %max3A_478 : f32 to vector<16xf32>
      %max3A_480 = arith.maximumf %sub3A_477, %max3A_479 : vector<16xf32>
      %min3A_481 = arith.minimumf %add3A_464, %add3A_474 : vector<16xf32>
      %max3A_482 = arith.maximumf %sub3A_462, %sub3A_472 : vector<16xf32>
      %sub3A_483 = arith.subf %min3A_481, %max3A_482 : vector<16xf32>
      %max3A_484 = arith.constant 0.000000e+00 : f32
      %max3A_485 = vector.broadcast %max3A_484 : f32 to vector<16xf32>
      %max3A_486 = arith.maximumf %sub3A_483, %max3A_485 : vector<16xf32>
      %mul3A_487 = arith.mulf %max3A_480, %max3A_486 : vector<16xf32>
      %sub3A_488 = arith.subf %add3A_463, %sub3A_461 : vector<16xf32>
      %sub3A_489 = arith.subf %add3A_464, %sub3A_462 : vector<16xf32>
      %mul3A_490 = arith.mulf %sub3A_488, %sub3A_489 : vector<16xf32>
      %sub3A_491 = arith.subf %add3A_473, %sub3A_471 : vector<16xf32>
      %sub3A_492 = arith.subf %add3A_474, %sub3A_472 : vector<16xf32>
      %mul3A_493 = arith.mulf %sub3A_491, %sub3A_492 : vector<16xf32>
      %add3A_494 = arith.addf %mul3A_490, %mul3A_493 : vector<16xf32>
      %sub3A_495 = arith.subf %add3A_494, %mul3A_487 : vector<16xf32>
      %add3A_496 = arith.constant 9.99999971E-10 : f32
      %add3A_497 = vector.broadcast %add3A_496 : f32 to vector<16xf32>
      %add3A_498 = arith.addf %sub3A_495, %add3A_497 : vector<16xf32>
      %div3A_499 = arith.divf %mul3A_487, %add3A_498 : vector<16xf32>
      %max3A_500 = arith.maximumf %add3A_463, %add3A_473 : vector<16xf32>
      %min3A_501 = arith.minimumf %sub3A_461, %sub3A_471 : vector<16xf32>
      %sub3A_502 = arith.subf %max3A_500, %min3A_501 : vector<16xf32>
      %max3A_503 = arith.constant 0.000000e+00 : f32
      %max3A_504 = vector.broadcast %max3A_503 : f32 to vector<16xf32>
      %max3A_505 = arith.maximumf %sub3A_502, %max3A_504 : vector<16xf32>
      %max3A_506 = arith.maximumf %add3A_464, %add3A_474 : vector<16xf32>
      %min3A_507 = arith.minimumf %sub3A_462, %sub3A_472 : vector<16xf32>
      %sub3A_508 = arith.subf %max3A_506, %min3A_507 : vector<16xf32>
      %max3A_509 = arith.constant 0.000000e+00 : f32
      %max3A_510 = vector.broadcast %max3A_509 : f32 to vector<16xf32>
      %max3A_511 = arith.maximumf %sub3A_508, %max3A_510 : vector<16xf32>
      %mul3A_512 = arith.mulf %max3A_505, %max3A_511 : vector<16xf32>
      %sub3A_513 = arith.subf %mul3A_512, %sub3A_495 : vector<16xf32>
      %add3A_514 = arith.constant 9.99999971E-10 : f32
      %add3A_515 = vector.broadcast %add3A_514 : f32 to vector<16xf32>
      %add3A_516 = arith.addf %mul3A_512, %add3A_515 : vector<16xf32>
      %div3A_517 = arith.divf %sub3A_513, %add3A_516 : vector<16xf32>
      %sub3A_518 = arith.subf %div3A_499, %div3A_517 : vector<16xf32>
      %sub3A_519 = arith.constant 1.000000e+00 : f32
      %sub3A_520 = vector.broadcast %sub3A_519 : f32 to vector<16xf32>
      %sub3A_521 = arith.subf %sub3A_520, %sub3A_518 : vector<16xf32>
      %mul3A_522 = arith.mulf %sub3A_521, %get3A_326 : vector<16xf32>
      %add3A_523 = arith.addf %while3A_309, %mul3A_522 : vector<16xf32>
      %add3A_524 = arith.constant 16 : i32
      %add3A_525 = arith.addi %mul3A_317, %add3A_524 : i32
      %get3A_526 = arith.constant 0 : i32
      %get3A_527 = arith.index_cast %get3A_526 : i32 to index
      %get3A_528 = arith.index_cast %while3A_314 : i32 to index
      %get3A_529 = arith.index_cast %add3A_525 : i32 to index
      %get3A_530 = tpu.vector_load %arg7[%get3A_527, %get3A_528, %get3A_529] {strides = array<i32>} : memref<5x52x64xf32, #tpu.memory_space<vmem>>, vector<16xf32>,
      %get3A_531 = arith.constant 0 : i32
      %get3A_532 = arith.index_cast %get3A_531 : i32 to index
      %get3A_533 = arith.index_cast %while3A_314 : i32 to index
      %get3A_534 = arith.index_cast %add3A_525 : i32 to index
      %get3A_535 = tpu.vector_load %arg10[%get3A_532, %get3A_533, %get3A_534] {strides = array<i32>} : memref<5x52x64xf32, #tpu.memory_space<vmem>>, vector<16xf32>,
      %max3A_536 = arith.constant 0.000000e+00 : f32
      %max3A_537 = vector.broadcast %max3A_536 : f32 to vector<16xf32>
      %max3A_538 = arith.maximumf %get3A_530, %max3A_537 : vector<16xf32>
      %abs3A_539 = math.absf %get3A_530 : vector<16xf32>
      %neg3A_540 = arith.constant 0.000000e+00 : f32
      %neg3A_541 = vector.broadcast %neg3A_540 : f32 to vector<16xf32>
      %neg3A_542 = arith.subf %neg3A_541, %abs3A_539 : vector<16xf32>
      %exp3A_543 = math.exp %neg3A_542 : vector<16xf32>
      %mul3A_544 = arith.constant -0.00615147082 : f32
      %mul3A_545 = vector.broadcast %mul3A_544 : f32 to vector<16xf32>
      %mul3A_546 = arith.mulf %mul3A_545, %exp3A_543 : vector<16xf32>
      %add3A_547 = arith.constant 0.0348497108 : f32
      %add3A_548 = vector.broadcast %add3A_547 : f32 to vector<16xf32>
      %add3A_549 = arith.addf %mul3A_546, %add3A_548 : vector<16xf32>
      %mul3A_550 = arith.mulf %add3A_549, %exp3A_543 : vector<16xf32>
      %add3A_551 = arith.constant -0.0932520404 : f32
      %add3A_552 = vector.broadcast %add3A_551 : f32 to vector<16xf32>
      %add3A_553 = arith.addf %mul3A_550, %add3A_552 : vector<16xf32>
      %mul3A_554 = arith.mulf %add3A_553, %exp3A_543 : vector<16xf32>
      %add3A_555 = arith.constant 0.165822759 : f32
      %add3A_556 = vector.broadcast %add3A_555 : f32 to vector<16xf32>
      %add3A_557 = arith.addf %mul3A_554, %add3A_556 : vector<16xf32>
      %mul3A_558 = arith.mulf %add3A_557, %exp3A_543 : vector<16xf32>
      %add3A_559 = arith.constant -0.239826158 : f32
      %add3A_560 = vector.broadcast %add3A_559 : f32 to vector<16xf32>
      %add3A_561 = arith.addf %mul3A_558, %add3A_560 : vector<16xf32>
      %mul3A_562 = arith.mulf %add3A_561, %exp3A_543 : vector<16xf32>
      %add3A_563 = arith.constant 0.331548631 : f32
      %add3A_564 = vector.broadcast %add3A_563 : f32 to vector<16xf32>
      %add3A_565 = arith.addf %mul3A_562, %add3A_564 : vector<16xf32>
      %mul3A_566 = arith.mulf %add3A_565, %exp3A_543 : vector<16xf32>
      %add3A_567 = arith.constant -0.499838561 : f32
      %add3A_568 = vector.broadcast %add3A_567 : f32 to vector<16xf32>
      %add3A_569 = arith.addf %mul3A_566, %add3A_568 : vector<16xf32>
      %mul3A_570 = arith.mulf %add3A_569, %exp3A_543 : vector<16xf32>
      %add3A_571 = arith.constant 0.999994277 : f32
      %add3A_572 = vector.broadcast %add3A_571 : f32 to vector<16xf32>
      %add3A_573 = arith.addf %mul3A_570, %add3A_572 : vector<16xf32>
      %mul3A_574 = arith.mulf %add3A_573, %exp3A_543 : vector<16xf32>
      %add3A_575 = arith.constant 3.38696537E-8 : f32
      %add3A_576 = vector.broadcast %add3A_575 : f32 to vector<16xf32>
      %add3A_577 = arith.addf %mul3A_574, %add3A_576 : vector<16xf32>
      %add3A_578 = arith.addf %max3A_538, %add3A_577 : vector<16xf32>
      %sub3A_579 = arith.constant 1.000000e+00 : f32
      %sub3A_580 = vector.broadcast %sub3A_579 : f32 to vector<16xf32>
      %sub3A_581 = arith.subf %sub3A_580, %get3A_535 : vector<16xf32>
      %mul3A_582 = arith.mulf %add3A_578, %sub3A_581 : vector<16xf32>
      %add3A_583 = arith.addf %while3A_310, %mul3A_582 : vector<16xf32>
      %sub3A_584 = arith.subf %add3A_578, %get3A_530 : vector<16xf32>
      %mul3A_585 = arith.mulf %sub3A_584, %get3A_535 : vector<16xf32>
      %add3A_586 = arith.addf %while3A_311, %mul3A_585 : vector<16xf32>
      %add3A_587 = arith.addf %while3A_312, %get3A_535 : vector<16xf32>
      %get3A_588 = arith.constant 1 : i32
      %get3A_589 = arith.index_cast %get3A_588 : i32 to index
      %get3A_590 = arith.index_cast %while3A_314 : i32 to index
      %get3A_591 = arith.index_cast %add3A_525 : i32 to index
      %get3A_592 = tpu.vector_load %arg7[%get3A_589, %get3A_590, %get3A_591] {strides = array<i32>} : memref<5x52x64xf32, #tpu.memory_space<vmem>>, vector<16xf32>,
      %get3A_593 = arith.constant 2 : i32
      %get3A_594 = arith.index_cast %get3A_593 : i32 to index
      %get3A_595 = arith.index_cast %while3A_314 : i32 to index
      %get3A_596 = arith.index_cast %add3A_525 : i32 to index
      %get3A_597 = tpu.vector_load %arg7[%get3A_594, %get3A_595, %get3A_596] {strides = array<i32>} : memref<5x52x64xf32, #tpu.memory_space<vmem>>, vector<16xf32>,
      %get3A_598 = arith.constant 3 : i32
      %get3A_599 = arith.index_cast %get3A_598 : i32 to index
      %get3A_600 = arith.index_cast %while3A_314 : i32 to index
      %get3A_601 = arith.index_cast %add3A_525 : i32 to index
      %get3A_602 = tpu.vector_load %arg7[%get3A_599, %get3A_600, %get3A_601] {strides = array<i32>} : memref<5x52x64xf32, #tpu.memory_space<vmem>>, vector<16xf32>,
      %get3A_603 = arith.constant 4 : i32
      %get3A_604 = arith.index_cast %get3A_603 : i32 to index
      %get3A_605 = arith.index_cast %while3A_314 : i32 to index
      %get3A_606 = arith.index_cast %add3A_525 : i32 to index
      %get3A_607 = tpu.vector_load %arg7[%get3A_604, %get3A_605, %get3A_606] {strides = array<i32>} : memref<5x52x64xf32, #tpu.memory_space<vmem>>, vector<16xf32>,
      %get3A_608 = arith.constant 1 : i32
      %get3A_609 = arith.index_cast %get3A_608 : i32 to index
      %get3A_610 = arith.index_cast %while3A_314 : i32 to index
      %get3A_611 = arith.index_cast %add3A_525 : i32 to index
      %get3A_612 = tpu.vector_load %arg10[%get3A_609, %get3A_610, %get3A_611] {strides = array<i32>} : memref<5x52x64xf32, #tpu.memory_space<vmem>>, vector<16xf32>,
      %get3A_613 = arith.constant 2 : i32
      %get3A_614 = arith.index_cast %get3A_613 : i32 to index
      %get3A_615 = arith.index_cast %while3A_314 : i32 to index
      %get3A_616 = arith.index_cast %add3A_525 : i32 to index
      %get3A_617 = tpu.vector_load %arg10[%get3A_614, %get3A_615, %get3A_616] {strides = array<i32>} : memref<5x52x64xf32, #tpu.memory_space<vmem>>, vector<16xf32>,
      %get3A_618 = arith.constant 3 : i32
      %get3A_619 = arith.index_cast %get3A_618 : i32 to index
      %get3A_620 = arith.index_cast %while3A_314 : i32 to index
      %get3A_621 = arith.index_cast %add3A_525 : i32 to index
      %get3A_622 = tpu.vector_load %arg10[%get3A_619, %get3A_620, %get3A_621] {strides = array<i32>} : memref<5x52x64xf32, #tpu.memory_space<vmem>>, vector<16xf32>,
      %get3A_623 = arith.constant 4 : i32
      %get3A_624 = arith.index_cast %get3A_623 : i32 to index
      %get3A_625 = arith.index_cast %while3A_314 : i32 to index
      %get3A_626 = arith.index_cast %add3A_525 : i32 to index
      %get3A_627 = tpu.vector_load %arg10[%get3A_624, %get3A_625, %get3A_626] {strides = array<i32>} : memref<5x52x64xf32, #tpu.memory_space<vmem>>, vector<16xf32>,
      %neg3A_628 = arith.constant 0.000000e+00 : f32
      %neg3A_629 = vector.broadcast %neg3A_628 : f32 to vector<16xf32>
      %neg3A_630 = arith.subf %neg3A_629, %get3A_592 : vector<16xf32>
      %exp3A_631 = math.exp %neg3A_630 : vector<16xf32>
      %add3A_632 = arith.constant 1.000000e+00 : f32
      %add3A_633 = vector.broadcast %add3A_632 : f32 to vector<16xf32>
      %add3A_634 = arith.addf %add3A_633, %exp3A_631 : vector<16xf32>
      %div3A_635 = arith.constant 1.000000e+00 : f32
      %div3A_636 = vector.broadcast %div3A_635 : f32 to vector<16xf32>
      %div3A_637 = arith.divf %div3A_636, %add3A_634 : vector<16xf32>
      %neg3A_638 = arith.constant 0.000000e+00 : f32
      %neg3A_639 = vector.broadcast %neg3A_638 : f32 to vector<16xf32>
      %neg3A_640 = arith.subf %neg3A_639, %get3A_597 : vector<16xf32>
      %exp3A_641 = math.exp %neg3A_640 : vector<16xf32>
      %add3A_642 = arith.constant 1.000000e+00 : f32
      %add3A_643 = vector.broadcast %add3A_642 : f32 to vector<16xf32>
      %add3A_644 = arith.addf %add3A_643, %exp3A_641 : vector<16xf32>
      %div3A_645 = arith.constant 1.000000e+00 : f32
      %div3A_646 = vector.broadcast %div3A_645 : f32 to vector<16xf32>
      %div3A_647 = arith.divf %div3A_646, %add3A_644 : vector<16xf32>
      %neg3A_648 = arith.constant 0.000000e+00 : f32
      %neg3A_649 = vector.broadcast %neg3A_648 : f32 to vector<16xf32>
      %neg3A_650 = arith.subf %neg3A_649, %get3A_602 : vector<16xf32>
      %exp3A_651 = math.exp %neg3A_650 : vector<16xf32>
      %add3A_652 = arith.constant 1.000000e+00 : f32
      %add3A_653 = vector.broadcast %add3A_652 : f32 to vector<16xf32>
      %add3A_654 = arith.addf %add3A_653, %exp3A_651 : vector<16xf32>
      %div3A_655 = arith.constant 1.000000e+00 : f32
      %div3A_656 = vector.broadcast %div3A_655 : f32 to vector<16xf32>
      %div3A_657 = arith.divf %div3A_656, %add3A_654 : vector<16xf32>
      %neg3A_658 = arith.constant 0.000000e+00 : f32
      %neg3A_659 = vector.broadcast %neg3A_658 : f32 to vector<16xf32>
      %neg3A_660 = arith.subf %neg3A_659, %get3A_607 : vector<16xf32>
      %exp3A_661 = math.exp %neg3A_660 : vector<16xf32>
      %add3A_662 = arith.constant 1.000000e+00 : f32
      %add3A_663 = vector.broadcast %add3A_662 : f32 to vector<16xf32>
      %add3A_664 = arith.addf %add3A_663, %exp3A_661 : vector<16xf32>
      %div3A_665 = arith.constant 1.000000e+00 : f32
      %div3A_666 = vector.broadcast %div3A_665 : f32 to vector<16xf32>
      %div3A_667 = arith.divf %div3A_666, %add3A_664 : vector<16xf32>
      %mul3A_668 = arith.constant 2.600000e+01 : f32
      %mul3A_669 = vector.broadcast %mul3A_668 : f32 to vector<16xf32>
      %mul3A_670 = arith.mulf %div3A_657, %mul3A_669 : vector<16xf32>
      %mul3A_671 = arith.constant 2.600000e+01 : f32
      %mul3A_672 = vector.broadcast %mul3A_671 : f32 to vector<16xf32>
      %mul3A_673 = arith.mulf %div3A_667, %mul3A_672 : vector<16xf32>
      %sub3A_674 = arith.subf %div3A_637, %mul3A_670 : vector<16xf32>
      %sub3A_675 = arith.subf %div3A_647, %mul3A_673 : vector<16xf32>
      %add3A_676 = arith.addf %div3A_637, %mul3A_670 : vector<16xf32>
      %add3A_677 = arith.addf %div3A_647, %mul3A_673 : vector<16xf32>
      %mul3A_678 = arith.constant 2.600000e+01 : f32
      %mul3A_679 = vector.broadcast %mul3A_678 : f32 to vector<16xf32>
      %mul3A_680 = arith.mulf %get3A_622, %mul3A_679 : vector<16xf32>
      %mul3A_681 = arith.constant 2.600000e+01 : f32
      %mul3A_682 = vector.broadcast %mul3A_681 : f32 to vector<16xf32>
      %mul3A_683 = arith.mulf %get3A_627, %mul3A_682 : vector<16xf32>
      %sub3A_684 = arith.subf %get3A_612, %mul3A_680 : vector<16xf32>
      %sub3A_685 = arith.subf %get3A_617, %mul3A_683 : vector<16xf32>
      %add3A_686 = arith.addf %get3A_612, %mul3A_680 : vector<16xf32>
      %add3A_687 = arith.addf %get3A_617, %mul3A_683 : vector<16xf32>
      %min3A_688 = arith.minimumf %add3A_676, %add3A_686 : vector<16xf32>
      %max3A_689 = arith.maximumf %sub3A_674, %sub3A_684 : vector<16xf32>
      %sub3A_690 = arith.subf %min3A_688, %max3A_689 : vector<16xf32>
      %max3A_691 = arith.constant 0.000000e+00 : f32
      %max3A_692 = vector.broadcast %max3A_691 : f32 to vector<16xf32>
      %max3A_693 = arith.maximumf %sub3A_690, %max3A_692 : vector<16xf32>
      %min3A_694 = arith.minimumf %add3A_677, %add3A_687 : vector<16xf32>
      %max3A_695 = arith.maximumf %sub3A_675, %sub3A_685 : vector<16xf32>
      %sub3A_696 = arith.subf %min3A_694, %max3A_695 : vector<16xf32>
      %max3A_697 = arith.constant 0.000000e+00 : f32
      %max3A_698 = vector.broadcast %max3A_697 : f32 to vector<16xf32>
      %max3A_699 = arith.maximumf %sub3A_696, %max3A_698 : vector<16xf32>
      %mul3A_700 = arith.mulf %max3A_693, %max3A_699 : vector<16xf32>
      %sub3A_701 = arith.subf %add3A_676, %sub3A_674 : vector<16xf32>
      %sub3A_702 = arith.subf %add3A_677, %sub3A_675 : vector<16xf32>
      %mul3A_703 = arith.mulf %sub3A_701, %sub3A_702 : vector<16xf32>
      %sub3A_704 = arith.subf %add3A_686, %sub3A_684 : vector<16xf32>
      %sub3A_705 = arith.subf %add3A_687, %sub3A_685 : vector<16xf32>
      %mul3A_706 = arith.mulf %sub3A_704, %sub3A_705 : vector<16xf32>
      %add3A_707 = arith.addf %mul3A_703, %mul3A_706 : vector<16xf32>
      %sub3A_708 = arith.subf %add3A_707, %mul3A_700 : vector<16xf32>
      %add3A_709 = arith.constant 9.99999971E-10 : f32
      %add3A_710 = vector.broadcast %add3A_709 : f32 to vector<16xf32>
      %add3A_711 = arith.addf %sub3A_708, %add3A_710 : vector<16xf32>
      %div3A_712 = arith.divf %mul3A_700, %add3A_711 : vector<16xf32>
      %max3A_713 = arith.maximumf %add3A_676, %add3A_686 : vector<16xf32>
      %min3A_714 = arith.minimumf %sub3A_674, %sub3A_684 : vector<16xf32>
      %sub3A_715 = arith.subf %max3A_713, %min3A_714 : vector<16xf32>
      %max3A_716 = arith.constant 0.000000e+00 : f32
      %max3A_717 = vector.broadcast %max3A_716 : f32 to vector<16xf32>
      %max3A_718 = arith.maximumf %sub3A_715, %max3A_717 : vector<16xf32>
      %max3A_719 = arith.maximumf %add3A_677, %add3A_687 : vector<16xf32>
      %min3A_720 = arith.minimumf %sub3A_675, %sub3A_685 : vector<16xf32>
      %sub3A_721 = arith.subf %max3A_719, %min3A_720 : vector<16xf32>
      %max3A_722 = arith.constant 0.000000e+00 : f32
      %max3A_723 = vector.broadcast %max3A_722 : f32 to vector<16xf32>
      %max3A_724 = arith.maximumf %sub3A_721, %max3A_723 : vector<16xf32>
      %mul3A_725 = arith.mulf %max3A_718, %max3A_724 : vector<16xf32>
      %sub3A_726 = arith.subf %mul3A_725, %sub3A_708 : vector<16xf32>
      %add3A_727 = arith.constant 9.99999971E-10 : f32
      %add3A_728 = vector.broadcast %add3A_727 : f32 to vector<16xf32>
      %add3A_729 = arith.addf %mul3A_725, %add3A_728 : vector<16xf32>
      %div3A_730 = arith.divf %sub3A_726, %add3A_729 : vector<16xf32>
      %sub3A_731 = arith.subf %div3A_712, %div3A_730 : vector<16xf32>
      %sub3A_732 = arith.constant 1.000000e+00 : f32
      %sub3A_733 = vector.broadcast %sub3A_732 : f32 to vector<16xf32>
      %sub3A_734 = arith.subf %sub3A_733, %sub3A_731 : vector<16xf32>
      %mul3A_735 = arith.mulf %sub3A_734, %get3A_535 : vector<16xf32>
      %add3A_736 = arith.addf %while3A_313, %mul3A_735 : vector<16xf32>
      %sub3A_737 = arith.constant 1 : i32
      %sub3A_738 = arith.subi %sub3A_737, %while3A_315 : i32
      %eq3A_739 = arith.constant 0 : i32
      %eq3A_740 = arith.cmpi eq, %sub3A_738, %eq3A_739 : i32
      %jit3A_741 = arith.constant 1 : i32
      %jit3A_742 = arith.constant 0 : i32
      %select_n3A_743 = arith.select %eq3A_740, %jit3A_741, %jit3A_742 : i32
      %add3A_744 = arith.addi %while3A_314, %select_n3A_743 : i32
      %ge3A = arith.constant 52 : i32
      %ge3A_745 = arith.cmpi sge, %add3A_744, %ge3A : i32
      %jit3A_746 = arith.constant 0 : i32
      %select_n3A_747 = arith.select %ge3A_745, %jit3A_746, %add3A_744 : i32
      scf.yield %add3A_370, %add3A_373, %add3A_374, %add3A_523, %add3A_583, %add3A_586, %add3A_587, %add3A_736, %select_n3A_747, %sub3A_738 : vector<16xf32>, vector<16xf32>, vector<16xf32>, vector<16xf32>, vector<16xf32>, vector<16xf32>, vector<16xf32>, vector<16xf32>, i32, i32
    }
    %while3A_292 = arith.constant 1 : i32
    %while3A_293:10 = scf.for %while3A_305 = %while3A_289 to %while3A_285 step %while3A_292 iter_args(%while3A_306 = %while3A_291#0, %while3A_307 = %while3A_291#1, %while3A_308 = %while3A_291#2, %while3A_309 = %while3A_291#3, %while3A_310 = %while3A_291#4, %while3A_311 = %while3A_291#5, %while3A_312 = %while3A_291#6, %while3A_313 = %while3A_291#7, %while3A_314 = %while3A_291#8, %while3A_315 = %while3A_291#9) -> (vector<16xf32>, vector<16xf32>, vector<16xf32>, vector<16xf32>, vector<16xf32>, vector<16xf32>, vector<16xf32>, vector<16xf32>, i32, i32)  : i32 {
      %mul3A_316 = arith.constant 32 : i32
      %mul3A_317 = arith.muli %while3A_315, %mul3A_316 : i32
      %get3A = arith.constant 0 : i32
      %get3A_318 = arith.index_cast %get3A : i32 to index
      %get3A_319 = arith.index_cast %while3A_314 : i32 to index
      %get3A_320 = arith.index_cast %mul3A_317 : i32 to index
      %get3A_321 = tpu.vector_load %arg7[%get3A_318, %get3A_319, %get3A_320] {strides = array<i32>} : memref<5x52x64xf32, #tpu.memory_space<vmem>>, vector<16xf32>,
      %get3A_322 = arith.constant 0 : i32
      %get3A_323 = arith.index_cast %get3A_322 : i32 to index
      %get3A_324 = arith.index_cast %while3A_314 : i32 to index
      %get3A_325 = arith.index_cast %mul3A_317 : i32 to index
      %get3A_326 = tpu.vector_load %arg10[%get3A_323, %get3A_324, %get3A_325] {strides = array<i32>} : memref<5x52x64xf32, #tpu.memory_space<vmem>>, vector<16xf32>,
      %max3A = arith.constant 0.000000e+00 : f32
      %max3A_327 = vector.broadcast %max3A : f32 to vector<16xf32>
      %max3A_328 = arith.maximumf %get3A_321, %max3A_327 : vector<16xf32>
      %abs3A = math.absf %get3A_321 : vector<16xf32>
      %neg3A = arith.constant 0.000000e+00 : f32
      %neg3A_329 = vector.broadcast %neg3A : f32 to vector<16xf32>
      %neg3A_330 = arith.subf %neg3A_329, %abs3A : vector<16xf32>
      %exp3A = math.exp %neg3A_330 : vector<16xf32>
      %mul3A_331 = arith.constant -0.00615147082 : f32
      %mul3A_332 = vector.broadcast %mul3A_331 : f32 to vector<16xf32>
      %mul3A_333 = arith.mulf %mul3A_332, %exp3A : vector<16xf32>
      %add3A_334 = arith.constant 0.0348497108 : f32
      %add3A_335 = vector.broadcast %add3A_334 : f32 to vector<16xf32>
      %add3A_336 = arith.addf %mul3A_333, %add3A_335 : vector<16xf32>
      %mul3A_337 = arith.mulf %add3A_336, %exp3A : vector<16xf32>
      %add3A_338 = arith.constant -0.0932520404 : f32
      %add3A_339 = vector.broadcast %add3A_338 : f32 to vector<16xf32>
      %add3A_340 = arith.addf %mul3A_337, %add3A_339 : vector<16xf32>
      %mul3A_341 = arith.mulf %add3A_340, %exp3A : vector<16xf32>
      %add3A_342 = arith.constant 0.165822759 : f32
      %add3A_343 = vector.broadcast %add3A_342 : f32 to vector<16xf32>
      %add3A_344 = arith.addf %mul3A_341, %add3A_343 : vector<16xf32>
      %mul3A_345 = arith.mulf %add3A_344, %exp3A : vector<16xf32>
      %add3A_346 = arith.constant -0.239826158 : f32
      %add3A_347 = vector.broadcast %add3A_346 : f32 to vector<16xf32>
      %add3A_348 = arith.addf %mul3A_345, %add3A_347 : vector<16xf32>
      %mul3A_349 = arith.mulf %add3A_348, %exp3A : vector<16xf32>
      %add3A_350 = arith.constant 0.331548631 : f32
      %add3A_351 = vector.broadcast %add3A_350 : f32 to vector<16xf32>
      %add3A_352 = arith.addf %mul3A_349, %add3A_351 : vector<16xf32>
      %mul3A_353 = arith.mulf %add3A_352, %exp3A : vector<16xf32>
      %add3A_354 = arith.constant -0.499838561 : f32
      %add3A_355 = vector.broadcast %add3A_354 : f32 to vector<16xf32>
      %add3A_356 = arith.addf %mul3A_353, %add3A_355 : vector<16xf32>
      %mul3A_357 = arith.mulf %add3A_356, %exp3A : vector<16xf32>
      %add3A_358 = arith.constant 0.999994277 : f32
      %add3A_359 = vector.broadcast %add3A_358 : f32 to vector<16xf32>
      %add3A_360 = arith.addf %mul3A_357, %add3A_359 : vector<16xf32>
      %mul3A_361 = arith.mulf %add3A_360, %exp3A : vector<16xf32>
      %add3A_362 = arith.constant 3.38696537E-8 : f32
      %add3A_363 = vector.broadcast %add3A_362 : f32 to vector<16xf32>
      %add3A_364 = arith.addf %mul3A_361, %add3A_363 : vector<16xf32>
      %add3A_365 = arith.addf %max3A_328, %add3A_364 : vector<16xf32>
      %sub3A_366 = arith.constant 1.000000e+00 : f32
      %sub3A_367 = vector.broadcast %sub3A_366 : f32 to vector<16xf32>
      %sub3A_368 = arith.subf %sub3A_367, %get3A_326 : vector<16xf32>
      %mul3A_369 = arith.mulf %add3A_365, %sub3A_368 : vector<16xf32>
      %add3A_370 = arith.addf %while3A_306, %mul3A_369 : vector<16xf32>
      %sub3A_371 = arith.subf %add3A_365, %get3A_321 : vector<16xf32>
      %mul3A_372 = arith.mulf %sub3A_371, %get3A_326 : vector<16xf32>
      %add3A_373 = arith.addf %while3A_307, %mul3A_372 : vector<16xf32>
      %add3A_374 = arith.addf %while3A_308, %get3A_326 : vector<16xf32>
      %get3A_375 = arith.constant 1 : i32
      %get3A_376 = arith.index_cast %get3A_375 : i32 to index
      %get3A_377 = arith.index_cast %while3A_314 : i32 to index
      %get3A_378 = arith.index_cast %mul3A_317 : i32 to index
      %get3A_379 = tpu.vector_load %arg7[%get3A_376, %get3A_377, %get3A_378] {strides = array<i32>} : memref<5x52x64xf32, #tpu.memory_space<vmem>>, vector<16xf32>,
      %get3A_380 = arith.constant 2 : i32
      %get3A_381 = arith.index_cast %get3A_380 : i32 to index
      %get3A_382 = arith.index_cast %while3A_314 : i32 to index
      %get3A_383 = arith.index_cast %mul3A_317 : i32 to index
      %get3A_384 = tpu.vector_load %arg7[%get3A_381, %get3A_382, %get3A_383] {strides = array<i32>} : memref<5x52x64xf32, #tpu.memory_space<vmem>>, vector<16xf32>,
      %get3A_385 = arith.constant 3 : i32
      %get3A_386 = arith.index_cast %get3A_385 : i32 to index
      %get3A_387 = arith.index_cast %while3A_314 : i32 to index
      %get3A_388 = arith.index_cast %mul3A_317 : i32 to index
      %get3A_389 = tpu.vector_load %arg7[%get3A_386, %get3A_387, %get3A_388] {strides = array<i32>} : memref<5x52x64xf32, #tpu.memory_space<vmem>>, vector<16xf32>,
      %get3A_390 = arith.constant 4 : i32
      %get3A_391 = arith.index_cast %get3A_390 : i32 to index
      %get3A_392 = arith.index_cast %while3A_314 : i32 to index
      %get3A_393 = arith.index_cast %mul3A_317 : i32 to index
      %get3A_394 = tpu.vector_load %arg7[%get3A_391, %get3A_392, %get3A_393] {strides = array<i32>} : memref<5x52x64xf32, #tpu.memory_space<vmem>>, vector<16xf32>,
      %get3A_395 = arith.constant 1 : i32
      %get3A_396 = arith.index_cast %get3A_395 : i32 to index
      %get3A_397 = arith.index_cast %while3A_314 : i32 to index
      %get3A_398 = arith.index_cast %mul3A_317 : i32 to index
      %get3A_399 = tpu.vector_load %arg10[%get3A_396, %get3A_397, %get3A_398] {strides = array<i32>} : memref<5x52x64xf32, #tpu.memory_space<vmem>>, vector<16xf32>,
      %get3A_400 = arith.constant 2 : i32
      %get3A_401 = arith.index_cast %get3A_400 : i32 to index
      %get3A_402 = arith.index_cast %while3A_314 : i32 to index
      %get3A_403 = arith.index_cast %mul3A_317 : i32 to index
      %get3A_404 = tpu.vector_load %arg10[%get3A_401, %get3A_402, %get3A_403] {strides = array<i32>} : memref<5x52x64xf32, #tpu.memory_space<vmem>>, vector<16xf32>,
      %get3A_405 = arith.constant 3 : i32
      %get3A_406 = arith.index_cast %get3A_405 : i32 to index
      %get3A_407 = arith.index_cast %while3A_314 : i32 to index
      %get3A_408 = arith.index_cast %mul3A_317 : i32 to index
      %get3A_409 = tpu.vector_load %arg10[%get3A_406, %get3A_407, %get3A_408] {strides = array<i32>} : memref<5x52x64xf32, #tpu.memory_space<vmem>>, vector<16xf32>,
      %get3A_410 = arith.constant 4 : i32
      %get3A_411 = arith.index_cast %get3A_410 : i32 to index
      %get3A_412 = arith.index_cast %while3A_314 : i32 to index
      %get3A_413 = arith.index_cast %mul3A_317 : i32 to index
      %get3A_414 = tpu.vector_load %arg10[%get3A_411, %get3A_412, %get3A_413] {strides = array<i32>} : memref<5x52x64xf32, #tpu.memory_space<vmem>>, vector<16xf32>,
      %neg3A_415 = arith.constant 0.000000e+00 : f32
      %neg3A_416 = vector.broadcast %neg3A_415 : f32 to vector<16xf32>
      %neg3A_417 = arith.subf %neg3A_416, %get3A_379 : vector<16xf32>
      %exp3A_418 = math.exp %neg3A_417 : vector<16xf32>
      %add3A_419 = arith.constant 1.000000e+00 : f32
      %add3A_420 = vector.broadcast %add3A_419 : f32 to vector<16xf32>
      %add3A_421 = arith.addf %add3A_420, %exp3A_418 : vector<16xf32>
      %div3A_422 = arith.constant 1.000000e+00 : f32
      %div3A_423 = vector.broadcast %div3A_422 : f32 to vector<16xf32>
      %div3A_424 = arith.divf %div3A_423, %add3A_421 : vector<16xf32>
      %neg3A_425 = arith.constant 0.000000e+00 : f32
      %neg3A_426 = vector.broadcast %neg3A_425 : f32 to vector<16xf32>
      %neg3A_427 = arith.subf %neg3A_426, %get3A_384 : vector<16xf32>
      %exp3A_428 = math.exp %neg3A_427 : vector<16xf32>
      %add3A_429 = arith.constant 1.000000e+00 : f32
      %add3A_430 = vector.broadcast %add3A_429 : f32 to vector<16xf32>
      %add3A_431 = arith.addf %add3A_430, %exp3A_428 : vector<16xf32>
      %div3A_432 = arith.constant 1.000000e+00 : f32
      %div3A_433 = vector.broadcast %div3A_432 : f32 to vector<16xf32>
      %div3A_434 = arith.divf %div3A_433, %add3A_431 : vector<16xf32>
      %neg3A_435 = arith.constant 0.000000e+00 : f32
      %neg3A_436 = vector.broadcast %neg3A_435 : f32 to vector<16xf32>
      %neg3A_437 = arith.subf %neg3A_436, %get3A_389 : vector<16xf32>
      %exp3A_438 = math.exp %neg3A_437 : vector<16xf32>
      %add3A_439 = arith.constant 1.000000e+00 : f32
      %add3A_440 = vector.broadcast %add3A_439 : f32 to vector<16xf32>
      %add3A_441 = arith.addf %add3A_440, %exp3A_438 : vector<16xf32>
      %div3A_442 = arith.constant 1.000000e+00 : f32
      %div3A_443 = vector.broadcast %div3A_442 : f32 to vector<16xf32>
      %div3A_444 = arith.divf %div3A_443, %add3A_441 : vector<16xf32>
      %neg3A_445 = arith.constant 0.000000e+00 : f32
      %neg3A_446 = vector.broadcast %neg3A_445 : f32 to vector<16xf32>
      %neg3A_447 = arith.subf %neg3A_446, %get3A_394 : vector<16xf32>
      %exp3A_448 = math.exp %neg3A_447 : vector<16xf32>
      %add3A_449 = arith.constant 1.000000e+00 : f32
      %add3A_450 = vector.broadcast %add3A_449 : f32 to vector<16xf32>
      %add3A_451 = arith.addf %add3A_450, %exp3A_448 : vector<16xf32>
      %div3A_452 = arith.constant 1.000000e+00 : f32
      %div3A_453 = vector.broadcast %div3A_452 : f32 to vector<16xf32>
      %div3A_454 = arith.divf %div3A_453, %add3A_451 : vector<16xf32>
      %mul3A_455 = arith.constant 2.600000e+01 : f32
      %mul3A_456 = vector.broadcast %mul3A_455 : f32 to vector<16xf32>
      %mul3A_457 = arith.mulf %div3A_444, %mul3A_456 : vector<16xf32>
      %mul3A_458 = arith.constant 2.600000e+01 : f32
      %mul3A_459 = vector.broadcast %mul3A_458 : f32 to vector<16xf32>
      %mul3A_460 = arith.mulf %div3A_454, %mul3A_459 : vector<16xf32>
      %sub3A_461 = arith.subf %div3A_424, %mul3A_457 : vector<16xf32>
      %sub3A_462 = arith.subf %div3A_434, %mul3A_460 : vector<16xf32>
      %add3A_463 = arith.addf %div3A_424, %mul3A_457 : vector<16xf32>
      %add3A_464 = arith.addf %div3A_434, %mul3A_460 : vector<16xf32>
      %mul3A_465 = arith.constant 2.600000e+01 : f32
      %mul3A_466 = vector.broadcast %mul3A_465 : f32 to vector<16xf32>
      %mul3A_467 = arith.mulf %get3A_409, %mul3A_466 : vector<16xf32>
      %mul3A_468 = arith.constant 2.600000e+01 : f32
      %mul3A_469 = vector.broadcast %mul3A_468 : f32 to vector<16xf32>
      %mul3A_470 = arith.mulf %get3A_414, %mul3A_469 : vector<16xf32>
      %sub3A_471 = arith.subf %get3A_399, %mul3A_467 : vector<16xf32>
      %sub3A_472 = arith.subf %get3A_404, %mul3A_470 : vector<16xf32>
      %add3A_473 = arith.addf %get3A_399, %mul3A_467 : vector<16xf32>
      %add3A_474 = arith.addf %get3A_404, %mul3A_470 : vector<16xf32>
      %min3A_475 = arith.minimumf %add3A_463, %add3A_473 : vector<16xf32>
      %max3A_476 = arith.maximumf %sub3A_461, %sub3A_471 : vector<16xf32>
      %sub3A_477 = arith.subf %min3A_475, %max3A_476 : vector<16xf32>
      %max3A_478 = arith.constant 0.000000e+00 : f32
      %max3A_479 = vector.broadcast %max3A_478 : f32 to vector<16xf32>
      %max3A_480 = arith.maximumf %sub3A_477, %max3A_479 : vector<16xf32>
      %min3A_481 = arith.minimumf %add3A_464, %add3A_474 : vector<16xf32>
      %max3A_482 = arith.maximumf %sub3A_462, %sub3A_472 : vector<16xf32>
      %sub3A_483 = arith.subf %min3A_481, %max3A_482 : vector<16xf32>
      %max3A_484 = arith.constant 0.000000e+00 : f32
      %max3A_485 = vector.broadcast %max3A_484 : f32 to vector<16xf32>
      %max3A_486 = arith.maximumf %sub3A_483, %max3A_485 : vector<16xf32>
      %mul3A_487 = arith.mulf %max3A_480, %max3A_486 : vector<16xf32>
      %sub3A_488 = arith.subf %add3A_463, %sub3A_461 : vector<16xf32>
      %sub3A_489 = arith.subf %add3A_464, %sub3A_462 : vector<16xf32>
      %mul3A_490 = arith.mulf %sub3A_488, %sub3A_489 : vector<16xf32>
      %sub3A_491 = arith.subf %add3A_473, %sub3A_471 : vector<16xf32>
      %sub3A_492 = arith.subf %add3A_474, %sub3A_472 : vector<16xf32>
      %mul3A_493 = arith.mulf %sub3A_491, %sub3A_492 : vector<16xf32>
      %add3A_494 = arith.addf %mul3A_490, %mul3A_493 : vector<16xf32>
      %sub3A_495 = arith.subf %add3A_494, %mul3A_487 : vector<16xf32>
      %add3A_496 = arith.constant 9.99999971E-10 : f32
      %add3A_497 = vector.broadcast %add3A_496 : f32 to vector<16xf32>
      %add3A_498 = arith.addf %sub3A_495, %add3A_497 : vector<16xf32>
      %div3A_499 = arith.divf %mul3A_487, %add3A_498 : vector<16xf32>
      %max3A_500 = arith.maximumf %add3A_463, %add3A_473 : vector<16xf32>
      %min3A_501 = arith.minimumf %sub3A_461, %sub3A_471 : vector<16xf32>
      %sub3A_502 = arith.subf %max3A_500, %min3A_501 : vector<16xf32>
      %max3A_503 = arith.constant 0.000000e+00 : f32
      %max3A_504 = vector.broadcast %max3A_503 : f32 to vector<16xf32>
      %max3A_505 = arith.maximumf %sub3A_502, %max3A_504 : vector<16xf32>
      %max3A_506 = arith.maximumf %add3A_464, %add3A_474 : vector<16xf32>
      %min3A_507 = arith.minimumf %sub3A_462, %sub3A_472 : vector<16xf32>
      %sub3A_508 = arith.subf %max3A_506, %min3A_507 : vector<16xf32>
      %max3A_509 = arith.constant 0.000000e+00 : f32
      %max3A_510 = vector.broadcast %max3A_509 : f32 to vector<16xf32>
      %max3A_511 = arith.maximumf %sub3A_508, %max3A_510 : vector<16xf32>
      %mul3A_512 = arith.mulf %max3A_505, %max3A_511 : vector<16xf32>
      %sub3A_513 = arith.subf %mul3A_512, %sub3A_495 : vector<16xf32>
      %add3A_514 = arith.constant 9.99999971E-10 : f32
      %add3A_515 = vector.broadcast %add3A_514 : f32 to vector<16xf32>
      %add3A_516 = arith.addf %mul3A_512, %add3A_515 : vector<16xf32>
      %div3A_517 = arith.divf %sub3A_513, %add3A_516 : vector<16xf32>
      %sub3A_518 = arith.subf %div3A_499, %div3A_517 : vector<16xf32>
      %sub3A_519 = arith.constant 1.000000e+00 : f32
      %sub3A_520 = vector.broadcast %sub3A_519 : f32 to vector<16xf32>
      %sub3A_521 = arith.subf %sub3A_520, %sub3A_518 : vector<16xf32>
      %mul3A_522 = arith.mulf %sub3A_521, %get3A_326 : vector<16xf32>
      %add3A_523 = arith.addf %while3A_309, %mul3A_522 : vector<16xf32>
      %add3A_524 = arith.constant 16 : i32
      %add3A_525 = arith.addi %mul3A_317, %add3A_524 : i32
      %get3A_526 = arith.constant 0 : i32
      %get3A_527 = arith.index_cast %get3A_526 : i32 to index
      %get3A_528 = arith.index_cast %while3A_314 : i32 to index
      %get3A_529 = arith.index_cast %add3A_525 : i32 to index
      %get3A_530 = tpu.vector_load %arg7[%get3A_527, %get3A_528, %get3A_529] {strides = array<i32>} : memref<5x52x64xf32, #tpu.memory_space<vmem>>, vector<16xf32>,
      %get3A_531 = arith.constant 0 : i32
      %get3A_532 = arith.index_cast %get3A_531 : i32 to index
      %get3A_533 = arith.index_cast %while3A_314 : i32 to index
      %get3A_534 = arith.index_cast %add3A_525 : i32 to index
      %get3A_535 = tpu.vector_load %arg10[%get3A_532, %get3A_533, %get3A_534] {strides = array<i32>} : memref<5x52x64xf32, #tpu.memory_space<vmem>>, vector<16xf32>,
      %max3A_536 = arith.constant 0.000000e+00 : f32
      %max3A_537 = vector.broadcast %max3A_536 : f32 to vector<16xf32>
      %max3A_538 = arith.maximumf %get3A_530, %max3A_537 : vector<16xf32>
      %abs3A_539 = math.absf %get3A_530 : vector<16xf32>
      %neg3A_540 = arith.constant 0.000000e+00 : f32
      %neg3A_541 = vector.broadcast %neg3A_540 : f32 to vector<16xf32>
      %neg3A_542 = arith.subf %neg3A_541, %abs3A_539 : vector<16xf32>
      %exp3A_543 = math.exp %neg3A_542 : vector<16xf32>
      %mul3A_544 = arith.constant -0.00615147082 : f32
      %mul3A_545 = vector.broadcast %mul3A_544 : f32 to vector<16xf32>
      %mul3A_546 = arith.mulf %mul3A_545, %exp3A_543 : vector<16xf32>
      %add3A_547 = arith.constant 0.0348497108 : f32
      %add3A_548 = vector.broadcast %add3A_547 : f32 to vector<16xf32>
      %add3A_549 = arith.addf %mul3A_546, %add3A_548 : vector<16xf32>
      %mul3A_550 = arith.mulf %add3A_549, %exp3A_543 : vector<16xf32>
      %add3A_551 = arith.constant -0.0932520404 : f32
      %add3A_552 = vector.broadcast %add3A_551 : f32 to vector<16xf32>
      %add3A_553 = arith.addf %mul3A_550, %add3A_552 : vector<16xf32>
      %mul3A_554 = arith.mulf %add3A_553, %exp3A_543 : vector<16xf32>
      %add3A_555 = arith.constant 0.165822759 : f32
      %add3A_556 = vector.broadcast %add3A_555 : f32 to vector<16xf32>
      %add3A_557 = arith.addf %mul3A_554, %add3A_556 : vector<16xf32>
      %mul3A_558 = arith.mulf %add3A_557, %exp3A_543 : vector<16xf32>
      %add3A_559 = arith.constant -0.239826158 : f32
      %add3A_560 = vector.broadcast %add3A_559 : f32 to vector<16xf32>
      %add3A_561 = arith.addf %mul3A_558, %add3A_560 : vector<16xf32>
      %mul3A_562 = arith.mulf %add3A_561, %exp3A_543 : vector<16xf32>
      %add3A_563 = arith.constant 0.331548631 : f32
      %add3A_564 = vector.broadcast %add3A_563 : f32 to vector<16xf32>
      %add3A_565 = arith.addf %mul3A_562, %add3A_564 : vector<16xf32>
      %mul3A_566 = arith.mulf %add3A_565, %exp3A_543 : vector<16xf32>
      %add3A_567 = arith.constant -0.499838561 : f32
      %add3A_568 = vector.broadcast %add3A_567 : f32 to vector<16xf32>
      %add3A_569 = arith.addf %mul3A_566, %add3A_568 : vector<16xf32>
      %mul3A_570 = arith.mulf %add3A_569, %exp3A_543 : vector<16xf32>
      %add3A_571 = arith.constant 0.999994277 : f32
      %add3A_572 = vector.broadcast %add3A_571 : f32 to vector<16xf32>
      %add3A_573 = arith.addf %mul3A_570, %add3A_572 : vector<16xf32>
      %mul3A_574 = arith.mulf %add3A_573, %exp3A_543 : vector<16xf32>
      %add3A_575 = arith.constant 3.38696537E-8 : f32
      %add3A_576 = vector.broadcast %add3A_575 : f32 to vector<16xf32>
      %add3A_577 = arith.addf %mul3A_574, %add3A_576 : vector<16xf32>
      %add3A_578 = arith.addf %max3A_538, %add3A_577 : vector<16xf32>
      %sub3A_579 = arith.constant 1.000000e+00 : f32
      %sub3A_580 = vector.broadcast %sub3A_579 : f32 to vector<16xf32>
      %sub3A_581 = arith.subf %sub3A_580, %get3A_535 : vector<16xf32>
      %mul3A_582 = arith.mulf %add3A_578, %sub3A_581 : vector<16xf32>
      %add3A_583 = arith.addf %while3A_310, %mul3A_582 : vector<16xf32>
      %sub3A_584 = arith.subf %add3A_578, %get3A_530 : vector<16xf32>
      %mul3A_585 = arith.mulf %sub3A_584, %get3A_535 : vector<16xf32>
      %add3A_586 = arith.addf %while3A_311, %mul3A_585 : vector<16xf32>
      %add3A_587 = arith.addf %while3A_312, %get3A_535 : vector<16xf32>
      %get3A_588 = arith.constant 1 : i32
      %get3A_589 = arith.index_cast %get3A_588 : i32 to index
      %get3A_590 = arith.index_cast %while3A_314 : i32 to index
      %get3A_591 = arith.index_cast %add3A_525 : i32 to index
      %get3A_592 = tpu.vector_load %arg7[%get3A_589, %get3A_590, %get3A_591] {strides = array<i32>} : memref<5x52x64xf32, #tpu.memory_space<vmem>>, vector<16xf32>,
      %get3A_593 = arith.constant 2 : i32
      %get3A_594 = arith.index_cast %get3A_593 : i32 to index
      %get3A_595 = arith.index_cast %while3A_314 : i32 to index
      %get3A_596 = arith.index_cast %add3A_525 : i32 to index
      %get3A_597 = tpu.vector_load %arg7[%get3A_594, %get3A_595, %get3A_596] {strides = array<i32>} : memref<5x52x64xf32, #tpu.memory_space<vmem>>, vector<16xf32>,
      %get3A_598 = arith.constant 3 : i32
      %get3A_599 = arith.index_cast %get3A_598 : i32 to index
      %get3A_600 = arith.index_cast %while3A_314 : i32 to index
      %get3A_601 = arith.index_cast %add3A_525 : i32 to index
      %get3A_602 = tpu.vector_load %arg7[%get3A_599, %get3A_600, %get3A_601] {strides = array<i32>} : memref<5x52x64xf32, #tpu.memory_space<vmem>>, vector<16xf32>,
      %get3A_603 = arith.constant 4 : i32
      %get3A_604 = arith.index_cast %get3A_603 : i32 to index
      %get3A_605 = arith.index_cast %while3A_314 : i32 to index
      %get3A_606 = arith.index_cast %add3A_525 : i32 to index
      %get3A_607 = tpu.vector_load %arg7[%get3A_604, %get3A_605, %get3A_606] {strides = array<i32>} : memref<5x52x64xf32, #tpu.memory_space<vmem>>, vector<16xf32>,
      %get3A_608 = arith.constant 1 : i32
      %get3A_609 = arith.index_cast %get3A_608 : i32 to index
      %get3A_610 = arith.index_cast %while3A_314 : i32 to index
      %get3A_611 = arith.index_cast %add3A_525 : i32 to index
      %get3A_612 = tpu.vector_load %arg10[%get3A_609, %get3A_610, %get3A_611] {strides = array<i32>} : memref<5x52x64xf32, #tpu.memory_space<vmem>>, vector<16xf32>,
      %get3A_613 = arith.constant 2 : i32
      %get3A_614 = arith.index_cast %get3A_613 : i32 to index
      %get3A_615 = arith.index_cast %while3A_314 : i32 to index
      %get3A_616 = arith.index_cast %add3A_525 : i32 to index
      %get3A_617 = tpu.vector_load %arg10[%get3A_614, %get3A_615, %get3A_616] {strides = array<i32>} : memref<5x52x64xf32, #tpu.memory_space<vmem>>, vector<16xf32>,
      %get3A_618 = arith.constant 3 : i32
      %get3A_619 = arith.index_cast %get3A_618 : i32 to index
      %get3A_620 = arith.index_cast %while3A_314 : i32 to index
      %get3A_621 = arith.index_cast %add3A_525 : i32 to index
      %get3A_622 = tpu.vector_load %arg10[%get3A_619, %get3A_620, %get3A_621] {strides = array<i32>} : memref<5x52x64xf32, #tpu.memory_space<vmem>>, vector<16xf32>,
      %get3A_623 = arith.constant 4 : i32
      %get3A_624 = arith.index_cast %get3A_623 : i32 to index
      %get3A_625 = arith.index_cast %while3A_314 : i32 to index
      %get3A_626 = arith.index_cast %add3A_525 : i32 to index
      %get3A_627 = tpu.vector_load %arg10[%get3A_624, %get3A_625, %get3A_626] {strides = array<i32>} : memref<5x52x64xf32, #tpu.memory_space<vmem>>, vector<16xf32>,
      %neg3A_628 = arith.constant 0.000000e+00 : f32
      %neg3A_629 = vector.broadcast %neg3A_628 : f32 to vector<16xf32>
      %neg3A_630 = arith.subf %neg3A_629, %get3A_592 : vector<16xf32>
      %exp3A_631 = math.exp %neg3A_630 : vector<16xf32>
      %add3A_632 = arith.constant 1.000000e+00 : f32
      %add3A_633 = vector.broadcast %add3A_632 : f32 to vector<16xf32>
      %add3A_634 = arith.addf %add3A_633, %exp3A_631 : vector<16xf32>
      %div3A_635 = arith.constant 1.000000e+00 : f32
      %div3A_636 = vector.broadcast %div3A_635 : f32 to vector<16xf32>
      %div3A_637 = arith.divf %div3A_636, %add3A_634 : vector<16xf32>
      %neg3A_638 = arith.constant 0.000000e+00 : f32
      %neg3A_639 = vector.broadcast %neg3A_638 : f32 to vector<16xf32>
      %neg3A_640 = arith.subf %neg3A_639, %get3A_597 : vector<16xf32>
      %exp3A_641 = math.exp %neg3A_640 : vector<16xf32>
      %add3A_642 = arith.constant 1.000000e+00 : f32
      %add3A_643 = vector.broadcast %add3A_642 : f32 to vector<16xf32>
      %add3A_644 = arith.addf %add3A_643, %exp3A_641 : vector<16xf32>
      %div3A_645 = arith.constant 1.000000e+00 : f32
      %div3A_646 = vector.broadcast %div3A_645 : f32 to vector<16xf32>
      %div3A_647 = arith.divf %div3A_646, %add3A_644 : vector<16xf32>
      %neg3A_648 = arith.constant 0.000000e+00 : f32
      %neg3A_649 = vector.broadcast %neg3A_648 : f32 to vector<16xf32>
      %neg3A_650 = arith.subf %neg3A_649, %get3A_602 : vector<16xf32>
      %exp3A_651 = math.exp %neg3A_650 : vector<16xf32>
      %add3A_652 = arith.constant 1.000000e+00 : f32
      %add3A_653 = vector.broadcast %add3A_652 : f32 to vector<16xf32>
      %add3A_654 = arith.addf %add3A_653, %exp3A_651 : vector<16xf32>
      %div3A_655 = arith.constant 1.000000e+00 : f32
      %div3A_656 = vector.broadcast %div3A_655 : f32 to vector<16xf32>
      %div3A_657 = arith.divf %div3A_656, %add3A_654 : vector<16xf32>
      %neg3A_658 = arith.constant 0.000000e+00 : f32
      %neg3A_659 = vector.broadcast %neg3A_658 : f32 to vector<16xf32>
      %neg3A_660 = arith.subf %neg3A_659, %get3A_607 : vector<16xf32>
      %exp3A_661 = math.exp %neg3A_660 : vector<16xf32>
      %add3A_662 = arith.constant 1.000000e+00 : f32
      %add3A_663 = vector.broadcast %add3A_662 : f32 to vector<16xf32>
      %add3A_664 = arith.addf %add3A_663, %exp3A_661 : vector<16xf32>
      %div3A_665 = arith.constant 1.000000e+00 : f32
      %div3A_666 = vector.broadcast %div3A_665 : f32 to vector<16xf32>
      %div3A_667 = arith.divf %div3A_666, %add3A_664 : vector<16xf32>
      %mul3A_668 = arith.constant 2.600000e+01 : f32
      %mul3A_669 = vector.broadcast %mul3A_668 : f32 to vector<16xf32>
      %mul3A_670 = arith.mulf %div3A_657, %mul3A_669 : vector<16xf32>
      %mul3A_671 = arith.constant 2.600000e+01 : f32
      %mul3A_672 = vector.broadcast %mul3A_671 : f32 to vector<16xf32>
      %mul3A_673 = arith.mulf %div3A_667, %mul3A_672 : vector<16xf32>
      %sub3A_674 = arith.subf %div3A_637, %mul3A_670 : vector<16xf32>
      %sub3A_675 = arith.subf %div3A_647, %mul3A_673 : vector<16xf32>
      %add3A_676 = arith.addf %div3A_637, %mul3A_670 : vector<16xf32>
      %add3A_677 = arith.addf %div3A_647, %mul3A_673 : vector<16xf32>
      %mul3A_678 = arith.constant 2.600000e+01 : f32
      %mul3A_679 = vector.broadcast %mul3A_678 : f32 to vector<16xf32>
      %mul3A_680 = arith.mulf %get3A_622, %mul3A_679 : vector<16xf32>
      %mul3A_681 = arith.constant 2.600000e+01 : f32
      %mul3A_682 = vector.broadcast %mul3A_681 : f32 to vector<16xf32>
      %mul3A_683 = arith.mulf %get3A_627, %mul3A_682 : vector<16xf32>
      %sub3A_684 = arith.subf %get3A_612, %mul3A_680 : vector<16xf32>
      %sub3A_685 = arith.subf %get3A_617, %mul3A_683 : vector<16xf32>
      %add3A_686 = arith.addf %get3A_612, %mul3A_680 : vector<16xf32>
      %add3A_687 = arith.addf %get3A_617, %mul3A_683 : vector<16xf32>
      %min3A_688 = arith.minimumf %add3A_676, %add3A_686 : vector<16xf32>
      %max3A_689 = arith.maximumf %sub3A_674, %sub3A_684 : vector<16xf32>
      %sub3A_690 = arith.subf %min3A_688, %max3A_689 : vector<16xf32>
      %max3A_691 = arith.constant 0.000000e+00 : f32
      %max3A_692 = vector.broadcast %max3A_691 : f32 to vector<16xf32>
      %max3A_693 = arith.maximumf %sub3A_690, %max3A_692 : vector<16xf32>
      %min3A_694 = arith.minimumf %add3A_677, %add3A_687 : vector<16xf32>
      %max3A_695 = arith.maximumf %sub3A_675, %sub3A_685 : vector<16xf32>
      %sub3A_696 = arith.subf %min3A_694, %max3A_695 : vector<16xf32>
      %max3A_697 = arith.constant 0.000000e+00 : f32
      %max3A_698 = vector.broadcast %max3A_697 : f32 to vector<16xf32>
      %max3A_699 = arith.maximumf %sub3A_696, %max3A_698 : vector<16xf32>
      %mul3A_700 = arith.mulf %max3A_693, %max3A_699 : vector<16xf32>
      %sub3A_701 = arith.subf %add3A_676, %sub3A_674 : vector<16xf32>
      %sub3A_702 = arith.subf %add3A_677, %sub3A_675 : vector<16xf32>
      %mul3A_703 = arith.mulf %sub3A_701, %sub3A_702 : vector<16xf32>
      %sub3A_704 = arith.subf %add3A_686, %sub3A_684 : vector<16xf32>
      %sub3A_705 = arith.subf %add3A_687, %sub3A_685 : vector<16xf32>
      %mul3A_706 = arith.mulf %sub3A_704, %sub3A_705 : vector<16xf32>
      %add3A_707 = arith.addf %mul3A_703, %mul3A_706 : vector<16xf32>
      %sub3A_708 = arith.subf %add3A_707, %mul3A_700 : vector<16xf32>
      %add3A_709 = arith.constant 9.99999971E-10 : f32
      %add3A_710 = vector.broadcast %add3A_709 : f32 to vector<16xf32>
      %add3A_711 = arith.addf %sub3A_708, %add3A_710 : vector<16xf32>
      %div3A_712 = arith.divf %mul3A_700, %add3A_711 : vector<16xf32>
      %max3A_713 = arith.maximumf %add3A_676, %add3A_686 : vector<16xf32>
      %min3A_714 = arith.minimumf %sub3A_674, %sub3A_684 : vector<16xf32>
      %sub3A_715 = arith.subf %max3A_713, %min3A_714 : vector<16xf32>
      %max3A_716 = arith.constant 0.000000e+00 : f32
      %max3A_717 = vector.broadcast %max3A_716 : f32 to vector<16xf32>
      %max3A_718 = arith.maximumf %sub3A_715, %max3A_717 : vector<16xf32>
      %max3A_719 = arith.maximumf %add3A_677, %add3A_687 : vector<16xf32>
      %min3A_720 = arith.minimumf %sub3A_675, %sub3A_685 : vector<16xf32>
      %sub3A_721 = arith.subf %max3A_719, %min3A_720 : vector<16xf32>
      %max3A_722 = arith.constant 0.000000e+00 : f32
      %max3A_723 = vector.broadcast %max3A_722 : f32 to vector<16xf32>
      %max3A_724 = arith.maximumf %sub3A_721, %max3A_723 : vector<16xf32>
      %mul3A_725 = arith.mulf %max3A_718, %max3A_724 : vector<16xf32>
      %sub3A_726 = arith.subf %mul3A_725, %sub3A_708 : vector<16xf32>
      %add3A_727 = arith.constant 9.99999971E-10 : f32
      %add3A_728 = vector.broadcast %add3A_727 : f32 to vector<16xf32>
      %add3A_729 = arith.addf %mul3A_725, %add3A_728 : vector<16xf32>
      %div3A_730 = arith.divf %sub3A_726, %add3A_729 : vector<16xf32>
      %sub3A_731 = arith.subf %div3A_712, %div3A_730 : vector<16xf32>
      %sub3A_732 = arith.constant 1.000000e+00 : f32
      %sub3A_733 = vector.broadcast %sub3A_732 : f32 to vector<16xf32>
      %sub3A_734 = arith.subf %sub3A_733, %sub3A_731 : vector<16xf32>
      %mul3A_735 = arith.mulf %sub3A_734, %get3A_535 : vector<16xf32>
      %add3A_736 = arith.addf %while3A_313, %mul3A_735 : vector<16xf32>
      %sub3A_737 = arith.constant 1 : i32
      %sub3A_738 = arith.subi %sub3A_737, %while3A_315 : i32
      %eq3A_739 = arith.constant 0 : i32
      %eq3A_740 = arith.cmpi eq, %sub3A_738, %eq3A_739 : i32
      %jit3A_741 = arith.constant 1 : i32
      %jit3A_742 = arith.constant 0 : i32
      %select_n3A_743 = arith.select %eq3A_740, %jit3A_741, %jit3A_742 : i32
      %add3A_744 = arith.addi %while3A_314, %select_n3A_743 : i32
      %ge3A = arith.constant 52 : i32
      %ge3A_745 = arith.cmpi sge, %add3A_744, %ge3A : i32
      %jit3A_746 = arith.constant 0 : i32
      %select_n3A_747 = arith.select %ge3A_745, %jit3A_746, %add3A_744 : i32
      scf.yield %add3A_370, %add3A_373, %add3A_374, %add3A_523, %add3A_583, %add3A_586, %add3A_587, %add3A_736, %select_n3A_747, %sub3A_738 : vector<16xf32>, vector<16xf32>, vector<16xf32>, vector<16xf32>, vector<16xf32>, vector<16xf32>, vector<16xf32>, vector<16xf32>, i32, i32
    }
    %add3A_294 = arith.addf %while3A_293#0, %while3A_293#4 : vector<16xf32>
    %swap3A = arith.constant 0 : index
    %swap3A_295 = tpu.vector_load %arg11[%swap3A] {strides = array<i32>} : memref<64xf32, #tpu.memory_space<vmem>>, vector<16xf32>,
    tpu.vector_store %arg11[%swap3A], %add3A_294 {strides = array<i32>} : memref<64xf32, #tpu.memory_space<vmem>>, vector<16xf32>,
    %add3A_296 = arith.addf %while3A_293#1, %while3A_293#5 : vector<16xf32>
    %swap3A_297 = arith.constant 16 : index
    %swap3A_298 = tpu.vector_load %arg11[%swap3A_297] {strides = array<i32>} : memref<64xf32, #tpu.memory_space<vmem>>, vector<16xf32>,
    tpu.vector_store %arg11[%swap3A_297], %add3A_296 {strides = array<i32>} : memref<64xf32, #tpu.memory_space<vmem>>, vector<16xf32>,
    %add3A_299 = arith.addf %while3A_293#2, %while3A_293#6 : vector<16xf32>
    %swap3A_300 = arith.constant 32 : index
    %swap3A_301 = tpu.vector_load %arg11[%swap3A_300] {strides = array<i32>} : memref<64xf32, #tpu.memory_space<vmem>>, vector<16xf32>,
    tpu.vector_store %arg11[%swap3A_300], %add3A_299 {strides = array<i32>} : memref<64xf32, #tpu.memory_space<vmem>>, vector<16xf32>,
    %add3A_302 = arith.addf %while3A_293#3, %while3A_293#7 : vector<16xf32>
    %swap3A_303 = arith.constant 48 : index
    %swap3A_304 = tpu.vector_load %arg11[%swap3A_303] {strides = array<i32>} : memref<64xf32, #tpu.memory_space<vmem>>, vector<16xf32>,
    tpu.vector_store %arg11[%swap3A_303], %add3A_302 {strides = array<i32>} : memref<64xf32, #tpu.memory_space<vmem>>, vector<16xf32>,
    "tpu.region"() ({
      %run_scoped3A = tpu.sem_alloc : memref<!tpu.dma_semaphore, #tpu.memory_space<semaphore_mem>>
      %dma_start3A_305 = arith.constant 0 : i32
      %dma_start3A_306 = tpu.memref_slice %arg4[%add3A, %dma_start3A_305] : memref<32x64xf32, #tpu.memory_space<hbm>> -> memref<1x64xf32, #tpu.memory_space<hbm>>
      %dma_start3A_307 = tpu.memref_squeeze %dma_start3A_306 : memref<1x64xf32, #tpu.memory_space<hbm>> -> memref<64xf32, #tpu.memory_space<hbm>>
      %dma_start3A_308 = arith.constant 0 : i32
      %dma_start3A_309 = tpu.memref_slice %arg4[%add3A, %dma_start3A_308] : memref<32x64xf32, #tpu.memory_space<hbm>> -> memref<1x64xf32, #tpu.memory_space<hbm>>
      %dma_start3A_310 = tpu.memref_squeeze %dma_start3A_309 : memref<1x64xf32, #tpu.memory_space<hbm>> -> memref<64xf32, #tpu.memory_space<hbm>>
      tpu.enqueue_dma source(%arg11 : memref<64xf32, #tpu.memory_space<vmem>>) target(%dma_start3A_310 : memref<64xf32, #tpu.memory_space<hbm>>) target_semaphore(%run_scoped3A : memref<!tpu.dma_semaphore, #tpu.memory_space<semaphore_mem>>)
      %dma_wait3A_311 = arith.constant 0 : i32
      %dma_wait3A_312 = tpu.memref_slice %arg4[%add3A, %dma_wait3A_311] : memref<32x64xf32, #tpu.memory_space<hbm>> -> memref<1x64xf32, #tpu.memory_space<hbm>>
      %dma_wait3A_313 = tpu.memref_squeeze %dma_wait3A_312 : memref<1x64xf32, #tpu.memory_space<hbm>> -> memref<64xf32, #tpu.memory_space<hbm>>
      %dma_wait3A_314 = arith.constant 0 : i32
      %dma_wait3A_315 = tpu.memref_slice %arg4[%add3A, %dma_wait3A_314] : memref<32x64xf32, #tpu.memory_space<hbm>> -> memref<1x64xf32, #tpu.memory_space<hbm>>
      %dma_wait3A_316 = tpu.memref_squeeze %dma_wait3A_315 : memref<1x64xf32, #tpu.memory_space<hbm>> -> memref<64xf32, #tpu.memory_space<hbm>>
      tpu.wait_dma2 semaphore(%run_scoped3A : memref<!tpu.dma_semaphore, #tpu.memory_space<semaphore_mem>>) src(%arg11 : memref<64xf32, #tpu.memory_space<vmem>>) dst(%dma_wait3A_316 : memref<64xf32, #tpu.memory_space<hbm>>)
      tpu.yield
    }) : () -> ()
    return
  }
}

</mosaic_0001>

<sc_bundles>
// kernel: kernel.3.cloned.1.call-start
scs
__scs_entry_jumppad:
0x0: {  	(pc) =	sbr.rel $0x88, $3  }
0x1: {  	(tag) =	ssettag $0x0;
	lr =	simm.s32 $0x1  }
0x2: {  	[smem:$0x3F9F] =	sst lr;
	_ =	strace $0xD0000000  }
0x3: {  	_ = 	snop  }
0x4: {  	_ = 	snop  }
0x5: {  	_ = 	snop  }
0x6: {  	_ = 	snop  }
0x7: {  	_ = 	snop  }
__scs_overlays_trampoline_lowered:
0x8: {  	[smem:$0x3FAE] =	sst s0  }
0x9: {  	[smem:$0x3FAF] =	sst s1  }
0xa: {  	[smem:$0x3FB0] =	sst s2  }
0xb: {  	[smem:$0x3FB1] =	sst s3  }
0xc: {  	[smem:$0x3FB2] =	sst s4  }
0xd: {  	[smem:$0x3FB3] =	sst s5  }
0xe: {  	[smem:$0x3FB4] =	sst s6  }
0xf: {  	[smem:$0x3FB5] =	sst s7  }
0x10: {  	[smem:$0x3FB6] =	sst s8  }
0x11: {  	[smem:$0x3FB7] =	sst s9;
	s0 =	simm.s32 @!p0 $0x0  }
0x12: {  	s1 =	sld [smem:$0x3F9D];
	s0 =	simm.s32 @p0 $0x1  }
0x13: {  	[smem:$0x3FB8] =	sst s0;
	s0 =	simm.s32 @!p1 $0x0  }
0x14: {  	s2 =	sld [smem:$0x3F9C];
	s0 =	simm.s32 @p1 $0x1  }
0x15: {  	[smem:$0x3FB9] =	sst s0;
	s0 =	simm.s32 @!p2 $0x0  }
0x16: {  	s3 =	sld [smem:$0x3FDB];
	s0 =	simm.s32 @p2 $0x1  }
0x17: {  	s4 =	simm.s32 $0x1BF5;
	[smem:$0x3FBB] =	sst s0  }
0x18: {  	s0 =	sld [smem:$0x3F9E];
	_ =	swait.ge [sflag:s4], $0x0  }
0x19: {  	s7 =	sld [smem:$0x3F9F]  }
0x1a: {  	s8 =	sadd.s32 $0xFFFFE003, lr  }
0x1b: {  	s9 =	sadd.s32 $0xFFFFFEF7, lr;
	s5 =	simm.s32 $0xFFFFFFFF;
	p2 =	slt.u32 s8, $0xFFFFF086  }
0x1c: {  	p1 =	slt.u32 s9, $0xF7A;
	s5 =	simm.s32 @!p2 $0x0  }
0x1d: {  	s5 =	simm.s32 @p1 $0x1;
	p0 =	seq.s32 s7, s2  }
0x1e: {  	s7 =	smul.u32 @!p0 $0xF7A, s2;
	p2 =	seq.s32 @!p0 s5, $0x0  }
0x1f: {  	s9 =	smul.u32 $0xF7A, s1;
	s8 =	simm.s32 @!p0 $0x1BF5;
	p2 =	por !p2, p0  }
0x20: {  	[sflag:s8] =	ssyncset.s32 @!p0 $0xFFFFF086;
	s6 =	sadd.s32 @!p0 s3, s7;
	s7 =	simm.s32 @!p0 $0x108  }
0x21: {  	s3 =	sadd.s32 s3, s9;
	s6 =	sadd.s32 @!p0 $0x88, s6;
	s7 =	simm.s32 @p2 $0x1082  }
0x22: {  	[simem:s7], [sflag:s8] =	dma.local @!p0 [hbm:s6], $0xF7A  }
0x23: {  	s9 =	sor.u32 $0xD0000000, s2;
	s6 =	simm.s32 $0x108;
	_ =	swait.ge @!p0 [sflag:s8], $0x0  }
0x24: {  	s3 =	sadd.s32 $0x88, s3;
	s6 =	simm.s32 @!p1 $0x1082;
	[sflag:s4] =	ssyncset.s32 $0xFFFFF086  }
0x25: {  	[simem:s6], [sflag:s4] =	dma.local [hbm:s3], $0xF7A  }
0x26: {  	[smem:$0x3F9F] =	sst s1;
	(tag) =	ssettag s2;
	_ =	strace s9  }
0x27: {  	s1 =	sld [smem:$0x3FAF]  }
0x28: {  	s2 =	sld [smem:$0x3FB0]  }
0x29: {  	s4 =	sld [smem:$0x3FB2]  }
0x2a: {  	p0 =	seq.s32 s5, $0x0;
	s5 =	sld [smem:$0x3FB3]  }
0x2b: {  	s6 =	sld [smem:$0x3FB4]  }
0x2c: {  	s7 =	sld [smem:$0x3FB5]  }
0x2d: {  	s3 =	simm.s32 $0x108;
	s8 =	sld [smem:$0x3FB6]  }
0x2e: {  	s3 =	simm.s32 @!p0 $0x1082;
	s9 =	sld [smem:$0x3FB7]  }
0x2f: {  	lr =	sadd.s32 s0, s3;
	s0 =	sld [smem:$0x3FAE]  }
0x30: {  	s3 =	sld [smem:$0x3FB1]  }
0x31: {  	[smem:$0x3FBA] =	sst s10  }
0x32: {  	s10 =	sld [smem:$0x3FB8];
	_ =	sdelay $0x3  }
0x33: {  	p0 =	seq.s32 s10, $0x1;
	s10 =	sld [smem:$0x3FBA];
	_ =	sdelay $0x3  }
0x34: {  	[smem:$0x3FBA] =	sst s10  }
0x35: {  	s10 =	sld [smem:$0x3FB9];
	_ =	sdelay $0x3  }
0x36: {  	p1 =	seq.s32 s10, $0x1;
	s10 =	sld [smem:$0x3FBA];
	_ =	sdelay $0x3  }
0x37: {  	[smem:$0x3FBA] =	sst s10  }
0x38: {  	s10 =	sld [smem:$0x3FBB]  }
0x39: {  	_ = 	snop;
	(pc) =	sbr.ind lr, $3  }
0x3a: {  	_ = 	snop  }
0x3b: {  	_ = 	snop  }
0x3c: {  	p2 =	seq.s32 s10, $0x1;
	s10 =	sld [smem:$0x3FBA]  }
0x3d: {  	_ =	shalt  }
0x3e: {  	_ =	shalt  }
0x3f: {  	_ =	shalt  }
0x40: {  	_ =	shalt  }
0x41: {  	_ =	shalt  }
0x42: {  	_ =	shalt  }
0x43: {  	_ =	shalt  }
0x44: {  	_ =	shalt  }
0x45: {  	_ =	shalt  }
0x46: {  	_ =	shalt  }
0x47: {  	_ =	shalt  }
0x48: {  	_ =	shalt  }
0x49: {  	_ =	shalt  }
0x4a: {  	_ =	shalt  }
0x4b: {  	_ =	shalt  }
0x4c: {  	_ =	shalt  }
0x4d: {  	_ =	shalt  }
0x4e: {  	_ =	shalt  }
0x4f: {  	_ =	shalt  }
0x50: {  	_ =	shalt  }
0x51: {  	_ =	shalt  }
0x52: {  	_ =	shalt  }
0x53: {  	_ =	shalt  }
0x54: {  	_ =	shalt  }
0x55: {  	_ =	shalt  }
0x56: {  	_ =	shalt  }
0x57: {  	_ =	shalt  }
0x58: {  	_ =	shalt  }
0x59: {  	_ =	shalt  }
0x5a: {  	_ =	shalt  }
0x5b: {  	_ =	shalt  }
0x5c: {  	_ =	shalt  }
0x5d: {  	_ =	shalt  }
0x5e: {  	_ =	shalt  }
0x5f: {  	_ =	shalt  }
0x60: {  	_ =	shalt  }
0x61: {  	_ =	shalt  }
0x62: {  	_ =	shalt  }
0x63: {  	_ =	shalt  }
0x64: {  	_ =	shalt  }
0x65: {  	_ =	shalt  }
0x66: {  	_ =	shalt  }
0x67: {  	_ =	shalt  }
0x68: {  	_ =	shalt  }
0x69: {  	_ =	shalt  }
0x6a: {  	_ =	shalt  }
0x6b: {  	_ =	shalt  }
0x6c: {  	_ =	shalt  }
0x6d: {  	_ =	shalt  }
0x6e: {  	_ =	shalt  }
0x6f: {  	_ =	shalt  }
0x70: {  	_ =	shalt  }
0x71: {  	_ =	shalt  }
0x72: {  	_ =	shalt  }
0x73: {  	_ =	shalt  }
0x74: {  	_ =	shalt  }
0x75: {  	_ =	shalt  }
0x76: {  	_ =	shalt  }
0x77: {  	_ =	shalt  }
0x78: {  	_ =	shalt  }
0x79: {  	_ =	shalt  }
0x7a: {  	_ =	shalt  }
0x7b: {  	_ =	shalt  }
0x7c: {  	_ =	shalt  }
0x7d: {  	_ =	shalt  }
0x7e: {  	_ =	shalt  }
0x7f: {  	_ =	shalt  }
0x80: {  	_ =	shalt  }
0x81: {  	_ =	shalt  }
0x82: {  	_ =	shalt  }
0x83: {  	_ =	shalt  }
0x84: {  	_ =	shalt  }
0x85: {  	_ =	shalt  }
0x86: {  	_ =	shalt  }
0x87: {  	_ =	shalt  }
.Lfunc_end0:
.L_simem_size_0:
called_computation_lowered:
.L_overlay_start_0:
0x88: {  	s2 =	sld [smem:$0x3FD9]  }
0x89: {  	s3 =	sld [smem:$0x3FFE];
	_ =	sdelay $0x1  }
0x8a: {  	s1 =	srdreg.scid  }
0x8b: {  	s0 =	sand.u32 $0x1, s1  }
0x8c: {  	s16 =	sshll.u32 s0, $0xA;
	s2 =	sadd.s32 s3, s2  }
0x8d: {  	s2 =	sadd.s32 s2, s16  }
0x8e: {  	[smem:$0x3FC6] =	sst s2  }
0x8f: {  	_ = 	snop  }
0x90: {  	(tm) =	ssettm $0x1  }
0x91: {  	s17 =	sld [smem:$0x3FFB];
	_ =	sdelay $0x3  }
0x92: {  	_ =	strace s17  }
0x93: {  	s2 =	sld [smem:$0x3FFC];
	_ =	sdelay $0x3  }
0x94: {  	_ =	strace s2  }
0x95: {  	s2 =	sld [smem:$0x3FFD];
	_ =	sdelay $0x3  }
0x96: {  	_ =	strace s2  }
0x97: {  	_ =	strace $0x8FFFFFFF  }
0x98: {  	s18 =	sld [smem:$0x3FDB];
	_ =	sdelay $0x1  }
0x99: {  	s19 =	simm.s32 $_scs_section_size  }
0x9a: {  	s4 =	simm.s32 $_size__tile_overlayer_lowered;
	s5 =	simm.s32 $_tile_overlayer_lowered  }
0x9b: {  	s22 =	simm.s32 $0x1BFF;
	s21 =	sshll.u32 s5, $0x1;
	s2 =	sadd.s32 s19, s18  }
0x9c: {  	s6 =	simm.s32 $0x0;
	s20 =	sshll.u32 s4, $0x1;
	s4 =	sadd.s32 s21, s2  }
0x9d: {  	[timem:s6], [sflag:s22] =	dma.local [hbm:s4], s20  }
0x9e: {  	_ =	swait.ge [sflag:s22], s20  }
0x9f: {  	s3 =	ssub.s32 $0x0, s20;
	[sflag:s22] =	ssyncset.done $0x0  }
0xa0: {  	[sflag:s22] =	ssyncadd.s32 s3;
	_ =	sdelay $0x1  }
0xa1: {  	s23 =	simm.s32 $0x1B8B  }
0xa2: {  	_ =	swait.ge [sflag:s23], $0x1  }
0xa3: {  	[sflag:s23] =	ssyncset.done $0x0  }
0xa4: {  	s25 =	simm.s32 $0x1B8E;
	s24 =	sld [smem:$0x3FFE];
	[sflag:s23] =	ssyncadd.s32 $0xFFFFFFFF  }
0xa5: {  	s26 =	simm.s32 $execute0_lowered;
	[smem:$0x3FD2] =	sst s25  }
0xa6: {  	s4 =	sshll.u32 s26, $0x1;
	_ =	strace $0x80000046;
	[dreg:$0x1] =	wrdreg $0xFFFFFFFF  }
0xa7: {  	s28 =	simm.s32 $_size_execute0_lowered;
	s2 =	sadd.s32 s2, s4;
	[dreg:$0x0] =	wrdreg $0x0  }
0xa8: {  	s4 =	sshll.u32 s28, $0x1;
	[dreg:$0x2] =	wrdreg s2  }
0xa9: {  	[dreg:$0x3] =	wrdreg s4  }
0xaa: {  	[dreg:$0x4] =	wrdreg $0xC0  }
0xab: {  	_ =	task [dreg:s6], $0x5FFFF  }
0xac: {  	[dreg:$0x1] =	wrdreg $0xFFFFFFFF  }
0xad: {  	[dreg:$0x0] =	wrdreg $0x60  }
0xae: {  	[dreg:$0x2] =	wrdreg s24  }
0xaf: {  	[dreg:$0x3] =	wrdreg $0x9  }
0xb0: {  	_ =	task.clear_ibuf [dreg:s6], $0x4FFFF;
	_ =	strace $0x90000046  }
0xb1: {  	s29 =	simm.s32 $0x9;
	_ =	strace $0x80000048  }
0xb2: {  	_ =	swait.ge [sflag:s29], $0x1  }
0xb3: {  	[sflag:s29] =	ssyncadd.s32 $0xFFFFFFFF  }
0xb4: {  	_ =	strace $0x90000048  }
0xb5: {  	_ =	sfence  }
0xb6: {  	s30 =	sld [smem:$0x0];
	_ =	sdelay $0x2  }
0xb7: {  	s31 =	sshll.u32 s1, $0xD;
	s1 =	sshrl.u32 s1, $0x2  }
0xb8: {  	s3 =	sand.u32 $0x4000, s31;
	s1 =	sadd.s32 s1, s30  }
0xb9: {  	s0 =	sor.u32 s3, s0;
	s1 =	sshll.u32 s1, $0x11  }
0xba: {  	s0 =	sor.u32 s1, s0  }
0xbb: {  	s0 =	sadd.s32 $0x8F2B, s0  }
0xbc: {  	[sflag:s0] =	ssyncadd.remote.s32 $0x1  }
0xbd: {  	_ =	sfence.sel $0xFFFF  }
0xbe: {  	[dreg:$0x0] =	wrdreg $0xFFFFFFFF;
	(pc) =	sbr.abs _section_cstart, $3  }
0xbf: {  	[dreg:$0x1] =	wrdreg $0xFFFFFFFF  }
0xc0: {  	_ =	task.clear_ibuf [dreg:s6], $0x2FFFF;
	_ =	strace $0x9FFFFFFF  }
0xc1: {  	(tm) =	ssettm $0x7FFFFFFF  }
tec
execute0_lowered:
.L_overlay_start_1:
0x0: {  	(tag) =	ssettag $0x1  }
0x1: {  	s0 =	srdreg.scid  }
0x2: {  	s10 =	stileid.u32;
	s3 =	rddreg [dreg:$0x0]  }
0x3: {  	s2 =	simm.s32 $0x0;
	s0 =	sand.u32 $0x1, s0;
	s1 =	sshll.u32 s10, $0x1  }
0x4: {  	[smem:$0x7FF] =	sst s2;
	s7 =	sadd.s32 $0x1A800, s3;
	s10 =	smul.u32 $0x2A4, s10  }
0x5: {  	s1 =	sor.u32 s0, s1;
	s9 =	ssub.s32 $0x2, s0;
	s0 =	smul.u32 $0x152, s0  }
0x6: {  	_ =	strace $0x80000047;
	s4 =	smul.u32 $0x3400B6, s1  }
0x7: {  	s5 =	smul.u32 $0x152, s1;
	s1 =	sshll.u32 s1, $0x3;
	s0 =	sadd.s32 s0, s10  }
0x8: {  	s11 =	sshrl.u32 s9, $0x1;
	s4 =	sshrl.u32 s4, $0x15;
	s10 =	smulhi.u32 $0x4EC4EC4F, s0  }
0x9: {  	s1 =	sadd.s32 s1, s3;
	s9 =	ssub.s32 s9, s11;
	s6 =	smul.u32 $0xD0, s4  }
0xa: {  	s1 =	sadd.s32 $0x35000, s1;
	s31 =	smax.u32 s9, $0x1;
	s8 =	smul.u32 $0x820, s4  }
0xb: {  	s17 =	smin.u32 s4, $0x31;
	s4 =	smul.u32 $0x4100, s4;
	[dreg:$0xa] =	wrdreg s1  }
0xc: {  	[dreg:$0xc] =	wrdreg s31;
	s18 =	smul.u32 $0x4100, s17;
	s21 =	sshrl.u32 s10, $0x6  }
0xd: {  	s12 =	ssub.s32 s5, s6;
	s4 =	sshrl.u32 s4, $0x3;
	s19 =	sadd.s32 s3, s8  }
0xe: {  	s8 =	sadd.s32 s7, s8;
	s23 =	smul.u32 $0xD0, s21;
	[dreg:$0x4] =	wrdreg s19  }
0xf: {  	s21 =	simm.s32 $0x1;
	s6 =	sand.u32 $0xFFFE, s12;
	[dreg:$0x5] =	wrdreg s8  }
0x10: {  	s4 =	sadd.s32 $0x820, s4;
	s5 =	sshrl.u32 s18, $0x3;
	[dreg:$0x3] =	wrdreg s12  }
0x11: {  	s26 =	sshrl.u32 s12, $0x1;
	s20 =	sadd.s32 s3, s4;
	s4 =	sadd.s32 s7, s4  }
0x12: {  	s22 =	sadd.s32 $0x1040, s5;
	s25 =	ssub.s32 $0xD0, s6;
	[dreg:$0x6] =	wrdreg s20  }
0x13: {  	s10 =	sshrl.u32 s6, $0x2;
	[dreg:$0x7] =	wrdreg s4;
	s3 =	sadd.s32 s3, s22  }
0x14: {  	s0 =	ssub.s32 s23, s0;
	s24 =	sadd.s32 s7, s22;
	[dreg:$0x8] =	wrdreg s3  }
0x15: {  	s11 =	sand.u32 $0x1, s26;
	s0 =	sadd.s32 $0xD0, s0;
	[dreg:$0x9] =	wrdreg s24  }
.Ltmp0:
0x16: {  	s3 =	sshrl.u32 s25, $0x1;
	s0 =	sshrl.u32 s0, $0x1;
	(pc) =	sbr.rel .LBB2_1-.Ltmp0, $4  }
0x17: {  	s28 =	smax.u32 s3, $0x41;
	s29 =	ssub.s32 $0xA9, s0;
	s0 =	smax.u32 s0, $0x1  }
0x18: {  	s3 =	ssub.s32 s28, s3;
	[dreg:$0xb] =	wrdreg s0;
	s30 =	smin.u32 s29, $0x68  }
0x19: {  	s23 =	simm.s32 $0x3;
	[dreg:$0x2] =	wrdreg s3;
	s0 =	ssub.s32 $0x0, s30  }
0x1a: {  	s26 =	simm.s32 $0x0;
	s22 =	simm.s32 $0x2;
	[dreg:$0xd] =	wrdreg s0  }
.LBB2_17:
0x1b: {  	v28 =	vmov v1;
	v30 =	vmov v4;
	v29 =	vmov v2  }
0x1c: {  	s1 =	simm.s32 $0x0;
	v27 =	vmovc v6;
	v26 =	vmovc v5;
	s19 =	simm.s32 $0x0;
	v23 =	vmov v3;
	v9 =	vmov v7;
	v8 =	vmov v56  }
.LBB2_24:
0x1d: {  	s1 =	sxor.u32 @p0 $0x1, s1  }
0x1e: {  	s28 =	smov.u32 @p0 s1  }
0x1f: {  	s13 =	sshll.u32 s28, $0x5  }
0x20: {  	s12 =	sor.u32 s13, s30  }
0x21: {  	s9 =	sor.u32 s13, s29;
	v0 =	vld [tilespmem:s12+$0x8200]  }
0x22: {  	v17 =	vmul.f32 @p0 v40, v16;
	v22 =	vmul.f32 @p0 v41, v15;
	s4 =	sor.u32 s13, s0;
	v18 =	vld [tilespmem:s9+$0x8200]  }
0x23: {  	v12 =	vmul.f32 @p1 v35, v12;
	v33 =	vmul.f32 @p1 v33, v14;
	v14 =	vadd.f32 @p1 v34, v28;
	s28 =	sor.u32 $0x10, s13;
	s6 =	sor.u32 s13, s16;
	v55 =	vld [tilespmem:s4+$0x8200]  }
0x24: {  	(erf) = vrcp.f32 @p0 v39;
	v40 =	vsub.f32 @p0 $1.000000000e+00, v19;
	v35 =	vadd.f32 @p0 $9.999942770e-01, v17;
	s7 =	sor.u32 s30, s28;
	v57 =	vld [tilespmem:s6+$0x8200]  }
0x25: {  	v13 =	vmul.f32 @p1 v42, v13;
	v22 =	vadd.f32 @p0 $9.999942770e-01, v22;
	v17 =	vadd.f32 @p1 v12, v30;
	s5 =	sor.u32 s29, s28;
	v53 =	vld [tilespmem:s7+$0x8200]  }
0x26: {  	v14 =	vpsel p1, v14, v1;
	s31 =	sor.u32 s19, s13;
	v34 =	vmul.f32 @p0 v35, v16;
	v16 =	vadd.f32 @p1 v38, v29;
	v54 =	vld [tilespmem:s5+$0x8200]  }
0x27: {  	v35 =	vmul.f32 @p0 v22, v15;
	v15 =	vadd.f32 @p1 v13, v27;
	v12 =	vld [tilespmem:s31+$0x8200];
	v17 =	vpsel p1, v17, v4  }
0x28: {  	s3 =	sor.u32 s0, s28;
	v50 =	vld [tilespmem:s9+$0x14500];
	v27 =	vadd.f32 @p0 $3.386965370e-08, v34;
	v16 =	vpsel p1, v16, v2;
	v0 =	vsub.f32 $0.0e+00, v0  }
0x29: {  	s8 =	sor.u32 s16, s28;
	v59 =	vld [tilespmem:s3+$0x8200];
	v15 =	vpsel p1, v15, v6;
	v58 =	vsub.f32 $0.0e+00, v18;
	v28 =	vsub.f32 $0.0e+00, v55  }
0x2a: {  	v60 =	vld [tilespmem:s8+$0x8200];
	v18 =	vadd.f32 @p1 v25, v26;
	v61 =	vsub.f32 $0.0e+00, v53;
	v0 =	vmul.f32 $1.442695020e+00, v0  }
0x2b: {  	s1 =	sor.u32 s19, s28;
	v63 =	vsub.f32 $0.0e+00, v54;
	v62 =	vmul.f32 $1.442695020e+00, v58;
	v44 =	vmul.f32 $1.442695020e+00, v28  }
0x2c: {  	v13 =	vld [tilespmem:s1+$0x8200];
	v43 =	vsub.f32 $0.0e+00, v57;
	v25 =	vpop @p0 (erf);
	v42 =	vmul.f32 $1.442695020e+00, v61;
	(erf) = vpow2.f32 v0  }
0x2d: {  	v47 =	vand.u32 $0x7FFFFFFF, v12;
	v30 =	vpop @p0 (erf);
	v0 =	vmul.f32 $1.442695020e+00, v63;
	(erf) = vpow2.f32 v62  }
0x2e: {  	v45 =	vsub.f32 $0.0e+00, v59;
	v30 =	vmul.f32 @p0 v30, v31;
	(erf) = vpow2.f32 v42  }
0x2f: {  	v52 =	vld [tilespmem:s7+$0x14500];
	v22 =	vsub.f32 $0.0e+00, v60;
	v31 =	vmul.f32 $2.600000000e+01, v50;
	(erf) = vpow2.f32 v0  }
0x30: {  	v29 =	vsub.f32 $0.0e+00, v47;
	v0 =	vmul.f32 $1.442695020e+00, v43;
	(erf) = vpow2.f32 v44  }
0x31: {  	v49 =	vld [tilespmem:s12+$0x14500];
	v46 =	vand.u32 $0x7FFFFFFF, v13;
	v28 =	vmul.f32 $1.442695020e+00, v45;
	v48 =	vmul.f32 $1.442695020e+00, v22  }
0x32: {  	v26 =	vsub.f32 $0.0e+00, v46;
	v29 =	vmul.f32 $1.442695020e+00, v29;
	(erf) = vpow2.f32 v0  }
0x33: {  	v22 =	vadd.f32 @p1 v33, v23;
	v63 =	vld [tilespmem:s3+$0x14500];
	v0 =	vmul.f32 @p0 v25, v32;
	v25 =	vpop @p0 (erf);
	(erf) = vpow2.f32 v28  }
0x34: {  	v26 =	vmul.f32 $1.442695020e+00, v26;
	v44 =	vmul.f32 $2.600000000e+01, v52;
	v32 =	vadd.f32 @p0 $3.386965370e-08, v35;
	v23 =	vpop @p0 (erf)  }
0x35: {  	v35 =	vadd.f32 @p0 v27, v10;
	v25 =	vmul.f32 @p0 v25, v37;
	(erf) = vpow2.f32 v48;
	v51 =	vpop (erf)  }
0x36: {  	v59 =	vld [tilespmem:s4+$0x14500];
	v28 =	vmul.f32 $2.600000000e+01, v49;
	(erf) = vpow2.f32 v26;
	v53 =	vadd.f32 $1.000000000e+00, v51;
	v54 =	vpop (erf)  }
0x37: {  	v33 =	vmul.f32 @p0 v23, v36;
	(erf) = vpow2.f32 v29;
	v57 =	vadd.f32 $1.000000000e+00, v54;
	v58 =	vpop (erf)  }
0x38: {  	v55 =	vld [tilespmem:s5+$0x14500];
	v36 =	vadd.f32 v44, v63;
	v29 =	vadd.f32 $1.000000000e+00, v58;
	(erf) = vrcp.f32 v53;
	v60 =	vpop (erf)  }
0x39: {  	v23 =	vsub.f32 @p0 v25, v0;
	v0 =	vld [tilespmem:s6+$0x14500];
	v61 =	vadd.f32 $1.000000000e+00, v60;
	v62 =	vpop (erf);
	(erf) = vrcp.f32 v57  }
0x3a: {  	v42 =	vld [tilespmem:s8+$0x14500];
	v27 =	vsub.f32 @p0 v33, v30;
	v26 =	vadd.f32 $1.000000000e+00, v62;
	(erf) = vrcp.f32 v29  }
0x3b: {  	v33 =	vsub.f32 v59, v28;
	v28 =	vadd.f32 v28, v59;
	v43 =	vpop (erf);
	(erf) = vrcp.f32 v61  }
0x3c: {  	v24 =	vadd.f32 @p0 v32, v24;
	v30 =	vadd.f32 $1.000000000e+00, v43;
	v45 =	vpop (erf);
	(erf) = vrcp.f32 v26  }
0x3d: {  	v46 =	vmul.f32 $2.600000000e+01, v55;
	v51 =	vsub.f32 v28, v33;
	v47 =	vadd.f32 $1.000000000e+00, v45  }
0x3e: {  	v38 =	vsub.f32 v0, v31;
	v0 =	vadd.f32 v31, v0;
	v48 =	vpop (erf);
	(erf) = vrcp.f32 v30  }
0x3f: {  	v31 =	vsub.f32 v42, v46;
	v49 =	vadd.f32 $1.000000000e+00, v48;
	v26 =	vpop (erf);
	(erf) = vrcp.f32 v47  }
0x40: {  	v18 =	vpsel p1, v18, v5;
	v29 =	vadd.f32 v46, v42;
	v52 =	vsub.f32 v0, v38;
	v10 =	vpop (erf)  }
0x41: {  	v30 =	vsub.f32 v63, v44;
	(erf) = vrcp.f32 v49;
	v54 =	vmul.f32 $6.151470820e-03, v10;
	v50 =	vpop (erf)  }
0x42: {  	v20 =	vsub.f32 @p0 v35, v20;
	v25 =	vmul.f32 @p0 v35, v40;
	v55 =	vsub.f32 v29, v31;
	v53 =	vpop (erf)  }
0x43: {  	v37 =	vmul.f32 v52, v51;
	v43 =	vsub.f32 v36, v30;
	v42 =	vsub.f32 $3.484971080e-02, v54;
	v44 =	vpop (erf)  }
0x44: {  	v11 =	vsub.f32 @p0 v24, v11;
	v41 =	vmul.f32 $6.151470820e-03, v26;
	v34 =	vmul.f32 $2.600000000e+01, v50;
	v45 =	vpop (erf)  }
0x45: {  	v23 =	vadd.f32 @p0 $1.000000000e+00, v23;
	v39 =	vmul.f32 v55, v43;
	v42 =	vmul.f32 v42, v10;
	v58 =	vpop (erf)  }
0x46: {  	v41 =	vsub.f32 $3.484971080e-02, v41;
	v57 =	vmul.f32 $2.600000000e+01, v53;
	v46 =	vadd.f32 v34, v58  }
0x47: {  	v44 =	vmul.f32 $2.600000000e+01, v44;
	v34 =	vsub.f32 v58, v34;
	v59 =	vpop (erf);
	v42 =	vadd.f32 $-9.325204040e-02, v42  }
0x48: {  	v45 =	vmul.f32 $2.600000000e+01, v45;
	v35 =	vsub.f32 v59, v57;
	v32 =	vadd.f32 v57, v59;
	v60 =	vpop (erf)  }
0x49: {  	v61 =	vmin.f32 v46, v28;
	v47 =	vsub.f32 v60, v44;
	v40 =	vadd.f32 v44, v60  }
0x4a: {  	v62 =	vpop (erf);
	v48 =	vmax.f32 v34, v33;
	v51 =	vsub.f32 v46, v34;
	v28 =	vmax.f32 v46, v28  }
0x4b: {  	v33 =	vmin.f32 v34, v33;
	v49 =	vsub.f32 v62, v45;
	v44 =	vadd.f32 v45, v62  }
0x4c: {  	v63 =	vmin.f32 v32, v0;
	v50 =	vmax.f32 v35, v38;
	v52 =	vsub.f32 v32, v35  }
0x4d: {  	v43 =	vsub.f32 v61, v48;
	v0 =	vmax.f32 v32, v0;
	v62 =	vmul.f32 v41, v26  }
0x4e: {  	v28 =	vsub.f32 v28, v33;
	v53 =	vmin.f32 v40, v36;
	v54 =	vmax.f32 v47, v30  }
0x4f: {  	v55 =	vsub.f32 v40, v47;
	v45 =	vsub.f32 v63, v50;
	v63 =	vmin.f32 v35, v38  }
0x50: {  	v41 =	vmax.f32 v40, v36;
	v30 =	vmin.f32 v47, v30;
	v57 =	vmin.f32 v44, v29  }
0x51: {  	v58 =	vmax.f32 v49, v31;
	v53 =	vsub.f32 v53, v54;
	v59 =	vsub.f32 v44, v49  }
0x52: {  	v60 =	vmul.f32 v52, v51;
	v29 =	vmax.f32 v44, v29;
	v32 =	vadd.f32 $-9.325204040e-02, v62  }
0x53: {  	v31 =	vmin.f32 v49, v31;
	v44 =	vmul.f32 v42, v10;
	v47 =	vmax.f32 v43, $0.0e+00  }
0x54: {  	v0 =	vsub.f32 v0, v63;
	v30 =	vsub.f32 v41, v30;
	v28 =	vmax.f32 v28, $0.0e+00  }
0x55: {  	v48 =	vsub.f32 v57, v58;
	v49 =	vmax.f32 v45, $0.0e+00;
	v29 =	vsub.f32 v29, v31  }
0x56: {  	v45 =	vmax.f32 v13, $0.0e+00;
	v61 =	vmul.f32 v59, v55;
	v32 =	vmul.f32 v32, v26  }
0x57: {  	v41 =	vld [tilespmem:s1+$0x14500];
	v36 =	vmul.f32 v49, v47;
	v33 =	vadd.f32 $1.658227590e-01, v44;
	v51 =	vmax.f32 v53, $0.0e+00  }
0x58: {  	v53 =	vadd.f32 v60, v37;
	v0 =	vmax.f32 v0, $0.0e+00;
	v30 =	vmax.f32 v30, $0.0e+00  }
0x59: {  	v37 =	vmovc @p0 v21;
	v21 =	vsub.f32 @p0 $1.000000000e+00, v21;
	v52 =	vmax.f32 v48, $0.0e+00;
	v29 =	vmax.f32 v29, $0.0e+00  }
0x5a: {  	v9 =	vadd.f32 @p0 v37, v9;
	v34 =	vmul.f32 v52, v51;
	v57 =	vadd.f32 v61, v39  }
0x5b: {  	v32 =	vadd.f32 $1.658227590e-01, v32;
	v55 =	vmul.f32 v33, v10;
	v35 =	vsub.f32 v53, v36  }
0x5c: {  	v50 =	vld [tilespmem:s31+$0x14500];
	v0 =	vmul.f32 v0, v28;
	v48 =	vsub.f32 $1.000000000e+00, v41;
	v58 =	vsub.f32 v57, v34  }
0x5d: {  	v54 =	vmul.f32 v32, v26;
	v59 =	vadd.f32 $9.999999710e-10, v35;
	v61 =	vadd.f32 $-2.398261580e-01, v55  }
0x5e: {  	v29 =	vmul.f32 v29, v30;
	v63 =	vsub.f32 v0, v35;
	v0 =	vadd.f32 $9.999999710e-10, v0  }
0x5f: {  	v60 =	vadd.f32 $-2.398261580e-01, v54;
	(erf) = vrcp.f32 v59;
	v62 =	vadd.f32 $9.999999710e-10, v58  }
0x60: {  	v28 =	vsub.f32 v29, v58;
	v29 =	vadd.f32 $9.999999710e-10, v29;
	v38 =	vmul.f32 v61, v10  }
0x61: {  	v30 =	vmul.f32 v60, v26;
	(erf) = vrcp.f32 v62;
	v62 =	vsub.f32 $1.000000000e+00, v50  }
0x62: {  	(erf) = vrcp.f32 v0;
	v0 =	vpsel p0, v9, v7;
	v9 =	vmovc @p0 v19;
	v19 =	vadd.f32 @p0 $1.000000000e+00, v27  }
0x63: {  	v49 =	vmax.f32 v12, $0.0e+00;
	v27 =	vadd.f32 $3.315486310e-01, v38;
	v7 =	vadd.f32 $3.315486310e-01, v30  }
0x64: {  	(erf) = vrcp.f32 v29;
	v8 =	vadd.f32 @p0 v9, v8;
	v20 =	vpsel p0, v20, v0  }
0x65: {  	v11 =	vpsel p0, v11, v0;
	v19 =	vmul.f32 @p0 v19, v9;
	v9 =	vpsel p0, v9, v0  }
0x66: {  	v39 =	vmul.f32 v27, v10;
	v27 =	vpsel p0, v37, v0;
	v7 =	vmul.f32 v7, v26  }
0x67: {  	v24 =	vpsel p0, v24, v0;
	v9 =	vmul.f32 @p0 v20, v9;
	v11 =	vmul.f32 @p0 v11, v27  }
0x68: {  	v8 =	vpsel p0, v8, v56;
	v20 =	vmovc @p0 v21;
	v21 =	vmul.f32 @p0 v23, v37;
	v23 =	vadd.f32 $-4.998385610e-01, v39  }
0x69: {  	v19 =	vpsel p0, v19, v0;
	v56 =	vadd.f32 v41, v8;
	v7 =	vadd.f32 $-4.998385610e-01, v7  }
0x6a: {  	v20 =	vpsel p0, v20, v0;
	v9 =	vadd.f32 @p0 v9, v17;
	v16 =	vadd.f32 @p0 v19, v16  }
0x6b: {  	v11 =	vadd.f32 @p0 v11, v15;
	v15 =	vpsel p1, v22, v3;
	v40 =	vmul.f32 v23, v10  }
0x6c: {  	v20 =	vmul.f32 @p0 v24, v20;
	v21 =	vpsel p0, v21, v0;
	v42 =	vpop (erf);
	v7 =	vmul.f32 v7, v26  }
0x6d: {  	v23 =	vpsel p0, v25, v0;
	v14 =	vadd.f32 @p0 v21, v14;
	v21 =	vadd.f32 $9.999942770e-01, v40;
	v43 =	vpop (erf)  }
0x6e: {  	v19 =	vmul.f32 v42, v36;
	v7 =	vadd.f32 $9.999942770e-01, v7;
	v44 =	vpop (erf);
	v22 =	vmul.f32 v43, v34  }
0x6f: {  	v15 =	vadd.f32 @p0 v20, v15;
	v10 =	vmul.f32 v21, v10;
	v46 =	vpop (erf);
	v20 =	vmul.f32 v44, v63  }
0x70: {  	v18 =	vadd.f32 @p0 v23, v18;
	v7 =	vmul.f32 v7, v26;
	v47 =	vmul.f32 v46, v28  }
0x71: {  	v2 =	vpsel p0, v16, v2;
	v10 =	vadd.f32 $3.386965370e-08, v10;
	v19 =	vsub.f32 v20, v19  }
0x72: {  	v6 =	vpsel p0, v11, v6;
	v7 =	vadd.f32 $3.386965370e-08, v7;
	v21 =	vsub.f32 v47, v22  }
0x73: {  	v1 =	vpsel p0, v14, v1;
	v10 =	vadd.f32 v10, v49;
	v53 =	vadd.f32 $1.000000000e+00, v19  }
0x74: {  	v5 =	vpsel p0, v18, v5;
	v3 =	vpsel p0, v15, v3;
	v7 =	vadd.f32 v7, v45  }
0x75: {  	v52 =	vadd.f32 $1.000000000e+00, v21;
	v11 =	vmul.f32 v53, v50;
	v63 =	vmul.f32 v10, v62  }
0x76: {  	v60 =	vsub.f32 v10, v12;
	v51 =	vmul.f32 v7, v48;
	v7 =	vsub.f32 v7, v13  }
0x77: {  	v8 =	vmul.f32 v52, v41;
	v1 =	vadd.f32 v11, v1;
	v3 =	vadd.f32 v63, v3  }
0x78: {  	v61 =	vmul.f32 v7, v41;
	v7 =	vadd.f32 v50, v0;
	v0 =	vmul.f32 v60, v50  }
0x79: {  	v4 =	vpsel p0, v9, v4;
	v2 =	vadd.f32 v8, v2;
	v5 =	vadd.f32 v51, v5  }
0x7a: {  	v4 =	vadd.f32 v61, v4;
	v6 =	vadd.f32 v0, v6  }
.LBB2_25:
0x7b: {  	v0 =	vadd.f32 v5, v3  }
0x7c: {  	v63 =	vadd.f32 v56, v7  }
0x7d: {  	v1 =	vadd.f32 v2, v1;
	[tilespmem:$0x18600] =	vst v0  }
0x7e: {  	v62 =	vadd.f32 v4, v6;
	[tilespmem:$0x18620] =	vst v63  }
0x7f: {  	[tilespmem:$0x18630] =	vst v1  }
0x80: {  	s0 =	rddreg [dreg:$0xa];
	s1 =	simm.s32 $0x18600;
	s30 =	simm.s32 $0x4;
	[tilespmem:$0x18610] =	vst v62  }
0x81: {  	[hbm4b:s0+s2] =	stream.linear.scatter [tilespmem:s1], [sflag:$0x4], $0x40, $0x38;
	[tilespmem:$0x18640] =	vst v63  }
0x82: {  	_ =	swait.ge [sflag:s30], $0x40  }
0x83: {  	s26 =	sadd.s32 $0x1, s26;
	s31 =	rddreg [dreg:$0xc]  }
0x84: {  	p0 =	sne.s32 s26, s31  }
.Ltmp1:
0x85: {  	_ = 	snop;
	(pc) =	sbr.rel @!p0 .LBB2_26-.Ltmp1, $3  }
0x86: {  	_ =	sdelay $0x1  }
0x87: {  	[sflag:s30] =	ssyncset.done $0x0  }
0x88: {  	[sflag:s30] =	ssyncadd.s32 $0xFFFFFFC0  }
.LBB2_1:
0x89: {  	s0 =	rddreg [dreg:$0x4]  }
0x8a: {  	[tilespmem:s2], [sflag:$0x1] =	stream.linear.gather [hbm4b:s0+s2], $0x4100, $0x38;
	[tilespmem:$0x18640] =	vst v63  }
0x8b: {  	s16 =	rddreg [dreg:$0x5];
	s1 =	simm.s32 $0xC300  }
0x8c: {  	[tilespmem:s1], [sflag:$0x1] =	stream.linear.gather [hbm4b:s16+s2], $0x4100, $0x38;
	[tilespmem:$0x18640] =	vst v63  }
0x8d: {  	s17 =	rddreg [dreg:$0x6];
	s18 =	simm.s32 $0x4100  }
0x8e: {  	[tilespmem:s18], [sflag:$0x2] =	stream.linear.gather [hbm4b:s17+s2], $0x4100, $0x38;
	[tilespmem:$0x18640] =	vst v63  }
0x8f: {  	s19 =	rddreg [dreg:$0x7];
	s20 =	simm.s32 $0x10400  }
0x90: {  	[tilespmem:s20], [sflag:$0x2] =	stream.linear.gather [hbm4b:s19+s2], $0x4100, $0x38;
	[tilespmem:$0x18640] =	vst v63  }
0x91: {  	s24 =	rddreg [dreg:$0x8];
	s25 =	simm.s32 $0x8200  }
0x92: {  	[tilespmem:s25], [sflag:$0x3] =	stream.linear.gather [hbm4b:s24+s2], $0x4100, $0x38;
	[tilespmem:$0x18640] =	vst v63  }
0x93: {  	s29 =	rddreg [dreg:$0x9];
	s30 =	simm.s32 $0x14500  }
0x94: {  	[tilespmem:s30], [sflag:$0x3] =	stream.linear.gather [hbm4b:s29+s2], $0x4100, $0x38;
	[tilespmem:$0x18640] =	vst v63  }
0x95: {  	_ =	swait.ge [sflag:s21], $0x4100  }
0x96: {  	[sflag:s21] =	ssyncset.done $0x0  }
0x97: {  	[sflag:s21] =	ssyncadd.s32 $0xFFFFBF00  }
0x98: {  	_ =	swait.ge [sflag:s21], $0x4100  }
0x99: {  	s31 =	rddreg [dreg:$0xb]  }
0x9a: {  	p3 =	sne.s32 s31, $0x1  }
.Ltmp2:
0x9b: {  	_ = 	snop;
	(pc) =	sbr.rel @!p3 .LBB2_7-.Ltmp2, $4  }
0x9c: {  	_ = 	snop  }
0x9d: {  	v0 =	vimm.f32 $0.0e+00;
	v13 =	vimm.f32 $0.0e+00;
	v14 =	vimm.f32 $0.0e+00;
	p1 =	por $0x0, $0x0;
	p0 =	por $0x0, $0x0  }
0x9e: {  	v7 =	vimm.f32 $0.0e+00;
	v5 =	vimm.f32 $0.0e+00;
	v6 =	vimm.f32 $0.0e+00;
	s28 =	smov.u32 s11;
	p2 =	por $0x0, $0x0;
	[sflag:s21] =	ssyncset.done $0x0  }
0x9f: {  	v10 =	vimm.f32 $0.0e+00;
	v9 =	vimm.f32 $0.0e+00;
	v11 =	vimm.f32 $0.0e+00;
	s1 =	smov.u32 s10;
	[sflag:s21] =	ssyncadd.s32 $0xFFFFBF00;
	s3 =	sadd.s32 $0xFFFFFFFF, s31  }
0xa0: {  	s16 =	sshll.u32 s10, $0x6;
	p2 =	sne.s32 s3, $0x1  }
0xa1: {  	s20 =	sshll.u32 s11, $0x5;
	p1 =	seq.s32 s11, $0x1;
	s5 =	simm.s32 $0x1  }
0xa2: {  	s0 =	sadd.s32 $0xD00, s16;
	s1 =	sadd.s32 $0x2700, s16;
	s4 =	sadd.s32 $0x3400, s16  }
.Ltmp3:
0xa3: {  	s17 =	sadd.s32 $0x1A00, s16;
	s14 =	sor.u32 $0x10, s20;
	(pc) =	sbr.rel @!p2 .LBB2_3-.Ltmp3, $4  }
0xa4: {  	s5 =	simm.s32 @!p1 $0x0;
	s12 =	sor.u32 s20, s1;
	s19 =	sor.u32 s20, s4  }
0xa5: {  	s9 =	sor.u32 s1, s14;
	s1 =	sadd.s32 s5, s10;
	s6 =	sor.u32 s20, s0;
	v20 =	vld [tilespmem:s12+$0x0]  }
0xa6: {  	s7 =	sor.u32 s4, s14;
	s4 =	sadd.s32 $0xFFFFFFFF, s3;
	v21 =	vld [tilespmem:s19+$0x0];
	p1 =	sgt.s32 s1, $0x33  }
0xa7: {  	s8 =	sor.u32 s20, s17;
	v26 =	vld [tilespmem:s9+$0x0];
	s1 =	simm.s32 @p1 $0x0;
	p1 =	por $0x1, $0x1  }
0xa8: {  	v1 =	vld [tilespmem:s7+$0x0]  }
0xa9: {  	v3 =	vld [tilespmem:s6+$0x0]  }
0xaa: {  	s3 =	sor.u32 s0, s14;
	v4 =	vld [tilespmem:s8+$0x0];
	v2 =	vsub.f32 $0.0e+00, v20  }
0xab: {  	s15 =	sor.u32 s17, s14;
	v5 =	vld [tilespmem:s3+$0x0];
	v6 =	vsub.f32 $0.0e+00, v21  }
0xac: {  	s29 =	sor.u32 s16, s20;
	v7 =	vld [tilespmem:s15+$0x0];
	v8 =	vsub.f32 $0.0e+00, v26;
	v9 =	vmul.f32 $1.442695020e+00, v2  }
0xad: {  	s5 =	sor.u32 s16, s14;
	v10 =	vsub.f32 $0.0e+00, v1;
	v6 =	vmul.f32 $1.442695020e+00, v6;
	v1 =	vld [tilespmem:s29+$0x0]  }
0xae: {  	v2 =	vld [tilespmem:s5+$0x0];
	v3 =	vsub.f32 $0.0e+00, v3;
	v8 =	vmul.f32 $1.442695020e+00, v8;
	(erf) = vpow2.f32 v9  }
0xaf: {  	v9 =	vmul.f32 $1.442695020e+00, v10;
	(erf) = vpow2.f32 v6  }
0xb0: {  	v3 =	vmul.f32 $1.442695020e+00, v3;
	(erf) = vpow2.f32 v8  }
0xb1: {  	v4 =	vsub.f32 $0.0e+00, v4;
	v5 =	vsub.f32 $0.0e+00, v5;
	(erf) = vpow2.f32 v9  }
0xb2: {  	v6 =	vsub.f32 $0.0e+00, v7;
	(erf) = vpow2.f32 v3;
	v3 =	vand.u32 $0x7FFFFFFF, v1  }
0xb3: {  	v4 =	vmul.f32 $1.442695020e+00, v4;
	v7 =	vand.u32 $0x7FFFFFFF, v2;
	v3 =	vsub.f32 $0.0e+00, v3  }
0xb4: {  	v5 =	vmul.f32 $1.442695020e+00, v5;
	v6 =	vmul.f32 $1.442695020e+00, v6;
	v7 =	vsub.f32 $0.0e+00, v7  }
0xb5: {  	(erf) = vpow2.f32 v4;
	v3 =	vmul.f32 $1.442695020e+00, v3  }
0xb6: {  	(erf) = vpow2.f32 v5;
	v7 =	vmul.f32 $1.442695020e+00, v7  }
0xb7: {  	(erf) = vpow2.f32 v6  }
0xb8: {  	v9 =	vpop (erf);
	(erf) = vpow2.f32 v7  }
0xb9: {  	v6 =	vld [tilespmem:s9+$0xC300];
	v9 =	vadd.f32 $1.000000000e+00, v9;
	(erf) = vpow2.f32 v3;
	v3 =	vpop (erf)  }
0xba: {  	v4 =	vld [tilespmem:s12+$0xC300];
	v11 =	vpop (erf)  }
0xbb: {  	v5 =	vld [tilespmem:s19+$0xC300];
	v11 =	vadd.f32 $1.000000000e+00, v11  }
0xbc: {  	v10 =	vld [tilespmem:s8+$0xC300];
	v3 =	vadd.f32 $1.000000000e+00, v3  }
0xbd: {  	v8 =	vld [tilespmem:s6+$0xC300];
	(erf) = vrcp.f32 v9;
	v9 =	vpop (erf)  }
0xbe: {  	v14 =	vmul.f32 $2.600000000e+01, v6;
	(erf) = vrcp.f32 v3;
	v6 =	vadd.f32 $1.000000000e+00, v9;
	v9 =	vpop (erf)  }
0xbf: {  	v7 =	vld [tilespmem:s7+$0xC300];
	v4 =	vmul.f32 $2.600000000e+01, v4;
	(erf) = vrcp.f32 v11;
	v11 =	vpop (erf)  }
0xc0: {  	v13 =	vld [tilespmem:s3+$0xC300];
	v5 =	vmul.f32 $2.600000000e+01, v5;
	(erf) = vrcp.f32 v6;
	v6 =	vadd.f32 $1.000000000e+00, v11  }
0xc1: {  	v3 =	vld [tilespmem:s15+$0xC300];
	v9 =	vadd.f32 $1.000000000e+00, v9  }
0xc2: {  	v15 =	vsub.f32 v8, v4;
	v16 =	vsub.f32 v10, v5;
	v11 =	vpop (erf)  }
0xc3: {  	v10 =	vadd.f32 v5, v10;
	(erf) = vrcp.f32 v9;
	v9 =	vadd.f32 $1.000000000e+00, v11;
	v11 =	vpop (erf)  }
0xc4: {  	v4 =	vadd.f32 v4, v8;
	v7 =	vmul.f32 $2.600000000e+01, v7;
	(erf) = vrcp.f32 v6;
	v6 =	vpop (erf)  }
0xc5: {  	v18 =	vsub.f32 v10, v16;
	v8 =	vadd.f32 $1.000000000e+00, v11;
	v17 =	vmul.f32 $6.151470820e-03, v6  }
0xc6: {  	v11 =	vsub.f32 v13, v14;
	(erf) = vrcp.f32 v9;
	v9 =	vsub.f32 v3, v7  }
0xc7: {  	v3 =	vadd.f32 v7, v3;
	v5 =	vpop (erf);
	(erf) = vrcp.f32 v8;
	v8 =	vsub.f32 v4, v15  }
0xc8: {  	v13 =	vadd.f32 v14, v13;
	v19 =	vmul.f32 $6.151470820e-03, v5;
	v14 =	vsub.f32 $3.484971080e-02, v17  }
0xc9: {  	v21 =	vsub.f32 v3, v9;
	v7 =	vmul.f32 v18, v8;
	v17 =	vpop (erf)  }
0xca: {  	v8 =	vsub.f32 $3.484971080e-02, v19;
	v19 =	vsub.f32 v13, v11;
	v14 =	vmul.f32 v14, v6;
	v18 =	vpop (erf)  }
0xcb: {  	v17 =	vmul.f32 $2.600000000e+01, v17;
	v20 =	vpop (erf)  }
0xcc: {  	v8 =	vmul.f32 v8, v5;
	v21 =	vmul.f32 v21, v19;
	v14 =	vadd.f32 $-9.325204040e-02, v14;
	v22 =	vpop (erf)  }
0xcd: {  	v12 =	vmax.f32 v2, $0.0e+00;
	v18 =	vmul.f32 $2.600000000e+01, v18;
	v20 =	vmul.f32 $2.600000000e+01, v20;
	v23 =	vpop (erf)  }
0xce: {  	v8 =	vadd.f32 $-9.325204040e-02, v8;
	v14 =	vmul.f32 v14, v6;
	v19 =	vsub.f32 v23, v17;
	v24 =	vpop (erf)  }
0xcf: {  	v22 =	vmul.f32 $2.600000000e+01, v22;
	v17 =	vadd.f32 v17, v23;
	v23 =	vsub.f32 v24, v18  }
0xd0: {  	v8 =	vmul.f32 v8, v5;
	v25 =	vpop (erf);
	v18 =	vadd.f32 v18, v24;
	v14 =	vadd.f32 $1.658227590e-01, v14  }
0xd1: {  	v24 =	vsub.f32 v25, v20;
	v27 =	vmin.f32 v17, v4;
	v20 =	vadd.f32 v20, v25  }
0xd2: {  	v26 =	vpop (erf);
	v28 =	vmax.f32 v19, v15;
	v8 =	vadd.f32 $1.658227590e-01, v8;
	v30 =	vsub.f32 v17, v19  }
0xd3: {  	v4 =	vmax.f32 v17, v4;
	v15 =	vmin.f32 v19, v15;
	v25 =	vsub.f32 v26, v22  }
0xd4: {  	v22 =	vadd.f32 v22, v26;
	v26 =	vmin.f32 v18, v10;
	v29 =	vmax.f32 v23, v16  }
0xd5: {  	v31 =	vsub.f32 v18, v23;
	v27 =	vsub.f32 v27, v28;
	v14 =	vmul.f32 v14, v6  }
0xd6: {  	v10 =	vmax.f32 v18, v10;
	v16 =	vmin.f32 v23, v16;
	v4 =	vsub.f32 v4, v15  }
0xd7: {  	v32 =	vmin.f32 v20, v13;
	v33 =	vmax.f32 v24, v11;
	v35 =	vsub.f32 v20, v24  }
0xd8: {  	v26 =	vsub.f32 v26, v29;
	v8 =	vmul.f32 v8, v5;
	v13 =	vmax.f32 v20, v13  }
0xd9: {  	v11 =	vmin.f32 v24, v11;
	v10 =	vsub.f32 v10, v16;
	v34 =	vmin.f32 v22, v3  }
0xda: {  	v36 =	vmax.f32 v25, v9;
	v37 =	vsub.f32 v22, v25;
	v62 =	vsub.f32 v32, v33  }
0xdb: {  	v30 =	vmul.f32 v31, v30;
	v3 =	vmax.f32 v22, v3;
	v18 =	vmax.f32 v27, $0.0e+00  }
0xdc: {  	v9 =	vmin.f32 v25, v9;
	v14 =	vadd.f32 $-2.398261580e-01, v14;
	v11 =	vsub.f32 v13, v11  }
0xdd: {  	v4 =	vmax.f32 v4, $0.0e+00;
	v63 =	vsub.f32 v34, v36;
	v19 =	vmax.f32 v26, $0.0e+00  }
0xde: {  	v8 =	vadd.f32 $-2.398261580e-01, v8;
	v3 =	vsub.f32 v3, v9;
	v9 =	vmax.f32 v10, $0.0e+00  }
0xdf: {  	v17 =	vmul.f32 v37, v35;
	v15 =	vmax.f32 v62, $0.0e+00;
	v13 =	vmul.f32 v14, v6  }
0xe0: {  	v18 =	vmul.f32 v19, v18;
	v7 =	vadd.f32 v30, v7;
	v20 =	vmax.f32 v63, $0.0e+00  }
0xe1: {  	v19 =	vmul.f32 v20, v15;
	v10 =	vadd.f32 $3.315486310e-01, v13;
	v13 =	vadd.f32 v17, v21  }
0xe2: {  	v11 =	vmax.f32 v11, $0.0e+00;
	v8 =	vmul.f32 v8, v5;
	v7 =	vsub.f32 v7, v18  }
0xe3: {  	v9 =	vmul.f32 v9, v4;
	v14 =	vmax.f32 v3, $0.0e+00;
	v13 =	vsub.f32 v13, v19  }
0xe4: {  	v11 =	vmul.f32 v14, v11;
	v8 =	vadd.f32 $3.315486310e-01, v8;
	v14 =	vadd.f32 $9.999999710e-10, v7  }
0xe5: {  	v15 =	vmax.f32 v1, $0.0e+00;
	v10 =	vmul.f32 v10, v6;
	v16 =	vadd.f32 $9.999999710e-10, v13  }
0xe6: {  	v3 =	vld [tilespmem:s5+$0xC300];
	v17 =	vadd.f32 $9.999999710e-10, v9;
	v8 =	vmul.f32 v8, v5;
	(erf) = vrcp.f32 v14  }
0xe7: {  	p3 =	sne.s32 s4, $0x1;
	s16 =	sshll.u32 s1, $0x6;
	s28 =	sxor.u32 $0x1, s11;
	v4 =	vld [tilespmem:s29+$0xC300];
	v20 =	vadd.f32 $9.999999710e-10, v11;
	v10 =	vadd.f32 $-4.998385610e-01, v10;
	(erf) = vrcp.f32 v16  }
0xe8: {  	s18 =	sadd.s32 $0xFFFFFFFF, s4;
	s0 =	sadd.s32 $0xD00, s16;
	s30 =	sadd.s32 $0x2700, s16;
	v23 =	vsub.f32 v9, v7;
	v8 =	vadd.f32 $-4.998385610e-01, v8;
	(erf) = vrcp.f32 v17  }
0xe9: {  	s31 =	sadd.s32 $0x3400, s16;
	s17 =	sadd.s32 $0x1A00, s16;
	s20 =	sshll.u32 s28, $0x5;
	v24 =	vsub.f32 v11, v13;
	v10 =	vmul.f32 v10, v6;
	(erf) = vrcp.f32 v20  }
.Ltmp4:
0xea: {  	p2 =	seq.s32 s28, $0x1;
	s6 =	simm.s32 $0x1;
	v13 =	vimm.f32 $0.0e+00;
	v14 =	vimm.f32 $0.0e+00;
	v7 =	vmul.f32 v8, v5;
	(pc) =	sbr.rel @!p3 .LBB2_5-.Ltmp4, $4  }
0xeb: {  	s14 =	sor.u32 $0x10, s20;
	s6 =	simm.s32 @!p2 $0x0;
	s12 =	sor.u32 s20, s30;
	v11 =	vimm.f32 $0.0e+00;
	v16 =	vsub.f32 $1.000000000e+00, v3;
	v9 =	vadd.f32 $9.999942770e-01, v10  }
0xec: {  	s8 =	sor.u32 s20, s17;
	s1 =	sadd.s32 s6, s1;
	s19 =	sor.u32 s20, s31;
	v8 =	vsub.f32 $1.000000000e+00, v4;
	v20 =	vld [tilespmem:s12+$0x0];
	v10 =	vimm.f32 $0.0e+00;
	v7 =	vadd.f32 $9.999942770e-01, v7  }
0xed: {  	s6 =	sor.u32 s20, s0;
	p2 =	sgt.s32 s1, $0x33;
	s9 =	sor.u32 s30, s14;
	v21 =	vld [tilespmem:s19+$0x0];
	v17 =	vmul.f32 v9, v6;
	v6 =	vimm.f32 $0.0e+00;
	v9 =	vimm.f32 $0.0e+00  }
0xee: {  	s1 =	simm.s32 @p2 $0x0;
	p2 =	por $0x1, $0x1;
	s7 =	sor.u32 s31, s14;
	v26 =	vld [tilespmem:s9+$0x0];
	v25 =	vmul.f32 v7, v5;
	v7 =	vimm.f32 $0.0e+00;
	v5 =	vimm.f32 $0.0e+00  }
.LBB2_6:
0xef: {  	p3 =	sne.s32 s18, $0x1;
	s25 =	sshll.u32 s1, $0x6;
	s15 =	sor.u32 s0, s14;
	v22 =	vld [tilespmem:s7+$0x0];
	v17 =	vadd.f32 $3.386965370e-08, v17;
	v13 =	vadd.f32 v3, v13;
	v27 =	vpop (erf)  }
0xf0: {  	v14 =	vadd.f32 v4, v14;
	s0 =	sadd.s32 $0xD00, s25;
	s5 =	sadd.s32 $0x2700, s25;
	s4 =	sadd.s32 $0x3400, s25;
	v28 =	vld [tilespmem:s6+$0x0];
	v25 =	vadd.f32 $3.386965370e-08, v25;
	v18 =	vmul.f32 v27, v18;
	v29 =	vpop (erf)  }
0xf1: {  	s3 =	sor.u32 s16, s14;
	s24 =	sor.u32 s17, s14;
	s17 =	sadd.s32 $0x1A00, s25;
	v30 =	vld [tilespmem:s8+$0x0];
	v20 =	vsub.f32 $0.0e+00, v20;
	v27 =	vadd.f32 v17, v12;
	v29 =	vmul.f32 v29, v19;
	v12 =	vpop (erf)  }
0xf2: {  	s14 =	sor.u32 s16, s20;
	s16 =	smov.u32 s25;
	v19 =	vsub.f32 $0.0e+00, v21;
	v21 =	vld [tilespmem:s15+$0x0];
	v17 =	vadd.f32 v25, v15;
	v12 =	vmul.f32 v12, v23;
	v15 =	vpop (erf)  }
0xf3: {  	v20 =	vmul.f32 $1.442695020e+00, v20;
	v23 =	vld [tilespmem:s24+$0x0];
	v25 =	vsub.f32 $0.0e+00, v26;
	v24 =	vmul.f32 v15, v24  }
0xf4: {  	v15 =	vmul.f32 $1.442695020e+00, v19;
	v19 =	vld [tilespmem:s3+$0x0];
	v22 =	vsub.f32 $0.0e+00, v22;
	v31 =	vsub.f32 v12, v18  }
0xf5: {  	v18 =	vld [tilespmem:s14+$0x0];
	v12 =	vsub.f32 $0.0e+00, v28;
	v25 =	vmul.f32 $1.442695020e+00, v25;
	(erf) = vpow2.f32 v20  }
0xf6: {  	v20 =	vld [tilespmem:s12+$0xC300];
	v26 =	vsub.f32 $0.0e+00, v30;
	v22 =	vmul.f32 $1.442695020e+00, v22;
	(erf) = vpow2.f32 v15  }
0xf7: {  	v28 =	vld [tilespmem:s19+$0xC300];
	v12 =	vmul.f32 $1.442695020e+00, v12;
	v15 =	vsub.f32 $0.0e+00, v21;
	(erf) = vpow2.f32 v25  }
0xf8: {  	v21 =	vmul.f32 $1.442695020e+00, v26;
	v25 =	vld [tilespmem:s9+$0xC300];
	v23 =	vsub.f32 $0.0e+00, v23;
	(erf) = vpow2.f32 v22  }
0xf9: {  	v22 =	vand.u32 $0x7FFFFFFF, v19;
	v26 =	vld [tilespmem:s7+$0xC300];
	v15 =	vmul.f32 $1.442695020e+00, v15;
	(erf) = vpow2.f32 v12  }
0xfa: {  	v12 =	vand.u32 $0x7FFFFFFF, v18;
	v30 =	vld [tilespmem:s6+$0xC300];
	v22 =	vsub.f32 $0.0e+00, v22;
	v23 =	vmul.f32 $1.442695020e+00, v23  }
0xfb: {  	v32 =	vsub.f32 $0.0e+00, v12;
	v33 =	vld [tilespmem:s8+$0xC300];
	v34 =	vmul.f32 $2.600000000e+01, v20;
	(erf) = vpow2.f32 v21  }
0xfc: {  	v12 =	vmax.f32 v19, $0.0e+00;
	v20 =	vmul.f32 $1.442695020e+00, v22;
	v22 =	vld [tilespmem:s15+$0xC300];
	(erf) = vpow2.f32 v15  }
0xfd: {  	v15 =	vmax.f32 v18, $0.0e+00;
	v32 =	vmul.f32 $1.442695020e+00, v32;
	v35 =	vld [tilespmem:s24+$0xC300];
	(erf) = vpow2.f32 v23  }
0xfe: {  	v24 =	vsub.f32 v24, v29;
	v23 =	vmul.f32 $2.600000000e+01, v28;
	v21 =	vld [tilespmem:s3+$0xC300];
	v28 =	vpop (erf);
	(erf) = vpow2.f32 v20  }
0xff: {  	v25 =	vmul.f32 $2.600000000e+01, v25;
	v20 =	vld [tilespmem:s14+$0xC300];
	v38 =	vadd.f32 $1.000000000e+00, v28;
	(erf) = vpow2.f32 v32;
	v29 =	vpop (erf)  }
0x100: {  	v26 =	vmul.f32 $2.600000000e+01, v26;
	v32 =	vsub.f32 v30, v34;
	v29 =	vadd.f32 $1.000000000e+00, v29;
	v36 =	vpop (erf)  }
0x101: {  	v37 =	vsub.f32 v33, v23;
	v39 =	vadd.f32 $1.000000000e+00, v36;
	(erf) = vrcp.f32 v38;
	v28 =	vpop (erf)  }
0x102: {  	v30 =	vadd.f32 v34, v30;
	v28 =	vadd.f32 $1.000000000e+00, v28;
	v34 =	vpop (erf);
	(erf) = vrcp.f32 v29  }
0x103: {  	v23 =	vadd.f32 v23, v33;
	v29 =	vadd.f32 $1.000000000e+00, v34;
	(erf) = vrcp.f32 v39  }
0x104: {  	v33 =	vsub.f32 v22, v25;
	v34 =	vsub.f32 v35, v26;
	v36 =	vpop (erf);
	(erf) = vrcp.f32 v28  }
0x105: {  	v28 =	vadd.f32 $1.000000000e+00, v36;
	v36 =	vadd.f32 v25, v22;
	(erf) = vrcp.f32 v29;
	v22 =	vpop (erf)  }
0x106: {  	v35 =	vadd.f32 v26, v35;
	v29 =	vadd.f32 $1.000000000e+00, v22;
	v25 =	vpop (erf);
	v22 =	vmul.f32 v27, v16  }
0x107: {  	v16 =	vsub.f32 v30, v32;
	v38 =	vadd.f32 $1.000000000e+00, v25;
	(erf) = vrcp.f32 v28;
	v26 =	vpop (erf)  }
0x108: {  	v28 =	vsub.f32 v23, v37;
	v42 =	vmul.f32 $6.151470820e-03, v26;
	v25 =	vpop (erf);
	(erf) = vrcp.f32 v29  }
0x109: {  	v40 =	vsub.f32 v36, v33;
	v29 =	vmul.f32 $6.151470820e-03, v25;
	(erf) = vrcp.f32 v38  }
0x10a: {  	v16 =	vmul.f32 v28, v16;
	v38 =	vsub.f32 v35, v34;
	v28 =	vsub.f32 $3.484971080e-02, v42;
	v39 =	vpop (erf)  }
0x10b: {  	v31 =	vadd.f32 $1.000000000e+00, v31;
	v29 =	vsub.f32 $3.484971080e-02, v29;
	v39 =	vmul.f32 $2.600000000e+01, v39;
	v41 =	vpop (erf)  }
0x10c: {  	v24 =	vadd.f32 $1.000000000e+00, v24;
	v41 =	vmul.f32 $2.600000000e+01, v41;
	v28 =	vmul.f32 v28, v26;
	v42 =	vpop (erf)  }
0x10d: {  	v27 =	vsub.f32 v27, v2;
	v29 =	vmul.f32 v29, v25;
	v42 =	vmul.f32 $2.600000000e+01, v42;
	v43 =	vpop (erf)  }
0x10e: {  	v38 =	vmul.f32 v38, v40;
	v28 =	vadd.f32 $-9.325204040e-02, v28;
	v43 =	vmul.f32 $2.600000000e+01, v43;
	v40 =	vpop (erf)  }
0x10f: {  	v31 =	vmul.f32 v31, v4;
	v2 =	vmovc v19;
	v29 =	vadd.f32 $-9.325204040e-02, v29;
	v44 =	vsub.f32 v40, v39  }
0x110: {  	v19 =	vadd.f32 v39, v40;
	v40 =	vsub.f32 v17, v1;
	v28 =	vmul.f32 v28, v26;
	v39 =	vpop (erf)  }
0x111: {  	v29 =	vmul.f32 v29, v25;
	v45 =	vsub.f32 v39, v41;
	v39 =	vadd.f32 v41, v39;
	v1 =	vpop (erf)  }
0x112: {  	v41 =	vmin.f32 v19, v30;
	v46 =	vsub.f32 v1, v42;
	v42 =	vadd.f32 v42, v1;
	v1 =	vpop (erf)  }
0x113: {  	v47 =	vmax.f32 v44, v32;
	v48 =	vsub.f32 v1, v43;
	v43 =	vadd.f32 v43, v1;
	v1 =	vmovc v18  }
0x114: {  	v28 =	vadd.f32 $1.658227590e-01, v28;
	v18 =	vadd.f32 $1.658227590e-01, v29;
	v29 =	vmin.f32 v39, v23  }
0x115: {  	v50 =	vsub.f32 v19, v44;
	v49 =	vmax.f32 v45, v37;
	v51 =	vsub.f32 v39, v45  }
0x116: {  	v52 =	vmin.f32 v42, v36;
	v53 =	vmax.f32 v46, v33;
	v54 =	vmin.f32 v43, v35  }
0x117: {  	v56 =	vsub.f32 v42, v46;
	v55 =	vmax.f32 v48, v34;
	v57 =	vsub.f32 v43, v48  }
0x118: {  	v41 =	vsub.f32 v41, v47;
	v29 =	vsub.f32 v29, v49;
	v28 =	vmul.f32 v28, v26  }
0x119: {  	v47 =	vmul.f32 v18, v25;
	v18 =	vsub.f32 v52, v53;
	v49 =	vsub.f32 v54, v55  }
0x11a: {  	v19 =	vmax.f32 v19, v30;
	v50 =	vmul.f32 v51, v50;
	v30 =	vmul.f32 v57, v56  }
0x11b: {  	v32 =	vmin.f32 v44, v32;
	v23 =	vmax.f32 v39, v23;
	v37 =	vmin.f32 v45, v37  }
0x11c: {  	v36 =	vmax.f32 v42, v36;
	v33 =	vmin.f32 v46, v33;
	v35 =	vmax.f32 v43, v35  }
0x11d: {  	v39 =	vmax.f32 v41, $0.0e+00;
	v34 =	vmin.f32 v48, v34;
	v29 =	vmax.f32 v29, $0.0e+00  }
0x11e: {  	v32 =	vsub.f32 v19, v32;
	v19 =	vmax.f32 v18, $0.0e+00;
	v41 =	vmax.f32 v49, $0.0e+00  }
0x11f: {  	v23 =	vsub.f32 v23, v37;
	v18 =	vmul.f32 v29, v39;
	v29 =	vsub.f32 v36, v33  }
0x120: {  	v28 =	vadd.f32 $-2.398261580e-01, v28;
	v33 =	vsub.f32 v35, v34;
	v19 =	vmul.f32 v41, v19  }
0x121: {  	v32 =	vmax.f32 v32, $0.0e+00;
	v34 =	vadd.f32 $-2.398261580e-01, v47;
	v16 =	vadd.f32 v50, v16  }
0x122: {  	v23 =	vmax.f32 v23, $0.0e+00;
	v30 =	vadd.f32 v30, v38;
	v29 =	vmax.f32 v29, $0.0e+00  }
0x123: {  	v28 =	vmul.f32 v28, v26;
	v34 =	vmul.f32 v34, v25;
	v33 =	vmax.f32 v33, $0.0e+00  }
0x124: {  	v23 =	vmul.f32 v23, v32;
	v16 =	vsub.f32 v16, v18;
	v30 =	vsub.f32 v30, v19  }
0x125: {  	v28 =	vadd.f32 $3.315486310e-01, v28;
	v29 =	vmul.f32 v33, v29;
	v32 =	vadd.f32 $3.315486310e-01, v34  }
0x126: {  	v35 =	vmul.f32 v24, v3;
	v33 =	vadd.f32 $9.999999710e-10, v16;
	v34 =	vadd.f32 $9.999999710e-10, v30  }
0x127: {  	v36 =	vadd.f32 $9.999999710e-10, v23;
	v24 =	vmul.f32 v28, v26;
	v28 =	vadd.f32 $9.999999710e-10, v29  }
0x128: {  	v23 =	vsub.f32 v23, v16;
	v32 =	vmul.f32 v32, v25;
	(erf) = vrcp.f32 v33  }
0x129: {  	v33 =	vadd.f32 $-4.998385610e-01, v24;
	v24 =	vsub.f32 v29, v30;
	(erf) = vrcp.f32 v34  }
0x12a: {  	s28 =	sxor.u32 $0x1, s28;
	v16 =	vsub.f32 $1.000000000e+00, v21;
	v29 =	vadd.f32 $-4.998385610e-01, v32;
	(erf) = vrcp.f32 v36  }
0x12b: {  	s20 =	sshll.u32 s28, $0x5;
	v30 =	vsub.f32 $1.000000000e+00, v20;
	v32 =	vmul.f32 v33, v26;
	(erf) = vrcp.f32 v28  }
.Ltmp5:
0x12c: {  	p4 =	seq.s32 s28, $0x1;
	v7 =	vadd.f32 v31, v7;
	s3 =	simm.s32 $0x1;
	v27 =	vmul.f32 v27, v3;
	v3 =	vmovc v21;
	v28 =	vmul.f32 v29, v25;
	(pc) =	sbr.rel @p3 .LBB2_6-.Ltmp5, $4  }
0x12d: {  	s12 =	sor.u32 s20, s5;
	v31 =	vmul.f32 v17, v8;
	s14 =	sor.u32 $0x10, s20;
	s3 =	simm.s32 @!p4 $0x0;
	v8 =	vmovc v30;
	v29 =	vadd.f32 $9.999942770e-01, v32;
	v32 =	vmul.f32 v40, v4;
	v4 =	vmovc v20  }
0x12e: {  	s19 =	sor.u32 s20, s4;
	s9 =	sor.u32 s5, s14;
	s1 =	sadd.s32 s3, s1;
	v5 =	vadd.f32 v35, v5;
	v28 =	vadd.f32 $9.999942770e-01, v28;
	v20 =	vld [tilespmem:s12+$0x0]  }
0x12f: {  	s6 =	sor.u32 s20, s0;
	s7 =	sor.u32 s4, s14;
	p4 =	sgt.s32 s1, $0x33;
	v10 =	vadd.f32 v27, v10;
	v17 =	vmul.f32 v29, v26;
	v6 =	vadd.f32 v32, v6;
	v21 =	vld [tilespmem:s19+$0x0]  }
0x130: {  	s18 =	sadd.s32 $0xFFFFFFFF, s18;
	s8 =	sor.u32 s20, s17;
	v9 =	vadd.f32 v31, v9;
	s1 =	simm.s32 @p4 $0x0;
	v11 =	vadd.f32 v22, v11;
	v25 =	vmul.f32 v28, v25;
	v26 =	vld [tilespmem:s9+$0x0]  }
.LBB2_7:
0x131: {  	v22 =	vld @p1 [tilespmem:s7+$0x0];
	v27 =	vadd.f32 @p2 $3.386965370e-08, v17;
	v17 =	vadd.f32 @p2 v3, v13  }
0x132: {  	v28 =	vpop @p2 (erf);
	v29 =	vld @p1 [tilespmem:s6+$0x0];
	v13 =	vadd.f32 @p2 v4, v14;
	v25 =	vadd.f32 @p2 $3.386965370e-08, v25  }
0x133: {  	v18 =	vmul.f32 @p2 v28, v18;
	v14 =	vpop @p2 (erf);
	v20 =	vsub.f32 @p1 $0.0e+00, v20;
	v27 =	vadd.f32 @p2 v27, v12  }
0x134: {  	s3 =	sor.u32 @p1 s0, s14;
	v28 =	vld @p1 [tilespmem:s8+$0x0];
	v30 =	vmul.f32 @p2 v14, v19;
	v12 =	vpop @p2 (erf);
	v14 =	vsub.f32 @p1 $0.0e+00, v21;
	v15 =	vadd.f32 @p2 v25, v15  }
0x135: {  	s5 =	sor.u32 @p1 s17, s14;
	v19 =	vld @p1 [tilespmem:s3+$0x0];
	v21 =	vmul.f32 @p2 v12, v23;
	v12 =	vpop @p2 (erf);
	v20 =	vmul.f32 @p1 $1.442695020e+00, v20;
	v25 =	vsub.f32 @p1 $0.0e+00, v26  }
0x136: {  	s4 =	sor.u32 @p1 s16, s20;
	v23 =	vld @p1 [tilespmem:s5+$0x0];
	v24 =	vmul.f32 @p2 v12, v24;
	v16 =	vmul.f32 @p2 v27, v16;
	v2 =	vsub.f32 @p2 v27, v2  }
0x137: {  	s0 =	sor.u32 @p1 s16, s14;
	v12 =	vld @p1 [tilespmem:s4+$0x0];
	v26 =	vmul.f32 @p1 $1.442695020e+00, v14;
	v22 =	vsub.f32 @p1 $0.0e+00, v22;
	v29 =	vsub.f32 @p1 $0.0e+00, v29  }
0x138: {  	v14 =	vld @p1 [tilespmem:s0+$0x0];
	v1 =	vsub.f32 @p2 v15, v1;
	v25 =	vmul.f32 @p1 $1.442695020e+00, v25;
	(erf) = vpow2.f32 @p1 v20  }
0x139: {  	v28 =	vsub.f32 @p1 $0.0e+00, v28;
	v2 =	vmul.f32 @p2 v2, v3;
	v22 =	vmul.f32 @p1 $1.442695020e+00, v22  }
0x13a: {  	v24 =	vsub.f32 @p2 v24, v30;
	(erf) = vpow2.f32 @p1 v26;
	v26 =	vmul.f32 @p1 $1.442695020e+00, v29  }
0x13b: {  	v19 =	vsub.f32 @p1 $0.0e+00, v19;
	(erf) = vpow2.f32 @p1 v25;
	v23 =	vsub.f32 @p1 $0.0e+00, v23  }
0x13c: {  	v25 =	vmul.f32 @p1 $1.442695020e+00, v28;
	(erf) = vpow2.f32 @p1 v22;
	v29 =	vand.u32 @p1 $0x7FFFFFFF, v12  }
0x13d: {  	v28 =	vand.u32 @p1 $0x7FFFFFFF, v14;
	v23 =	vmul.f32 @p1 $1.442695020e+00, v23;
	v29 =	vsub.f32 @p1 $0.0e+00, v29  }
0x13e: {  	v19 =	vmul.f32 @p1 $1.442695020e+00, v19;
	(erf) = vpow2.f32 @p1 v26;
	v28 =	vsub.f32 @p1 $0.0e+00, v28  }
0x13f: {  	v20 =	vld @p1 [tilespmem:s12+$0xC300];
	v11 =	vadd.f32 @p2 v16, v11;
	(erf) = vpow2.f32 @p1 v25;
	v29 =	vmul.f32 @p1 $1.442695020e+00, v29  }
0x140: {  	v25 =	vsub.f32 @p2 v21, v18;
	v21 =	vld @p1 [tilespmem:s7+$0xC300];
	(erf) = vpow2.f32 @p1 v19;
	v28 =	vmul.f32 @p1 $1.442695020e+00, v28  }
0x141: {  	v31 =	vld @p1 [tilespmem:s6+$0xC300];
	v16 =	vpsel p2, v17, v0;
	v1 =	vmul.f32 @p2 v1, v4;
	(erf) = vpow2.f32 @p1 v23;
	v23 =	vpop @p1 (erf)  }
0x142: {  	v24 =	vadd.f32 @p2 $1.000000000e+00, v24;
	v22 =	vld @p1 [tilespmem:s19+$0xC300];
	(erf) = vpow2.f32 @p1 v28;
	v23 =	vadd.f32 @p1 $1.000000000e+00, v23  }
0x143: {  	v10 =	vadd.f32 @p2 v2, v10;
	v6 =	vadd.f32 @p2 v1, v6;
	(erf) = vpow2.f32 @p1 v29;
	v29 =	vpop @p1 (erf)  }
0x144: {  	v24 =	vmul.f32 @p2 v24, v3;
	v20 =	vmul.f32 @p1 $2.600000000e+01, v20;
	v18 =	vmax.f32 @p1 v12, $0.0e+00;
	v34 =	vpop @p1 (erf)  }
0x145: {  	v26 =	vld @p1 [tilespmem:s9+$0xC300];
	v19 =	vmax.f32 @p1 v14, $0.0e+00;
	v35 =	vmul.f32 @p1 $2.600000000e+01, v21;
	v21 =	vadd.f32 @p1 $1.000000000e+00, v34  }
0x146: {  	v32 =	vld @p1 [tilespmem:s8+$0xC300];
	v5 =	vadd.f32 @p2 v24, v5;
	v29 =	vadd.f32 @p1 $1.000000000e+00, v29;
	(erf) = vrcp.f32 @p1 v23;
	v23 =	vpop @p1 (erf)  }
0x147: {  	v33 =	vsub.f32 @p1 v31, v20;
	v25 =	vadd.f32 @p2 $1.000000000e+00, v25;
	v22 =	vmul.f32 @p1 $2.600000000e+01, v22;
	v28 =	vld @p1 [tilespmem:s3+$0xC300];
	v36 =	vpop @p1 (erf)  }
0x148: {  	(erf) = vrcp.f32 @p1 v29;
	v29 =	vadd.f32 @p1 v20, v31;
	v20 =	vadd.f32 @p1 $1.000000000e+00, v36  }
0x149: {  	v25 =	vmul.f32 @p2 v25, v4;
	(erf) = vrcp.f32 @p1 v21;
	v23 =	vadd.f32 @p1 $1.000000000e+00, v23;
	v21 =	vpop @p1 (erf)  }
0x14a: {  	v30 =	vld @p1 [tilespmem:s5+$0xC300];
	v19 =	vpsel p1, v19, v0;
	v26 =	vmul.f32 @p1 $2.600000000e+01, v26;
	v21 =	vadd.f32 @p1 $1.000000000e+00, v21  }
0x14b: {  	v7 =	vadd.f32 @p2 v25, v7;
	v34 =	vsub.f32 @p1 v32, v22;
	(erf) = vrcp.f32 @p1 v23  }
0x14c: {  	v22 =	vadd.f32 @p1 v22, v32;
	v31 =	vsub.f32 @p1 v28, v26;
	(erf) = vrcp.f32 @p1 v20;
	v20 =	vpop @p1 (erf)  }
0x14d: {  	v4 =	vmul.f32 @p2 v15, v8;
	v26 =	vadd.f32 @p1 v26, v28;
	v28 =	vadd.f32 @p1 $1.000000000e+00, v20;
	v20 =	vpop @p1 (erf)  }
0x14e: {  	v37 =	vsub.f32 @p1 v22, v34;
	v32 =	vsub.f32 @p1 v29, v33;
	(erf) = vrcp.f32 @p1 v21;
	v21 =	vpop @p1 (erf)  }
0x14f: {  	v23 =	vsub.f32 @p1 v30, v35;
	v36 =	vadd.f32 @p1 $1.000000000e+00, v20;
	v38 =	vmul.f32 @p1 $6.151470820e-03, v21;
	v20 =	vpop @p1 (erf)  }
0x150: {  	(erf) = vrcp.f32 @p1 v28;
	v28 =	vadd.f32 @p1 v35, v30;
	v30 =	vmul.f32 @p1 $6.151470820e-03, v20  }
0x151: {  	v4 =	vadd.f32 @p2 v4, v9;
	(erf) = vrcp.f32 @p1 v36;
	v36 =	vsub.f32 @p1 $3.484971080e-02, v38  }
0x152: {  	v9 =	vmov @p1 v12;
	v32 =	vmul.f32 @p1 v37, v32;
	v37 =	vpop @p1 (erf);
	v30 =	vsub.f32 @p1 $3.484971080e-02, v30  }
0x153: {  	v12 =	vpsel p2, v7, v0;
	v35 =	vsub.f32 @p1 v26, v31;
	v39 =	vpop @p1 (erf);
	v36 =	vmul.f32 @p1 v36, v21  }
0x154: {  	v38 =	vsub.f32 @p1 v28, v23;
	v37 =	vmul.f32 @p1 $2.600000000e+01, v37;
	v40 =	vpop @p1 (erf);
	v30 =	vmul.f32 @p1 v30, v20  }
0x155: {  	v39 =	vmul.f32 @p1 $2.600000000e+01, v39;
	v40 =	vmul.f32 @p1 $2.600000000e+01, v40;
	v41 =	vpop @p1 (erf);
	v27 =	vadd.f32 @p1 $-9.325204040e-02, v36  }
0x156: {  	v35 =	vmul.f32 @p1 v38, v35;
	v36 =	vmul.f32 @p1 $2.600000000e+01, v41;
	v41 =	vpop @p1 (erf);
	v30 =	vadd.f32 @p1 $-9.325204040e-02, v30  }
0x157: {  	v38 =	vsub.f32 @p1 v41, v37;
	v37 =	vadd.f32 @p1 v37, v41;
	v41 =	vpop @p1 (erf);
	v27 =	vmul.f32 @p1 v27, v21  }
0x158: {  	v42 =	vsub.f32 @p1 v41, v39;
	v39 =	vadd.f32 @p1 v39, v41;
	v30 =	vmul.f32 @p1 v30, v20  }
0x159: {  	v43 =	vpop @p1 (erf);
	v41 =	vmin.f32 @p1 v37, v29;
	v48 =	vsub.f32 @p1 v37, v38;
	v29 =	vmax.f32 @p1 v37, v29  }
0x15a: {  	v44 =	vsub.f32 @p1 v43, v40;
	v40 =	vadd.f32 @p1 v40, v43;
	v43 =	vmax.f32 @p1 v38, v33  }
0x15b: {  	v45 =	vpop @p1 (erf);
	v27 =	vadd.f32 @p1 $1.658227590e-01, v27;
	v47 =	vmax.f32 @p1 v42, v34;
	v49 =	vsub.f32 @p1 v39, v42  }
0x15c: {  	v33 =	vmin.f32 @p1 v38, v33;
	v34 =	vmin.f32 @p1 v42, v34;
	v46 =	vsub.f32 @p1 v45, v36  }
0x15d: {  	v36 =	vadd.f32 @p1 v36, v45;
	v30 =	vadd.f32 @p1 $1.658227590e-01, v30;
	v45 =	vmin.f32 @p1 v39, v22  }
0x15e: {  	v41 =	vsub.f32 @p1 v41, v43;
	v22 =	vmax.f32 @p1 v39, v22;
	v29 =	vsub.f32 @p1 v29, v33  }
0x15f: {  	v50 =	vmin.f32 @p1 v40, v26;
	v51 =	vmax.f32 @p1 v44, v31;
	v53 =	vsub.f32 @p1 v40, v44  }
0x160: {  	v43 =	vsub.f32 @p1 v45, v47;
	v27 =	vmul.f32 @p1 v27, v21;
	v48 =	vmul.f32 @p1 v49, v48  }
0x161: {  	v26 =	vmax.f32 @p1 v40, v26;
	v31 =	vmin.f32 @p1 v44, v31;
	v22 =	vsub.f32 @p1 v22, v34  }
0x162: {  	v52 =	vmin.f32 @p1 v36, v28;
	v54 =	vsub.f32 @p1 v36, v46;
	v55 =	vmax.f32 @p1 v46, v23  }
0x163: {  	v30 =	vmul.f32 @p1 v30, v20;
	v45 =	vsub.f32 @p1 v50, v51;
	v28 =	vmax.f32 @p1 v36, v28  }
0x164: {  	v36 =	vmax.f32 @p1 v41, $0.0e+00;
	v23 =	vmin.f32 @p1 v46, v23;
	v26 =	vsub.f32 @p1 v26, v31  }
0x165: {  	v29 =	vmax.f32 @p1 v29, $0.0e+00;
	v47 =	vsub.f32 @p1 v52, v55;
	v27 =	vadd.f32 @p1 $-2.398261580e-01, v27  }
0x166: {  	v38 =	vmax.f32 @p1 v43, $0.0e+00;
	v23 =	vsub.f32 @p1 v28, v23;
	v32 =	vadd.f32 @p1 v48, v32  }
0x167: {  	v22 =	vmax.f32 @p1 v22, $0.0e+00;
	v37 =	vmul.f32 @p1 v54, v53;
	v30 =	vadd.f32 @p1 $-2.398261580e-01, v30  }
0x168: {  	s3 =	smov.u32 s11;
	v34 =	vld @p1 [tilespmem:s0+$0xC300];
	s0 =	sxor.u32 @p1 $0x1, s28;
	v33 =	vmax.f32 @p1 v45, $0.0e+00;
	v31 =	vmul.f32 @p1 v38, v36;
	v22 =	vmul.f32 @p1 v22, v29  }
0x169: {  	s1 =	sshll.u32 s1, $0x6;
	s3 =	smov.u32 @p1 s0;
	v26 =	vmax.f32 @p1 v26, $0.0e+00;
	v27 =	vmul.f32 @p1 v27, v21;
	v30 =	vmul.f32 @p1 v30, v20  }
0x16a: {  	s6 =	sadd.s32 $0x2700, s1;
	s7 =	sshll.u32 s3, $0x5;
	v39 =	vmax.f32 @p1 v47, $0.0e+00;
	v23 =	vmax.f32 @p1 v23, $0.0e+00;
	v32 =	vsub.f32 @p1 v32, v31  }
0x16b: {  	s8 =	sadd.s32 $0x3400, s1;
	s3 =	sor.u32 s7, s6;
	v28 =	vmul.f32 @p1 v39, v33;
	v27 =	vadd.f32 @p1 $3.315486310e-01, v27;
	v29 =	vadd.f32 @p1 $3.315486310e-01, v30  }
0x16c: {  	s9 =	sor.u32 $0x10, s7;
	s13 =	sor.u32 s7, s8;
	v46 =	vld [tilespmem:s3+$0xC300];
	v33 =	vadd.f32 @p1 v37, v35;
	v23 =	vmul.f32 @p1 v23, v26;
	v36 =	vadd.f32 @p1 $9.999999710e-10, v22  }
0x16d: {  	s16 =	sor.u32 s6, s9;
	v48 =	vld [tilespmem:s13+$0xC300];
	v1 =	vmovc @p1 v34;
	v26 =	vadd.f32 @p1 $9.999999710e-10, v32;
	v27 =	vmul.f32 @p1 v27, v21;
	v29 =	vmul.f32 @p1 v29, v20  }
0x16e: {  	v24 =	vpsel p1, v31, v0;
	v50 =	vld [tilespmem:s16+$0xC300];
	v1 =	vpsel p1, v1, v0;
	v33 =	vsub.f32 @p1 v33, v28  }
0x16f: {  	v30 =	vld @p1 [tilespmem:s4+$0xC300];
	(erf) = vrcp.f32 @p1 v26;
	v26 =	vadd.f32 @p1 $-4.998385610e-01, v27;
	v27 =	vadd.f32 @p1 $-4.998385610e-01, v29  }
0x170: {  	s17 =	sadd.s32 $0xD00, s1;
	v37 =	vadd.f32 @p1 $9.999999710e-10, v23;
	v22 =	vsub.f32 @p1 v22, v32;
	v25 =	vpsel p1, v28, v0  }
0x171: {  	s20 =	sor.u32 s17, s9;
	v35 =	vadd.f32 @p1 $9.999999710e-10, v33;
	v26 =	vmul.f32 @p1 v26, v21;
	v27 =	vmul.f32 @p1 v27, v20  }
0x172: {  	v40 =	vld [tilespmem:s20+$0x0];
	v23 =	vsub.f32 @p1 v23, v33;
	v55 =	vmul.f32 $2.600000000e+01, v46;
	v57 =	vmul.f32 $2.600000000e+01, v48  }
0x173: {  	(erf) = vrcp.f32 @p1 v35;
	v35 =	vld [tilespmem:s13+$0x0];
	v3 =	vadd.f32 @p1 $9.999942770e-01, v26;
	v8 =	vadd.f32 @p1 $9.999942770e-01, v27  }
0x174: {  	v61 =	vmul.f32 $2.600000000e+01, v50;
	(erf) = vrcp.f32 @p1 v36;
	v32 =	vsub.f32 @p1 $1.000000000e+00, v30  }
0x175: {  	v29 =	vsub.f32 @p1 $1.000000000e+00, v34;
	(erf) = vrcp.f32 @p1 v37;
	v3 =	vmul.f32 @p1 v3, v21  }
0x176: {  	v27 =	vpsel p1, v18, v0;
	v18 =	vpsel p1, v22, v0;
	v22 =	vpsel p1, v23, v0;
	v23 =	vmovc @p1 v32  }
0x177: {  	v34 =	vld [tilespmem:s3+$0x0];
	v7 =	vpsel p1, v23, v0;
	v2 =	vmul.f32 @p1 v8, v20;
	v3 =	vpsel p1, v3, v0;
	v8 =	vmovc @p1 v30  }
0x178: {  	v36 =	vld [tilespmem:s16+$0x0];
	v26 =	vsub.f32 $0.0e+00, v35;
	v21 =	vsub.f32 $0.0e+00, v40;
	v20 =	vpsel p2, v13, v0  }
0x179: {  	s4 =	sor.u32 s8, s9;
	v13 =	vpsel p1, v9, v0;
	v9 =	vpsel p2, v6, v0;
	v17 =	vpsel p1, v2, v0  }
0x17a: {  	s18 =	sadd.s32 $0x1A00, s1;
	s15 =	sor.u32 s7, s17;
	v37 =	vld [tilespmem:s4+$0x0];
	v30 =	vadd.f32 @p1 $3.386965370e-08, v3;
	v2 =	vpsel p1, v8, v0;
	v3 =	vpop @p1 (erf);
	v8 =	vmov @p1 v14  }
0x17b: {  	s19 =	sor.u32 s7, s18;
	v38 =	vld [tilespmem:s15+$0x0];
	v6 =	vpsel p2, v11, v0;
	v24 =	vmul.f32 @p1 v3, v24;
	v15 =	vpsel p1, v8, v0  }
0x17c: {  	v39 =	vld [tilespmem:s19+$0x0];
	s8 =	sor.u32 s18, s9;
	v3 =	vpop @p1 (erf);
	v8 =	vpsel p2, v5, v0;
	v5 =	vpsel p2, v4, v0;
	v4 =	vsub.f32 $0.0e+00, v34  }
0x17d: {  	s24 =	sor.u32 s1, s9;
	v41 =	vld [tilespmem:s8+$0x0];
	v28 =	vsub.f32 $0.0e+00, v36;
	v26 =	vmul.f32 $1.442695020e+00, v26;
	v25 =	vmul.f32 @p1 v3, v25;
	v3 =	vpop @p1 (erf)  }
0x17e: {  	s1 =	sor.u32 s1, s7;
	v11 =	vadd.f32 @p1 v1, v16;
	v32 =	vmul.f32 @p1 v3, v18;
	v3 =	vld [tilespmem:s24+$0x0];
	v42 =	vmul.f32 $1.442695020e+00, v4  }
0x17f: {  	v23 =	vsub.f32 $0.0e+00, v37;
	v21 =	vmul.f32 $1.442695020e+00, v21;
	v28 =	vmul.f32 $1.442695020e+00, v28;
	v4 =	vld [tilespmem:s1+$0x0]  }
0x180: {  	v14 =	vpsel p1, v29, v0;
	v29 =	vsub.f32 $0.0e+00, v38;
	(erf) = vpow2.f32 v42  }
0x181: {  	v16 =	vsub.f32 $0.0e+00, v39;
	v43 =	vmul.f32 $1.442695020e+00, v23;
	(erf) = vpow2.f32 v26  }
0x182: {  	v45 =	vsub.f32 $0.0e+00, v41;
	v44 =	vmul.f32 $1.442695020e+00, v29;
	(erf) = vpow2.f32 v28  }
0x183: {  	v54 =	vld [tilespmem:s19+$0xC300];
	v16 =	vmul.f32 $1.442695020e+00, v16;
	v47 =	vand.u32 $0x7FFFFFFF, v3;
	(erf) = vpow2.f32 v43  }
0x184: {  	v60 =	vld [tilespmem:s20+$0xC300];
	v49 =	vand.u32 $0x7FFFFFFF, v4;
	v18 =	vsub.f32 $0.0e+00, v47;
	(erf) = vpow2.f32 v44  }
0x185: {  	v51 =	vld [tilespmem:s15+$0xC300];
	v26 =	vmul.f32 $1.442695020e+00, v45;
	v23 =	vsub.f32 $0.0e+00, v49;
	(erf) = vpow2.f32 v16  }
0x186: {  	v17 =	vadd.f32 @p1 $3.386965370e-08, v17;
	v52 =	vmul.f32 $1.442695020e+00, v18;
	(erf) = vpow2.f32 v21  }
0x187: {  	v53 =	vld [tilespmem:s4+$0xC300];
	v18 =	vadd.f32 @p1 v30, v19;
	v19 =	vpop @p1 (erf);
	v23 =	vmul.f32 $1.442695020e+00, v23;
	(erf) = vpow2.f32 v26  }
0x188: {  	v33 =	vsub.f32 v54, v57;
	v17 =	vadd.f32 @p1 v17, v27;
	(erf) = vpow2.f32 v52  }
0x189: {  	v27 =	vadd.f32 v61, v60;
	v19 =	vmul.f32 @p1 v19, v22;
	v56 =	vpop (erf);
	(erf) = vpow2.f32 v23  }
0x18a: {  	v63 =	vld [tilespmem:s8+$0xC300];
	v29 =	vsub.f32 v51, v55;
	v58 =	vadd.f32 $1.000000000e+00, v56;
	v59 =	vpop (erf)  }
0x18b: {  	v10 =	vpsel p2, v10, v0;
	v22 =	vsub.f32 @p1 v19, v25;
	v25 =	vadd.f32 $1.000000000e+00, v59;
	v62 =	vpop (erf)  }
0x18c: {  	v30 =	vmul.f32 $2.600000000e+01, v53;
	v31 =	vadd.f32 $1.000000000e+00, v62;
	(erf) = vrcp.f32 v58;
	v38 =	vpop (erf)  }
0x18d: {  	v21 =	vsub.f32 @p1 v32, v24;
	v19 =	vadd.f32 $1.000000000e+00, v38;
	v39 =	vpop (erf);
	(erf) = vrcp.f32 v25  }
0x18e: {  	v26 =	vadd.f32 v57, v54;
	v40 =	vadd.f32 $1.000000000e+00, v39;
	(erf) = vrcp.f32 v31;
	v41 =	vpop (erf)  }
0x18f: {  	v34 =	vsub.f32 v63, v30;
	(erf) = vrcp.f32 v19;
	v42 =	vadd.f32 $1.000000000e+00, v41;
	v43 =	vpop (erf)  }
0x190: {  	v30 =	vadd.f32 v30, v63;
	(erf) = vrcp.f32 v40;
	v44 =	vadd.f32 $1.000000000e+00, v43;
	v45 =	vpop (erf)  }
0x191: {  	v50 =	vsub.f32 v26, v33;
	v25 =	vadd.f32 v55, v51;
	(erf) = vrcp.f32 v42;
	v24 =	vpop (erf)  }
0x192: {  	v46 =	vadd.f32 $1.000000000e+00, v45;
	v47 =	vmul.f32 $6.151470820e-03, v24;
	v23 =	vpop (erf);
	(erf) = vrcp.f32 v44  }
0x193: {  	v54 =	vsub.f32 v30, v34;
	v31 =	vsub.f32 v60, v61;
	v49 =	vmul.f32 $6.151470820e-03, v23  }
0x194: {  	v48 =	vsub.f32 v25, v29;
	(erf) = vrcp.f32 v46;
	v28 =	vsub.f32 $3.484971080e-02, v47  }
0x195: {  	v7 =	vmul.f32 @p1 v17, v7;
	v52 =	vsub.f32 v27, v31;
	v51 =	vpop (erf);
	v37 =	vsub.f32 $3.484971080e-02, v49  }
0x196: {  	v13 =	vsub.f32 @p1 v17, v13;
	v35 =	vmul.f32 v50, v48;
	v53 =	vpop (erf);
	v28 =	vmul.f32 v28, v24  }
0x197: {  	v5 =	vadd.f32 @p1 v7, v5;
	v38 =	vmul.f32 v54, v52;
	v55 =	vpop (erf);
	v37 =	vmul.f32 v37, v23  }
0x198: {  	v32 =	vmul.f32 $2.600000000e+01, v51;
	v36 =	vmul.f32 $2.600000000e+01, v53;
	v56 =	vpop (erf);
	v28 =	vadd.f32 $-9.325204040e-02, v28  }
0x199: {  	v40 =	vmul.f32 $2.600000000e+01, v55;
	v41 =	vmul.f32 $2.600000000e+01, v56;
	v57 =	vpop (erf);
	v37 =	vadd.f32 $-9.325204040e-02, v37  }
0x19a: {  	v42 =	vsub.f32 v57, v32;
	v32 =	vadd.f32 v32, v57;
	v28 =	vmul.f32 v28, v24;
	v58 =	vpop (erf)  }
0x19b: {  	v37 =	vmul.f32 v37, v23;
	v43 =	vsub.f32 v58, v36;
	v36 =	vadd.f32 v36, v58;
	v59 =	vpop (erf)  }
0x19c: {  	v44 =	vmin.f32 v32, v25;
	v45 =	vsub.f32 v59, v40;
	v39 =	vadd.f32 v40, v59  }
0x19d: {  	v60 =	vpop (erf);
	v46 =	vmax.f32 v42, v29;
	v28 =	vadd.f32 $1.658227590e-01, v28;
	v49 =	vsub.f32 v32, v42  }
0x19e: {  	v25 =	vmax.f32 v32, v25;
	v29 =	vmin.f32 v42, v29;
	v47 =	vsub.f32 v60, v41  }
0x19f: {  	v40 =	vadd.f32 v41, v60;
	v37 =	vadd.f32 $1.658227590e-01, v37;
	v41 =	vmin.f32 v36, v26  }
0x1a0: {  	v48 =	vmax.f32 v43, v33;
	v50 =	vsub.f32 v36, v43;
	v44 =	vsub.f32 v44, v46  }
0x1a1: {  	v26 =	vmax.f32 v36, v26;
	v33 =	vmin.f32 v43, v33;
	v25 =	vsub.f32 v25, v29  }
0x1a2: {  	v51 =	vmin.f32 v39, v27;
	v61 =	vmax.f32 v45, v31;
	v60 =	vsub.f32 v39, v45  }
0x1a3: {  	v41 =	vsub.f32 v41, v48;
	v28 =	vmul.f32 v28, v24;
	v27 =	vmax.f32 v39, v27  }
0x1a4: {  	v31 =	vmin.f32 v45, v31;
	v26 =	vsub.f32 v26, v33;
	v62 =	vmin.f32 v40, v30  }
0x1a5: {  	v63 =	vmax.f32 v47, v34;
	v56 =	vsub.f32 v40, v47;
	v37 =	vmul.f32 v37, v23  }
0x1a6: {  	v61 =	vsub.f32 v51, v61;
	v49 =	vmul.f32 v50, v49;
	v30 =	vmax.f32 v40, v30  }
0x1a7: {  	v45 =	vmax.f32 v44, $0.0e+00;
	v34 =	vmin.f32 v47, v34;
	v27 =	vsub.f32 v27, v31  }
0x1a8: {  	v25 =	vmax.f32 v25, $0.0e+00;
	v62 =	vsub.f32 v62, v63;
	v50 =	vmax.f32 v41, $0.0e+00  }
0x1a9: {  	v28 =	vadd.f32 $-2.398261580e-01, v28;
	v63 =	vmul.f32 v56, v60;
	v51 =	vmax.f32 v61, $0.0e+00  }
0x1aa: {  	v53 =	vmul.f32 v50, v45;
	v54 =	vadd.f32 v49, v35;
	v52 =	vmax.f32 v62, $0.0e+00  }
0x1ab: {  	v30 =	vsub.f32 v30, v34;
	v29 =	vmul.f32 v52, v51;
	v32 =	vadd.f32 v63, v38  }
0x1ac: {  	v26 =	vmax.f32 v26, $0.0e+00;
	v55 =	vadd.f32 $-2.398261580e-01, v37;
	v34 =	vsub.f32 v54, v53  }
0x1ad: {  	v27 =	vmax.f32 v27, $0.0e+00;
	v25 =	vmul.f32 v26, v25;
	v32 =	vsub.f32 v32, v29  }
0x1ae: {  	v28 =	vmul.f32 v28, v24;
	v30 =	vmax.f32 v30, $0.0e+00;
	v56 =	vadd.f32 $9.999999710e-10, v34  }
0x1af: {  	v33 =	vmul.f32 v55, v23;
	v27 =	vmul.f32 v30, v27;
	v57 =	vadd.f32 $9.999999710e-10, v32  }
0x1b0: {  	v58 =	vadd.f32 $9.999999710e-10, v25;
	v28 =	vadd.f32 $3.315486310e-01, v28;
	(erf) = vrcp.f32 v56  }
0x1b1: {  	v33 =	vadd.f32 $3.315486310e-01, v33;
	v63 =	vadd.f32 $9.999999710e-10, v27;
	(erf) = vrcp.f32 v57  }
0x1b2: {  	v7 =	vpsel p1, v11, v0;
	v28 =	vmul.f32 v28, v24;
	(erf) = vrcp.f32 v58  }
0x1b3: {  	v5 =	vpsel p1, v5, v0;
	v33 =	vmul.f32 v33, v23;
	(erf) = vrcp.f32 v63  }
0x1b4: {  	v16 =	vadd.f32 @p1 v2, v20;
	v20 =	vmax.f32 v4, $0.0e+00;
	v21 =	vadd.f32 @p1 $1.000000000e+00, v21  }
0x1b5: {  	v14 =	vmul.f32 @p1 v18, v14;
	v40 =	vadd.f32 $-4.998385610e-01, v28;
	v41 =	vadd.f32 $-4.998385610e-01, v33  }
0x1b6: {  	v15 =	vsub.f32 @p1 v18, v15;
	v22 =	vadd.f32 @p1 $1.000000000e+00, v22;
	v21 =	vmul.f32 @p1 v21, v2;
	v59 =	vld [tilespmem:s24+$0xC300]  }
0x1b7: {  	v6 =	vadd.f32 @p1 v14, v6;
	v39 =	vld [tilespmem:s1+$0xC300];
	v18 =	vmul.f32 v40, v24;
	v28 =	vmul.f32 v41, v23  }
0x1b8: {  	v2 =	vmul.f32 @p1 v13, v2;
	v22 =	vmul.f32 @p1 v22, v1;
	v12 =	vadd.f32 @p1 v21, v12  }
0x1b9: {  	v1 =	vmul.f32 @p1 v15, v1;
	v18 =	vadd.f32 $9.999942770e-01, v18;
	v44 =	vadd.f32 $9.999942770e-01, v28;
	v45 =	vpop (erf)  }
0x1ba: {  	v6 =	vpsel p1, v6, v0;
	v2 =	vadd.f32 @p1 v2, v9;
	v8 =	vadd.f32 @p1 v22, v8;
	v47 =	vpop (erf)  }
0x1bb: {  	v1 =	vadd.f32 @p1 v1, v10;
	v46 =	vmul.f32 v18, v24;
	v48 =	vmul.f32 v44, v23;
	v49 =	vpop (erf)  }
0x1bc: {  	v19 =	vmax.f32 v3, $0.0e+00;
	v42 =	vsub.f32 $1.000000000e+00, v59;
	v43 =	vsub.f32 $1.000000000e+00, v39;
	v50 =	vpop (erf)  }
0x1bd: {  	v61 =	vpsel p1, v1, v0;
	v54 =	vadd.f32 $3.386965370e-08, v46;
	v9 =	vadd.f32 $3.386965370e-08, v48;
	_ =	swait.ge [sflag:s22], $0x4100  }
0x1be: {  	v25 =	vsub.f32 v25, v34;
	v27 =	vsub.f32 v27, v32;
	v52 =	vmul.f32 v45, v53;
	[sflag:s22] =	ssyncset.done $0x0  }
0x1bf: {  	v1 =	vadd.f32 v54, v19;
	v53 =	vmul.f32 v47, v29;
	v9 =	vadd.f32 v9, v20;
	[sflag:s22] =	ssyncadd.s32 $0xFFFFBF00  }
0x1c0: {  	v51 =	vpsel p1, v16, v0;
	v10 =	vmul.f32 v49, v25;
	v11 =	vmul.f32 v50, v27;
	_ =	swait.ge [sflag:s22], $0x4100  }
0x1c1: {  	s31 =	simm.s32 $0x1;
	s29 =	simm.s32 $0x3400;
	v62 =	vmul.f32 v1, v42;
	v1 =	vsub.f32 v1, v3;
	v3 =	vsub.f32 v9, v4;
	s25 =	rddreg [dreg:$0xd]  }
0x1c2: {  	s12 =	simm.s32 $0x0;
	p2 =	por $0x0, $0x0;
	v55 =	vpsel p1, v2, v0;
	v2 =	vsub.f32 v10, v52;
	v60 =	vsub.f32 v11, v53;
	s8 =	sadd.s32 $0x1, s25  }
0x1c3: {  	s14 =	sor.u32 $0x10, s12;
	s31 =	simm.s32 @!p2 $0x0;
	v12 =	vpsel p1, v12, v0;
	v4 =	vadd.f32 v59, v7;
	v7 =	vadd.f32 v39, v51;
	p2 =	seq.s32 s8, $0x0  }
.Ltmp6:
0x1c4: {  	s30 =	simm.s32 $0x2700;
	s5 =	sor.u32 s29, s14;
	v9 =	vmul.f32 v9, v43;
	v2 =	vadd.f32 $1.000000000e+00, v2;
	v10 =	vadd.f32 $1.000000000e+00, v60;
	(pc) =	sbr.rel @p2 .LBB2_8-.Ltmp6, $4  }
0x1c5: {  	s28 =	simm.s32 $0x0;
	s0 =	simm.s32 $0xD00;
	v63 =	vmul.f32 v1, v59;
	v6 =	vadd.f32 v62, v6;
	v3 =	vmul.f32 v3, v39;
	[sflag:s22] =	ssyncset.done $0x0  }
0x1c6: {  	s6 =	sor.u32 s12, s30;
	s7 =	sor.u32 s12, s29;
	v5 =	vadd.f32 v9, v5;
	[sflag:s22] =	ssyncadd.s32 $0xFFFFBF00;
	v2 =	vmul.f32 v2, v39;
	v10 =	vmul.f32 v10, v59  }
0x1c7: {  	s16 =	simm.s32 $0x1A00;
	s4 =	sor.u32 s30, s14;
	s17 =	sadd.s32 $0x0, s31;
	v8 =	vpsel p1, v8, v0;
	v58 =	vadd.f32 v63, v61;
	v3 =	vadd.f32 v3, v55;
	v34 =	vld [tilespmem:s6+$0x4100]  }
0x1c8: {  	s24 =	sor.u32 s12, s0;
	s1 =	simm.s32 $0x0;
	p1 =	sgt.s32 s17, $0x33;
	v35 =	vld [tilespmem:s7+$0x4100];
	v2 =	vadd.f32 v2, v12;
	v57 =	vadd.f32 v10, v8  }
0x1c9: {  	v8 =	vld [tilespmem:s4+$0x4100]  }
0x1ca: {  	v9 =	vld [tilespmem:s5+$0x4100]  }
0x1cb: {  	s3 =	sor.u32 s12, s16;
	v10 =	vld [tilespmem:s24+$0x4100]  }
0x1cc: {  	s15 =	sor.u32 s0, s14;
	v12 =	vld [tilespmem:s3+$0x4100];
	v11 =	vsub.f32 $0.0e+00, v34  }
0x1cd: {  	s19 =	sor.u32 s16, s14;
	v13 =	vld [tilespmem:s15+$0x4100];
	v14 =	vsub.f32 $0.0e+00, v35  }
0x1ce: {  	s20 =	sor.u32 s1, s14;
	v15 =	vld [tilespmem:s19+$0x4100];
	v8 =	vsub.f32 $0.0e+00, v8;
	v16 =	vmul.f32 $1.442695020e+00, v11  }
0x1cf: {  	s9 =	sor.u32 s1, s12;
	v21 =	vld [tilespmem:s20+$0x4100];
	v9 =	vsub.f32 $0.0e+00, v9;
	v14 =	vmul.f32 $1.442695020e+00, v14  }
0x1d0: {  	v11 =	vld [tilespmem:s9+$0x4100];
	v10 =	vsub.f32 $0.0e+00, v10;
	v8 =	vmul.f32 $1.442695020e+00, v8;
	(erf) = vpow2.f32 v16  }
0x1d1: {  	v9 =	vmul.f32 $1.442695020e+00, v9;
	(erf) = vpow2.f32 v14  }
0x1d2: {  	v12 =	vsub.f32 $0.0e+00, v12;
	v10 =	vmul.f32 $1.442695020e+00, v10;
	(erf) = vpow2.f32 v8  }
0x1d3: {  	v13 =	vsub.f32 $0.0e+00, v13;
	v48 =	vsub.f32 $0.0e+00, v15;
	(erf) = vpow2.f32 v9  }
0x1d4: {  	v8 =	vmul.f32 $1.442695020e+00, v12;
	v9 =	vand.u32 $0x7FFFFFFF, v21;
	(erf) = vpow2.f32 v10  }
0x1d5: {  	v15 =	vld [tilespmem:s7+$0x10400];
	v13 =	vmul.f32 $1.442695020e+00, v13;
	v10 =	vand.u32 $0x7FFFFFFF, v11;
	v9 =	vsub.f32 $0.0e+00, v9  }
0x1d6: {  	v49 =	vld [tilespmem:s6+$0x10400];
	v12 =	vmul.f32 $1.442695020e+00, v48;
	v10 =	vsub.f32 $0.0e+00, v10;
	(erf) = vpow2.f32 v8  }
0x1d7: {  	v9 =	vmul.f32 $1.442695020e+00, v9;
	(erf) = vpow2.f32 v13  }
0x1d8: {  	v8 =	vld [tilespmem:s24+$0x10400];
	v10 =	vmul.f32 $1.442695020e+00, v10;
	(erf) = vpow2.f32 v12  }
0x1d9: {  	v50 =	vld [tilespmem:s5+$0x10400];
	(erf) = vpow2.f32 v9;
	v52 =	vpop (erf)  }
0x1da: {  	v16 =	vld [tilespmem:s4+$0x10400];
	(erf) = vpow2.f32 v10;
	v10 =	vmul.f32 $2.600000000e+01, v15;
	v15 =	vpop (erf)  }
0x1db: {  	v51 =	vld [tilespmem:s3+$0x10400];
	v9 =	vmul.f32 $2.600000000e+01, v49;
	v19 =	vpop (erf)  }
0x1dc: {  	v14 =	vadd.f32 $1.000000000e+00, v52;
	v15 =	vadd.f32 $1.000000000e+00, v15;
	v53 =	vpop (erf)  }
0x1dd: {  	v20 =	vld [tilespmem:s19+$0x10400];
	v18 =	vsub.f32 v8, v9;
	v9 =	vadd.f32 v9, v8;
	v23 =	vpop (erf)  }
0x1de: {  	v19 =	vadd.f32 $1.000000000e+00, v19;
	(erf) = vrcp.f32 v14;
	v8 =	vadd.f32 $1.000000000e+00, v23  }
0x1df: {  	v17 =	vld [tilespmem:s15+$0x10400];
	v16 =	vmul.f32 $2.600000000e+01, v16;
	v14 =	vadd.f32 $1.000000000e+00, v53;
	(erf) = vrcp.f32 v15  }
0x1e0: {  	v13 =	vmul.f32 $2.600000000e+01, v50;
	v22 =	vsub.f32 v51, v10;
	(erf) = vrcp.f32 v19;
	v15 =	vpop (erf)  }
0x1e1: {  	v12 =	vadd.f32 v10, v51;
	(erf) = vrcp.f32 v14;
	v10 =	vadd.f32 $1.000000000e+00, v15;
	v54 =	vpop (erf)  }
0x1e2: {  	v19 =	vsub.f32 v20, v13;
	(erf) = vrcp.f32 v8;
	v14 =	vadd.f32 $1.000000000e+00, v54;
	v8 =	vpop (erf)  }
0x1e3: {  	v13 =	vadd.f32 v13, v20;
	(erf) = vrcp.f32 v10;
	v23 =	vadd.f32 $1.000000000e+00, v8;
	v8 =	vpop (erf)  }
0x1e4: {  	v15 =	vsub.f32 v17, v16;
	v16 =	vadd.f32 v16, v17;
	v17 =	vpop (erf);
	(erf) = vrcp.f32 v14  }
0x1e5: {  	v24 =	vmul.f32 $6.151470820e-03, v8;
	(erf) = vrcp.f32 v23;
	v23 =	vsub.f32 v12, v22  }
0x1e6: {  	v55 =	vsub.f32 v9, v18;
	v25 =	vmul.f32 $6.151470820e-03, v17  }
0x1e7: {  	v28 =	vsub.f32 v13, v19;
	v24 =	vsub.f32 $3.484971080e-02, v24  }
0x1e8: {  	v26 =	vsub.f32 v16, v15;
	v20 =	vpop (erf);
	v25 =	vsub.f32 $3.484971080e-02, v25  }
0x1e9: {  	v27 =	vmax.f32 v11, $0.0e+00;
	v14 =	vmul.f32 v23, v55;
	v24 =	vmul.f32 v24, v8;
	v23 =	vpop (erf)  }
0x1ea: {  	v10 =	vmax.f32 v21, $0.0e+00;
	v26 =	vmul.f32 v28, v26;
	v25 =	vmul.f32 v25, v17;
	v29 =	vpop (erf)  }
0x1eb: {  	v20 =	vmul.f32 $2.600000000e+01, v20;
	v23 =	vmul.f32 $2.600000000e+01, v23;
	v24 =	vadd.f32 $-9.325204040e-02, v24;
	v30 =	vpop (erf)  }
0x1ec: {  	v29 =	vmul.f32 $2.600000000e+01, v29;
	v25 =	vadd.f32 $-9.325204040e-02, v25;
	v30 =	vmul.f32 $2.600000000e+01, v30;
	v28 =	vpop (erf)  }
0x1ed: {  	v24 =	vmul.f32 v24, v8;
	v31 =	vsub.f32 v28, v20;
	v20 =	vadd.f32 v20, v28;
	v28 =	vpop (erf)  }
0x1ee: {  	v25 =	vmul.f32 v25, v17;
	v32 =	vsub.f32 v28, v23;
	v23 =	vadd.f32 v23, v28;
	v28 =	vpop (erf)  }
0x1ef: {  	v24 =	vadd.f32 $1.658227590e-01, v24;
	v33 =	vmin.f32 v20, v9;
	v56 =	vsub.f32 v28, v29  }
0x1f0: {  	v28 =	vadd.f32 v29, v28;
	v59 =	vmax.f32 v31, v18;
	v25 =	vadd.f32 $1.658227590e-01, v25  }
0x1f1: {  	v29 =	vpop (erf);
	v38 =	vsub.f32 v20, v31;
	v9 =	vmax.f32 v20, v9;
	v18 =	vmin.f32 v31, v18  }
0x1f2: {  	v36 =	vsub.f32 v29, v30;
	v29 =	vadd.f32 v30, v29;
	v30 =	vmin.f32 v23, v12  }
0x1f3: {  	v37 =	vmax.f32 v32, v22;
	v39 =	vsub.f32 v23, v32;
	v33 =	vsub.f32 v33, v59  }
0x1f4: {  	v24 =	vmul.f32 v24, v8;
	v12 =	vmax.f32 v23, v12;
	v22 =	vmin.f32 v32, v22  }
0x1f5: {  	v9 =	vsub.f32 v9, v18;
	v40 =	vmin.f32 v28, v16;
	v41 =	vmax.f32 v56, v15  }
0x1f6: {  	v44 =	vsub.f32 v28, v56;
	v30 =	vsub.f32 v30, v37;
	v25 =	vmul.f32 v25, v17  }
0x1f7: {  	v16 =	vmax.f32 v28, v16;
	v15 =	vmin.f32 v56, v15;
	v12 =	vsub.f32 v12, v22  }
0x1f8: {  	v42 =	vmin.f32 v29, v13;
	v43 =	vmax.f32 v36, v19;
	v45 =	vsub.f32 v29, v36  }
0x1f9: {  	v60 =	vsub.f32 v40, v41;
	v38 =	vmul.f32 v39, v38;
	v13 =	vmax.f32 v29, v13  }
0x1fa: {  	v23 =	vmax.f32 v33, $0.0e+00;
	v19 =	vmin.f32 v36, v19;
	v24 =	vadd.f32 $-2.398261580e-01, v24  }
0x1fb: {  	v15 =	vsub.f32 v16, v15;
	v9 =	vmax.f32 v9, $0.0e+00;
	v61 =	vsub.f32 v42, v43  }
0x1fc: {  	v28 =	vmax.f32 v30, $0.0e+00;
	v16 =	vadd.f32 $-2.398261580e-01, v25;
	v13 =	vsub.f32 v13, v19  }
0x1fd: {  	v20 =	vmul.f32 v45, v44;
	v18 =	vmax.f32 v60, $0.0e+00;
	v22 =	vmul.f32 v24, v8  }
0x1fe: {  	v31 =	vmul.f32 v28, v23;
	v14 =	vadd.f32 v38, v14;
	v29 =	vmax.f32 v61, $0.0e+00  }
0x1ff: {  	v16 =	vmul.f32 v16, v17;
	v30 =	vmul.f32 v29, v18;
	v18 =	vadd.f32 $3.315486310e-01, v22  }
0x200: {  	v12 =	vmax.f32 v12, $0.0e+00;
	v15 =	vmax.f32 v15, $0.0e+00;
	v19 =	vadd.f32 v20, v26  }
0x201: {  	v14 =	vsub.f32 v14, v31;
	v16 =	vadd.f32 $3.315486310e-01, v16;
	v18 =	vmul.f32 v18, v8  }
0x202: {  	s8 =	sadd.s32 $0x1, s8;
	s17 =	simm.s32 @p1 $0x0;
	v9 =	vmul.f32 v12, v9;
	v13 =	vmax.f32 v13, $0.0e+00;
	v62 =	vsub.f32 v19, v30  }
0x203: {  	s18 =	sshll.u32 s17, $0x6;
	p3 =	seq.s32 s8, $0x0;
	s15 =	simm.s32 $0x1;
	v19 =	vld [tilespmem:s20+$0x10400];
	v20 =	vadd.f32 $9.999999710e-10, v14;
	v16 =	vmul.f32 v16, v17;
	v22 =	vadd.f32 $-4.998385610e-01, v18  }
0x204: {  	s0 =	sadd.s32 $0xD00, s18;
	s25 =	sadd.s32 $0x3400, s18;
	v13 =	vmul.f32 v13, v15;
	v23 =	vadd.f32 $9.999999710e-10, v9;
	v18 =	vld [tilespmem:s9+$0x10400];
	v15 =	vadd.f32 $9.999999710e-10, v62;
	s9 =	sxor.u32 $0x1, s28  }
.Ltmp7:
0x205: {  	s24 =	sadd.s32 $0x2700, s18;
	(erf) = vrcp.f32 v20;
	v16 =	vadd.f32 $-4.998385610e-01, v16;
	s12 =	sshll.u32 s9, $0x5;
	v20 =	vmul.f32 v22, v8;
	(pc) =	sbr.rel @p3 .LBB2_10-.Ltmp7, $4  }
0x206: {  	s16 =	sadd.s32 $0x1A00, s18;
	v33 =	vsub.f32 v9, v14;
	p1 =	seq.s32 s9, $0x1;
	v22 =	vadd.f32 $9.999999710e-10, v13;
	(erf) = vrcp.f32 v15;
	s6 =	sor.u32 s12, s24  }
0x207: {  	s14 =	sor.u32 $0x10, s12;
	s15 =	simm.s32 @!p1 $0x0;
	s7 =	sor.u32 s12, s25;
	(erf) = vrcp.f32 v23;
	v9 =	vmul.f32 v16, v17;
	v63 =	vadd.f32 $9.999942770e-01, v20  }
0x208: {  	v32 =	vsub.f32 v13, v62;
	p1 =	por $0x1, $0x1;
	v23 =	vsub.f32 $1.000000000e+00, v19;
	v34 =	vld [tilespmem:s6+$0x4100];
	s4 =	sor.u32 s24, s14;
	s20 =	sadd.s32 s15, s17;
	(erf) = vrcp.f32 v22  }
0x209: {  	s24 =	sor.u32 s12, s0;
	v35 =	vld [tilespmem:s7+$0x4100];
	s5 =	sor.u32 s25, s14;
	p2 =	sgt.s32 s20, $0x33;
	v22 =	vsub.f32 $1.000000000e+00, v18;
	v39 =	vadd.f32 $9.999942770e-01, v9;
	v37 =	vmul.f32 v63, v8  }
0x20a: {  	_ = 	snop  }
0x20b: {  	v12 =	vld [tilespmem:s4+$0x4100]  }
0x20c: {  	v14 =	vld [tilespmem:s5+$0x4100];
	v13 =	vmul.f32 v39, v17  }
0x20d: {  	s3 =	sor.u32 s12, s16;
	v17 =	vld [tilespmem:s24+$0x4100]  }
0x20e: {  	s15 =	sor.u32 s0, s14;
	v15 =	vadd.f32 $3.386965370e-08, v37;
	v25 =	vld [tilespmem:s3+$0x4100];
	v16 =	vpop (erf)  }
0x20f: {  	s13 =	sor.u32 s16, s14;
	v29 =	vld [tilespmem:s15+$0x4100];
	v26 =	vadd.f32 $3.386965370e-08, v13;
	v20 =	vpop (erf);
	v24 =	vmul.f32 v16, v31;
	v16 =	vsub.f32 $0.0e+00, v34  }
0x210: {  	s19 =	sor.u32 s18, s12;
	v42 =	vld [tilespmem:s13+$0x4100];
	v12 =	vsub.f32 $0.0e+00, v12;
	v13 =	vpop (erf);
	v28 =	vmul.f32 v20, v30;
	v20 =	vsub.f32 $0.0e+00, v35  }
0x211: {  	s17 =	sor.u32 s18, s14;
	v30 =	vadd.f32 v15, v10;
	v15 =	vld [tilespmem:s19+$0x4100];
	v13 =	vmul.f32 v13, v33;
	v10 =	vpop (erf);
	v31 =	vmul.f32 $1.442695020e+00, v16  }
0x212: {  	v14 =	vsub.f32 $0.0e+00, v14;
	v16 =	vld [tilespmem:s17+$0x4100];
	v32 =	vmul.f32 v10, v32;
	v10 =	vmul.f32 $1.442695020e+00, v20  }
0x213: {  	v17 =	vsub.f32 $0.0e+00, v17;
	v12 =	vmul.f32 $1.442695020e+00, v12;
	(erf) = vpow2.f32 v31  }
0x214: {  	v25 =	vsub.f32 $0.0e+00, v25;
	v14 =	vmul.f32 $1.442695020e+00, v14;
	(erf) = vpow2.f32 v10  }
0x215: {  	v10 =	vmul.f32 $1.442695020e+00, v17;
	v17 =	vsub.f32 $0.0e+00, v29;
	(erf) = vpow2.f32 v12  }
0x216: {  	v12 =	vmul.f32 $1.442695020e+00, v25;
	v25 =	vsub.f32 $0.0e+00, v42;
	(erf) = vpow2.f32 v14  }
0x217: {  	v29 =	vand.u32 $0x7FFFFFFF, v16;
	(erf) = vpow2.f32 v10;
	v10 =	vand.u32 $0x7FFFFFFF, v15  }
0x218: {  	v17 =	vmul.f32 $1.442695020e+00, v17;
	v29 =	vsub.f32 $0.0e+00, v29;
	v44 =	vsub.f32 $0.0e+00, v10  }
0x219: {  	v25 =	vmul.f32 $1.442695020e+00, v25;
	(erf) = vpow2.f32 v12  }
0x21a: {  	v12 =	vsub.f32 v13, v24;
	v24 =	vmul.f32 $1.442695020e+00, v29;
	v29 =	vmul.f32 $1.442695020e+00, v44  }
0x21b: {  	v13 =	vld [tilespmem:s5+$0x10400];
	(erf) = vpow2.f32 v17  }
0x21c: {  	v20 =	vld [tilespmem:s6+$0x10400];
	(erf) = vpow2.f32 v25  }
0x21d: {  	v31 =	vld [tilespmem:s4+$0x10400];
	(erf) = vpow2.f32 v24;
	v25 =	vpop (erf)  }
0x21e: {  	(erf) = vpow2.f32 v29;
	v25 =	vadd.f32 $1.000000000e+00, v25;
	v29 =	vpop (erf)  }
0x21f: {  	v8 =	vadd.f32 v18, v7;
	v43 =	vld [tilespmem:s24+$0x10400];
	v28 =	vsub.f32 v32, v28;
	v36 =	vpop (erf)  }
0x220: {  	v26 =	vadd.f32 v26, v27;
	v14 =	vld [tilespmem:s7+$0x10400];
	v47 =	vmul.f32 $2.600000000e+01, v13;
	v13 =	vadd.f32 $1.000000000e+00, v36  }
0x221: {  	v46 =	vld [tilespmem:s13+$0x10400];
	v28 =	vadd.f32 $1.000000000e+00, v28;
	v45 =	vmul.f32 $2.600000000e+01, v20;
	v29 =	vadd.f32 $1.000000000e+00, v29  }
0x222: {  	v9 =	vadd.f32 v19, v4;
	v31 =	vmul.f32 $2.600000000e+01, v31;
	v17 =	vld [tilespmem:s3+$0x10400];
	(erf) = vrcp.f32 v25;
	v25 =	vpop (erf)  }
0x223: {  	v11 =	vsub.f32 v26, v11;
	v28 =	vmul.f32 v28, v19;
	(erf) = vrcp.f32 v29;
	v38 =	vpop (erf)  }
0x224: {  	v34 =	vsub.f32 v43, v45;
	v24 =	vld [tilespmem:s15+$0x10400];
	v25 =	vadd.f32 $1.000000000e+00, v25;
	(erf) = vrcp.f32 v13;
	v13 =	vpop (erf)  }
0x225: {  	v14 =	vmul.f32 $2.600000000e+01, v14;
	v48 =	vadd.f32 $1.000000000e+00, v38;
	v13 =	vadd.f32 $1.000000000e+00, v13  }
0x226: {  	v12 =	vadd.f32 $1.000000000e+00, v12;
	v32 =	vadd.f32 v47, v46;
	(erf) = vrcp.f32 v25  }
0x227: {  	v36 =	vsub.f32 v17, v14;
	v14 =	vadd.f32 v14, v17;
	(erf) = vrcp.f32 v48;
	v17 =	vpop (erf)  }
0x228: {  	v29 =	vadd.f32 v45, v43;
	v49 =	vadd.f32 $1.000000000e+00, v17;
	v17 =	vpop (erf);
	(erf) = vrcp.f32 v13  }
0x229: {  	v35 =	vsub.f32 v24, v31;
	v31 =	vadd.f32 v31, v24;
	v24 =	vmul.f32 v30, v23;
	v13 =	vpop (erf)  }
0x22a: {  	v51 =	vsub.f32 v14, v36;
	v23 =	vsub.f32 v29, v34;
	v40 =	vmul.f32 $6.151470820e-03, v13  }
0x22b: {  	v25 =	vsub.f32 v46, v47;
	v50 =	vadd.f32 $1.000000000e+00, v17;
	(erf) = vrcp.f32 v49;
	v17 =	vpop (erf)  }
0x22c: {  	v12 =	vmul.f32 v12, v18;
	v52 =	vmul.f32 $6.151470820e-03, v17;
	v55 =	vpop (erf);
	v54 =	vsub.f32 $3.484971080e-02, v40  }
0x22d: {  	v53 =	vsub.f32 v31, v35;
	v23 =	vmul.f32 v51, v23;
	v56 =	vsub.f32 v32, v25;
	v41 =	vpop (erf)  }
0x22e: {  	(erf) = vrcp.f32 v50;
	v33 =	vsub.f32 $3.484971080e-02, v52;
	v59 =	vpop (erf);
	v38 =	vmul.f32 v54, v13  }
0x22f: {  	v44 =	vsub.f32 v30, v21;
	v37 =	vmul.f32 v56, v53;
	v39 =	vmul.f32 $2.600000000e+01, v55;
	v42 =	vpop (erf)  }
0x230: {  	v27 =	vmul.f32 $2.600000000e+01, v41;
	v33 =	vmul.f32 v33, v17;
	v43 =	vpop (erf);
	v38 =	vadd.f32 $-9.325204040e-02, v38  }
0x231: {  	v41 =	vmul.f32 $2.600000000e+01, v59;
	v40 =	vsub.f32 v43, v39;
	v39 =	vadd.f32 v39, v43;
	v60 =	vpop (erf)  }
0x232: {  	v42 =	vmul.f32 $2.600000000e+01, v42;
	v33 =	vadd.f32 $-9.325204040e-02, v33;
	v30 =	vsub.f32 v60, v27  }
0x233: {  	v27 =	vadd.f32 v27, v60;
	v38 =	vmul.f32 v38, v13;
	v62 =	vmin.f32 v39, v29  }
0x234: {  	v61 =	vpop (erf);
	v63 =	vmax.f32 v40, v34;
	v49 =	vsub.f32 v39, v40;
	v29 =	vmax.f32 v39, v29  }
0x235: {  	v34 =	vmin.f32 v40, v34;
	v21 =	vmul.f32 v33, v17;
	v45 =	vsub.f32 v61, v41  }
0x236: {  	v33 =	vadd.f32 v41, v61;
	v60 =	vmin.f32 v27, v14;
	v50 =	vsub.f32 v27, v30  }
0x237: {  	v46 =	vpop (erf);
	v48 =	vmax.f32 v30, v36;
	v41 =	vsub.f32 v62, v63;
	v29 =	vsub.f32 v29, v34  }
0x238: {  	v14 =	vmax.f32 v27, v14;
	v47 =	vsub.f32 v46, v42;
	v42 =	vadd.f32 v42, v46  }
0x239: {  	v27 =	vmin.f32 v30, v36;
	v38 =	vadd.f32 $1.658227590e-01, v38;
	v61 =	vsub.f32 v60, v48  }
0x23a: {  	v14 =	vsub.f32 v14, v27;
	v21 =	vadd.f32 $1.658227590e-01, v21;
	v51 =	vmin.f32 v33, v31  }
0x23b: {  	v52 =	vmax.f32 v45, v35;
	v54 =	vsub.f32 v33, v45;
	v49 =	vmul.f32 v50, v49  }
0x23c: {  	v30 =	vmax.f32 v33, v31;
	v31 =	vmin.f32 v45, v35;
	v29 =	vmax.f32 v29, $0.0e+00  }
0x23d: {  	v53 =	vmin.f32 v42, v32;
	v55 =	vsub.f32 v42, v47;
	v56 =	vmax.f32 v47, v25  }
0x23e: {  	v38 =	vmul.f32 v38, v13;
	v62 =	vsub.f32 v51, v52;
	v32 =	vmax.f32 v42, v32  }
0x23f: {  	v51 =	vmax.f32 v41, $0.0e+00;
	v52 =	vmax.f32 v61, $0.0e+00;
	v25 =	vmin.f32 v47, v25  }
0x240: {  	v27 =	vsub.f32 v30, v31;
	v14 =	vmax.f32 v14, $0.0e+00;
	v21 =	vmul.f32 v21, v17  }
0x241: {  	v63 =	vsub.f32 v53, v56;
	v31 =	vmul.f32 v52, v51;
	v25 =	vsub.f32 v32, v25  }
0x242: {  	v23 =	vadd.f32 v49, v23;
	v50 =	vmul.f32 v55, v54;
	v55 =	vadd.f32 $-2.398261580e-01, v38  }
0x243: {  	v14 =	vmul.f32 v14, v29;
	v53 =	vmax.f32 v62, $0.0e+00;
	v21 =	vadd.f32 $-2.398261580e-01, v21  }
0x244: {  	v27 =	vmax.f32 v27, $0.0e+00;
	v54 =	vmax.f32 v63, $0.0e+00;
	v33 =	vmul.f32 v55, v13  }
0x245: {  	v30 =	vmul.f32 v54, v53;
	v56 =	vadd.f32 v50, v37;
	v21 =	vmul.f32 v21, v17  }
0x246: {  	v25 =	vmax.f32 v25, $0.0e+00;
	v23 =	vsub.f32 v23, v31;
	v33 =	vadd.f32 $3.315486310e-01, v33  }
0x247: {  	v25 =	vmul.f32 v25, v27;
	v32 =	vsub.f32 v56, v30;
	v29 =	vadd.f32 $3.315486310e-01, v21  }
0x248: {  	v61 =	vadd.f32 $9.999999710e-10, v14;
	v59 =	vadd.f32 $9.999999710e-10, v23;
	v62 =	vmul.f32 v33, v13  }
0x249: {  	s20 =	simm.s32 @p2 $0x0;
	v63 =	vadd.f32 $9.999999710e-10, v25;
	v60 =	vadd.f32 $9.999999710e-10, v32;
	v29 =	vmul.f32 v29, v17  }
0x24a: {  	s18 =	sshll.u32 s20, $0x6;
	v27 =	vld [tilespmem:s19+$0x10400];
	(erf) = vrcp.f32 v59;
	v33 =	vsub.f32 v14, v23;
	v14 =	vadd.f32 $-4.998385610e-01, v62  }
0x24b: {  	s0 =	sadd.s32 $0xD00, s18;
	s24 =	sadd.s32 $0x2700, s18;
	v21 =	vld [tilespmem:s17+$0x10400];
	s17 =	sadd.s32 $0x1, s8;
	v32 =	vsub.f32 v25, v32;
	(erf) = vrcp.f32 v60;
	v25 =	vadd.f32 $-4.998385610e-01, v29  }
0x24c: {  	s25 =	sadd.s32 $0x3400, s18;
	v20 =	vmax.f32 v15, $0.0e+00;
	s19 =	sxor.u32 $0x1, s9;
	p2 =	seq.s32 s17, $0x0;
	(erf) = vrcp.f32 v61;
	v14 =	vmul.f32 v14, v13  }
.Ltmp8:
0x24d: {  	s16 =	sadd.s32 $0x1A00, s18;
	v10 =	vmax.f32 v16, $0.0e+00;
	s12 =	sshll.u32 s19, $0x5;
	(erf) = vrcp.f32 v63;
	v25 =	vmul.f32 v25, v17;
	(pc) =	sbr.rel @p2 .LBB2_12-.Ltmp8, $4  }
0x24e: {  	[tilespmem:$0x1FFF0] =	vst v7;
	v19 =	vmul.f32 v44, v19;
	v12 =	vadd.f32 v12, v2;
	p0 =	seq.s32 s19, $0x1;
	s6 =	sor.u32 s12, s24;
	s8 =	simm.s32 $0x1;
	v14 =	vadd.f32 $9.999942770e-01, v14  }
0x24f: {  	v7 =	vmovc v4;
	v0 =	vmovc v2;
	v36 =	vmul.f32 v26, v22;
	v38 =	vmul.f32 v11, v18;
	s14 =	sor.u32 $0x10, s12;
	s7 =	sor.u32 s12, s25;
	s8 =	simm.s32 @!p0 $0x0;
	v29 =	vsub.f32 $1.000000000e+00, v27  }
0x250: {  	v4 =	vmovc v58;
	v2 =	vmovc v57;
	v34 =	vld [tilespmem:s6+$0x4100];
	s4 =	sor.u32 s24, s14;
	s24 =	sor.u32 s12, s0;
	s20 =	sadd.s32 s8, s20;
	v23 =	vsub.f32 $1.000000000e+00, v21;
	v39 =	vadd.f32 $9.999942770e-01, v25;
	v37 =	vmul.f32 v14, v13  }
0x251: {  	v26 =	vmovc v3;
	v35 =	vld [tilespmem:s7+$0x4100];
	s5 =	sor.u32 s25, s14;
	p0 =	por $0x1, $0x1;
	p3 =	sgt.s32 s20, $0x33;
	v13 =	vadd.f32 v19, v58;
	v14 =	vadd.f32 v28, v57;
	v28 =	vmovc v6;
	v25 =	vmov v5  }
.LBB2_13:
0x252: {  	s17 =	sadd.s32 $0x1, s17;
	s15 =	sor.u32 s12, s16;
	v11 =	vld [tilespmem:s4+$0x4100];
	s20 =	simm.s32 @p3 $0x0;
	v17 =	vmul.f32 v39, v17;
	v26 =	vadd.f32 v38, v26;
	v28 =	vadd.f32 v24, v28  }
0x253: {  	s3 =	sor.u32 s0, s14;
	v25 =	vadd.f32 v36, v25;
	s13 =	sshll.u32 s20, $0x6;
	p2 =	seq.s32 s17, $0x0;
	v18 =	vld [tilespmem:s5+$0x4100];
	v19 =	vadd.f32 $3.386965370e-08, v37;
	v22 =	vpop (erf)  }
0x254: {  	v8 =	vadd.f32 v27, v8;
	v9 =	vadd.f32 v21, v9;
	s0 =	sadd.s32 $0xD00, s13;
	s9 =	sadd.s32 $0x2700, s13;
	s8 =	sadd.s32 $0x3400, s13;
	v24 =	vld [tilespmem:s24+$0x4100];
	v22 =	vmul.f32 v22, v31;
	v31 =	vpop (erf)  }
0x255: {  	s25 =	sor.u32 s18, s14;
	s14 =	sor.u32 s16, s14;
	s16 =	sadd.s32 $0x1A00, s13;
	v36 =	vld [tilespmem:s15+$0x4100];
	v37 =	vsub.f32 $0.0e+00, v34;
	v34 =	vadd.f32 $3.386965370e-08, v17;
	v17 =	vmul.f32 v31, v30;
	v30 =	vpop (erf)  }
0x256: {  	s12 =	sor.u32 s18, s12;
	s18 =	smov.u32 s13;
	v31 =	vadd.f32 v19, v10;
	v35 =	vsub.f32 $0.0e+00, v35;
	v38 =	vld [tilespmem:s3+$0x4100];
	v33 =	vmul.f32 v30, v33;
	v10 =	vpop (erf)  }
0x257: {  	v19 =	vmul.f32 $1.442695020e+00, v37;
	v37 =	vld [tilespmem:s14+$0x4100];
	v39 =	vsub.f32 $0.0e+00, v11;
	v32 =	vmul.f32 v10, v32  }
0x258: {  	v10 =	vmul.f32 $1.442695020e+00, v35;
	v30 =	vld [tilespmem:s25+$0x4100];
	v18 =	vsub.f32 $0.0e+00, v18;
	v33 =	vsub.f32 v33, v22  }
0x259: {  	v11 =	vld [tilespmem:s12+$0x4100];
	v22 =	vsub.f32 $0.0e+00, v24;
	v24 =	vmul.f32 $1.442695020e+00, v39;
	(erf) = vpow2.f32 v19  }
0x25a: {  	v19 =	vld [tilespmem:s6+$0x10400];
	v35 =	vsub.f32 $0.0e+00, v36;
	v18 =	vmul.f32 $1.442695020e+00, v18;
	(erf) = vpow2.f32 v10  }
0x25b: {  	v36 =	vld [tilespmem:s7+$0x10400];
	v10 =	vmul.f32 $1.442695020e+00, v22;
	v22 =	vsub.f32 $0.0e+00, v38;
	(erf) = vpow2.f32 v24  }
0x25c: {  	v24 =	vmul.f32 $1.442695020e+00, v35;
	v35 =	vld [tilespmem:s4+$0x10400];
	v37 =	vsub.f32 $0.0e+00, v37;
	(erf) = vpow2.f32 v18  }
0x25d: {  	v18 =	vand.u32 $0x7FFFFFFF, v30;
	v38 =	vld [tilespmem:s5+$0x10400];
	v22 =	vmul.f32 $1.442695020e+00, v22;
	(erf) = vpow2.f32 v10  }
0x25e: {  	v10 =	vand.u32 $0x7FFFFFFF, v11;
	v39 =	vld [tilespmem:s24+$0x10400];
	v18 =	vsub.f32 $0.0e+00, v18;
	v37 =	vmul.f32 $1.442695020e+00, v37  }
0x25f: {  	v40 =	vsub.f32 $0.0e+00, v10;
	v41 =	vld [tilespmem:s15+$0x10400];
	v42 =	vmul.f32 $2.600000000e+01, v19;
	(erf) = vpow2.f32 v24  }
0x260: {  	v10 =	vmax.f32 v30, $0.0e+00;
	v18 =	vmul.f32 $1.442695020e+00, v18;
	v24 =	vld [tilespmem:s3+$0x10400];
	(erf) = vpow2.f32 v22  }
0x261: {  	v43 =	vmax.f32 v11, $0.0e+00;
	v1 =	vmul.f32 $1.442695020e+00, v40;
	v40 =	vld [tilespmem:s14+$0x10400];
	(erf) = vpow2.f32 v37  }
0x262: {  	v32 =	vsub.f32 v32, v17;
	v36 =	vmul.f32 $2.600000000e+01, v36;
	v19 =	vld [tilespmem:s25+$0x10400];
	v37 =	vpop (erf);
	(erf) = vpow2.f32 v18  }
0x263: {  	v35 =	vmul.f32 $2.600000000e+01, v35;
	v18 =	vld [tilespmem:s12+$0x10400];
	v46 =	vadd.f32 $1.000000000e+00, v37;
	(erf) = vpow2.f32 v1;
	v22 =	vpop (erf)  }
0x264: {  	v38 =	vmul.f32 $2.600000000e+01, v38;
	v37 =	vsub.f32 v39, v42;
	v22 =	vadd.f32 $1.000000000e+00, v22;
	v44 =	vpop (erf)  }
0x265: {  	v45 =	vsub.f32 v41, v36;
	v1 =	vadd.f32 $1.000000000e+00, v44;
	(erf) = vrcp.f32 v46;
	v17 =	vpop (erf)  }
0x266: {  	v39 =	vadd.f32 v42, v39;
	v17 =	vadd.f32 $1.000000000e+00, v17;
	v42 =	vpop (erf);
	(erf) = vrcp.f32 v22  }
0x267: {  	v36 =	vadd.f32 v36, v41;
	v46 =	vadd.f32 $1.000000000e+00, v42;
	(erf) = vrcp.f32 v1  }
0x268: {  	v41 =	vsub.f32 v24, v35;
	v42 =	vsub.f32 v40, v38;
	v44 =	vpop (erf);
	(erf) = vrcp.f32 v17  }
0x269: {  	v1 =	vadd.f32 $1.000000000e+00, v44;
	v44 =	vadd.f32 v35, v24;
	(erf) = vrcp.f32 v46;
	v22 =	vpop (erf)  }
0x26a: {  	v38 =	vadd.f32 v38, v40;
	v24 =	vmul.f32 v31, v23;
	v35 =	vadd.f32 $1.000000000e+00, v22;
	v22 =	vpop (erf)  }
0x26b: {  	v23 =	vsub.f32 v39, v37;
	v40 =	vadd.f32 $1.000000000e+00, v22;
	(erf) = vrcp.f32 v1;
	v22 =	vpop (erf)  }
0x26c: {  	v46 =	vsub.f32 v36, v45;
	v1 =	vmul.f32 $6.151470820e-03, v22;
	v17 =	vpop (erf);
	(erf) = vrcp.f32 v35  }
0x26d: {  	v48 =	vsub.f32 v44, v41;
	v35 =	vmul.f32 $6.151470820e-03, v17;
	(erf) = vrcp.f32 v40  }
0x26e: {  	v23 =	vmul.f32 v46, v23;
	v46 =	vsub.f32 v38, v42;
	v1 =	vsub.f32 $3.484971080e-02, v1;
	v47 =	vpop (erf)  }
0x26f: {  	v34 =	vadd.f32 v34, v20;
	v35 =	vsub.f32 $3.484971080e-02, v35;
	v47 =	vmul.f32 $2.600000000e+01, v47;
	v49 =	vpop (erf)  }
0x270: {  	v33 =	vadd.f32 $1.000000000e+00, v33;
	v49 =	vmul.f32 $2.600000000e+01, v49;
	v1 =	vmul.f32 v1, v22;
	v40 =	vpop (erf)  }
0x271: {  	v32 =	vadd.f32 $1.000000000e+00, v32;
	v35 =	vmul.f32 v35, v17;
	v40 =	vmul.f32 $2.600000000e+01, v40;
	v50 =	vpop (erf)  }
0x272: {  	v46 =	vmul.f32 v46, v48;
	v51 =	vadd.f32 $-9.325204040e-02, v1;
	v50 =	vmul.f32 $2.600000000e+01, v50;
	v48 =	vpop (erf)  }
0x273: {  	v20 =	vmovc v43;
	v52 =	vadd.f32 $-9.325204040e-02, v35;
	v53 =	vsub.f32 v48, v47;
	v35 =	vmul.f32 v33, v27  }
0x274: {  	v33 =	vadd.f32 v47, v48;
	v48 =	vsub.f32 v31, v16;
	v43 =	vmul.f32 v51, v22;
	v47 =	vpop (erf)  }
0x275: {  	v31 =	vmul.f32 v52, v17;
	v51 =	vsub.f32 v47, v49;
	v47 =	vadd.f32 v49, v47;
	v16 =	vpop (erf)  }
0x276: {  	v49 =	vmin.f32 v33, v39;
	v52 =	vsub.f32 v16, v40;
	v40 =	vadd.f32 v40, v16;
	v16 =	vpop (erf)  }
0x277: {  	v54 =	vmax.f32 v53, v37;
	v55 =	vsub.f32 v16, v50;
	v50 =	vadd.f32 v50, v16;
	v16 =	vmovc v30  }
0x278: {  	v43 =	vadd.f32 $1.658227590e-01, v43;
	v30 =	vadd.f32 $1.658227590e-01, v31;
	v31 =	vmin.f32 v47, v36  }
0x279: {  	v57 =	vsub.f32 v33, v53;
	v56 =	vmax.f32 v51, v45;
	v58 =	vsub.f32 v47, v51  }
0x27a: {  	v59 =	vmin.f32 v40, v44;
	v60 =	vmax.f32 v52, v41;
	v61 =	vmin.f32 v50, v38  }
0x27b: {  	v63 =	vsub.f32 v40, v52;
	v62 =	vmax.f32 v55, v42;
	v1 =	vsub.f32 v50, v55  }
0x27c: {  	v49 =	vsub.f32 v49, v54;
	v31 =	vsub.f32 v31, v56;
	v43 =	vmul.f32 v43, v22  }
0x27d: {  	v54 =	vmul.f32 v30, v17;
	v30 =	vsub.f32 v59, v60;
	v56 =	vsub.f32 v61, v62  }
0x27e: {  	v33 =	vmax.f32 v33, v39;
	v57 =	vmul.f32 v58, v57;
	v1 =	vmul.f32 v1, v63  }
0x27f: {  	v37 =	vmin.f32 v53, v37;
	v36 =	vmax.f32 v47, v36;
	v39 =	vmin.f32 v51, v45  }
0x280: {  	v40 =	vmax.f32 v40, v44;
	v41 =	vmin.f32 v52, v41;
	v38 =	vmax.f32 v50, v38  }
0x281: {  	v44 =	vmax.f32 v49, $0.0e+00;
	v42 =	vmin.f32 v55, v42;
	v31 =	vmax.f32 v31, $0.0e+00  }
0x282: {  	v33 =	vsub.f32 v33, v37;
	v30 =	vmax.f32 v30, $0.0e+00;
	v37 =	vmax.f32 v56, $0.0e+00  }
0x283: {  	v36 =	vsub.f32 v36, v39;
	v39 =	vsub.f32 v40, v41;
	v31 =	vmul.f32 v31, v44  }
0x284: {  	v40 =	vadd.f32 $-2.398261580e-01, v43;
	v30 =	vmul.f32 v37, v30;
	v37 =	vsub.f32 v38, v42  }
0x285: {  	v33 =	vmax.f32 v33, $0.0e+00;
	v23 =	vadd.f32 v57, v23;
	v38 =	vadd.f32 $-2.398261580e-01, v54  }
0x286: {  	v36 =	vmax.f32 v36, $0.0e+00;
	v39 =	vmax.f32 v39, $0.0e+00;
	v1 =	vadd.f32 v1, v46  }
0x287: {  	v40 =	vmul.f32 v40, v22;
	v38 =	vmul.f32 v38, v17;
	v37 =	vmax.f32 v37, $0.0e+00  }
0x288: {  	v33 =	vmul.f32 v36, v33;
	v23 =	vsub.f32 v23, v31;
	v1 =	vsub.f32 v1, v30  }
0x289: {  	v37 =	vmul.f32 v37, v39;
	v36 =	vadd.f32 $3.315486310e-01, v38;
	v38 =	vadd.f32 $3.315486310e-01, v40  }
0x28a: {  	v41 =	vmul.f32 v32, v21;
	v39 =	vadd.f32 $9.999999710e-10, v23;
	v40 =	vadd.f32 $9.999999710e-10, v1  }
0x28b: {  	v42 =	vadd.f32 $9.999999710e-10, v33;
	v32 =	vmul.f32 v38, v22;
	v38 =	vadd.f32 $9.999999710e-10, v37  }
0x28c: {  	v33 =	vsub.f32 v33, v23;
	v36 =	vmul.f32 v36, v17;
	(erf) = vrcp.f32 v39  }
0x28d: {  	v23 =	vadd.f32 $-4.998385610e-01, v32;
	v32 =	vsub.f32 v37, v1;
	(erf) = vrcp.f32 v40  }
0x28e: {  	v1 =	vadd.f32 $-4.998385610e-01, v36;
	v37 =	vsub.f32 v34, v15;
	v15 =	vmovc v11;
	(erf) = vrcp.f32 v42  }
.Ltmp9:
0x28f: {  	s19 =	sxor.u32 $0x1, s19;
	v11 =	vmul.f32 v23, v22;
	v23 =	vsub.f32 $1.000000000e+00, v19;
	(erf) = vrcp.f32 v38;
	(pc) =	sbr.rel @!p2 .LBB2_13-.Ltmp9, $4  }
0x290: {  	p3 =	seq.s32 s19, $0x1;
	s3 =	simm.s32 $0x1;
	s12 =	sshll.u32 s19, $0x5;
	v1 =	vmul.f32 v1, v17;
	v40 =	vsub.f32 $1.000000000e+00, v18;
	v42 =	vmul.f32 v48, v21;
	v21 =	vmovc v19  }
0x291: {  	s3 =	simm.s32 @!p3 $0x0;
	s6 =	sor.u32 s12, s9;
	s14 =	sor.u32 $0x10, s12;
	v36 =	vmul.f32 v34, v29;
	v11 =	vadd.f32 $9.999942770e-01, v11;
	v38 =	vmul.f32 v37, v27;
	v27 =	vmovc v18  }
0x292: {  	s20 =	sadd.s32 s3, s20;
	s7 =	sor.u32 s12, s8;
	s4 =	sor.u32 s9, s14;
	v12 =	vadd.f32 v35, v12;
	v39 =	vadd.f32 $9.999942770e-01, v1;
	v29 =	vmov v40;
	v34 =	vld [tilespmem:s6+$0x4100]  }
0x293: {  	p3 =	sgt.s32 s20, $0x33;
	s24 =	sor.u32 s12, s0;
	s5 =	sor.u32 s8, s14;
	v14 =	vadd.f32 v41, v14;
	v37 =	vmul.f32 v11, v22;
	v13 =	vadd.f32 v42, v13;
	v35 =	vld [tilespmem:s7+$0x4100]  }
0x294: {  	v18 =	vmovc v27;
	v19 =	vmovc v21;
	v27 =	vmov v20;
	v21 =	vmov v16;
	v11 =	vmov v15  }
0x295: {  	v22 =	vmovc v29;
	v57 =	vmovc v2;
	v2 =	vmov v0;
	v58 =	vmov v4;
	v4 =	vmov v7;
	v7 =	vld [tilespmem:$0x1FFF0]  }
.LBB2_15:
0x296: {  	v1 =	vld [tilespmem:s4+$0x4100]  }
0x297: {  	v15 =	vld [tilespmem:s5+$0x4100]  }
0x298: {  	v29 =	vld [tilespmem:s24+$0x4100];
	v20 =	vadd.f32 @p0 v24, v28  }
0x299: {  	s15 =	sor.u32 s12, s16;
	v42 =	vld [tilespmem:s6+$0x10400];
	v9 =	vadd.f32 @p1 v19, v9;
	v16 =	vsub.f32 $0.0e+00, v34  }
0x29a: {  	s9 =	sor.u32 s16, s14;
	v40 =	vld [tilespmem:s15+$0x4100];
	v34 =	vmul.f32 @p1 v39, v17;
	v17 =	vadd.f32 @p0 v38, v26;
	v26 =	vadd.f32 @p1 $3.386965370e-08, v37  }
0x29b: {  	s3 =	sor.u32 s0, s14;
	v8 =	vadd.f32 @p1 v18, v8;
	v55 =	vld [tilespmem:s9+$0x4100];
	v35 =	vsub.f32 $0.0e+00, v35  }
0x29c: {  	v53 =	vld [tilespmem:s3+$0x4100];
	v4 =	vpsel p1, v9, v4;
	v54 =	vmul.f32 $1.442695020e+00, v16;
	v38 =	vadd.f32 @p1 v26, v10  }
0x29d: {  	v56 =	vmul.f32 $1.442695020e+00, v35;
	v7 =	vpsel p1, v8, v7;
	v1 =	vsub.f32 $0.0e+00, v1  }
0x29e: {  	v59 =	vsub.f32 $0.0e+00, v15;
	v29 =	vsub.f32 $0.0e+00, v29;
	(erf) = vpow2.f32 v54  }
0x29f: {  	s8 =	sor.u32 s18, s14;
	v44 =	vld [tilespmem:s4+$0x10400];
	v23 =	vmul.f32 @p1 v38, v23;
	(erf) = vpow2.f32 v56;
	v60 =	vsub.f32 $0.0e+00, v40  }
0x2a0: {  	s20 =	sor.u32 s18, s12;
	v16 =	vld [tilespmem:s8+$0x4100];
	v63 =	vsub.f32 $0.0e+00, v55;
	v55 =	vmul.f32 $2.600000000e+01, v42;
	v1 =	vmul.f32 $1.442695020e+00, v1  }
0x2a1: {  	v15 =	vld [tilespmem:s20+$0x4100];
	v61 =	vsub.f32 $0.0e+00, v53;
	v28 =	vmul.f32 $1.442695020e+00, v59;
	v29 =	vmul.f32 $1.442695020e+00, v29  }
0x2a2: {  	v24 =	vpop @p1 (erf);
	v8 =	vpsel p0, v17, v3;
	v62 =	vmul.f32 $1.442695020e+00, v60;
	(erf) = vpow2.f32 v1  }
0x2a3: {  	v50 =	vld [tilespmem:s24+$0x10400];
	v17 =	vpsel p0, v20, v6;
	v1 =	vmul.f32 @p1 v24, v31;
	v24 =	vmul.f32 $1.442695020e+00, v61  }
0x2a4: {  	v21 =	vsub.f32 @p1 v38, v21;
	v31 =	vmul.f32 $1.442695020e+00, v63;
	(erf) = vpow2.f32 v28  }
0x2a5: {  	v43 =	vld [tilespmem:s7+$0x10400];
	v40 =	vand.u32 $0x7FFFFFFF, v16;
	v63 =	vmul.f32 $2.600000000e+01, v44;
	(erf) = vpow2.f32 v29  }
0x2a6: {  	v37 =	vpop @p1 (erf);
	v41 =	vand.u32 $0x7FFFFFFF, v15;
	v29 =	vsub.f32 $0.0e+00, v40;
	(erf) = vpow2.f32 v62  }
0x2a7: {  	v60 =	vld [tilespmem:s3+$0x10400];
	v28 =	vmul.f32 @p1 v37, v30;
	v30 =	vpop @p1 (erf);
	v35 =	vsub.f32 $0.0e+00, v41;
	(erf) = vpow2.f32 v24  }
0x2a8: {  	v30 =	vmul.f32 @p1 v30, v33;
	v33 =	vsub.f32 v50, v55;
	v29 =	vmul.f32 $1.442695020e+00, v29  }
0x2a9: {  	v24 =	vadd.f32 @p0 v36, v25;
	v25 =	vpop @p1 (erf);
	v45 =	vmul.f32 $1.442695020e+00, v35;
	(erf) = vpow2.f32 v31  }
0x2aa: {  	v10 =	vsub.f32 @p1 v30, v1;
	v36 =	vmul.f32 $2.600000000e+01, v43;
	v31 =	vadd.f32 @p1 $3.386965370e-08, v34;
	v46 =	vpop (erf)  }
0x2ab: {  	v47 =	vld [tilespmem:s5+$0x10400];
	v25 =	vmul.f32 @p1 v25, v32;
	(erf) = vpow2.f32 v29;
	v48 =	vadd.f32 $1.000000000e+00, v46;
	v49 =	vpop (erf)  }
0x2ac: {  	v32 =	vadd.f32 v63, v60;
	(erf) = vpow2.f32 v45;
	v51 =	vadd.f32 $1.000000000e+00, v49;
	v52 =	vpop (erf)  }
0x2ad: {  	v1 =	vld [tilespmem:s15+$0x10400];
	v29 =	vadd.f32 v55, v50;
	(erf) = vrcp.f32 v48;
	v53 =	vadd.f32 $1.000000000e+00, v52;
	v54 =	vpop (erf)  }
0x2ae: {  	v10 =	vadd.f32 @p1 $1.000000000e+00, v10;
	(erf) = vrcp.f32 v51;
	v56 =	vadd.f32 $1.000000000e+00, v54;
	v59 =	vpop (erf)  }
0x2af: {  	v62 =	vld [tilespmem:s9+$0x10400];
	v26 =	vsub.f32 @p1 v25, v28;
	v61 =	vadd.f32 $1.000000000e+00, v59;
	(erf) = vrcp.f32 v53;
	v43 =	vpop (erf)  }
0x2b0: {  	v45 =	vmul.f32 $2.600000000e+01, v47;
	(erf) = vrcp.f32 v56;
	v28 =	vadd.f32 $1.000000000e+00, v43;
	v44 =	vpop (erf)  }
0x2b1: {  	v27 =	vadd.f32 @p1 v31, v27;
	(erf) = vrcp.f32 v61;
	v35 =	vadd.f32 $1.000000000e+00, v44  }
0x2b2: {  	v39 =	vsub.f32 v1, v36;
	v1 =	vadd.f32 v36, v1;
	v46 =	vpop (erf);
	(erf) = vrcp.f32 v28  }
0x2b3: {  	v36 =	vsub.f32 v60, v63;
	v47 =	vadd.f32 $1.000000000e+00, v46;
	(erf) = vrcp.f32 v35  }
0x2b4: {  	v10 =	vmul.f32 @p1 v10, v18;
	v48 =	vsub.f32 v29, v33;
	v30 =	vadd.f32 v45, v62;
	v28 =	vpop (erf)  }
0x2b5: {  	v26 =	vadd.f32 @p1 $1.000000000e+00, v26;
	v35 =	vsub.f32 v62, v45;
	(erf) = vrcp.f32 v47;
	v25 =	vpop (erf)  }
0x2b6: {  	v22 =	vmul.f32 @p1 v27, v22;
	v49 =	vsub.f32 v1, v39;
	v50 =	vmul.f32 $6.151470820e-03, v28;
	v42 =	vpop (erf)  }
0x2b7: {  	v44 =	vsub.f32 v32, v36;
	v45 =	vsub.f32 v30, v35;
	v41 =	vmul.f32 $6.151470820e-03, v25;
	v43 =	vpop (erf)  }
0x2b8: {  	v34 =	vmul.f32 v49, v48;
	v37 =	vsub.f32 $3.484971080e-02, v50;
	v42 =	vmul.f32 $2.600000000e+01, v42;
	v52 =	vpop (erf)  }
0x2b9: {  	v44 =	vmul.f32 v45, v44;
	v51 =	vsub.f32 $3.484971080e-02, v41;
	v53 =	vmul.f32 $2.600000000e+01, v43;
	v46 =	vpop (erf)  }
0x2ba: {  	v11 =	vsub.f32 @p1 v27, v11;
	v41 =	vmul.f32 $2.600000000e+01, v52;
	v37 =	vmul.f32 v37, v28;
	v54 =	vpop (erf)  }
0x2bb: {  	v40 =	vmul.f32 v51, v25;
	v47 =	vadd.f32 v42, v54;
	v42 =	vsub.f32 v54, v42;
	v55 =	vpop (erf)  }
0x2bc: {  	v46 =	vmul.f32 $2.600000000e+01, v46;
	v38 =	vsub.f32 v55, v53;
	v31 =	vadd.f32 v53, v55;
	v56 =	vpop (erf)  }
0x2bd: {  	v40 =	vadd.f32 $-9.325204040e-02, v40;
	v59 =	vmin.f32 v47, v29;
	v48 =	vsub.f32 v56, v41  }
0x2be: {  	v41 =	vadd.f32 v41, v56;
	v60 =	vpop (erf);
	v49 =	vmax.f32 v42, v33;
	v52 =	vsub.f32 v47, v42  }
0x2bf: {  	v29 =	vmax.f32 v47, v29;
	v33 =	vmin.f32 v42, v33;
	v50 =	vsub.f32 v60, v46  }
0x2c0: {  	v43 =	vadd.f32 v46, v60;
	v61 =	vmin.f32 v31, v1;
	v51 =	vmax.f32 v38, v39  }
0x2c1: {  	v53 =	vsub.f32 v31, v38;
	v45 =	vsub.f32 v59, v49;
	v1 =	vmax.f32 v31, v1  }
0x2c2: {  	v42 =	vmul.f32 v40, v25;
	v29 =	vsub.f32 v29, v33;
	v54 =	vmin.f32 v41, v32  }
0x2c3: {  	v55 =	vmax.f32 v48, v36;
	v56 =	vsub.f32 v41, v48;
	v46 =	vsub.f32 v61, v51  }
0x2c4: {  	v32 =	vmax.f32 v41, v32;
	v36 =	vmin.f32 v48, v36;
	v62 =	vmin.f32 v43, v30  }
0x2c5: {  	v63 =	vmax.f32 v50, v35;
	v54 =	vsub.f32 v54, v55;
	v59 =	vsub.f32 v43, v50  }
0x2c6: {  	v60 =	vmul.f32 v53, v52;
	v30 =	vmax.f32 v43, v30;
	v35 =	vmin.f32 v50, v35  }
0x2c7: {  	v50 =	vadd.f32 $1.658227590e-01, v42;
	v52 =	vmax.f32 v45, $0.0e+00;
	v32 =	vsub.f32 v32, v36  }
0x2c8: {  	v29 =	vmax.f32 v29, $0.0e+00;
	v49 =	vsub.f32 v62, v63;
	v62 =	vadd.f32 $-9.325204040e-02, v37  }
0x2c9: {  	v63 =	vmin.f32 v38, v39;
	v53 =	vmax.f32 v46, $0.0e+00;
	v30 =	vsub.f32 v30, v35  }
0x2ca: {  	v61 =	vmul.f32 v59, v56;
	v38 =	vmul.f32 v53, v52;
	v1 =	vsub.f32 v1, v63  }
0x2cb: {  	v33 =	vmul.f32 v50, v25;
	v34 =	vadd.f32 v60, v34;
	v31 =	vmul.f32 v62, v28  }
0x2cc: {  	v55 =	vmax.f32 v54, $0.0e+00;
	v32 =	vmax.f32 v32, $0.0e+00;
	v56 =	vmax.f32 v49, $0.0e+00  }
0x2cd: {  	v35 =	vmul.f32 v56, v55;
	v59 =	vadd.f32 v61, v44;
	v31 =	vadd.f32 $1.658227590e-01, v31  }
0x2ce: {  	v30 =	vmax.f32 v30, $0.0e+00;
	v33 =	vadd.f32 $-2.398261580e-01, v33;
	v34 =	vsub.f32 v34, v38  }
0x2cf: {  	v1 =	vmax.f32 v1, $0.0e+00;
	v36 =	vsub.f32 v59, v35;
	v31 =	vmul.f32 v31, v28  }
0x2d0: {  	v61 =	vmul.f32 v30, v32;
	v1 =	vmul.f32 v1, v29;
	v60 =	vadd.f32 $9.999999710e-10, v34  }
0x2d1: {  	v63 =	vmul.f32 v33, v25;
	v37 =	vadd.f32 $9.999999710e-10, v36;
	v31 =	vadd.f32 $-2.398261580e-01, v31  }
0x2d2: {  	v39 =	vsub.f32 v1, v34;
	v1 =	vadd.f32 $9.999999710e-10, v1;
	(erf) = vrcp.f32 v60  }
0x2d3: {  	v29 =	vadd.f32 $9.999999710e-10, v61;
	(erf) = vrcp.f32 v37;
	v31 =	vmul.f32 v31, v28  }
0x2d4: {  	v26 =	vmul.f32 @p1 v26, v19;
	(erf) = vrcp.f32 v1;
	v1 =	vadd.f32 $3.315486310e-01, v63  }
0x2d5: {  	v19 =	vmul.f32 @p1 v21, v19;
	(erf) = vrcp.f32 v29;
	v62 =	vadd.f32 $3.315486310e-01, v31  }
0x2d6: {  	v11 =	vmul.f32 @p1 v11, v18;
	v18 =	vpsel p1, v23, v0;
	v1 =	vmul.f32 v1, v25  }
0x2d7: {  	v10 =	vadd.f32 @p1 v10, v12;
	v17 =	vadd.f32 @p1 v18, v17;
	v30 =	vmul.f32 v62, v28  }
0x2d8: {  	v20 =	vpsel p1, v22, v0;
	v13 =	vadd.f32 @p1 v19, v13;
	v1 =	vadd.f32 $-4.998385610e-01, v1  }
0x2d9: {  	v2 =	vpsel p1, v10, v2;
	v14 =	vadd.f32 @p1 v26, v14;
	v30 =	vadd.f32 $-4.998385610e-01, v30  }
0x2da: {  	v11 =	vpsel p1, v11, v0;
	v19 =	vpsel p0, v24, v5;
	v50 =	vld [tilespmem:s20+$0x10400];
	v1 =	vmul.f32 v1, v25  }
0x2db: {  	v8 =	vadd.f32 @p1 v11, v8;
	v19 =	vadd.f32 @p1 v20, v19;
	v44 =	vpop (erf);
	v41 =	vmul.f32 v30, v28  }
0x2dc: {  	v13 =	vpsel p1, v13, v58;
	v40 =	vsub.f32 v61, v36;
	v1 =	vadd.f32 $9.999942770e-01, v1;
	v45 =	vpop (erf)  }
0x2dd: {  	v9 =	vmul.f32 v44, v38;
	v47 =	vpop (erf);
	v11 =	vmul.f32 v45, v35;
	v42 =	vadd.f32 $9.999942770e-01, v41  }
0x2de: {  	v3 =	vpsel p1, v8, v3;
	v1 =	vmul.f32 v1, v25;
	v48 =	vpop (erf);
	v20 =	vmul.f32 v47, v39  }
0x2df: {  	v46 =	vld [tilespmem:s8+$0x10400];
	v61 =	vsub.f32 $1.000000000e+00, v50;
	v21 =	vmul.f32 v48, v40;
	v43 =	vmul.f32 v42, v28  }
0x2e0: {  	v8 =	vpsel p1, v17, v6;
	v1 =	vadd.f32 $3.386965370e-08, v1;
	v9 =	vsub.f32 v20, v9  }
0x2e1: {  	v52 =	vmax.f32 v15, $0.0e+00;
	v11 =	vsub.f32 v21, v11;
	v12 =	vadd.f32 $3.386965370e-08, v43  }
0x2e2: {  	v49 =	vmax.f32 v16, $0.0e+00;
	_ =	swait.ge [sflag:s23], $0x4100;
	v1 =	vadd.f32 v1, v52;
	v9 =	vadd.f32 $1.000000000e+00, v9  }
0x2e3: {  	v53 =	vpsel p1, v14, v57;
	s25 =	rddreg [dreg:$0x3];
	v11 =	vadd.f32 $1.000000000e+00, v11;
	v51 =	vadd.f32 v12, v49  }
0x2e4: {  	v0 =	vsub.f32 $1.000000000e+00, v46;
	s0 =	sand.u32 $0xFFFF, s25;
	v9 =	vmul.f32 v9, v50;
	v15 =	vsub.f32 v1, v15  }
0x2e5: {  	p0 =	slt.u32 s0, $0x50;
	v62 =	vmul.f32 v1, v61;
	v11 =	vmul.f32 v11, v46;
	v10 =	vsub.f32 v51, v16  }
.Ltmp10:
0x2e6: {  	v56 =	vadd.f32 v46, v4;
	[sflag:s23] =	ssyncset.done $0x0;
	v60 =	vmul.f32 v51, v0;
	v15 =	vmul.f32 v15, v50;
	(pc) =	sbr.rel @p0 .LBB2_25-.Ltmp10, $4  }
0x2e7: {  	[sflag:s23] =	ssyncadd.s32 $0xFFFFBF00;
	v1 =	vadd.f32 v9, v2;
	v2 =	vadd.f32 v11, v53;
	v4 =	vmul.f32 v10, v46  }
0x2e8: {  	v63 =	vpsel p1, v19, v5;
	_ =	swait.ge [sflag:s23], $0x4100;
	v6 =	vadd.f32 v15, v3;
	v5 =	vadd.f32 v60, v8  }
0x2e9: {  	[sflag:s23] =	ssyncset.done $0x0;
	v3 =	vadd.f32 v62, v63;
	v4 =	vadd.f32 v4, v13  }
0x2ea: {  	v7 =	vadd.f32 v50, v7;
	[sflag:s23] =	ssyncadd.s32 $0xFFFFBF00  }
0x2eb: {  	s3 =	rddreg [dreg:$0x2]  }
0x2ec: {  	p2 =	sgt.u32 s3, $0x1  }
.Ltmp11:
0x2ed: {  	_ = 	snop;
	(pc) =	sbr.rel @!p2 .LBB2_17-.Ltmp11, $3  }
0x2ee: {  	_ =	sdelay $0x1  }
0x2ef: {  	s0 =	simm.s32 $0xD00  }
0x2f0: {  	s16 =	simm.s32 $0x1A00;
	p0 =	por $0x0, $0x0;
	p1 =	por $0x0, $0x0  }
0x2f1: {  	s3 =	simm.s32 $0x0  }
0x2f2: {  	s4 =	sor.u32 s3, s30  }
0x2f3: {  	s5 =	sor.u32 $0x10, s3;
	s6 =	sor.u32 s3, s29;
	v8 =	vld [tilespmem:s4+$0x8200]  }
0x2f4: {  	s7 =	sor.u32 s30, s5;
	v9 =	vld [tilespmem:s6+$0x8200]  }
0x2f5: {  	s8 =	sor.u32 s29, s5;
	v10 =	vld [tilespmem:s7+$0x8200]  }
0x2f6: {  	s9 =	sor.u32 s3, s0;
	v11 =	vld [tilespmem:s8+$0x8200]  }
0x2f7: {  	s12 =	sor.u32 s3, s16;
	v12 =	vld [tilespmem:s9+$0x8200]  }
0x2f8: {  	s24 =	sor.u32 s0, s5;
	v13 =	vld [tilespmem:s12+$0x8200];
	v8 =	vsub.f32 $0.0e+00, v8  }
0x2f9: {  	s13 =	sor.u32 s16, s5;
	v14 =	vld [tilespmem:s24+$0x8200];
	v9 =	vsub.f32 $0.0e+00, v9  }
0x2fa: {  	s25 =	sor.u32 s1, s3;
	v15 =	vld [tilespmem:s13+$0x8200];
	v10 =	vsub.f32 $0.0e+00, v10;
	v8 =	vmul.f32 $1.442695020e+00, v8  }
0x2fb: {  	s5 =	sor.u32 s1, s5;
	v16 =	vsub.f32 $0.0e+00, v11;
	v11 =	vld [tilespmem:s25+$0x8200];
	v9 =	vmul.f32 $1.442695020e+00, v9  }
0x2fc: {  	v20 =	vld [tilespmem:s5+$0x8200];
	v12 =	vsub.f32 $0.0e+00, v12;
	v10 =	vmul.f32 $1.442695020e+00, v10;
	(erf) = vpow2.f32 v8  }
0x2fd: {  	v8 =	vsub.f32 $0.0e+00, v13;
	v13 =	vmul.f32 $1.442695020e+00, v16;
	(erf) = vpow2.f32 v9  }
0x2fe: {  	v9 =	vmul.f32 $1.442695020e+00, v12;
	(erf) = vpow2.f32 v10  }
0x2ff: {  	v12 =	vsub.f32 $0.0e+00, v14;
	(erf) = vpow2.f32 v13  }
0x300: {  	v10 =	vsub.f32 $0.0e+00, v15;
	(erf) = vpow2.f32 v9;
	v9 =	vand.u32 $0x7FFFFFFF, v11  }
0x301: {  	v8 =	vmul.f32 $1.442695020e+00, v8;
	v13 =	vand.u32 $0x7FFFFFFF, v20;
	v9 =	vsub.f32 $0.0e+00, v9  }
0x302: {  	v12 =	vmul.f32 $1.442695020e+00, v12;
	v13 =	vsub.f32 $0.0e+00, v13;
	v10 =	vmul.f32 $1.442695020e+00, v10  }
0x303: {  	(erf) = vpow2.f32 v8;
	v9 =	vmul.f32 $1.442695020e+00, v9  }
0x304: {  	(erf) = vpow2.f32 v12;
	v13 =	vmul.f32 $1.442695020e+00, v13  }
0x305: {  	(erf) = vpow2.f32 v10  }
0x306: {  	v10 =	vpop (erf);
	(erf) = vpow2.f32 v13  }
0x307: {  	v16 =	vadd.f32 $1.000000000e+00, v10;
	(erf) = vpow2.f32 v9;
	v9 =	vpop (erf)  }
0x308: {  	v14 =	vld [tilespmem:s7+$0x14500];
	v18 =	vpop (erf)  }
0x309: {  	v8 =	vld [tilespmem:s4+$0x14500];
	v18 =	vadd.f32 $1.000000000e+00, v18  }
0x30a: {  	v12 =	vld [tilespmem:s6+$0x14500];
	v9 =	vadd.f32 $1.000000000e+00, v9  }
0x30b: {  	v15 =	vld [tilespmem:s9+$0x14500];
	(erf) = vrcp.f32 v16;
	v16 =	vpop (erf)  }
0x30c: {  	v17 =	vld [tilespmem:s12+$0x14500];
	(erf) = vrcp.f32 v9;
	v16 =	vadd.f32 $1.000000000e+00, v16;
	v21 =	vpop (erf)  }
0x30d: {  	v13 =	vld [tilespmem:s8+$0x14500];
	(erf) = vrcp.f32 v18;
	v21 =	vadd.f32 $1.000000000e+00, v21;
	v18 =	vpop (erf)  }
0x30e: {  	v19 =	vld [tilespmem:s24+$0x14500];
	v8 =	vmul.f32 $2.600000000e+01, v8;
	(erf) = vrcp.f32 v16;
	v16 =	vadd.f32 $1.000000000e+00, v18  }
0x30f: {  	v12 =	vmul.f32 $2.600000000e+01, v12;
	v9 =	vld [tilespmem:s13+$0x14500]  }
0x310: {  	v14 =	vmul.f32 $2.600000000e+01, v14;
	v22 =	vsub.f32 v15, v8;
	v8 =	vadd.f32 v8, v15;
	v18 =	vpop (erf)  }
0x311: {  	v23 =	vsub.f32 v17, v12;
	v12 =	vadd.f32 v12, v17;
	(erf) = vrcp.f32 v21;
	v21 =	vpop (erf)  }
0x312: {  	v13 =	vmul.f32 $2.600000000e+01, v13;
	v18 =	vadd.f32 $1.000000000e+00, v18;
	(erf) = vrcp.f32 v16;
	v16 =	vpop (erf)  }
0x313: {  	v17 =	vsub.f32 v19, v14;
	v21 =	vadd.f32 $1.000000000e+00, v21;
	v25 =	vmul.f32 $6.151470820e-03, v16  }
0x314: {  	v26 =	vsub.f32 v12, v23;
	(erf) = vrcp.f32 v18;
	v18 =	vsub.f32 v9, v13  }
0x315: {  	v9 =	vadd.f32 v13, v9;
	v15 =	vpop (erf);
	(erf) = vrcp.f32 v21;
	v21 =	vsub.f32 v8, v22  }
0x316: {  	v14 =	vadd.f32 v14, v19;
	v27 =	vmul.f32 $6.151470820e-03, v15;
	v19 =	vsub.f32 $3.484971080e-02, v25  }
0x317: {  	v29 =	vsub.f32 v9, v18;
	v13 =	vmul.f32 v26, v21;
	v25 =	vpop (erf)  }
0x318: {  	v21 =	vsub.f32 $3.484971080e-02, v27;
	v27 =	vsub.f32 v14, v17;
	v19 =	vmul.f32 v19, v16;
	v26 =	vpop (erf)  }
0x319: {  	v24 =	vmax.f32 v11, $0.0e+00;
	v25 =	vmul.f32 $2.600000000e+01, v25;
	v28 =	vpop (erf)  }
0x31a: {  	v21 =	vmul.f32 v21, v15;
	v27 =	vmul.f32 v29, v27;
	v19 =	vadd.f32 $-9.325204040e-02, v19;
	v30 =	vpop (erf)  }
0x31b: {  	v10 =	vmax.f32 v20, $0.0e+00;
	v26 =	vmul.f32 $2.600000000e+01, v26;
	v28 =	vmul.f32 $2.600000000e+01, v28;
	v31 =	vpop (erf)  }
0x31c: {  	v21 =	vadd.f32 $-9.325204040e-02, v21;
	v19 =	vmul.f32 v19, v16;
	v29 =	vsub.f32 v31, v25;
	v32 =	vpop (erf)  }
0x31d: {  	v30 =	vmul.f32 $2.600000000e+01, v30;
	v25 =	vadd.f32 v25, v31;
	v31 =	vsub.f32 v32, v26  }
0x31e: {  	v21 =	vmul.f32 v21, v15;
	v33 =	vpop (erf);
	v26 =	vadd.f32 v26, v32;
	v19 =	vadd.f32 $1.658227590e-01, v19  }
0x31f: {  	v59 =	vsub.f32 v33, v28;
	v35 =	vmin.f32 v25, v8;
	v28 =	vadd.f32 v28, v33  }
0x320: {  	v34 =	vpop (erf);
	v36 =	vmax.f32 v29, v22;
	v21 =	vadd.f32 $1.658227590e-01, v21;
	v38 =	vsub.f32 v25, v29  }
0x321: {  	v8 =	vmax.f32 v25, v8;
	v22 =	vmin.f32 v29, v22;
	v60 =	vsub.f32 v34, v30  }
0x322: {  	v30 =	vadd.f32 v30, v34;
	v61 =	vmin.f32 v26, v12;
	v37 =	vmax.f32 v31, v23  }
0x323: {  	v39 =	vsub.f32 v26, v31;
	v35 =	vsub.f32 v35, v36;
	v19 =	vmul.f32 v19, v16  }
0x324: {  	v12 =	vmax.f32 v26, v12;
	v23 =	vmin.f32 v31, v23;
	v8 =	vsub.f32 v8, v22  }
0x325: {  	v40 =	vmin.f32 v28, v14;
	v41 =	vmax.f32 v59, v17;
	v43 =	vsub.f32 v28, v59  }
0x326: {  	v34 =	vsub.f32 v61, v37;
	v21 =	vmul.f32 v21, v15;
	v14 =	vmax.f32 v28, v14  }
0x327: {  	v17 =	vmin.f32 v59, v17;
	v12 =	vsub.f32 v12, v23;
	v42 =	vmin.f32 v30, v9  }
0x328: {  	v44 =	vmax.f32 v60, v18;
	v45 =	vsub.f32 v30, v60;
	v62 =	vsub.f32 v40, v41  }
0x329: {  	v38 =	vmul.f32 v39, v38;
	v9 =	vmax.f32 v30, v9;
	v26 =	vmax.f32 v35, $0.0e+00  }
0x32a: {  	v18 =	vmin.f32 v60, v18;
	v14 =	vsub.f32 v14, v17;
	v17 =	vadd.f32 $-2.398261580e-01, v19  }
0x32b: {  	v8 =	vmax.f32 v8, $0.0e+00;
	v63 =	vsub.f32 v42, v44;
	v28 =	vmax.f32 v34, $0.0e+00  }
0x32c: {  	v9 =	vsub.f32 v9, v18;
	v18 =	vadd.f32 $-2.398261580e-01, v21;
	v12 =	vmax.f32 v12, $0.0e+00  }
0x32d: {  	v25 =	vmul.f32 v45, v43;
	v22 =	vmax.f32 v62, $0.0e+00;
	v32 =	vmul.f32 v28, v26  }
0x32e: {  	v13 =	vadd.f32 v38, v13;
	v14 =	vmax.f32 v14, $0.0e+00;
	v29 =	vmax.f32 v63, $0.0e+00  }
0x32f: {  	v17 =	vmul.f32 v17, v16;
	v31 =	vmul.f32 v29, v22;
	v19 =	vadd.f32 v25, v27  }
0x330: {  	s4 =	sadd.s32 $0x0, s31;
	s31 =	rddreg [dreg:$0x2];
	v8 =	vmul.f32 v12, v8;
	v18 =	vmul.f32 v18, v15;
	v13 =	vsub.f32 v13, v32  }
0x331: {  	p2 =	sgt.u32 s31, $0x2;
	v9 =	vmax.f32 v9, $0.0e+00;
	v12 =	vadd.f32 $3.315486310e-01, v17;
	v19 =	vsub.f32 v19, v31  }
.Ltmp12:
0x332: {  	p0 =	sgt.s32 s4, $0x33;
	v9 =	vmul.f32 v9, v14;
	v17 =	vadd.f32 $3.315486310e-01, v18;
	v14 =	vadd.f32 $9.999999710e-10, v13;
	(pc) =	sbr.rel @!p2 .LBB2_19-.Ltmp12, $4  }
0x333: {  	s4 =	simm.s32 @p0 $0x0;
	v21 =	vadd.f32 $9.999999710e-10, v8;
	v22 =	vmul.f32 v12, v16;
	v18 =	vadd.f32 $9.999999710e-10, v19  }
0x334: {  	s19 =	sshll.u32 s4, $0x6;
	v39 =	vadd.f32 $9.999999710e-10, v9;
	v12 =	vld [tilespmem:s5+$0x14500];
	v17 =	vmul.f32 v17, v15;
	(erf) = vrcp.f32 v14  }
0x335: {  	p0 =	por $0x1, $0x1;
	s0 =	sadd.s32 $0xD00, s19;
	v37 =	vsub.f32 v8, v13;
	v40 =	vadd.f32 $-4.998385610e-01, v22;
	(erf) = vrcp.f32 v18  }
0x336: {  	s30 =	sadd.s32 $0x2700, s19;
	s29 =	sadd.s32 $0x3400, s19;
	s16 =	sadd.s32 $0x1A00, s19;
	v13 =	vld [tilespmem:s25+$0x14500];
	v36 =	vsub.f32 v9, v19;
	v41 =	vadd.f32 $-4.998385610e-01, v17;
	(erf) = vrcp.f32 v21  }
0x337: {  	s1 =	sxor.u32 $0x1, s28  }
0x338: {  	v8 =	vmul.f32 v40, v16;
	s3 =	sshll.u32 s1, $0x5  }
0x339: {  	s7 =	sor.u32 s3, s30  }
0x33a: {  	(erf) = vrcp.f32 v39;
	v9 =	vmul.f32 v41, v15;
	v8 =	vadd.f32 $9.999942770e-01, v8;
	s5 =	sor.u32 $0x10, s3;
	s8 =	sor.u32 s3, s29;
	v17 =	vld [tilespmem:s7+$0x8200]  }
0x33b: {  	s9 =	sor.u32 s30, s5;
	v18 =	vld [tilespmem:s8+$0x8200]  }
0x33c: {  	v9 =	vadd.f32 $9.999942770e-01, v9;
	v8 =	vmul.f32 v8, v16;
	v19 =	vld [tilespmem:s9+$0x8200]  }
0x33d: {  	s12 =	sor.u32 s29, s5  }
0x33e: {  	v21 =	vld [tilespmem:s12+$0x8200];
	v15 =	vmul.f32 v9, v15  }
0x33f: {  	s13 =	sor.u32 s3, s0;
	v22 =	vadd.f32 $3.386965370e-08, v8  }
0x340: {  	s14 =	sor.u32 s3, s16;
	v23 =	vld [tilespmem:s13+$0x8200];
	v28 =	vadd.f32 $3.386965370e-08, v15;
	v8 =	vpop (erf);
	v17 =	vsub.f32 $0.0e+00, v17  }
0x341: {  	s24 =	sor.u32 s0, s5;
	v27 =	vld [tilespmem:s14+$0x8200];
	v18 =	vsub.f32 $0.0e+00, v18;
	v25 =	vmul.f32 v8, v32;
	v26 =	vpop (erf);
	v19 =	vsub.f32 $0.0e+00, v19  }
0x342: {  	s15 =	sor.u32 s16, s5;
	v29 =	vld [tilespmem:s24+$0x8200];
	v30 =	vadd.f32 v22, v10;
	v15 =	vmul.f32 v26, v31;
	v26 =	vpop (erf);
	v22 =	vmul.f32 $1.442695020e+00, v17  }
0x343: {  	s25 =	sor.u32 s19, s3;
	v21 =	vsub.f32 $0.0e+00, v21;
	v31 =	vld [tilespmem:s15+$0x8200];
	v26 =	vmul.f32 v26, v37;
	v10 =	vpop (erf);
	v19 =	vmul.f32 $1.442695020e+00, v19  }
0x344: {  	s6 =	sor.u32 s19, s5;
	v17 =	vld [tilespmem:s25+$0x8200];
	v43 =	vmul.f32 v10, v36;
	v10 =	vmul.f32 $1.442695020e+00, v18  }
0x345: {  	v23 =	vsub.f32 $0.0e+00, v23;
	v21 =	vmul.f32 $1.442695020e+00, v21;
	v18 =	vld [tilespmem:s6+$0x8200];
	(erf) = vpow2.f32 v22  }
0x346: {  	v26 =	vsub.f32 v26, v25;
	v25 =	vsub.f32 $0.0e+00, v27;
	(erf) = vpow2.f32 v10  }
0x347: {  	v10 =	vmul.f32 $1.442695020e+00, v23;
	(erf) = vpow2.f32 v19  }
0x348: {  	v23 =	vsub.f32 $0.0e+00, v29;
	v25 =	vmul.f32 $1.442695020e+00, v25;
	(erf) = vpow2.f32 v21  }
0x349: {  	v27 =	vsub.f32 $0.0e+00, v31;
	(erf) = vpow2.f32 v10;
	v10 =	vand.u32 $0x7FFFFFFF, v17  }
0x34a: {  	v23 =	vmul.f32 $1.442695020e+00, v23;
	v29 =	vand.u32 $0x7FFFFFFF, v18;
	v34 =	vsub.f32 $0.0e+00, v10  }
0x34b: {  	v22 =	vld [tilespmem:s7+$0x14500];
	v27 =	vmul.f32 $1.442695020e+00, v27;
	v29 =	vsub.f32 $0.0e+00, v29;
	(erf) = vpow2.f32 v25  }
0x34c: {  	(erf) = vpow2.f32 v23;
	v23 =	vmul.f32 $1.442695020e+00, v34  }
0x34d: {  	v33 =	vld [tilespmem:s13+$0x14500];
	v29 =	vmul.f32 $1.442695020e+00, v29  }
0x34e: {  	v19 =	vld [tilespmem:s8+$0x14500];
	(erf) = vpow2.f32 v27  }
0x34f: {  	v16 =	vsub.f32 $1.000000000e+00, v12;
	v14 =	vsub.f32 $1.000000000e+00, v13;
	v31 =	vld [tilespmem:s12+$0x14500];
	v44 =	vpop (erf);
	(erf) = vpow2.f32 v29  }
0x350: {  	v9 =	vadd.f32 v13, v7;
	v21 =	vld [tilespmem:s9+$0x14500];
	v35 =	vmul.f32 $2.600000000e+01, v22;
	(erf) = vpow2.f32 v23;
	v23 =	vpop (erf)  }
0x351: {  	v8 =	vadd.f32 v12, v56;
	v25 =	vld [tilespmem:s14+$0x14500];
	v45 =	vadd.f32 $1.000000000e+00, v44;
	v46 =	vpop (erf)  }
0x352: {  	v36 =	vsub.f32 v33, v35;
	v27 =	vld [tilespmem:s24+$0x14500];
	v23 =	vadd.f32 $1.000000000e+00, v23;
	v47 =	vpop (erf)  }
0x353: {  	v19 =	vmul.f32 $2.600000000e+01, v19;
	v29 =	vsub.f32 v43, v15;
	v15 =	vld [tilespmem:s15+$0x14500];
	(erf) = vrcp.f32 v45;
	v48 =	vpop (erf)  }
0x354: {  	v34 =	vadd.f32 $1.000000000e+00, v46;
	(erf) = vrcp.f32 v23;
	v23 =	vadd.f32 $1.000000000e+00, v48  }
0x355: {  	v38 =	vadd.f32 v35, v33;
	v21 =	vmul.f32 $2.600000000e+01, v21;
	v32 =	vadd.f32 $1.000000000e+00, v47  }
0x356: {  	v31 =	vmul.f32 $2.600000000e+01, v31;
	v37 =	vsub.f32 v25, v19;
	(erf) = vrcp.f32 v34  }
0x357: {  	v19 =	vadd.f32 v19, v25;
	v39 =	vsub.f32 v27, v21;
	v25 =	vpop (erf);
	(erf) = vrcp.f32 v32  }
0x358: {  	v21 =	vadd.f32 v21, v27;
	v40 =	vsub.f32 v15, v31;
	(erf) = vrcp.f32 v23;
	v23 =	vpop (erf)  }
0x359: {  	v27 =	vadd.f32 v31, v15;
	v49 =	vadd.f32 $1.000000000e+00, v25;
	v15 =	vpop (erf)  }
0x35a: {  	v51 =	vsub.f32 v19, v37;
	v31 =	vsub.f32 v38, v36;
	v25 =	vmul.f32 v30, v16;
	v16 =	vpop (erf)  }
0x35b: {  	(erf) = vrcp.f32 v49;
	v23 =	vadd.f32 $1.000000000e+00, v23;
	v52 =	vmul.f32 $6.151470820e-03, v16  }
0x35c: {  	v26 =	vadd.f32 $1.000000000e+00, v26;
	v41 =	vmul.f32 v51, v31;
	v50 =	vadd.f32 $1.000000000e+00, v15;
	v15 =	vpop (erf)  }
0x35d: {  	(erf) = vrcp.f32 v23;
	v23 =	vmul.f32 $6.151470820e-03, v15;
	v31 =	vsub.f32 $3.484971080e-02, v52  }
0x35e: {  	v22 =	vmax.f32 v17, $0.0e+00;
	v10 =	vmax.f32 v18, $0.0e+00;
	v33 =	vadd.f32 v28, v24  }
0x35f: {  	v35 =	vsub.f32 v30, v20;
	(erf) = vrcp.f32 v50;
	v55 =	vpop (erf);
	v23 =	vsub.f32 $3.484971080e-02, v23  }
0x360: {  	[tilespmem:$0x1FFE0] =	vst v56;
	v53 =	vsub.f32 v21, v39;
	v54 =	vsub.f32 v27, v40;
	v56 =	vpop (erf);
	v28 =	vmul.f32 v31, v16  }
0x361: {  	v29 =	vadd.f32 $1.000000000e+00, v29;
	v34 =	vmul.f32 v26, v13;
	v23 =	vmul.f32 v23, v15;
	v31 =	vpop (erf)  }
0x362: {  	v44 =	vmul.f32 v54, v53;
	v42 =	vmul.f32 $2.600000000e+01, v55;
	v28 =	vadd.f32 $-9.325204040e-02, v28;
	v57 =	vpop (erf)  }
0x363: {  	v24 =	vmul.f32 $2.600000000e+01, v56;
	v31 =	vmul.f32 $2.600000000e+01, v31;
	v23 =	vadd.f32 $-9.325204040e-02, v23;
	v58 =	vpop (erf)  }
0x364: {  	v43 =	vmul.f32 $2.600000000e+01, v57;
	v28 =	vmul.f32 v28, v16;
	v26 =	vadd.f32 v42, v58;
	v59 =	vpop (erf)  }
0x365: {  	v45 =	vsub.f32 v58, v42;
	v20 =	vmul.f32 v23, v15;
	v23 =	vsub.f32 v59, v24  }
0x366: {  	v24 =	vadd.f32 v24, v59;
	v30 =	vpop (erf);
	v28 =	vadd.f32 $1.658227590e-01, v28;
	v60 =	vmin.f32 v26, v38  }
0x367: {  	v61 =	vsub.f32 v30, v31;
	v30 =	vadd.f32 v31, v30;
	v46 =	vmax.f32 v45, v36  }
0x368: {  	v31 =	vpop (erf);
	v20 =	vadd.f32 $1.658227590e-01, v20;
	v49 =	vsub.f32 v26, v45;
	v26 =	vmax.f32 v26, v38  }
0x369: {  	v36 =	vmin.f32 v45, v36;
	v38 =	vmul.f32 v29, v12;
	v47 =	vsub.f32 v31, v43  }
0x36a: {  	v31 =	vadd.f32 v43, v31;
	v62 =	vmin.f32 v24, v19;
	v48 =	vmax.f32 v23, v37  }
0x36b: {  	v50 =	vsub.f32 v24, v23;
	v32 =	vsub.f32 v60, v46;
	v28 =	vmul.f32 v28, v16  }
0x36c: {  	v19 =	vmax.f32 v24, v19;
	v23 =	vmin.f32 v23, v37;
	v26 =	vsub.f32 v26, v36  }
0x36d: {  	v51 =	vmin.f32 v30, v21;
	v52 =	vmax.f32 v61, v39;
	v55 =	vsub.f32 v30, v61  }
0x36e: {  	v43 =	vsub.f32 v62, v48;
	v20 =	vmul.f32 v20, v15;
	v21 =	vmax.f32 v30, v21  }
0x36f: {  	v24 =	vmin.f32 v61, v39;
	v19 =	vsub.f32 v19, v23;
	v53 =	vmin.f32 v31, v27  }
0x370: {  	v54 =	vmax.f32 v47, v40;
	v63 =	vsub.f32 v31, v47;
	v58 =	vsub.f32 v51, v52  }
0x371: {  	v49 =	vmul.f32 v50, v49;
	v27 =	vmax.f32 v31, v27;
	v30 =	vmax.f32 v32, $0.0e+00  }
0x372: {  	v61 =	vmin.f32 v47, v40;
	v21 =	vsub.f32 v21, v24;
	v23 =	vadd.f32 $-2.398261580e-01, v28  }
0x373: {  	v26 =	vmax.f32 v26, $0.0e+00;
	v59 =	vsub.f32 v53, v54;
	v31 =	vmax.f32 v43, $0.0e+00  }
0x374: {  	v24 =	vsub.f32 v27, v61;
	v20 =	vadd.f32 $-2.398261580e-01, v20;
	v19 =	vmax.f32 v19, $0.0e+00  }
0x375: {  	v60 =	vmul.f32 v63, v55;
	v62 =	vmax.f32 v58, $0.0e+00;
	v32 =	vmul.f32 v31, v30  }
0x376: {  	v27 =	vadd.f32 v49, v41;
	v21 =	vmax.f32 v21, $0.0e+00;
	v63 =	vmax.f32 v59, $0.0e+00  }
0x377: {  	v23 =	vmul.f32 v23, v16;
	v31 =	vmul.f32 v63, v62;
	v28 =	vadd.f32 v60, v44  }
0x378: {  	p1 =	seq.s32 s1, $0x1;
	s0 =	simm.s32 $0x1;
	v19 =	vmul.f32 v19, v26;
	v20 =	vmul.f32 v20, v15;
	v27 =	vsub.f32 v27, v32  }
0x379: {  	s31 =	rddreg [dreg:$0x2];
	s0 =	simm.s32 @!p1 $0x0;
	v24 =	vmax.f32 v24, $0.0e+00;
	v23 =	vadd.f32 $3.315486310e-01, v23;
	v26 =	vsub.f32 v28, v31  }
0x37a: {  	p2 =	sgt.u32 s31, $0x3;
	s17 =	sadd.s32 s0, s4;
	v21 =	vmul.f32 v24, v21;
	v29 =	vadd.f32 $9.999999710e-10, v19;
	v20 =	vadd.f32 $3.315486310e-01, v20  }
.Ltmp13:
0x37b: {  	p1 =	sgt.s32 s17, $0x33;
	v24 =	vadd.f32 $9.999999710e-10, v27;
	v23 =	vmul.f32 v23, v16;
	v28 =	vadd.f32 $9.999999710e-10, v26;
	(pc) =	sbr.rel @!p2 .LBB2_21-.Ltmp13, $4  }
0x37c: {  	s17 =	simm.s32 @p1 $0x0;
	v42 =	vsub.f32 v33, v11;
	v39 =	vadd.f32 $9.999999710e-10, v21;
	v20 =	vmul.f32 v20, v15  }
0x37d: {  	s19 =	sshll.u32 s17, $0x6;
	v37 =	vsub.f32 v19, v27;
	(erf) = vrcp.f32 v24;
	v40 =	vadd.f32 $-4.998385610e-01, v23  }
0x37e: {  	s18 =	simm.s32 $0x3;
	p1 =	por $0x1, $0x1;
	s0 =	sadd.s32 $0xD00, s19;
	v30 =	vmovc v4;
	v19 =	vld [tilespmem:s6+$0x14500];
	v36 =	vsub.f32 v21, v26;
	v27 =	vmovc v6;
	v41 =	vadd.f32 $-4.998385610e-01, v20;
	(erf) = vrcp.f32 v28  }
0x37f: {  	s30 =	sadd.s32 $0x2700, s19;
	s29 =	sadd.s32 $0x3400, s19;
	s16 =	sadd.s32 $0x1A00, s19;
	v21 =	vld [tilespmem:s25+$0x14500];
	v26 =	vmovc v5;
	v23 =	vmovc v3;
	(erf) = vrcp.f32 v29;
	v29 =	vmov v2;
	v28 =	vmov v1  }
.LBB2_22:
0x380: {  	s1 =	sxor.u32 $0x1, s1  }
0x381: {  	s15 =	sshll.u32 s1, $0x5  }
0x382: {  	v35 =	vmul.f32 v35, v12;
	s14 =	sor.u32 s15, s29  }
0x383: {  	v26 =	vadd.f32 v25, v26;
	v11 =	vmul.f32 v40, v16;
	(erf) = vrcp.f32 v39;
	s8 =	sor.u32 s15, s16;
	v53 =	vld [tilespmem:s14+$0x8200]  }
0x384: {  	v24 =	vmul.f32 v41, v15;
	v28 =	vadd.f32 v34, v28;
	v29 =	vadd.f32 v38, v29;
	v55 =	vld [tilespmem:s8+$0x8200]  }
0x385: {  	v52 =	vmul.f32 v42, v13;
	s9 =	sor.u32 s15, s30;
	s7 =	sor.u32 $0x10, s15;
	v30 =	vadd.f32 v35, v30;
	v11 =	vadd.f32 $9.999942770e-01, v11;
	v59 =	vld [tilespmem:s14+$0x14500]  }
0x386: {  	v0 =	vadd.f32 $9.999942770e-01, v24;
	s31 =	sor.u32 s29, s7;
	v51 =	vsub.f32 $1.000000000e+00, v21;
	v13 =	vmov v21;
	v21 =	vld [tilespmem:s9+$0x8200]  }
0x387: {  	v27 =	vadd.f32 v52, v27;
	v20 =	vsub.f32 $1.000000000e+00, v19;
	v12 =	vmovc v19;
	v19 =	vmul.f32 v33, v14;
	v25 =	vld [tilespmem:s31+$0x8200]  }
0x388: {  	s12 =	sor.u32 s30, s7;
	v62 =	vld [tilespmem:s31+$0x14500];
	v11 =	vmul.f32 v11, v16;
	v15 =	vmul.f32 v0, v15;
	v9 =	vadd.f32 v13, v9  }
0x389: {  	s6 =	sor.u32 s15, s0;
	v16 =	vld [tilespmem:s12+$0x8200];
	v8 =	vadd.f32 v12, v8;
	v24 =	vpop (erf);
	v23 =	vadd.f32 v19, v23  }
0x38a: {  	s5 =	sor.u32 s0, s7;
	s4 =	sor.u32 s19, s7;
	s7 =	sor.u32 s16, s7;
	v19 =	vld [tilespmem:s6+$0x8200];
	v11 =	vadd.f32 $3.386965370e-08, v11;
	v54 =	vmul.f32 v24, v32;
	v24 =	vpop (erf);
	v32 =	vadd.f32 $3.386965370e-08, v15  }
0x38b: {  	v57 =	vld [tilespmem:s7+$0x8200];
	v15 =	vmul.f32 v24, v31;
	v24 =	vpop (erf);
	v34 =	vsub.f32 $0.0e+00, v53;
	v21 =	vsub.f32 $0.0e+00, v21  }
0x38c: {  	v56 =	vld [tilespmem:s5+$0x8200];
	v58 =	vsub.f32 $0.0e+00, v55;
	v35 =	vmul.f32 $2.600000000e+01, v59;
	v37 =	vmul.f32 v24, v37  }
0x38d: {  	v31 =	vadd.f32 v11, v10;
	v25 =	vsub.f32 $0.0e+00, v25;
	v10 =	vpop (erf);
	v21 =	vmul.f32 $1.442695020e+00, v21  }
0x38e: {  	s15 =	sor.u32 s19, s15;
	v24 =	vld [tilespmem:s4+$0x8200];
	v38 =	vmul.f32 $2.600000000e+01, v62;
	v16 =	vsub.f32 $0.0e+00, v16;
	v36 =	vmul.f32 v10, v36  }
0x38f: {  	v11 =	vld [tilespmem:s15+$0x8200];
	v10 =	vmul.f32 $1.442695020e+00, v34;
	v19 =	vsub.f32 $0.0e+00, v19;
	(erf) = vpow2.f32 v21  }
0x390: {  	v61 =	vsub.f32 $0.0e+00, v57;
	v25 =	vmul.f32 $1.442695020e+00, v25;
	v16 =	vmul.f32 $1.442695020e+00, v16  }
0x391: {  	v48 =	vld [tilespmem:s8+$0x14500];
	(erf) = vpow2.f32 v10;
	v10 =	vmul.f32 $1.442695020e+00, v19;
	v19 =	vsub.f32 $0.0e+00, v56  }
0x392: {  	v34 =	vsub.f32 v37, v54;
	(erf) = vpow2.f32 v16;
	v16 =	vmul.f32 $1.442695020e+00, v58  }
0x393: {  	v44 =	vld [tilespmem:s7+$0x14500];
	(erf) = vpow2.f32 v25;
	v25 =	vand.u32 $0x7FFFFFFF, v24;
	v19 =	vmul.f32 $1.442695020e+00, v19  }
0x394: {  	(erf) = vpow2.f32 v10;
	v10 =	vand.u32 $0x7FFFFFFF, v11;
	v25 =	vsub.f32 $0.0e+00, v25  }
0x395: {  	v37 =	vmul.f32 $1.442695020e+00, v61;
	v47 =	vsub.f32 $0.0e+00, v10;
	(erf) = vpow2.f32 v16  }
0x396: {  	v60 =	vld [tilespmem:s12+$0x14500];
	v45 =	vsub.f32 v48, v35;
	v16 =	vmul.f32 $1.442695020e+00, v25;
	(erf) = vpow2.f32 v19  }
0x397: {  	v41 =	vadd.f32 v35, v48;
	v0 =	vmul.f32 $1.442695020e+00, v47;
	(erf) = vpow2.f32 v37  }
0x398: {  	v42 =	vsub.f32 v44, v38;
	v38 =	vadd.f32 v38, v44;
	v21 =	vld [tilespmem:s9+$0x14500];
	v50 =	vpop (erf);
	(erf) = vpow2.f32 v16  }
0x399: {  	v14 =	vmovc v51;
	v35 =	vsub.f32 v31, v18;
	v36 =	vsub.f32 v36, v15;
	v25 =	vld [tilespmem:s5+$0x14500];
	(erf) = vpow2.f32 v0  }
0x39a: {  	v34 =	vadd.f32 $1.000000000e+00, v34;
	v43 =	vmax.f32 v11, $0.0e+00;
	v46 =	vadd.f32 $1.000000000e+00, v50;
	v51 =	vpop (erf)  }
0x39b: {  	v63 =	vld [tilespmem:s6+$0x14500];
	v58 =	vsub.f32 v41, v45;
	v16 =	vmul.f32 $2.600000000e+01, v60;
	v33 =	vadd.f32 $1.000000000e+00, v51;
	v52 =	vpop (erf)  }
0x39c: {  	v34 =	vmul.f32 v34, v13;
	v40 =	vadd.f32 $1.000000000e+00, v52;
	(erf) = vrcp.f32 v46;
	v15 =	vpop (erf)  }
0x39d: {  	v49 =	vmul.f32 $2.600000000e+01, v21;
	v15 =	vadd.f32 $1.000000000e+00, v15;
	v53 =	vpop (erf);
	(erf) = vrcp.f32 v33  }
0x39e: {  	v46 =	vadd.f32 v16, v25;
	v54 =	vadd.f32 $1.000000000e+00, v53;
	(erf) = vrcp.f32 v40;
	v55 =	vpop (erf)  }
0x39f: {  	v40 =	vsub.f32 v25, v16;
	(erf) = vrcp.f32 v15;
	v0 =	vadd.f32 $1.000000000e+00, v55;
	v16 =	vpop (erf)  }
0x3a0: {  	v37 =	vsub.f32 v63, v49;
	(erf) = vrcp.f32 v54;
	v56 =	vadd.f32 $1.000000000e+00, v16;
	v16 =	vpop (erf)  }
0x3a1: {  	v39 =	vadd.f32 v49, v63;
	v57 =	vadd.f32 $1.000000000e+00, v16;
	(erf) = vrcp.f32 v0;
	v16 =	vpop (erf)  }
0x3a2: {  	v36 =	vadd.f32 $1.000000000e+00, v36;
	v25 =	vmul.f32 v31, v20;
	v0 =	vmul.f32 $6.151470820e-03, v16;
	v15 =	vpop (erf)  }
0x3a3: {  	v20 =	vsub.f32 v39, v37;
	(erf) = vrcp.f32 v56;
	v59 =	vmul.f32 $6.151470820e-03, v15  }
0x3a4: {  	v10 =	vmax.f32 v24, $0.0e+00;
	v60 =	vsub.f32 v38, v42;
	v0 =	vsub.f32 $3.484971080e-02, v0  }
0x3a5: {  	v48 =	vsub.f32 v46, v40;
	v20 =	vmul.f32 v58, v20;
	v47 =	vpop (erf);
	v49 =	vsub.f32 $3.484971080e-02, v59  }
0x3a6: {  	v33 =	vadd.f32 v32, v22;
	(erf) = vrcp.f32 v57;
	v50 =	vpop (erf);
	v0 =	vmul.f32 v0, v16  }
0x3a7: {  	v22 =	vmov v43;
	v44 =	vmul.f32 v60, v48;
	v62 =	vpop (erf);
	v49 =	vmul.f32 v49, v15  }
0x3a8: {  	v47 =	vmul.f32 $2.600000000e+01, v47;
	v61 =	vmul.f32 $2.600000000e+01, v50;
	v56 =	vpop (erf);
	v0 =	vadd.f32 $-9.325204040e-02, v0  }
0x3a9: {  	v63 =	vmul.f32 $2.600000000e+01, v62;
	v52 =	vmul.f32 $2.600000000e+01, v56;
	v57 =	vpop (erf);
	v58 =	vadd.f32 $-9.325204040e-02, v49  }
0x3aa: {  	v49 =	vsub.f32 v57, v47;
	v43 =	vadd.f32 v47, v57;
	v51 =	vpop (erf);
	v59 =	vmul.f32 v0, v16  }
0x3ab: {  	v48 =	vsub.f32 v51, v61;
	v32 =	vadd.f32 v61, v51;
	v31 =	vmul.f32 v58, v15  }
0x3ac: {  	v18 =	vpop (erf);
	v51 =	vmin.f32 v43, v39;
	v54 =	vmax.f32 v49, v37;
	v57 =	vsub.f32 v43, v49  }
0x3ad: {  	v39 =	vmax.f32 v43, v39;
	v53 =	vsub.f32 v18, v63;
	v50 =	vadd.f32 v63, v18  }
0x3ae: {  	v37 =	vmin.f32 v49, v37;
	v47 =	vadd.f32 $1.658227590e-01, v59;
	v58 =	vsub.f32 v32, v48  }
0x3af: {  	v18 =	vpop (erf);
	v56 =	vmax.f32 v48, v45;
	v51 =	vsub.f32 v51, v54;
	v37 =	vsub.f32 v39, v37  }
0x3b0: {  	v49 =	vmin.f32 v48, v45;
	v55 =	vsub.f32 v18, v52;
	v52 =	vadd.f32 v52, v18  }
0x3b1: {  	v18 =	vmovc v24;
	v24 =	vadd.f32 $1.658227590e-01, v31;
	v31 =	vmin.f32 v32, v41;
	v41 =	vmax.f32 v32, v41  }
0x3b2: {  	v59 =	vmin.f32 v50, v46;
	v60 =	vmax.f32 v53, v40;
	v63 =	vsub.f32 v50, v53  }
0x3b3: {  	v31 =	vsub.f32 v31, v56;
	v47 =	vmul.f32 v47, v16;
	v57 =	vmul.f32 v58, v57  }
0x3b4: {  	v50 =	vmax.f32 v50, v46;
	v40 =	vmin.f32 v53, v40;
	v41 =	vsub.f32 v41, v49  }
0x3b5: {  	v37 =	vmax.f32 v37, $0.0e+00;
	v61 =	vmin.f32 v52, v38;
	v62 =	vmax.f32 v55, v42  }
0x3b6: {  	v0 =	vsub.f32 v52, v55;
	v24 =	vmul.f32 v24, v15;
	v60 =	vsub.f32 v59, v60  }
0x3b7: {  	v38 =	vmax.f32 v52, v38;
	v52 =	vmax.f32 v51, $0.0e+00;
	v40 =	vsub.f32 v50, v40  }
0x3b8: {  	v42 =	vmin.f32 v55, v42;
	v62 =	vsub.f32 v61, v62;
	v55 =	vadd.f32 $-2.398261580e-01, v47  }
0x3b9: {  	v31 =	vmax.f32 v31, $0.0e+00;
	v38 =	vsub.f32 v38, v42;
	v20 =	vadd.f32 v57, v20  }
0x3ba: {  	v56 =	vmax.f32 v41, $0.0e+00;
	v42 =	vsub.f32 v33, v17;
	v0 =	vmul.f32 v0, v63  }
0x3bb: {  	s3 =	simm.s32 $0x1;
	p2 =	seq.s32 s1, $0x1;
	v53 =	vmax.f32 v60, $0.0e+00;
	v32 =	vmul.f32 v31, v52;
	v24 =	vadd.f32 $-2.398261580e-01, v24  }
0x3bc: {  	s3 =	simm.s32 @!p2 $0x0;
	v40 =	vmax.f32 v40, $0.0e+00;
	v37 =	vmul.f32 v56, v37;
	v54 =	vmax.f32 v62, $0.0e+00  }
0x3bd: {  	s17 =	sadd.s32 s3, s17;
	v57 =	vmul.f32 v55, v16;
	v31 =	vmul.f32 v54, v53;
	v0 =	vadd.f32 v0, v44  }
0x3be: {  	s18 =	sadd.s32 $0x1, s18;
	s13 =	rddreg [dreg:$0x2];
	p2 =	sgt.s32 s17, $0x33;
	v38 =	vmax.f32 v38, $0.0e+00;
	v24 =	vmul.f32 v24, v15;
	v20 =	vsub.f32 v20, v32  }
0x3bf: {  	s17 =	simm.s32 @p2 $0x0;
	p2 =	slt.u32 s18, s13;
	v59 =	vmul.f32 v38, v40;
	v58 =	vadd.f32 $3.315486310e-01, v57;
	v0 =	vsub.f32 v0, v31  }
.Ltmp14:
0x3c0: {  	v38 =	vmul.f32 v36, v12;
	v24 =	vadd.f32 $3.315486310e-01, v24;
	v60 =	vadd.f32 $9.999999710e-10, v20;
	(pc) =	sbr.rel @p2 .LBB2_22-.Ltmp14, $4  }
0x3c1: {  	v62 =	vadd.f32 $9.999999710e-10, v37;
	v63 =	vmul.f32 v58, v16;
	v61 =	vadd.f32 $9.999999710e-10, v0  }
0x3c2: {  	s20 =	sshll.u32 s17, $0x6;
	v39 =	vadd.f32 $9.999999710e-10, v59;
	v24 =	vmul.f32 v24, v15;
	(erf) = vrcp.f32 v60  }
0x3c3: {  	s0 =	sadd.s32 $0xD00, s20;
	s30 =	sadd.s32 $0x2700, s20;
	v21 =	vld [tilespmem:s15+$0x14500];
	v37 =	vsub.f32 v37, v20;
	v36 =	vsub.f32 v59, v0;
	(erf) = vrcp.f32 v61  }
0x3c4: {  	s29 =	sadd.s32 $0x3400, s20;
	s16 =	sadd.s32 $0x1A00, s20;
	s19 =	smov.u32 s20;
	v19 =	vld [tilespmem:s4+$0x14500];
	v17 =	vmovc v11;
	v40 =	vadd.f32 $-4.998385610e-01, v63;
	v41 =	vadd.f32 $-4.998385610e-01, v24;
	(erf) = vrcp.f32 v62  }
.Ltmp15:
0x3c5: {  	(pc) =	sbr.rel .LBB2_24-.Ltmp15, $2  }
0x3c6: {  	_ =	sdelay $0x2  }
0x3c7: {  	v24 =	vmov v22;
	v20 =	vmov v18;
	v11 =	vmov v17;
	v56 =	vld [tilespmem:$0x1FFE0]  }
.LBB2_8:
.Ltmp16:
0x3c8: {  	(pc) =	sbr.rel .LBB2_15-.Ltmp16, $3  }
0x3c9: {  	_ =	sdelay $0x1  }
0x3ca: {  	v26 =	vmov v3;
	v28 =	vmov v6;
	v25 =	vmov v5  }
0x3cb: {  	v8 =	vmovc v7;
	v9 =	vmovc v4;
	s18 =	simm.s32 $0x0;
	v13 =	vmov v58;
	p1 =	por $0x0, $0x0;
	v12 =	vmov v2;
	v14 =	vmov v57  }
.LBB2_3:
.Ltmp17:
0x3cc: {  	(pc) =	sbr.rel .LBB2_7-.Ltmp17, $4  }
0x3cd: {  	_ = 	snop  }
0x3ce: {  	v13 =	vimm.f32 $0.0e+00;
	v14 =	vimm.f32 $0.0e+00  }
0x3cf: {  	v7 =	vimm.f32 $0.0e+00;
	v5 =	vimm.f32 $0.0e+00;
	v6 =	vimm.f32 $0.0e+00  }
0x3d0: {  	s28 =	smov.u32 s11;
	v10 =	vimm.f32 $0.0e+00;
	v9 =	vimm.f32 $0.0e+00;
	v11 =	vimm.f32 $0.0e+00;
	p2 =	por $0x0, $0x0  }
.LBB2_10:
.Ltmp18:
0x3d1: {  	(pc) =	sbr.rel .LBB2_15-.Ltmp18, $3  }
0x3d2: {  	_ =	sdelay $0x1  }
0x3d3: {  	v26 =	vmov v3;
	v28 =	vmov v6;
	v25 =	vmov v5  }
0x3d4: {  	v8 =	vmovc v7;
	v9 =	vmovc v4;
	v12 =	vmov v2;
	v13 =	vmov v58;
	v14 =	vmov v57  }
.LBB2_5:
.Ltmp19:
0x3d5: {  	(pc) =	sbr.rel .LBB2_7-.Ltmp19, $4  }
0x3d6: {  	_ = 	snop  }
0x3d7: {  	v13 =	vimm.f32 $0.0e+00;
	v14 =	vimm.f32 $0.0e+00  }
0x3d8: {  	v7 =	vimm.f32 $0.0e+00;
	v5 =	vimm.f32 $0.0e+00;
	v6 =	vimm.f32 $0.0e+00  }
0x3d9: {  	v10 =	vimm.f32 $0.0e+00;
	v9 =	vimm.f32 $0.0e+00;
	v11 =	vimm.f32 $0.0e+00  }
.LBB2_12:
.Ltmp20:
0x3da: {  	(pc) =	sbr.rel .LBB2_15-.Ltmp20, $4  }
0x3db: {  	_ = 	snop  }
0x3dc: {  	v26 =	vmov v3;
	v28 =	vmov v6;
	v25 =	vmov v5  }
0x3dd: {  	v18 =	vmovc v27;
	v19 =	vmovc v21;
	v27 =	vmov v20;
	v21 =	vmov v16;
	v11 =	vmov v15  }
0x3de: {  	v22 =	vmovc v29;
	v57 =	vmovc v2;
	v2 =	vmov v0;
	v58 =	vmov v4;
	v4 =	vmov v7;
	v7 =	vld [tilespmem:$0x1FFF0]  }
.LBB2_19:
.Ltmp21:
0x3df: {  	_ = 	snop;
	(pc) =	sbr.rel .LBB2_24-.Ltmp21, $3  }
0x3e0: {  	_ =	sdelay $0x1  }
0x3e1: {  	v28 =	vmovc v1;
	v30 =	vmovc v4;
	v29 =	vmov v2;
	v27 =	vmov v6;
	v26 =	vmov v5  }
0x3e2: {  	s1 =	simm.s32 $0x0;
	v23 =	vmovc v3;
	v9 =	vmovc v7;
	v8 =	vmov v56;
	v19 =	vmov v12;
	v21 =	vmov v13  }
.LBB2_21:
.Ltmp22:
0x3e3: {  	(pc) =	sbr.rel .LBB2_24-.Ltmp22, $3  }
0x3e4: {  	_ =	sdelay $0x1  }
0x3e5: {  	v28 =	vmovc v1;
	v30 =	vmov v4;
	v29 =	vmov v2;
	v27 =	vmov v6  }
0x3e6: {  	v26 =	vmovc v5;
	v23 =	vmovc v3;
	v24 =	vmov v22;
	v20 =	vmov v18;
	v11 =	vmov v17;
	v56 =	vld [tilespmem:$0x1FFE0]  }
.LBB2_26:
0x3e7: {  	_ =	sfence.sel $0x180000  }
0x3e8: {  	[bflag:$0x0] =	sbarrier.arrive $0xFFFF  }
0x3e9: {  	_ =	strace $0x90000047  }
0x3ea: {  	s0 =	stileid.u32;
	[bflag:$0x2] =	sbarrier.arrive $0xFFFF  }
0x3eb: {  	p0 =	sne.s32 s0, $0x0;
	s0 =	rddreg [dreg:$0x1]  }
0x3ec: {  	s0 =	sadd.s32 @!p0 $0x100000, s0  }
0x3ed: {  	[sflag:s0] =	ssyncadd.tile.s32 @!p0 $0x1;
	_ =	shalt  }
.Lfunc_end2:
_tile_overlayer_lowered:
.L_overlay_start_2:
0x3ee: {  	(tag) =	ssettag $0x2  }
0x3ef: {  	s0 =	rddreg [dreg:$0x0];
	s2 =	stileid.u32  }
0x3f0: {  	s1 =	rddreg [dreg:$0x1];
	p0 =	sne.s32 s2, $0x0  }
0x3f1: {  	s3 =	rddreg [dreg:$0x2];
	[bflag:$0x3] =	sbarrier.arrive $0xFFFF;
	s2 =	simm.s32 @!p0 $0x1C04  }
0x3f2: {  	[timem:s3], [sflag:s2] =	dma.local @!p0 [hbm:s0], s1  }
0x3f3: {  	s0 =	simm.s32 @!p0 $0x4  }
0x3f4: {  	_ =	swait.ge @!p0 [sflag:s0], s1  }
0x3f5: {  	s1 =	ssub.s32 @!p0 $0x0, s1;
	[sflag:s0] =	ssyncset.done @!p0 $0x0  }
0x3f6: {  	[sflag:s0] =	ssyncadd.s32 @!p0 s1  }
0x3f7: {  	[bflag:$0x3] =	sbarrier.arrive $0xFFFF  }
0x3f8: {  	_ =	shalt  }

</sc_bundles>
